<compile_context>
chip_gen: v7x
topology: tpu7x:2x2x1
jax: 0.10.2.dev20260603
libtpu: 0.0.44.dev20260713+nightly
codegen_flags: <defaults>
</compile_context>

<pallas_src>
import functools

import jax
import jax.numpy as jnp
from jax import lax
from jax.experimental import pallas as pl
from jax.experimental.pallas import tpu as pltpu
from jax.experimental.pallas import tpu_sc as plsc

_NC = 2
_NS = 16
_NW = _NC * _NS
_L = 16

_EMB = 64
_NEG = 20
_DC = _EMB // _L

_GDN = lax.GatherDimensionNumbers(
    offset_dims=(), collapsed_slice_dims=(0,), start_index_map=(0,))


def _hsum_all_lanes(v, lanes):
    for s in (1, 2, 4, 8):
        perm = jnp.reshape(lanes ^ s, (_L, 1))
        p = lax.gather(v, perm, _GDN, slice_sizes=(1,),
                       mode=lax.GatherScatterMode.PROMISE_IN_BOUNDS)
        v = v + p
    return v


def _prep_table(u_emb, v_emb):
    V = u_emb.shape[0]
    R = 16384
    grid = pl.cdiv(V, R)
    R4 = R // 4

    def body(u_ref, v_ref, ou_ref, ov_ref):
        def packed(ref):
            bits = lax.bitcast_convert_type(
                ref[...].astype(jnp.bfloat16), jnp.uint16).astype(jnp.uint32)
            x = bits[:32] | (bits[32:] << 16)
            stacked = jnp.concatenate(
                [x[:, i * R4:(i + 1) * R4] for i in range(4)], axis=0)
            return stacked.T

        ou_ref[...] = packed(u_ref)
        ov_ref[...] = packed(v_ref)

    return pl.pallas_call(
        body,
        grid=(grid,),
        in_specs=[
            pl.BlockSpec((_EMB, R), lambda i: (0, i)),
            pl.BlockSpec((_EMB, R), lambda i: (0, i)),
        ],
        out_specs=[
            pl.BlockSpec((R4, 2 * _EMB), lambda i: (i, 0)),
            pl.BlockSpec((R4, 2 * _EMB), lambda i: (i, 0)),
        ],
        out_shape=[
            jax.ShapeDtypeStruct((grid * R4, 2 * _EMB), jnp.uint32),
            jax.ShapeDtypeStruct((grid * R4, 2 * _EMB), jnp.uint32),
        ],
    )(u_emb.T, v_emb.T)


def _sc_scores(u_pos, v_pos, v_neg, wu_table, wv_table):
    B = u_pos.shape[0]
    bpw = B // _NW
    CB = 16
    n_chunks = bpw // CB
    gpc = (CB * _NEG) // 64
    neg_gj = n_chunks * gpc

    u_pos3 = u_pos.reshape(_NW, n_chunks, CB)
    v_pos3 = v_pos.reshape(_NW, n_chunks, CB)
    v_neg3 = v_neg.reshape(_NW, neg_gj, 64)

    mesh = plsc.VectorSubcoreMesh(core_axis_name="c", subcore_axis_name="s")

    @functools.partial(
        pl.kernel,
        mesh=mesh,
        compiler_params=pltpu.CompilerParams(use_tc_tiling_on_sc=False,
                                             needs_layout_passes=False),
        out_type=[
            jax.ShapeDtypeStruct((B,), jnp.float32),
            jax.ShapeDtypeStruct((B,), jnp.float32),
        ],
        scratch_types=[
            pltpu.VMEM((n_chunks, CB), jnp.int32),
            pltpu.VMEM((n_chunks, CB), jnp.int32),
            pltpu.VMEM((neg_gj, 64), jnp.int32),
            pltpu.VMEM((2, CB, _EMB // 2), jnp.uint32),
            pltpu.VMEM((2, CB, _EMB // 2), jnp.uint32),
            pltpu.VMEM((2, CB * _NEG, _EMB // 2), jnp.uint32),
            pltpu.VMEM((bpw,), jnp.float32),
            pltpu.VMEM((bpw,), jnp.float32),
            pltpu.SemaphoreType.DMA,
            pltpu.SemaphoreType.DMA,
        ],
    )
    def sc_kernel(u_pos_hbm, v_pos_hbm, v_neg_hbm, wu_hbm, wv_hbm,
                  score_hbm, negscore_hbm,
                  uidx_v, vidx_v, nidx_v, u_buf2, v_buf2, neg_buf2,
                  score_v, negs_v, sem_a, sem_b):
        wid = lax.axis_index("s") * _NC + lax.axis_index("c")
        base = wid * bpw

        pltpu.sync_copy(u_pos_hbm.at[wid], uidx_v)
        pltpu.sync_copy(v_pos_hbm.at[wid], vidx_v)
        pltpu.sync_copy(v_neg_hbm.at[wid], nidx_v)

        lanes = lax.iota(jnp.int32, _L)
        zeros = jnp.zeros((_L,), jnp.float32)

        def copies(c, p, sem):
            yield wu_hbm.at[uidx_v.at[c]], u_buf2.at[p], sem
            yield wv_hbm.at[vidx_v.at[c]], v_buf2.at[p], sem
            for j in range(gpc):
                yield (wv_hbm.at[nidx_v.at[c * gpc + j]],
                       neg_buf2.at[p, pl.ds(j * 64, 64)], sem)

        def fire(c, p, sem):
            for src, dst, s in copies(c, p, sem):
                pltpu.async_copy(src, dst, s)

        def drain(c, p, sem):
            for src, dst, s in copies(c, p, sem):
                pltpu.make_async_copy(src, dst, s).wait()

        def compute(c, p):
            u_buf = u_buf2.at[p]
            v_buf = v_buf2.at[p]
            neg_buf = neg_buf2.at[p]

            def unpk(w):
                a = plsc.bitcast(w << 16, jnp.float32)
                b = plsc.bitcast(w & jnp.uint32(0xFFFF0000), jnp.float32)
                return a, b

            def j_body(j, carry):
                svec, nvec = carry
                r = j * _NEG
                t = zeros
                tn = zeros
                for h in range(2):
                    sl = pl.ds(h * _L, _L)
                    ua, ub = unpk(u_buf[j, sl])
                    va, vb = unpk(v_buf[j, sl])
                    t = t + ua * va + ub * vb
                    na, nb = unpk(neg_buf[r, sl])
                    for k in range(1, _NEG):
                        xa, xb = unpk(neg_buf[r + k, sl])
                        na = na + xa
                        nb = nb + xb
                    tn = tn + na * ua + nb * ub
                svec = jnp.where(lanes == j, _hsum_all_lanes(t, lanes), svec)
                nvec = jnp.where(lanes == j, _hsum_all_lanes(tn, lanes),
                                 nvec)
                return svec, nvec

            svec, nvec = lax.fori_loop(0, _L, j_body, (zeros, zeros))
            score_v[pl.ds(c * CB, CB)] = svec
            negs_v[pl.ds(c * CB, CB)] = nvec

        fire(0, 0, sem_a)

        def pair_body(c2, _):
            c0 = 2 * c2
            c1 = c0 + 1
            fire(c1, 1, sem_b)
            drain(c0, 0, sem_a)
            compute(c0, 0)

            @pl.when(c2 + 1 < n_chunks // 2)
            def _():
                fire(c0 + 2, 0, sem_a)

            drain(c1, 1, sem_b)
            compute(c1, 1)
            return 0

        lax.fori_loop(0, n_chunks // 2, pair_body, 0)

        pltpu.sync_copy(score_v, score_hbm.at[pl.ds(base, bpw)])
        pltpu.sync_copy(negs_v, negscore_hbm.at[pl.ds(base, bpw)])

    return sc_kernel(u_pos3, v_pos3, v_neg3, wu_table, wv_table)


def _tc_loss(score, neg_score):
    B = score.shape[0]
    s2 = score.reshape(128, B // 128)
    n2 = neg_score.reshape(128, B // 128)

    def body(s_ref, n_ref, o_ref):
        s = s_ref[...]
        n = n_ref[...]
        ls = jnp.minimum(s, 0.0) - jnp.log1p(jnp.exp(-jnp.abs(s)))
        ln = jnp.minimum(-n, 0.0) - jnp.log1p(jnp.exp(-jnp.abs(n)))
        o_ref[...] = jnp.reshape((jnp.sum(ls) + jnp.sum(ln)) * (-1.0 / B),
                                 (1, 1))

    out = pl.pallas_call(
        body,
        out_shape=jax.ShapeDtypeStruct((1, 1), jnp.float32),
    )(s2, n2)
    return out.reshape(())


def kernel(u_pos, v_pos, v_neg, visual_pos, batch_size,
           u_emb, v_emb, visual_table, gate_W, gate_b):
    wu32, wv32 = _prep_table(u_emb, v_emb)
    wu = wu32.reshape(4 * wu32.shape[0], _EMB // 2)
    wv = wv32.reshape(4 * wv32.shape[0], _EMB // 2)
    R = 16384
    R4 = R // 4

    def vrow(g):
        i, p = jnp.divmod(g, R)
        h, q = jnp.divmod(p, R4)
        return 4 * (i * R4 + q) + h

    score, neg_score = _sc_scores(vrow(u_pos), vrow(v_pos), vrow(v_neg),
                                  wu, wv)
    return _tc_loss(score, neg_score)

# --- scband reference (transcript-rebuilt; emitter-appended) ---
"""Pipeline reference for scband-skipgram-visual-gated-75213467288002 (READ-ONLY COPY).

The authoritative reference and input builder live on the scoring server;
editing this copy changes nothing except your own understanding.
"""

import jax, jax.numpy as jnp
import numpy as np

VOCAB = 1000000
EMB = 64
IMG = 128
B = 16384
NEG = 20

def setup_inputs(seed: int = 0) -> dict:
    key = jax.random.key(seed)
    k1, k2, k3, k4, k5, k6, k7 = jax.random.split(key, 7)
    initrange = 0.5 / EMB
    u_emb = jax.random.uniform(k1, (VOCAB, EMB), dtype=jnp.float32, minval=-initrange, maxval=initrange)
    # v_embeddings initialized to zero per init_emb(); keep tiny nonzero so scores are nontrivial
    v_emb = jnp.zeros((VOCAB, EMB), dtype=jnp.float32)
    visual_table = jax.random.normal(k2, (VOCAB, EMB), dtype=jnp.float32) * 0.01
    # gate weight initialized to zero per init_gate(); bias keeps default Linear init
    gate_W = jnp.zeros((IMG, EMB), dtype=jnp.float32)
    bound = 1.0 / np.sqrt(EMB)
    gate_b = jax.random.uniform(k3, (IMG,), dtype=jnp.float32, minval=-bound, maxval=bound)
    u_pos = jax.random.randint(k4, (B,), 0, VOCAB, dtype=jnp.int64 if jax.config.read('jax_enable_x64') else jnp.int32).astype(jnp.int32)
    v_pos = jax.random.randint(k5, (B,), 0, VOCAB).astype(jnp.int32)
    v_neg = jax.random.randint(k6, (B, NEG), 0, VOCAB).astype(jnp.int32)
    visual_pos = jax.random.randint(k7, (B,), 0, VOCAB).astype(jnp.int32)
    return {
        'u_pos': u_pos, 'v_pos': v_pos, 'v_neg': v_neg, 'visual_pos': visual_pos,
        'batch_size': B,
        'u_emb': u_emb, 'v_emb': v_emb, 'visual_table': visual_table,
        'gate_W': gate_W, 'gate_b': gate_b,
    }

def reference(u_pos, v_pos, v_neg, visual_pos, batch_size, u_emb, v_emb, visual_table, gate_W, gate_b):
    embed_u = jnp.take(u_emb, u_pos, axis=0)            # [B, EMB]
    embed_v = jnp.take(v_emb, v_pos, axis=0)            # [B, EMB]
    visual_data = jnp.take(visual_table, visual_pos, axis=0)  # [B, EMB]
    gated_visual_information = jax.nn.sigmoid(visual_data @ gate_W.T + gate_b)  # [B, IMG] (unused downstream, faithful to source)
    score = jnp.sum(embed_u * embed_v, axis=1)          # [B]
    log_target = jax.nn.log_sigmoid(score)              # [B]
    neg_embed_v = jnp.take(v_emb, v_neg, axis=0)        # [B, NEG, EMB]
    neg_score = jnp.einsum('bkd,bd->bk', neg_embed_v, embed_u)  # bmm + squeeze
    neg_score = jnp.sum(neg_score, axis=1)              # [B]
    sum_log_sampled = jax.nn.log_sigmoid(-1.0 * neg_score)
    loss = log_target + sum_log_sampled
    return -1.0 * jnp.sum(loss) / batch_size

if False:  # reference __main__ guard neutralized (emitter)
    out = reference(**setup_inputs())
    print(out.shape, out.dtype)

if __name__ == "__main__":
    import jax
    _d = setup_inputs()
    print(jax.jit(kernel)(*tuple(_d.values())))

</pallas_src>

<mosaic_0001>
#map = affine_map<(d0, d1) -> (0, 0, 0)>
#map1 = affine_map<(d0, d1) -> (0, 0)>
#map2 = affine_map<(d0, d1) -> (0)>
module attributes {stable_mosaic.version = 14 : i64} {
  func.func @sc_kernel(%arg0: i32, %arg1: i32, %arg2: memref<32x32x16xi32, #tpu.memory_space<hbm>>, %arg3: memref<32x32x16xi32, #tpu.memory_space<hbm>>, %arg4: memref<32x160x64xi32, #tpu.memory_space<hbm>>, %arg5: memref<1015808x32xi32, #tpu.memory_space<hbm>>, %arg6: memref<1015808x32xi32, #tpu.memory_space<hbm>>, %arg7: memref<16384xf32, #tpu.memory_space<hbm>>, %arg8: memref<16384xf32, #tpu.memory_space<hbm>>, %arg9: memref<32x16xi32, #tpu.memory_space<vmem>>, %arg10: memref<32x16xi32, #tpu.memory_space<vmem>>, %arg11: memref<160x64xi32, #tpu.memory_space<vmem>>, %arg12: memref<2x16x32xi32, #tpu.memory_space<vmem>>, %arg13: memref<2x16x32xi32, #tpu.memory_space<vmem>>, %arg14: memref<2x320x32xi32, #tpu.memory_space<vmem>>, %arg15: memref<512xf32, #tpu.memory_space<vmem>>, %arg16: memref<512xf32, #tpu.memory_space<vmem>>, %arg17: memref<!tpu.dma_semaphore, #tpu.memory_space<semaphore_mem>>, %arg18: memref<!tpu.dma_semaphore, #tpu.memory_space<semaphore_mem>>) attributes {dimension_semantics = [#tpu.dimension_semantics<core_parallel>, #tpu.dimension_semantics<subcore_parallel>], iteration_bounds = array<i64: 2, 16>, scalar_prefetch = 0 : i64, scratch_operands = 10 : i64, tpu.core_type = #tpu.core_type<sc_vector_subcore>, window_params = [{transform_indices = #map}, {transform_indices = #map}, {transform_indices = #map}, {transform_indices = #map1}, {transform_indices = #map1}, {transform_indices = #map2}, {transform_indices = #map2}]} {
    %mul3A = arith.constant 2 : i32
    %mul3A_0 = arith.muli %arg1, %mul3A : i32
    %add3A = arith.addi %mul3A_0, %arg0 : i32
    %mul3A_1 = arith.constant 512 : i32
    %mul3A_2 = arith.muli %add3A, %mul3A_1 : i32
    "tpu.region"() ({
      %run_scoped3A = tpu.sem_alloc : memref<!tpu.dma_semaphore, #tpu.memory_space<semaphore_mem>>
      %dma_start3A_93 = arith.constant 0 : i32
      %dma_start3A_94 = arith.constant 0 : i32
      %dma_start3A_95 = tpu.memref_slice %arg2[%add3A, %dma_start3A_93, %dma_start3A_94] : memref<32x32x16xi32, #tpu.memory_space<hbm>> -> memref<1x32x16xi32, #tpu.memory_space<hbm>>
      %dma_start3A_96 = tpu.memref_squeeze %dma_start3A_95 : memref<1x32x16xi32, #tpu.memory_space<hbm>> -> memref<32x16xi32, #tpu.memory_space<hbm>>
      %dma_start3A_97 = arith.constant 0 : i32
      %dma_start3A_98 = arith.constant 0 : i32
      %dma_start3A_99 = tpu.memref_slice %arg2[%add3A, %dma_start3A_97, %dma_start3A_98] : memref<32x32x16xi32, #tpu.memory_space<hbm>> -> memref<1x32x16xi32, #tpu.memory_space<hbm>>
      %dma_start3A_100 = tpu.memref_squeeze %dma_start3A_99 : memref<1x32x16xi32, #tpu.memory_space<hbm>> -> memref<32x16xi32, #tpu.memory_space<hbm>>
      tpu.enqueue_dma source(%dma_start3A_100 : memref<32x16xi32, #tpu.memory_space<hbm>>) target(%arg9 : memref<32x16xi32, #tpu.memory_space<vmem>>) target_semaphore(%run_scoped3A : memref<!tpu.dma_semaphore, #tpu.memory_space<semaphore_mem>>)
      %dma_wait3A = arith.constant 0 : i32
      %dma_wait3A_101 = arith.constant 0 : i32
      %dma_wait3A_102 = tpu.memref_slice %arg2[%add3A, %dma_wait3A, %dma_wait3A_101] : memref<32x32x16xi32, #tpu.memory_space<hbm>> -> memref<1x32x16xi32, #tpu.memory_space<hbm>>
      %dma_wait3A_103 = tpu.memref_squeeze %dma_wait3A_102 : memref<1x32x16xi32, #tpu.memory_space<hbm>> -> memref<32x16xi32, #tpu.memory_space<hbm>>
      %dma_wait3A_104 = arith.constant 0 : i32
      %dma_wait3A_105 = arith.constant 0 : i32
      %dma_wait3A_106 = tpu.memref_slice %arg2[%add3A, %dma_wait3A_104, %dma_wait3A_105] : memref<32x32x16xi32, #tpu.memory_space<hbm>> -> memref<1x32x16xi32, #tpu.memory_space<hbm>>
      %dma_wait3A_107 = tpu.memref_squeeze %dma_wait3A_106 : memref<1x32x16xi32, #tpu.memory_space<hbm>> -> memref<32x16xi32, #tpu.memory_space<hbm>>
      tpu.wait_dma2 semaphore(%run_scoped3A : memref<!tpu.dma_semaphore, #tpu.memory_space<semaphore_mem>>) src(%dma_wait3A_107 : memref<32x16xi32, #tpu.memory_space<hbm>>) dst(%arg9 : memref<32x16xi32, #tpu.memory_space<vmem>>)
      tpu.yield
    }) : () -> ()
    "tpu.region"() ({
      %run_scoped3A = tpu.sem_alloc : memref<!tpu.dma_semaphore, #tpu.memory_space<semaphore_mem>>
      %dma_start3A_93 = arith.constant 0 : i32
      %dma_start3A_94 = arith.constant 0 : i32
      %dma_start3A_95 = tpu.memref_slice %arg3[%add3A, %dma_start3A_93, %dma_start3A_94] : memref<32x32x16xi32, #tpu.memory_space<hbm>> -> memref<1x32x16xi32, #tpu.memory_space<hbm>>
      %dma_start3A_96 = tpu.memref_squeeze %dma_start3A_95 : memref<1x32x16xi32, #tpu.memory_space<hbm>> -> memref<32x16xi32, #tpu.memory_space<hbm>>
      %dma_start3A_97 = arith.constant 0 : i32
      %dma_start3A_98 = arith.constant 0 : i32
      %dma_start3A_99 = tpu.memref_slice %arg3[%add3A, %dma_start3A_97, %dma_start3A_98] : memref<32x32x16xi32, #tpu.memory_space<hbm>> -> memref<1x32x16xi32, #tpu.memory_space<hbm>>
      %dma_start3A_100 = tpu.memref_squeeze %dma_start3A_99 : memref<1x32x16xi32, #tpu.memory_space<hbm>> -> memref<32x16xi32, #tpu.memory_space<hbm>>
      tpu.enqueue_dma source(%dma_start3A_100 : memref<32x16xi32, #tpu.memory_space<hbm>>) target(%arg10 : memref<32x16xi32, #tpu.memory_space<vmem>>) target_semaphore(%run_scoped3A : memref<!tpu.dma_semaphore, #tpu.memory_space<semaphore_mem>>)
      %dma_wait3A = arith.constant 0 : i32
      %dma_wait3A_101 = arith.constant 0 : i32
      %dma_wait3A_102 = tpu.memref_slice %arg3[%add3A, %dma_wait3A, %dma_wait3A_101] : memref<32x32x16xi32, #tpu.memory_space<hbm>> -> memref<1x32x16xi32, #tpu.memory_space<hbm>>
      %dma_wait3A_103 = tpu.memref_squeeze %dma_wait3A_102 : memref<1x32x16xi32, #tpu.memory_space<hbm>> -> memref<32x16xi32, #tpu.memory_space<hbm>>
      %dma_wait3A_104 = arith.constant 0 : i32
      %dma_wait3A_105 = arith.constant 0 : i32
      %dma_wait3A_106 = tpu.memref_slice %arg3[%add3A, %dma_wait3A_104, %dma_wait3A_105] : memref<32x32x16xi32, #tpu.memory_space<hbm>> -> memref<1x32x16xi32, #tpu.memory_space<hbm>>
      %dma_wait3A_107 = tpu.memref_squeeze %dma_wait3A_106 : memref<1x32x16xi32, #tpu.memory_space<hbm>> -> memref<32x16xi32, #tpu.memory_space<hbm>>
      tpu.wait_dma2 semaphore(%run_scoped3A : memref<!tpu.dma_semaphore, #tpu.memory_space<semaphore_mem>>) src(%dma_wait3A_107 : memref<32x16xi32, #tpu.memory_space<hbm>>) dst(%arg10 : memref<32x16xi32, #tpu.memory_space<vmem>>)
      tpu.yield
    }) : () -> ()
    "tpu.region"() ({
      %run_scoped3A = tpu.sem_alloc : memref<!tpu.dma_semaphore, #tpu.memory_space<semaphore_mem>>
      %dma_start3A_93 = arith.constant 0 : i32
      %dma_start3A_94 = arith.constant 0 : i32
      %dma_start3A_95 = tpu.memref_slice %arg4[%add3A, %dma_start3A_93, %dma_start3A_94] : memref<32x160x64xi32, #tpu.memory_space<hbm>> -> memref<1x160x64xi32, #tpu.memory_space<hbm>>
      %dma_start3A_96 = tpu.memref_squeeze %dma_start3A_95 : memref<1x160x64xi32, #tpu.memory_space<hbm>> -> memref<160x64xi32, #tpu.memory_space<hbm>>
      %dma_start3A_97 = arith.constant 0 : i32
      %dma_start3A_98 = arith.constant 0 : i32
      %dma_start3A_99 = tpu.memref_slice %arg4[%add3A, %dma_start3A_97, %dma_start3A_98] : memref<32x160x64xi32, #tpu.memory_space<hbm>> -> memref<1x160x64xi32, #tpu.memory_space<hbm>>
      %dma_start3A_100 = tpu.memref_squeeze %dma_start3A_99 : memref<1x160x64xi32, #tpu.memory_space<hbm>> -> memref<160x64xi32, #tpu.memory_space<hbm>>
      tpu.enqueue_dma source(%dma_start3A_100 : memref<160x64xi32, #tpu.memory_space<hbm>>) target(%arg11 : memref<160x64xi32, #tpu.memory_space<vmem>>) target_semaphore(%run_scoped3A : memref<!tpu.dma_semaphore, #tpu.memory_space<semaphore_mem>>)
      %dma_wait3A = arith.constant 0 : i32
      %dma_wait3A_101 = arith.constant 0 : i32
      %dma_wait3A_102 = tpu.memref_slice %arg4[%add3A, %dma_wait3A, %dma_wait3A_101] : memref<32x160x64xi32, #tpu.memory_space<hbm>> -> memref<1x160x64xi32, #tpu.memory_space<hbm>>
      %dma_wait3A_103 = tpu.memref_squeeze %dma_wait3A_102 : memref<1x160x64xi32, #tpu.memory_space<hbm>> -> memref<160x64xi32, #tpu.memory_space<hbm>>
      %dma_wait3A_104 = arith.constant 0 : i32
      %dma_wait3A_105 = arith.constant 0 : i32
      %dma_wait3A_106 = tpu.memref_slice %arg4[%add3A, %dma_wait3A_104, %dma_wait3A_105] : memref<32x160x64xi32, #tpu.memory_space<hbm>> -> memref<1x160x64xi32, #tpu.memory_space<hbm>>
      %dma_wait3A_107 = tpu.memref_squeeze %dma_wait3A_106 : memref<1x160x64xi32, #tpu.memory_space<hbm>> -> memref<160x64xi32, #tpu.memory_space<hbm>>
      tpu.wait_dma2 semaphore(%run_scoped3A : memref<!tpu.dma_semaphore, #tpu.memory_space<semaphore_mem>>) src(%dma_wait3A_107 : memref<160x64xi32, #tpu.memory_space<hbm>>) dst(%arg11 : memref<160x64xi32, #tpu.memory_space<vmem>>)
      tpu.yield
    }) : () -> ()
    %iota3A = tpu.iota {dimensions = array<i32: 0>} : vector<16xi32>
    %broadcast_in_dim3A = arith.constant 0.000000e+00 : f32
    %broadcast_in_dim3A_3 = vector.broadcast %broadcast_in_dim3A : f32 to vector<16xf32>
    %dma_start3A = arith.constant 0 : i32
    %dma_start3A_4 = arith.constant 0 : i32
    %dma_start3A_5 = arith.constant 0 : i32
    %dma_start3A_6 = arith.constant 0 : i32
    %dma_start3A_7 = tpu.memref_slice %arg12[%dma_start3A_4, %dma_start3A_5, %dma_start3A_6] : memref<2x16x32xi32, #tpu.memory_space<vmem>> -> memref<1x16x32xi32, #tpu.memory_space<vmem>>
    %dma_start3A_8 = tpu.memref_squeeze %dma_start3A_7 : memref<1x16x32xi32, #tpu.memory_space<vmem>> -> memref<16x32xi32, #tpu.memory_space<vmem>>
    %dma_start3A_9 = arith.constant 0 : i32
    %dma_start3A_10 = tpu.memref_slice %arg9[%dma_start3A, %dma_start3A_9] : memref<32x16xi32, #tpu.memory_space<vmem>> -> memref<1x16xi32, #tpu.memory_space<vmem>>
    %dma_start3A_11 = tpu.memref_squeeze %dma_start3A_10 : memref<1x16xi32, #tpu.memory_space<vmem>> -> memref<16xi32, #tpu.memory_space<vmem>>
    %dma_start3A_12 = arith.constant 0 : i32
    %dma_start3A_13 = arith.constant 0 : i32
    %dma_start3A_14 = tpu.memref_slice %arg5[%dma_start3A_12, %dma_start3A_13] : memref<1015808x32xi32, #tpu.memory_space<hbm>> -> memref<1015808x32xi32, #tpu.memory_space<hbm>>
    tpu.enqueue_indirect_dma source(%dma_start3A_14 : memref<1015808x32xi32, #tpu.memory_space<hbm>>) target(%dma_start3A_8 : memref<16x32xi32, #tpu.memory_space<vmem>>) offsets(%dma_start3A_11 : memref<16xi32, #tpu.memory_space<vmem>>) semaphore(%arg17 : memref<!tpu.dma_semaphore, #tpu.memory_space<semaphore_mem>>)
    %dma_start3A_15 = arith.constant 0 : i32
    %dma_start3A_16 = arith.constant 0 : i32
    %dma_start3A_17 = arith.constant 0 : i32
    %dma_start3A_18 = arith.constant 0 : i32
    %dma_start3A_19 = tpu.memref_slice %arg13[%dma_start3A_16, %dma_start3A_17, %dma_start3A_18] : memref<2x16x32xi32, #tpu.memory_space<vmem>> -> memref<1x16x32xi32, #tpu.memory_space<vmem>>
    %dma_start3A_20 = tpu.memref_squeeze %dma_start3A_19 : memref<1x16x32xi32, #tpu.memory_space<vmem>> -> memref<16x32xi32, #tpu.memory_space<vmem>>
    %dma_start3A_21 = arith.constant 0 : i32
    %dma_start3A_22 = tpu.memref_slice %arg10[%dma_start3A_15, %dma_start3A_21] : memref<32x16xi32, #tpu.memory_space<vmem>> -> memref<1x16xi32, #tpu.memory_space<vmem>>
    %dma_start3A_23 = tpu.memref_squeeze %dma_start3A_22 : memref<1x16xi32, #tpu.memory_space<vmem>> -> memref<16xi32, #tpu.memory_space<vmem>>
    %dma_start3A_24 = arith.constant 0 : i32
    %dma_start3A_25 = arith.constant 0 : i32
    %dma_start3A_26 = tpu.memref_slice %arg6[%dma_start3A_24, %dma_start3A_25] : memref<1015808x32xi32, #tpu.memory_space<hbm>> -> memref<1015808x32xi32, #tpu.memory_space<hbm>>
    tpu.enqueue_indirect_dma source(%dma_start3A_26 : memref<1015808x32xi32, #tpu.memory_space<hbm>>) target(%dma_start3A_20 : memref<16x32xi32, #tpu.memory_space<vmem>>) offsets(%dma_start3A_23 : memref<16xi32, #tpu.memory_space<vmem>>) semaphore(%arg17 : memref<!tpu.dma_semaphore, #tpu.memory_space<semaphore_mem>>)
    %dma_start3A_27 = arith.constant 0 : i32
    %dma_start3A_28 = arith.constant 0 : i32
    %dma_start3A_29 = arith.constant 0 : i32
    %dma_start3A_30 = arith.constant 0 : i32
    %dma_start3A_31 = tpu.memref_slice %arg14[%dma_start3A_28, %dma_start3A_29, %dma_start3A_30] : memref<2x320x32xi32, #tpu.memory_space<vmem>> -> memref<1x64x32xi32, #tpu.memory_space<vmem>>
    %dma_start3A_32 = tpu.memref_squeeze %dma_start3A_31 : memref<1x64x32xi32, #tpu.memory_space<vmem>> -> memref<64x32xi32, #tpu.memory_space<vmem>>
    %dma_start3A_33 = arith.constant 0 : i32
    %dma_start3A_34 = tpu.memref_slice %arg11[%dma_start3A_27, %dma_start3A_33] : memref<160x64xi32, #tpu.memory_space<vmem>> -> memref<1x64xi32, #tpu.memory_space<vmem>>
    %dma_start3A_35 = tpu.memref_squeeze %dma_start3A_34 : memref<1x64xi32, #tpu.memory_space<vmem>> -> memref<64xi32, #tpu.memory_space<vmem>>
    %dma_start3A_36 = arith.constant 0 : i32
    %dma_start3A_37 = arith.constant 0 : i32
    %dma_start3A_38 = tpu.memref_slice %arg6[%dma_start3A_36, %dma_start3A_37] : memref<1015808x32xi32, #tpu.memory_space<hbm>> -> memref<1015808x32xi32, #tpu.memory_space<hbm>>
    tpu.enqueue_indirect_dma source(%dma_start3A_38 : memref<1015808x32xi32, #tpu.memory_space<hbm>>) target(%dma_start3A_32 : memref<64x32xi32, #tpu.memory_space<vmem>>) offsets(%dma_start3A_35 : memref<64xi32, #tpu.memory_space<vmem>>) semaphore(%arg17 : memref<!tpu.dma_semaphore, #tpu.memory_space<semaphore_mem>>)
    %dma_start3A_39 = arith.constant 1 : i32
    %dma_start3A_40 = arith.constant 0 : i32
    %dma_start3A_41 = arith.constant 64 : i32
    %dma_start3A_42 = arith.constant 0 : i32
    %dma_start3A_43 = tpu.memref_slice %arg14[%dma_start3A_40, %dma_start3A_41, %dma_start3A_42] : memref<2x320x32xi32, #tpu.memory_space<vmem>> -> memref<1x64x32xi32, #tpu.memory_space<vmem>>
    %dma_start3A_44 = tpu.memref_squeeze %dma_start3A_43 : memref<1x64x32xi32, #tpu.memory_space<vmem>> -> memref<64x32xi32, #tpu.memory_space<vmem>>
    %dma_start3A_45 = arith.constant 0 : i32
    %dma_start3A_46 = tpu.memref_slice %arg11[%dma_start3A_39, %dma_start3A_45] : memref<160x64xi32, #tpu.memory_space<vmem>> -> memref<1x64xi32, #tpu.memory_space<vmem>>
    %dma_start3A_47 = tpu.memref_squeeze %dma_start3A_46 : memref<1x64xi32, #tpu.memory_space<vmem>> -> memref<64xi32, #tpu.memory_space<vmem>>
    %dma_start3A_48 = arith.constant 0 : i32
    %dma_start3A_49 = arith.constant 0 : i32
    %dma_start3A_50 = tpu.memref_slice %arg6[%dma_start3A_48, %dma_start3A_49] : memref<1015808x32xi32, #tpu.memory_space<hbm>> -> memref<1015808x32xi32, #tpu.memory_space<hbm>>
    tpu.enqueue_indirect_dma source(%dma_start3A_50 : memref<1015808x32xi32, #tpu.memory_space<hbm>>) target(%dma_start3A_44 : memref<64x32xi32, #tpu.memory_space<vmem>>) offsets(%dma_start3A_47 : memref<64xi32, #tpu.memory_space<vmem>>) semaphore(%arg17 : memref<!tpu.dma_semaphore, #tpu.memory_space<semaphore_mem>>)
    %dma_start3A_51 = arith.constant 2 : i32
    %dma_start3A_52 = arith.constant 0 : i32
    %dma_start3A_53 = arith.constant 128 : i32
    %dma_start3A_54 = arith.constant 0 : i32
    %dma_start3A_55 = tpu.memref_slice %arg14[%dma_start3A_52, %dma_start3A_53, %dma_start3A_54] : memref<2x320x32xi32, #tpu.memory_space<vmem>> -> memref<1x64x32xi32, #tpu.memory_space<vmem>>
    %dma_start3A_56 = tpu.memref_squeeze %dma_start3A_55 : memref<1x64x32xi32, #tpu.memory_space<vmem>> -> memref<64x32xi32, #tpu.memory_space<vmem>>
    %dma_start3A_57 = arith.constant 0 : i32
    %dma_start3A_58 = tpu.memref_slice %arg11[%dma_start3A_51, %dma_start3A_57] : memref<160x64xi32, #tpu.memory_space<vmem>> -> memref<1x64xi32, #tpu.memory_space<vmem>>
    %dma_start3A_59 = tpu.memref_squeeze %dma_start3A_58 : memref<1x64xi32, #tpu.memory_space<vmem>> -> memref<64xi32, #tpu.memory_space<vmem>>
    %dma_start3A_60 = arith.constant 0 : i32
    %dma_start3A_61 = arith.constant 0 : i32
    %dma_start3A_62 = tpu.memref_slice %arg6[%dma_start3A_60, %dma_start3A_61] : memref<1015808x32xi32, #tpu.memory_space<hbm>> -> memref<1015808x32xi32, #tpu.memory_space<hbm>>
    tpu.enqueue_indirect_dma source(%dma_start3A_62 : memref<1015808x32xi32, #tpu.memory_space<hbm>>) target(%dma_start3A_56 : memref<64x32xi32, #tpu.memory_space<vmem>>) offsets(%dma_start3A_59 : memref<64xi32, #tpu.memory_space<vmem>>) semaphore(%arg17 : memref<!tpu.dma_semaphore, #tpu.memory_space<semaphore_mem>>)
    %dma_start3A_63 = arith.constant 3 : i32
    %dma_start3A_64 = arith.constant 0 : i32
    %dma_start3A_65 = arith.constant 192 : i32
    %dma_start3A_66 = arith.constant 0 : i32
    %dma_start3A_67 = tpu.memref_slice %arg14[%dma_start3A_64, %dma_start3A_65, %dma_start3A_66] : memref<2x320x32xi32, #tpu.memory_space<vmem>> -> memref<1x64x32xi32, #tpu.memory_space<vmem>>
    %dma_start3A_68 = tpu.memref_squeeze %dma_start3A_67 : memref<1x64x32xi32, #tpu.memory_space<vmem>> -> memref<64x32xi32, #tpu.memory_space<vmem>>
    %dma_start3A_69 = arith.constant 0 : i32
    %dma_start3A_70 = tpu.memref_slice %arg11[%dma_start3A_63, %dma_start3A_69] : memref<160x64xi32, #tpu.memory_space<vmem>> -> memref<1x64xi32, #tpu.memory_space<vmem>>
    %dma_start3A_71 = tpu.memref_squeeze %dma_start3A_70 : memref<1x64xi32, #tpu.memory_space<vmem>> -> memref<64xi32, #tpu.memory_space<vmem>>
    %dma_start3A_72 = arith.constant 0 : i32
    %dma_start3A_73 = arith.constant 0 : i32
    %dma_start3A_74 = tpu.memref_slice %arg6[%dma_start3A_72, %dma_start3A_73] : memref<1015808x32xi32, #tpu.memory_space<hbm>> -> memref<1015808x32xi32, #tpu.memory_space<hbm>>
    tpu.enqueue_indirect_dma source(%dma_start3A_74 : memref<1015808x32xi32, #tpu.memory_space<hbm>>) target(%dma_start3A_68 : memref<64x32xi32, #tpu.memory_space<vmem>>) offsets(%dma_start3A_71 : memref<64xi32, #tpu.memory_space<vmem>>) semaphore(%arg17 : memref<!tpu.dma_semaphore, #tpu.memory_space<semaphore_mem>>)
    %dma_start3A_75 = arith.constant 4 : i32
    %dma_start3A_76 = arith.constant 0 : i32
    %dma_start3A_77 = arith.constant 256 : i32
    %dma_start3A_78 = arith.constant 0 : i32
    %dma_start3A_79 = tpu.memref_slice %arg14[%dma_start3A_76, %dma_start3A_77, %dma_start3A_78] : memref<2x320x32xi32, #tpu.memory_space<vmem>> -> memref<1x64x32xi32, #tpu.memory_space<vmem>>
    %dma_start3A_80 = tpu.memref_squeeze %dma_start3A_79 : memref<1x64x32xi32, #tpu.memory_space<vmem>> -> memref<64x32xi32, #tpu.memory_space<vmem>>
    %dma_start3A_81 = arith.constant 0 : i32
    %dma_start3A_82 = tpu.memref_slice %arg11[%dma_start3A_75, %dma_start3A_81] : memref<160x64xi32, #tpu.memory_space<vmem>> -> memref<1x64xi32, #tpu.memory_space<vmem>>
    %dma_start3A_83 = tpu.memref_squeeze %dma_start3A_82 : memref<1x64xi32, #tpu.memory_space<vmem>> -> memref<64xi32, #tpu.memory_space<vmem>>
    %dma_start3A_84 = arith.constant 0 : i32
    %dma_start3A_85 = arith.constant 0 : i32
    %dma_start3A_86 = tpu.memref_slice %arg6[%dma_start3A_84, %dma_start3A_85] : memref<1015808x32xi32, #tpu.memory_space<hbm>> -> memref<1015808x32xi32, #tpu.memory_space<hbm>>
    tpu.enqueue_indirect_dma source(%dma_start3A_86 : memref<1015808x32xi32, #tpu.memory_space<hbm>>) target(%dma_start3A_80 : memref<64x32xi32, #tpu.memory_space<vmem>>) offsets(%dma_start3A_83 : memref<64xi32, #tpu.memory_space<vmem>>) semaphore(%arg17 : memref<!tpu.dma_semaphore, #tpu.memory_space<semaphore_mem>>)
    %scan3A = arith.constant 0 : i32
    %scan3A_87 = arith.constant 0 : i32
    %scan3A_88 = arith.constant 16 : i32
    %scan3A_89 = arith.addi %scan3A_87, %scan3A_88 : i32
    %scan3A_90 = arith.constant 1 : i32
    %scan3A_91 = scf.for %scan3A_93 = %scan3A_87 to %scan3A_89 step %scan3A_90 iter_args(%scan3A_94 = %scan3A) -> (i32)  : i32 {
      %mul3A_95 = arith.constant 2 : i32
      %mul3A_96 = arith.muli %mul3A_95, %scan3A_93 : i32
      %add3A_97 = arith.constant 1 : i32
      %add3A_98 = arith.addi %mul3A_96, %add3A_97 : i32
      %dma_start3A_99 = arith.constant 1 : i32
      %dma_start3A_100 = arith.constant 0 : i32
      %dma_start3A_101 = arith.constant 0 : i32
      %dma_start3A_102 = tpu.memref_slice %arg12[%dma_start3A_99, %dma_start3A_100, %dma_start3A_101] : memref<2x16x32xi32, #tpu.memory_space<vmem>> -> memref<1x16x32xi32, #tpu.memory_space<vmem>>
      %dma_start3A_103 = tpu.memref_squeeze %dma_start3A_102 : memref<1x16x32xi32, #tpu.memory_space<vmem>> -> memref<16x32xi32, #tpu.memory_space<vmem>>
      %dma_start3A_104 = arith.constant 0 : i32
      %dma_start3A_105 = tpu.memref_slice %arg9[%add3A_98, %dma_start3A_104] : memref<32x16xi32, #tpu.memory_space<vmem>> -> memref<1x16xi32, #tpu.memory_space<vmem>>
      %dma_start3A_106 = tpu.memref_squeeze %dma_start3A_105 : memref<1x16xi32, #tpu.memory_space<vmem>> -> memref<16xi32, #tpu.memory_space<vmem>>
      %dma_start3A_107 = arith.constant 0 : i32
      %dma_start3A_108 = arith.constant 0 : i32
      %dma_start3A_109 = tpu.memref_slice %arg5[%dma_start3A_107, %dma_start3A_108] : memref<1015808x32xi32, #tpu.memory_space<hbm>> -> memref<1015808x32xi32, #tpu.memory_space<hbm>>
      tpu.enqueue_indirect_dma source(%dma_start3A_109 : memref<1015808x32xi32, #tpu.memory_space<hbm>>) target(%dma_start3A_103 : memref<16x32xi32, #tpu.memory_space<vmem>>) offsets(%dma_start3A_106 : memref<16xi32, #tpu.memory_space<vmem>>) semaphore(%arg18 : memref<!tpu.dma_semaphore, #tpu.memory_space<semaphore_mem>>)
      %dma_start3A_110 = arith.constant 1 : i32
      %dma_start3A_111 = arith.constant 0 : i32
      %dma_start3A_112 = arith.constant 0 : i32
      %dma_start3A_113 = tpu.memref_slice %arg13[%dma_start3A_110, %dma_start3A_111, %dma_start3A_112] : memref<2x16x32xi32, #tpu.memory_space<vmem>> -> memref<1x16x32xi32, #tpu.memory_space<vmem>>
      %dma_start3A_114 = tpu.memref_squeeze %dma_start3A_113 : memref<1x16x32xi32, #tpu.memory_space<vmem>> -> memref<16x32xi32, #tpu.memory_space<vmem>>
      %dma_start3A_115 = arith.constant 0 : i32
      %dma_start3A_116 = tpu.memref_slice %arg10[%add3A_98, %dma_start3A_115] : memref<32x16xi32, #tpu.memory_space<vmem>> -> memref<1x16xi32, #tpu.memory_space<vmem>>
      %dma_start3A_117 = tpu.memref_squeeze %dma_start3A_116 : memref<1x16xi32, #tpu.memory_space<vmem>> -> memref<16xi32, #tpu.memory_space<vmem>>
      %dma_start3A_118 = arith.constant 0 : i32
      %dma_start3A_119 = arith.constant 0 : i32
      %dma_start3A_120 = tpu.memref_slice %arg6[%dma_start3A_118, %dma_start3A_119] : memref<1015808x32xi32, #tpu.memory_space<hbm>> -> memref<1015808x32xi32, #tpu.memory_space<hbm>>
      tpu.enqueue_indirect_dma source(%dma_start3A_120 : memref<1015808x32xi32, #tpu.memory_space<hbm>>) target(%dma_start3A_114 : memref<16x32xi32, #tpu.memory_space<vmem>>) offsets(%dma_start3A_117 : memref<16xi32, #tpu.memory_space<vmem>>) semaphore(%arg18 : memref<!tpu.dma_semaphore, #tpu.memory_space<semaphore_mem>>)
      %mul3A_121 = arith.constant 5 : i32
      %mul3A_122 = arith.muli %add3A_98, %mul3A_121 : i32
      %add3A_123 = arith.constant 0 : i32
      %add3A_124 = arith.addi %mul3A_122, %add3A_123 : i32
      %dma_start3A_125 = arith.constant 1 : i32
      %dma_start3A_126 = arith.constant 0 : i32
      %dma_start3A_127 = arith.constant 0 : i32
      %dma_start3A_128 = tpu.memref_slice %arg14[%dma_start3A_125, %dma_start3A_126, %dma_start3A_127] : memref<2x320x32xi32, #tpu.memory_space<vmem>> -> memref<1x64x32xi32, #tpu.memory_space<vmem>>
      %dma_start3A_129 = tpu.memref_squeeze %dma_start3A_128 : memref<1x64x32xi32, #tpu.memory_space<vmem>> -> memref<64x32xi32, #tpu.memory_space<vmem>>
      %dma_start3A_130 = arith.constant 0 : i32
      %dma_start3A_131 = tpu.memref_slice %arg11[%add3A_124, %dma_start3A_130] : memref<160x64xi32, #tpu.memory_space<vmem>> -> memref<1x64xi32, #tpu.memory_space<vmem>>
      %dma_start3A_132 = tpu.memref_squeeze %dma_start3A_131 : memref<1x64xi32, #tpu.memory_space<vmem>> -> memref<64xi32, #tpu.memory_space<vmem>>
      %dma_start3A_133 = arith.constant 0 : i32
      %dma_start3A_134 = arith.constant 0 : i32
      %dma_start3A_135 = tpu.memref_slice %arg6[%dma_start3A_133, %dma_start3A_134] : memref<1015808x32xi32, #tpu.memory_space<hbm>> -> memref<1015808x32xi32, #tpu.memory_space<hbm>>
      tpu.enqueue_indirect_dma source(%dma_start3A_135 : memref<1015808x32xi32, #tpu.memory_space<hbm>>) target(%dma_start3A_129 : memref<64x32xi32, #tpu.memory_space<vmem>>) offsets(%dma_start3A_132 : memref<64xi32, #tpu.memory_space<vmem>>) semaphore(%arg18 : memref<!tpu.dma_semaphore, #tpu.memory_space<semaphore_mem>>)
      %mul3A_136 = arith.constant 5 : i32
      %mul3A_137 = arith.muli %add3A_98, %mul3A_136 : i32
      %add3A_138 = arith.constant 1 : i32
      %add3A_139 = arith.addi %mul3A_137, %add3A_138 : i32
      %dma_start3A_140 = arith.constant 1 : i32
      %dma_start3A_141 = arith.constant 64 : i32
      %dma_start3A_142 = arith.constant 0 : i32
      %dma_start3A_143 = tpu.memref_slice %arg14[%dma_start3A_140, %dma_start3A_141, %dma_start3A_142] : memref<2x320x32xi32, #tpu.memory_space<vmem>> -> memref<1x64x32xi32, #tpu.memory_space<vmem>>
      %dma_start3A_144 = tpu.memref_squeeze %dma_start3A_143 : memref<1x64x32xi32, #tpu.memory_space<vmem>> -> memref<64x32xi32, #tpu.memory_space<vmem>>
      %dma_start3A_145 = arith.constant 0 : i32
      %dma_start3A_146 = tpu.memref_slice %arg11[%add3A_139, %dma_start3A_145] : memref<160x64xi32, #tpu.memory_space<vmem>> -> memref<1x64xi32, #tpu.memory_space<vmem>>
      %dma_start3A_147 = tpu.memref_squeeze %dma_start3A_146 : memref<1x64xi32, #tpu.memory_space<vmem>> -> memref<64xi32, #tpu.memory_space<vmem>>
      %dma_start3A_148 = arith.constant 0 : i32
      %dma_start3A_149 = arith.constant 0 : i32
      %dma_start3A_150 = tpu.memref_slice %arg6[%dma_start3A_148, %dma_start3A_149] : memref<1015808x32xi32, #tpu.memory_space<hbm>> -> memref<1015808x32xi32, #tpu.memory_space<hbm>>
      tpu.enqueue_indirect_dma source(%dma_start3A_150 : memref<1015808x32xi32, #tpu.memory_space<hbm>>) target(%dma_start3A_144 : memref<64x32xi32, #tpu.memory_space<vmem>>) offsets(%dma_start3A_147 : memref<64xi32, #tpu.memory_space<vmem>>) semaphore(%arg18 : memref<!tpu.dma_semaphore, #tpu.memory_space<semaphore_mem>>)
      %mul3A_151 = arith.constant 5 : i32
      %mul3A_152 = arith.muli %add3A_98, %mul3A_151 : i32
      %add3A_153 = arith.constant 2 : i32
      %add3A_154 = arith.addi %mul3A_152, %add3A_153 : i32
      %dma_start3A_155 = arith.constant 1 : i32
      %dma_start3A_156 = arith.constant 128 : i32
      %dma_start3A_157 = arith.constant 0 : i32
      %dma_start3A_158 = tpu.memref_slice %arg14[%dma_start3A_155, %dma_start3A_156, %dma_start3A_157] : memref<2x320x32xi32, #tpu.memory_space<vmem>> -> memref<1x64x32xi32, #tpu.memory_space<vmem>>
      %dma_start3A_159 = tpu.memref_squeeze %dma_start3A_158 : memref<1x64x32xi32, #tpu.memory_space<vmem>> -> memref<64x32xi32, #tpu.memory_space<vmem>>
      %dma_start3A_160 = arith.constant 0 : i32
      %dma_start3A_161 = tpu.memref_slice %arg11[%add3A_154, %dma_start3A_160] : memref<160x64xi32, #tpu.memory_space<vmem>> -> memref<1x64xi32, #tpu.memory_space<vmem>>
      %dma_start3A_162 = tpu.memref_squeeze %dma_start3A_161 : memref<1x64xi32, #tpu.memory_space<vmem>> -> memref<64xi32, #tpu.memory_space<vmem>>
      %dma_start3A_163 = arith.constant 0 : i32
      %dma_start3A_164 = arith.constant 0 : i32
      %dma_start3A_165 = tpu.memref_slice %arg6[%dma_start3A_163, %dma_start3A_164] : memref<1015808x32xi32, #tpu.memory_space<hbm>> -> memref<1015808x32xi32, #tpu.memory_space<hbm>>
      tpu.enqueue_indirect_dma source(%dma_start3A_165 : memref<1015808x32xi32, #tpu.memory_space<hbm>>) target(%dma_start3A_159 : memref<64x32xi32, #tpu.memory_space<vmem>>) offsets(%dma_start3A_162 : memref<64xi32, #tpu.memory_space<vmem>>) semaphore(%arg18 : memref<!tpu.dma_semaphore, #tpu.memory_space<semaphore_mem>>)
      %mul3A_166 = arith.constant 5 : i32
      %mul3A_167 = arith.muli %add3A_98, %mul3A_166 : i32
      %add3A_168 = arith.constant 3 : i32
      %add3A_169 = arith.addi %mul3A_167, %add3A_168 : i32
      %dma_start3A_170 = arith.constant 1 : i32
      %dma_start3A_171 = arith.constant 192 : i32
      %dma_start3A_172 = arith.constant 0 : i32
      %dma_start3A_173 = tpu.memref_slice %arg14[%dma_start3A_170, %dma_start3A_171, %dma_start3A_172] : memref<2x320x32xi32, #tpu.memory_space<vmem>> -> memref<1x64x32xi32, #tpu.memory_space<vmem>>
      %dma_start3A_174 = tpu.memref_squeeze %dma_start3A_173 : memref<1x64x32xi32, #tpu.memory_space<vmem>> -> memref<64x32xi32, #tpu.memory_space<vmem>>
      %dma_start3A_175 = arith.constant 0 : i32
      %dma_start3A_176 = tpu.memref_slice %arg11[%add3A_169, %dma_start3A_175] : memref<160x64xi32, #tpu.memory_space<vmem>> -> memref<1x64xi32, #tpu.memory_space<vmem>>
      %dma_start3A_177 = tpu.memref_squeeze %dma_start3A_176 : memref<1x64xi32, #tpu.memory_space<vmem>> -> memref<64xi32, #tpu.memory_space<vmem>>
      %dma_start3A_178 = arith.constant 0 : i32
      %dma_start3A_179 = arith.constant 0 : i32
      %dma_start3A_180 = tpu.memref_slice %arg6[%dma_start3A_178, %dma_start3A_179] : memref<1015808x32xi32, #tpu.memory_space<hbm>> -> memref<1015808x32xi32, #tpu.memory_space<hbm>>
      tpu.enqueue_indirect_dma source(%dma_start3A_180 : memref<1015808x32xi32, #tpu.memory_space<hbm>>) target(%dma_start3A_174 : memref<64x32xi32, #tpu.memory_space<vmem>>) offsets(%dma_start3A_177 : memref<64xi32, #tpu.memory_space<vmem>>) semaphore(%arg18 : memref<!tpu.dma_semaphore, #tpu.memory_space<semaphore_mem>>)
      %mul3A_181 = arith.constant 5 : i32
      %mul3A_182 = arith.muli %add3A_98, %mul3A_181 : i32
      %add3A_183 = arith.constant 4 : i32
      %add3A_184 = arith.addi %mul3A_182, %add3A_183 : i32
      %dma_start3A_185 = arith.constant 1 : i32
      %dma_start3A_186 = arith.constant 256 : i32
      %dma_start3A_187 = arith.constant 0 : i32
      %dma_start3A_188 = tpu.memref_slice %arg14[%dma_start3A_185, %dma_start3A_186, %dma_start3A_187] : memref<2x320x32xi32, #tpu.memory_space<vmem>> -> memref<1x64x32xi32, #tpu.memory_space<vmem>>
      %dma_start3A_189 = tpu.memref_squeeze %dma_start3A_188 : memref<1x64x32xi32, #tpu.memory_space<vmem>> -> memref<64x32xi32, #tpu.memory_space<vmem>>
      %dma_start3A_190 = arith.constant 0 : i32
      %dma_start3A_191 = tpu.memref_slice %arg11[%add3A_184, %dma_start3A_190] : memref<160x64xi32, #tpu.memory_space<vmem>> -> memref<1x64xi32, #tpu.memory_space<vmem>>
      %dma_start3A_192 = tpu.memref_squeeze %dma_start3A_191 : memref<1x64xi32, #tpu.memory_space<vmem>> -> memref<64xi32, #tpu.memory_space<vmem>>
      %dma_start3A_193 = arith.constant 0 : i32
      %dma_start3A_194 = arith.constant 0 : i32
      %dma_start3A_195 = tpu.memref_slice %arg6[%dma_start3A_193, %dma_start3A_194] : memref<1015808x32xi32, #tpu.memory_space<hbm>> -> memref<1015808x32xi32, #tpu.memory_space<hbm>>
      tpu.enqueue_indirect_dma source(%dma_start3A_195 : memref<1015808x32xi32, #tpu.memory_space<hbm>>) target(%dma_start3A_189 : memref<64x32xi32, #tpu.memory_space<vmem>>) offsets(%dma_start3A_192 : memref<64xi32, #tpu.memory_space<vmem>>) semaphore(%arg18 : memref<!tpu.dma_semaphore, #tpu.memory_space<semaphore_mem>>)
      %dma_wait3A = arith.constant 0 : i32
      %dma_wait3A_196 = arith.constant 0 : i32
      %dma_wait3A_197 = arith.constant 0 : i32
      %dma_wait3A_198 = tpu.memref_slice %arg12[%dma_wait3A, %dma_wait3A_196, %dma_wait3A_197] : memref<2x16x32xi32, #tpu.memory_space<vmem>> -> memref<1x16x32xi32, #tpu.memory_space<vmem>>
      %dma_wait3A_199 = tpu.memref_squeeze %dma_wait3A_198 : memref<1x16x32xi32, #tpu.memory_space<vmem>> -> memref<16x32xi32, #tpu.memory_space<vmem>>
      %dma_wait3A_200 = arith.constant 0 : i32
      %dma_wait3A_201 = tpu.memref_slice %arg9[%mul3A_96, %dma_wait3A_200] : memref<32x16xi32, #tpu.memory_space<vmem>> -> memref<1x16xi32, #tpu.memory_space<vmem>>
      %dma_wait3A_202 = tpu.memref_squeeze %dma_wait3A_201 : memref<1x16xi32, #tpu.memory_space<vmem>> -> memref<16xi32, #tpu.memory_space<vmem>>
      %dma_wait3A_203 = arith.constant 0 : i32
      %dma_wait3A_204 = arith.constant 0 : i32
      %dma_wait3A_205 = tpu.memref_slice %arg5[%dma_wait3A_203, %dma_wait3A_204] : memref<1015808x32xi32, #tpu.memory_space<hbm>> -> memref<1015808x32xi32, #tpu.memory_space<hbm>>
      tpu.wait_indirect_dma semaphore(%arg17 : memref<!tpu.dma_semaphore, #tpu.memory_space<semaphore_mem>>) src(%dma_wait3A_205 : memref<1015808x32xi32, #tpu.memory_space<hbm>>) dst(%dma_wait3A_199 : memref<16x32xi32, #tpu.memory_space<vmem>>)
      %dma_wait3A_206 = arith.constant 0 : i32
      %dma_wait3A_207 = arith.constant 0 : i32
      %dma_wait3A_208 = arith.constant 0 : i32
      %dma_wait3A_209 = tpu.memref_slice %arg13[%dma_wait3A_206, %dma_wait3A_207, %dma_wait3A_208] : memref<2x16x32xi32, #tpu.memory_space<vmem>> -> memref<1x16x32xi32, #tpu.memory_space<vmem>>
      %dma_wait3A_210 = tpu.memref_squeeze %dma_wait3A_209 : memref<1x16x32xi32, #tpu.memory_space<vmem>> -> memref<16x32xi32, #tpu.memory_space<vmem>>
      %dma_wait3A_211 = arith.constant 0 : i32
      %dma_wait3A_212 = tpu.memref_slice %arg10[%mul3A_96, %dma_wait3A_211] : memref<32x16xi32, #tpu.memory_space<vmem>> -> memref<1x16xi32, #tpu.memory_space<vmem>>
      %dma_wait3A_213 = tpu.memref_squeeze %dma_wait3A_212 : memref<1x16xi32, #tpu.memory_space<vmem>> -> memref<16xi32, #tpu.memory_space<vmem>>
      %dma_wait3A_214 = arith.constant 0 : i32
      %dma_wait3A_215 = arith.constant 0 : i32
      %dma_wait3A_216 = tpu.memref_slice %arg6[%dma_wait3A_214, %dma_wait3A_215] : memref<1015808x32xi32, #tpu.memory_space<hbm>> -> memref<1015808x32xi32, #tpu.memory_space<hbm>>
      tpu.wait_indirect_dma semaphore(%arg17 : memref<!tpu.dma_semaphore, #tpu.memory_space<semaphore_mem>>) src(%dma_wait3A_216 : memref<1015808x32xi32, #tpu.memory_space<hbm>>) dst(%dma_wait3A_210 : memref<16x32xi32, #tpu.memory_space<vmem>>)
      %mul3A_217 = arith.constant 5 : i32
      %mul3A_218 = arith.muli %mul3A_96, %mul3A_217 : i32
      %add3A_219 = arith.constant 0 : i32
      %add3A_220 = arith.addi %mul3A_218, %add3A_219 : i32
      %dma_wait3A_221 = arith.constant 0 : i32
      %dma_wait3A_222 = arith.constant 0 : i32
      %dma_wait3A_223 = arith.constant 0 : i32
      %dma_wait3A_224 = tpu.memref_slice %arg14[%dma_wait3A_221, %dma_wait3A_222, %dma_wait3A_223] : memref<2x320x32xi32, #tpu.memory_space<vmem>> -> memref<1x64x32xi32, #tpu.memory_space<vmem>>
      %dma_wait3A_225 = tpu.memref_squeeze %dma_wait3A_224 : memref<1x64x32xi32, #tpu.memory_space<vmem>> -> memref<64x32xi32, #tpu.memory_space<vmem>>
      %dma_wait3A_226 = arith.constant 0 : i32
      %dma_wait3A_227 = tpu.memref_slice %arg11[%add3A_220, %dma_wait3A_226] : memref<160x64xi32, #tpu.memory_space<vmem>> -> memref<1x64xi32, #tpu.memory_space<vmem>>
      %dma_wait3A_228 = tpu.memref_squeeze %dma_wait3A_227 : memref<1x64xi32, #tpu.memory_space<vmem>> -> memref<64xi32, #tpu.memory_space<vmem>>
      %dma_wait3A_229 = arith.constant 0 : i32
      %dma_wait3A_230 = arith.constant 0 : i32
      %dma_wait3A_231 = tpu.memref_slice %arg6[%dma_wait3A_229, %dma_wait3A_230] : memref<1015808x32xi32, #tpu.memory_space<hbm>> -> memref<1015808x32xi32, #tpu.memory_space<hbm>>
      tpu.wait_indirect_dma semaphore(%arg17 : memref<!tpu.dma_semaphore, #tpu.memory_space<semaphore_mem>>) src(%dma_wait3A_231 : memref<1015808x32xi32, #tpu.memory_space<hbm>>) dst(%dma_wait3A_225 : memref<64x32xi32, #tpu.memory_space<vmem>>)
      %mul3A_232 = arith.constant 5 : i32
      %mul3A_233 = arith.muli %mul3A_96, %mul3A_232 : i32
      %add3A_234 = arith.constant 1 : i32
      %add3A_235 = arith.addi %mul3A_233, %add3A_234 : i32
      %dma_wait3A_236 = arith.constant 0 : i32
      %dma_wait3A_237 = arith.constant 64 : i32
      %dma_wait3A_238 = arith.constant 0 : i32
      %dma_wait3A_239 = tpu.memref_slice %arg14[%dma_wait3A_236, %dma_wait3A_237, %dma_wait3A_238] : memref<2x320x32xi32, #tpu.memory_space<vmem>> -> memref<1x64x32xi32, #tpu.memory_space<vmem>>
      %dma_wait3A_240 = tpu.memref_squeeze %dma_wait3A_239 : memref<1x64x32xi32, #tpu.memory_space<vmem>> -> memref<64x32xi32, #tpu.memory_space<vmem>>
      %dma_wait3A_241 = arith.constant 0 : i32
      %dma_wait3A_242 = tpu.memref_slice %arg11[%add3A_235, %dma_wait3A_241] : memref<160x64xi32, #tpu.memory_space<vmem>> -> memref<1x64xi32, #tpu.memory_space<vmem>>
      %dma_wait3A_243 = tpu.memref_squeeze %dma_wait3A_242 : memref<1x64xi32, #tpu.memory_space<vmem>> -> memref<64xi32, #tpu.memory_space<vmem>>
      %dma_wait3A_244 = arith.constant 0 : i32
      %dma_wait3A_245 = arith.constant 0 : i32
      %dma_wait3A_246 = tpu.memref_slice %arg6[%dma_wait3A_244, %dma_wait3A_245] : memref<1015808x32xi32, #tpu.memory_space<hbm>> -> memref<1015808x32xi32, #tpu.memory_space<hbm>>
      tpu.wait_indirect_dma semaphore(%arg17 : memref<!tpu.dma_semaphore, #tpu.memory_space<semaphore_mem>>) src(%dma_wait3A_246 : memref<1015808x32xi32, #tpu.memory_space<hbm>>) dst(%dma_wait3A_240 : memref<64x32xi32, #tpu.memory_space<vmem>>)
      %mul3A_247 = arith.constant 5 : i32
      %mul3A_248 = arith.muli %mul3A_96, %mul3A_247 : i32
      %add3A_249 = arith.constant 2 : i32
      %add3A_250 = arith.addi %mul3A_248, %add3A_249 : i32
      %dma_wait3A_251 = arith.constant 0 : i32
      %dma_wait3A_252 = arith.constant 128 : i32
      %dma_wait3A_253 = arith.constant 0 : i32
      %dma_wait3A_254 = tpu.memref_slice %arg14[%dma_wait3A_251, %dma_wait3A_252, %dma_wait3A_253] : memref<2x320x32xi32, #tpu.memory_space<vmem>> -> memref<1x64x32xi32, #tpu.memory_space<vmem>>
      %dma_wait3A_255 = tpu.memref_squeeze %dma_wait3A_254 : memref<1x64x32xi32, #tpu.memory_space<vmem>> -> memref<64x32xi32, #tpu.memory_space<vmem>>
      %dma_wait3A_256 = arith.constant 0 : i32
      %dma_wait3A_257 = tpu.memref_slice %arg11[%add3A_250, %dma_wait3A_256] : memref<160x64xi32, #tpu.memory_space<vmem>> -> memref<1x64xi32, #tpu.memory_space<vmem>>
      %dma_wait3A_258 = tpu.memref_squeeze %dma_wait3A_257 : memref<1x64xi32, #tpu.memory_space<vmem>> -> memref<64xi32, #tpu.memory_space<vmem>>
      %dma_wait3A_259 = arith.constant 0 : i32
      %dma_wait3A_260 = arith.constant 0 : i32
      %dma_wait3A_261 = tpu.memref_slice %arg6[%dma_wait3A_259, %dma_wait3A_260] : memref<1015808x32xi32, #tpu.memory_space<hbm>> -> memref<1015808x32xi32, #tpu.memory_space<hbm>>
      tpu.wait_indirect_dma semaphore(%arg17 : memref<!tpu.dma_semaphore, #tpu.memory_space<semaphore_mem>>) src(%dma_wait3A_261 : memref<1015808x32xi32, #tpu.memory_space<hbm>>) dst(%dma_wait3A_255 : memref<64x32xi32, #tpu.memory_space<vmem>>)
      %mul3A_262 = arith.constant 5 : i32
      %mul3A_263 = arith.muli %mul3A_96, %mul3A_262 : i32
      %add3A_264 = arith.constant 3 : i32
      %add3A_265 = arith.addi %mul3A_263, %add3A_264 : i32
      %dma_wait3A_266 = arith.constant 0 : i32
      %dma_wait3A_267 = arith.constant 192 : i32
      %dma_wait3A_268 = arith.constant 0 : i32
      %dma_wait3A_269 = tpu.memref_slice %arg14[%dma_wait3A_266, %dma_wait3A_267, %dma_wait3A_268] : memref<2x320x32xi32, #tpu.memory_space<vmem>> -> memref<1x64x32xi32, #tpu.memory_space<vmem>>
      %dma_wait3A_270 = tpu.memref_squeeze %dma_wait3A_269 : memref<1x64x32xi32, #tpu.memory_space<vmem>> -> memref<64x32xi32, #tpu.memory_space<vmem>>
      %dma_wait3A_271 = arith.constant 0 : i32
      %dma_wait3A_272 = tpu.memref_slice %arg11[%add3A_265, %dma_wait3A_271] : memref<160x64xi32, #tpu.memory_space<vmem>> -> memref<1x64xi32, #tpu.memory_space<vmem>>
      %dma_wait3A_273 = tpu.memref_squeeze %dma_wait3A_272 : memref<1x64xi32, #tpu.memory_space<vmem>> -> memref<64xi32, #tpu.memory_space<vmem>>
      %dma_wait3A_274 = arith.constant 0 : i32
      %dma_wait3A_275 = arith.constant 0 : i32
      %dma_wait3A_276 = tpu.memref_slice %arg6[%dma_wait3A_274, %dma_wait3A_275] : memref<1015808x32xi32, #tpu.memory_space<hbm>> -> memref<1015808x32xi32, #tpu.memory_space<hbm>>
      tpu.wait_indirect_dma semaphore(%arg17 : memref<!tpu.dma_semaphore, #tpu.memory_space<semaphore_mem>>) src(%dma_wait3A_276 : memref<1015808x32xi32, #tpu.memory_space<hbm>>) dst(%dma_wait3A_270 : memref<64x32xi32, #tpu.memory_space<vmem>>)
      %mul3A_277 = arith.constant 5 : i32
      %mul3A_278 = arith.muli %mul3A_96, %mul3A_277 : i32
      %add3A_279 = arith.constant 4 : i32
      %add3A_280 = arith.addi %mul3A_278, %add3A_279 : i32
      %dma_wait3A_281 = arith.constant 0 : i32
      %dma_wait3A_282 = arith.constant 256 : i32
      %dma_wait3A_283 = arith.constant 0 : i32
      %dma_wait3A_284 = tpu.memref_slice %arg14[%dma_wait3A_281, %dma_wait3A_282, %dma_wait3A_283] : memref<2x320x32xi32, #tpu.memory_space<vmem>> -> memref<1x64x32xi32, #tpu.memory_space<vmem>>
      %dma_wait3A_285 = tpu.memref_squeeze %dma_wait3A_284 : memref<1x64x32xi32, #tpu.memory_space<vmem>> -> memref<64x32xi32, #tpu.memory_space<vmem>>
      %dma_wait3A_286 = arith.constant 0 : i32
      %dma_wait3A_287 = tpu.memref_slice %arg11[%add3A_280, %dma_wait3A_286] : memref<160x64xi32, #tpu.memory_space<vmem>> -> memref<1x64xi32, #tpu.memory_space<vmem>>
      %dma_wait3A_288 = tpu.memref_squeeze %dma_wait3A_287 : memref<1x64xi32, #tpu.memory_space<vmem>> -> memref<64xi32, #tpu.memory_space<vmem>>
      %dma_wait3A_289 = arith.constant 0 : i32
      %dma_wait3A_290 = arith.constant 0 : i32
      %dma_wait3A_291 = tpu.memref_slice %arg6[%dma_wait3A_289, %dma_wait3A_290] : memref<1015808x32xi32, #tpu.memory_space<hbm>> -> memref<1015808x32xi32, #tpu.memory_space<hbm>>
      tpu.wait_indirect_dma semaphore(%arg17 : memref<!tpu.dma_semaphore, #tpu.memory_space<semaphore_mem>>) src(%dma_wait3A_291 : memref<1015808x32xi32, #tpu.memory_space<hbm>>) dst(%dma_wait3A_285 : memref<64x32xi32, #tpu.memory_space<vmem>>)
      %scan3A_292 = arith.constant 0 : i32
      %scan3A_293 = arith.constant 0 : i32
      %scan3A_294 = arith.constant 0 : i32
      %scan3A_295 = arith.constant 0 : i32
      %scan3A_296 = arith.constant 16 : i32
      %scan3A_297 = arith.addi %scan3A_295, %scan3A_296 : i32
      %scan3A_298 = arith.constant 1 : i32
      %scan3A_299:2 = scf.for %scan3A_427 = %scan3A_295 to %scan3A_297 step %scan3A_298 iter_args(%scan3A_428 = %broadcast_in_dim3A_3, %scan3A_429 = %broadcast_in_dim3A_3) -> (vector<16xf32>, vector<16xf32>)  : i32 {
        %mul3A_430 = arith.constant 20 : i32
        %mul3A_431 = arith.muli %scan3A_427, %mul3A_430 : i32
        %get3A = arith.constant 0 : i32
        %get3A_432 = arith.constant 0 : i32
        %get3A_433 = tpu.memref_slice %arg12[%scan3A_292, %get3A, %get3A_432] : memref<2x16x32xi32, #tpu.memory_space<vmem>> -> memref<1x16x32xi32, #tpu.memory_space<vmem>>
        %get3A_434 = tpu.memref_squeeze %get3A_433 : memref<1x16x32xi32, #tpu.memory_space<vmem>> -> memref<16x32xi32, #tpu.memory_space<vmem>>
        %get3A_435 = arith.index_cast %scan3A_427 : i32 to index
        %get3A_436 = arith.constant 0 : index
        %get3A_437 = tpu.vector_load %get3A_434[%get3A_435, %get3A_436] {strides = array<i32>} : memref<16x32xi32, #tpu.memory_space<vmem>>, vector<16xi32>,
        %shift_left3A = arith.constant 16 : i32
        %shift_left3A_438 = vector.broadcast %shift_left3A : i32 to vector<16xi32>
        %shift_left3A_439 = arith.shli %get3A_437, %shift_left3A_438 : vector<16xi32>
        %bitcast3A = vector.bitcast %shift_left3A_439 : vector<16xi32> to vector<16xf32>
        %and3A = arith.constant -65536 : i32
        %and3A_440 = vector.broadcast %and3A : i32 to vector<16xi32>
        %and3A_441 = arith.andi %get3A_437, %and3A_440 : vector<16xi32>
        %bitcast3A_442 = vector.bitcast %and3A_441 : vector<16xi32> to vector<16xf32>
        %get3A_443 = arith.constant 0 : i32
        %get3A_444 = arith.constant 0 : i32
        %get3A_445 = tpu.memref_slice %arg13[%scan3A_293, %get3A_443, %get3A_444] : memref<2x16x32xi32, #tpu.memory_space<vmem>> -> memref<1x16x32xi32, #tpu.memory_space<vmem>>
        %get3A_446 = tpu.memref_squeeze %get3A_445 : memref<1x16x32xi32, #tpu.memory_space<vmem>> -> memref<16x32xi32, #tpu.memory_space<vmem>>
        %get3A_447 = arith.index_cast %scan3A_427 : i32 to index
        %get3A_448 = arith.constant 0 : index
        %get3A_449 = tpu.vector_load %get3A_446[%get3A_447, %get3A_448] {strides = array<i32>} : memref<16x32xi32, #tpu.memory_space<vmem>>, vector<16xi32>,
        %shift_left3A_450 = arith.constant 16 : i32
        %shift_left3A_451 = vector.broadcast %shift_left3A_450 : i32 to vector<16xi32>
        %shift_left3A_452 = arith.shli %get3A_449, %shift_left3A_451 : vector<16xi32>
        %bitcast3A_453 = vector.bitcast %shift_left3A_452 : vector<16xi32> to vector<16xf32>
        %and3A_454 = arith.constant -65536 : i32
        %and3A_455 = vector.broadcast %and3A_454 : i32 to vector<16xi32>
        %and3A_456 = arith.andi %get3A_449, %and3A_455 : vector<16xi32>
        %bitcast3A_457 = vector.bitcast %and3A_456 : vector<16xi32> to vector<16xf32>
        %mul3A_458 = arith.mulf %bitcast3A, %bitcast3A_453 : vector<16xf32>
        %add3A_459 = arith.addf %broadcast_in_dim3A_3, %mul3A_458 : vector<16xf32>
        %mul3A_460 = arith.mulf %bitcast3A_442, %bitcast3A_457 : vector<16xf32>
        %add3A_461 = arith.addf %add3A_459, %mul3A_460 : vector<16xf32>
        %get3A_462 = arith.constant 0 : i32
        %get3A_463 = arith.constant 0 : i32
        %get3A_464 = tpu.memref_slice %arg14[%scan3A_294, %get3A_462, %get3A_463] : memref<2x320x32xi32, #tpu.memory_space<vmem>> -> memref<1x320x32xi32, #tpu.memory_space<vmem>>
        %get3A_465 = tpu.memref_squeeze %get3A_464 : memref<1x320x32xi32, #tpu.memory_space<vmem>> -> memref<320x32xi32, #tpu.memory_space<vmem>>
        %get3A_466 = arith.index_cast %mul3A_431 : i32 to index
        %get3A_467 = arith.constant 0 : index
        %get3A_468 = tpu.vector_load %get3A_465[%get3A_466, %get3A_467] {strides = array<i32>} : memref<320x32xi32, #tpu.memory_space<vmem>>, vector<16xi32>,
        %shift_left3A_469 = arith.constant 16 : i32
        %shift_left3A_470 = vector.broadcast %shift_left3A_469 : i32 to vector<16xi32>
        %shift_left3A_471 = arith.shli %get3A_468, %shift_left3A_470 : vector<16xi32>
        %bitcast3A_472 = vector.bitcast %shift_left3A_471 : vector<16xi32> to vector<16xf32>
        %and3A_473 = arith.constant -65536 : i32
        %and3A_474 = vector.broadcast %and3A_473 : i32 to vector<16xi32>
        %and3A_475 = arith.andi %get3A_468, %and3A_474 : vector<16xi32>
        %bitcast3A_476 = vector.bitcast %and3A_475 : vector<16xi32> to vector<16xf32>
        %add3A_477 = arith.constant 1 : i32
        %add3A_478 = arith.addi %mul3A_431, %add3A_477 : i32
        %get3A_479 = arith.constant 0 : i32
        %get3A_480 = arith.constant 0 : i32
        %get3A_481 = tpu.memref_slice %arg14[%scan3A_294, %get3A_479, %get3A_480] : memref<2x320x32xi32, #tpu.memory_space<vmem>> -> memref<1x320x32xi32, #tpu.memory_space<vmem>>
        %get3A_482 = tpu.memref_squeeze %get3A_481 : memref<1x320x32xi32, #tpu.memory_space<vmem>> -> memref<320x32xi32, #tpu.memory_space<vmem>>
        %get3A_483 = arith.index_cast %add3A_478 : i32 to index
        %get3A_484 = arith.constant 0 : index
        %get3A_485 = tpu.vector_load %get3A_482[%get3A_483, %get3A_484] {strides = array<i32>} : memref<320x32xi32, #tpu.memory_space<vmem>>, vector<16xi32>,
        %shift_left3A_486 = arith.constant 16 : i32
        %shift_left3A_487 = vector.broadcast %shift_left3A_486 : i32 to vector<16xi32>
        %shift_left3A_488 = arith.shli %get3A_485, %shift_left3A_487 : vector<16xi32>
        %bitcast3A_489 = vector.bitcast %shift_left3A_488 : vector<16xi32> to vector<16xf32>
        %and3A_490 = arith.constant -65536 : i32
        %and3A_491 = vector.broadcast %and3A_490 : i32 to vector<16xi32>
        %and3A_492 = arith.andi %get3A_485, %and3A_491 : vector<16xi32>
        %bitcast3A_493 = vector.bitcast %and3A_492 : vector<16xi32> to vector<16xf32>
        %add3A_494 = arith.addf %bitcast3A_472, %bitcast3A_489 : vector<16xf32>
        %add3A_495 = arith.addf %bitcast3A_476, %bitcast3A_493 : vector<16xf32>
        %add3A_496 = arith.constant 2 : i32
        %add3A_497 = arith.addi %mul3A_431, %add3A_496 : i32
        %get3A_498 = arith.constant 0 : i32
        %get3A_499 = arith.constant 0 : i32
        %get3A_500 = tpu.memref_slice %arg14[%scan3A_294, %get3A_498, %get3A_499] : memref<2x320x32xi32, #tpu.memory_space<vmem>> -> memref<1x320x32xi32, #tpu.memory_space<vmem>>
        %get3A_501 = tpu.memref_squeeze %get3A_500 : memref<1x320x32xi32, #tpu.memory_space<vmem>> -> memref<320x32xi32, #tpu.memory_space<vmem>>
        %get3A_502 = arith.index_cast %add3A_497 : i32 to index
        %get3A_503 = arith.constant 0 : index
        %get3A_504 = tpu.vector_load %get3A_501[%get3A_502, %get3A_503] {strides = array<i32>} : memref<320x32xi32, #tpu.memory_space<vmem>>, vector<16xi32>,
        %shift_left3A_505 = arith.constant 16 : i32
        %shift_left3A_506 = vector.broadcast %shift_left3A_505 : i32 to vector<16xi32>
        %shift_left3A_507 = arith.shli %get3A_504, %shift_left3A_506 : vector<16xi32>
        %bitcast3A_508 = vector.bitcast %shift_left3A_507 : vector<16xi32> to vector<16xf32>
        %and3A_509 = arith.constant -65536 : i32
        %and3A_510 = vector.broadcast %and3A_509 : i32 to vector<16xi32>
        %and3A_511 = arith.andi %get3A_504, %and3A_510 : vector<16xi32>
        %bitcast3A_512 = vector.bitcast %and3A_511 : vector<16xi32> to vector<16xf32>
        %add3A_513 = arith.addf %add3A_494, %bitcast3A_508 : vector<16xf32>
        %add3A_514 = arith.addf %add3A_495, %bitcast3A_512 : vector<16xf32>
        %add3A_515 = arith.constant 3 : i32
        %add3A_516 = arith.addi %mul3A_431, %add3A_515 : i32
        %get3A_517 = arith.constant 0 : i32
        %get3A_518 = arith.constant 0 : i32
        %get3A_519 = tpu.memref_slice %arg14[%scan3A_294, %get3A_517, %get3A_518] : memref<2x320x32xi32, #tpu.memory_space<vmem>> -> memref<1x320x32xi32, #tpu.memory_space<vmem>>
        %get3A_520 = tpu.memref_squeeze %get3A_519 : memref<1x320x32xi32, #tpu.memory_space<vmem>> -> memref<320x32xi32, #tpu.memory_space<vmem>>
        %get3A_521 = arith.index_cast %add3A_516 : i32 to index
        %get3A_522 = arith.constant 0 : index
        %get3A_523 = tpu.vector_load %get3A_520[%get3A_521, %get3A_522] {strides = array<i32>} : memref<320x32xi32, #tpu.memory_space<vmem>>, vector<16xi32>,
        %shift_left3A_524 = arith.constant 16 : i32
        %shift_left3A_525 = vector.broadcast %shift_left3A_524 : i32 to vector<16xi32>
        %shift_left3A_526 = arith.shli %get3A_523, %shift_left3A_525 : vector<16xi32>
        %bitcast3A_527 = vector.bitcast %shift_left3A_526 : vector<16xi32> to vector<16xf32>
        %and3A_528 = arith.constant -65536 : i32
        %and3A_529 = vector.broadcast %and3A_528 : i32 to vector<16xi32>
        %and3A_530 = arith.andi %get3A_523, %and3A_529 : vector<16xi32>
        %bitcast3A_531 = vector.bitcast %and3A_530 : vector<16xi32> to vector<16xf32>
        %add3A_532 = arith.addf %add3A_513, %bitcast3A_527 : vector<16xf32>
        %add3A_533 = arith.addf %add3A_514, %bitcast3A_531 : vector<16xf32>
        %add3A_534 = arith.constant 4 : i32
        %add3A_535 = arith.addi %mul3A_431, %add3A_534 : i32
        %get3A_536 = arith.constant 0 : i32
        %get3A_537 = arith.constant 0 : i32
        %get3A_538 = tpu.memref_slice %arg14[%scan3A_294, %get3A_536, %get3A_537] : memref<2x320x32xi32, #tpu.memory_space<vmem>> -> memref<1x320x32xi32, #tpu.memory_space<vmem>>
        %get3A_539 = tpu.memref_squeeze %get3A_538 : memref<1x320x32xi32, #tpu.memory_space<vmem>> -> memref<320x32xi32, #tpu.memory_space<vmem>>
        %get3A_540 = arith.index_cast %add3A_535 : i32 to index
        %get3A_541 = arith.constant 0 : index
        %get3A_542 = tpu.vector_load %get3A_539[%get3A_540, %get3A_541] {strides = array<i32>} : memref<320x32xi32, #tpu.memory_space<vmem>>, vector<16xi32>,
        %shift_left3A_543 = arith.constant 16 : i32
        %shift_left3A_544 = vector.broadcast %shift_left3A_543 : i32 to vector<16xi32>
        %shift_left3A_545 = arith.shli %get3A_542, %shift_left3A_544 : vector<16xi32>
        %bitcast3A_546 = vector.bitcast %shift_left3A_545 : vector<16xi32> to vector<16xf32>
        %and3A_547 = arith.constant -65536 : i32
        %and3A_548 = vector.broadcast %and3A_547 : i32 to vector<16xi32>
        %and3A_549 = arith.andi %get3A_542, %and3A_548 : vector<16xi32>
        %bitcast3A_550 = vector.bitcast %and3A_549 : vector<16xi32> to vector<16xf32>
        %add3A_551 = arith.addf %add3A_532, %bitcast3A_546 : vector<16xf32>
        %add3A_552 = arith.addf %add3A_533, %bitcast3A_550 : vector<16xf32>
        %add3A_553 = arith.constant 5 : i32
        %add3A_554 = arith.addi %mul3A_431, %add3A_553 : i32
        %get3A_555 = arith.constant 0 : i32
        %get3A_556 = arith.constant 0 : i32
        %get3A_557 = tpu.memref_slice %arg14[%scan3A_294, %get3A_555, %get3A_556] : memref<2x320x32xi32, #tpu.memory_space<vmem>> -> memref<1x320x32xi32, #tpu.memory_space<vmem>>
        %get3A_558 = tpu.memref_squeeze %get3A_557 : memref<1x320x32xi32, #tpu.memory_space<vmem>> -> memref<320x32xi32, #tpu.memory_space<vmem>>
        %get3A_559 = arith.index_cast %add3A_554 : i32 to index
        %get3A_560 = arith.constant 0 : index
        %get3A_561 = tpu.vector_load %get3A_558[%get3A_559, %get3A_560] {strides = array<i32>} : memref<320x32xi32, #tpu.memory_space<vmem>>, vector<16xi32>,
        %shift_left3A_562 = arith.constant 16 : i32
        %shift_left3A_563 = vector.broadcast %shift_left3A_562 : i32 to vector<16xi32>
        %shift_left3A_564 = arith.shli %get3A_561, %shift_left3A_563 : vector<16xi32>
        %bitcast3A_565 = vector.bitcast %shift_left3A_564 : vector<16xi32> to vector<16xf32>
        %and3A_566 = arith.constant -65536 : i32
        %and3A_567 = vector.broadcast %and3A_566 : i32 to vector<16xi32>
        %and3A_568 = arith.andi %get3A_561, %and3A_567 : vector<16xi32>
        %bitcast3A_569 = vector.bitcast %and3A_568 : vector<16xi32> to vector<16xf32>
        %add3A_570 = arith.addf %add3A_551, %bitcast3A_565 : vector<16xf32>
        %add3A_571 = arith.addf %add3A_552, %bitcast3A_569 : vector<16xf32>
        %add3A_572 = arith.constant 6 : i32
        %add3A_573 = arith.addi %mul3A_431, %add3A_572 : i32
        %get3A_574 = arith.constant 0 : i32
        %get3A_575 = arith.constant 0 : i32
        %get3A_576 = tpu.memref_slice %arg14[%scan3A_294, %get3A_574, %get3A_575] : memref<2x320x32xi32, #tpu.memory_space<vmem>> -> memref<1x320x32xi32, #tpu.memory_space<vmem>>
        %get3A_577 = tpu.memref_squeeze %get3A_576 : memref<1x320x32xi32, #tpu.memory_space<vmem>> -> memref<320x32xi32, #tpu.memory_space<vmem>>
        %get3A_578 = arith.index_cast %add3A_573 : i32 to index
        %get3A_579 = arith.constant 0 : index
        %get3A_580 = tpu.vector_load %get3A_577[%get3A_578, %get3A_579] {strides = array<i32>} : memref<320x32xi32, #tpu.memory_space<vmem>>, vector<16xi32>,
        %shift_left3A_581 = arith.constant 16 : i32
        %shift_left3A_582 = vector.broadcast %shift_left3A_581 : i32 to vector<16xi32>
        %shift_left3A_583 = arith.shli %get3A_580, %shift_left3A_582 : vector<16xi32>
        %bitcast3A_584 = vector.bitcast %shift_left3A_583 : vector<16xi32> to vector<16xf32>
        %and3A_585 = arith.constant -65536 : i32
        %and3A_586 = vector.broadcast %and3A_585 : i32 to vector<16xi32>
        %and3A_587 = arith.andi %get3A_580, %and3A_586 : vector<16xi32>
        %bitcast3A_588 = vector.bitcast %and3A_587 : vector<16xi32> to vector<16xf32>
        %add3A_589 = arith.addf %add3A_570, %bitcast3A_584 : vector<16xf32>
        %add3A_590 = arith.addf %add3A_571, %bitcast3A_588 : vector<16xf32>
        %add3A_591 = arith.constant 7 : i32
        %add3A_592 = arith.addi %mul3A_431, %add3A_591 : i32
        %get3A_593 = arith.constant 0 : i32
        %get3A_594 = arith.constant 0 : i32
        %get3A_595 = tpu.memref_slice %arg14[%scan3A_294, %get3A_593, %get3A_594] : memref<2x320x32xi32, #tpu.memory_space<vmem>> -> memref<1x320x32xi32, #tpu.memory_space<vmem>>
        %get3A_596 = tpu.memref_squeeze %get3A_595 : memref<1x320x32xi32, #tpu.memory_space<vmem>> -> memref<320x32xi32, #tpu.memory_space<vmem>>
        %get3A_597 = arith.index_cast %add3A_592 : i32 to index
        %get3A_598 = arith.constant 0 : index
        %get3A_599 = tpu.vector_load %get3A_596[%get3A_597, %get3A_598] {strides = array<i32>} : memref<320x32xi32, #tpu.memory_space<vmem>>, vector<16xi32>,
        %shift_left3A_600 = arith.constant 16 : i32
        %shift_left3A_601 = vector.broadcast %shift_left3A_600 : i32 to vector<16xi32>
        %shift_left3A_602 = arith.shli %get3A_599, %shift_left3A_601 : vector<16xi32>
        %bitcast3A_603 = vector.bitcast %shift_left3A_602 : vector<16xi32> to vector<16xf32>
        %and3A_604 = arith.constant -65536 : i32
        %and3A_605 = vector.broadcast %and3A_604 : i32 to vector<16xi32>
        %and3A_606 = arith.andi %get3A_599, %and3A_605 : vector<16xi32>
        %bitcast3A_607 = vector.bitcast %and3A_606 : vector<16xi32> to vector<16xf32>
        %add3A_608 = arith.addf %add3A_589, %bitcast3A_603 : vector<16xf32>
        %add3A_609 = arith.addf %add3A_590, %bitcast3A_607 : vector<16xf32>
        %add3A_610 = arith.constant 8 : i32
        %add3A_611 = arith.addi %mul3A_431, %add3A_610 : i32
        %get3A_612 = arith.constant 0 : i32
        %get3A_613 = arith.constant 0 : i32
        %get3A_614 = tpu.memref_slice %arg14[%scan3A_294, %get3A_612, %get3A_613] : memref<2x320x32xi32, #tpu.memory_space<vmem>> -> memref<1x320x32xi32, #tpu.memory_space<vmem>>
        %get3A_615 = tpu.memref_squeeze %get3A_614 : memref<1x320x32xi32, #tpu.memory_space<vmem>> -> memref<320x32xi32, #tpu.memory_space<vmem>>
        %get3A_616 = arith.index_cast %add3A_611 : i32 to index
        %get3A_617 = arith.constant 0 : index
        %get3A_618 = tpu.vector_load %get3A_615[%get3A_616, %get3A_617] {strides = array<i32>} : memref<320x32xi32, #tpu.memory_space<vmem>>, vector<16xi32>,
        %shift_left3A_619 = arith.constant 16 : i32
        %shift_left3A_620 = vector.broadcast %shift_left3A_619 : i32 to vector<16xi32>
        %shift_left3A_621 = arith.shli %get3A_618, %shift_left3A_620 : vector<16xi32>
        %bitcast3A_622 = vector.bitcast %shift_left3A_621 : vector<16xi32> to vector<16xf32>
        %and3A_623 = arith.constant -65536 : i32
        %and3A_624 = vector.broadcast %and3A_623 : i32 to vector<16xi32>
        %and3A_625 = arith.andi %get3A_618, %and3A_624 : vector<16xi32>
        %bitcast3A_626 = vector.bitcast %and3A_625 : vector<16xi32> to vector<16xf32>
        %add3A_627 = arith.addf %add3A_608, %bitcast3A_622 : vector<16xf32>
        %add3A_628 = arith.addf %add3A_609, %bitcast3A_626 : vector<16xf32>
        %add3A_629 = arith.constant 9 : i32
        %add3A_630 = arith.addi %mul3A_431, %add3A_629 : i32
        %get3A_631 = arith.constant 0 : i32
        %get3A_632 = arith.constant 0 : i32
        %get3A_633 = tpu.memref_slice %arg14[%scan3A_294, %get3A_631, %get3A_632] : memref<2x320x32xi32, #tpu.memory_space<vmem>> -> memref<1x320x32xi32, #tpu.memory_space<vmem>>
        %get3A_634 = tpu.memref_squeeze %get3A_633 : memref<1x320x32xi32, #tpu.memory_space<vmem>> -> memref<320x32xi32, #tpu.memory_space<vmem>>
        %get3A_635 = arith.index_cast %add3A_630 : i32 to index
        %get3A_636 = arith.constant 0 : index
        %get3A_637 = tpu.vector_load %get3A_634[%get3A_635, %get3A_636] {strides = array<i32>} : memref<320x32xi32, #tpu.memory_space<vmem>>, vector<16xi32>,
        %shift_left3A_638 = arith.constant 16 : i32
        %shift_left3A_639 = vector.broadcast %shift_left3A_638 : i32 to vector<16xi32>
        %shift_left3A_640 = arith.shli %get3A_637, %shift_left3A_639 : vector<16xi32>
        %bitcast3A_641 = vector.bitcast %shift_left3A_640 : vector<16xi32> to vector<16xf32>
        %and3A_642 = arith.constant -65536 : i32
        %and3A_643 = vector.broadcast %and3A_642 : i32 to vector<16xi32>
        %and3A_644 = arith.andi %get3A_637, %and3A_643 : vector<16xi32>
        %bitcast3A_645 = vector.bitcast %and3A_644 : vector<16xi32> to vector<16xf32>
        %add3A_646 = arith.addf %add3A_627, %bitcast3A_641 : vector<16xf32>
        %add3A_647 = arith.addf %add3A_628, %bitcast3A_645 : vector<16xf32>
        %add3A_648 = arith.constant 10 : i32
        %add3A_649 = arith.addi %mul3A_431, %add3A_648 : i32
        %get3A_650 = arith.constant 0 : i32
        %get3A_651 = arith.constant 0 : i32
        %get3A_652 = tpu.memref_slice %arg14[%scan3A_294, %get3A_650, %get3A_651] : memref<2x320x32xi32, #tpu.memory_space<vmem>> -> memref<1x320x32xi32, #tpu.memory_space<vmem>>
        %get3A_653 = tpu.memref_squeeze %get3A_652 : memref<1x320x32xi32, #tpu.memory_space<vmem>> -> memref<320x32xi32, #tpu.memory_space<vmem>>
        %get3A_654 = arith.index_cast %add3A_649 : i32 to index
        %get3A_655 = arith.constant 0 : index
        %get3A_656 = tpu.vector_load %get3A_653[%get3A_654, %get3A_655] {strides = array<i32>} : memref<320x32xi32, #tpu.memory_space<vmem>>, vector<16xi32>,
        %shift_left3A_657 = arith.constant 16 : i32
        %shift_left3A_658 = vector.broadcast %shift_left3A_657 : i32 to vector<16xi32>
        %shift_left3A_659 = arith.shli %get3A_656, %shift_left3A_658 : vector<16xi32>
        %bitcast3A_660 = vector.bitcast %shift_left3A_659 : vector<16xi32> to vector<16xf32>
        %and3A_661 = arith.constant -65536 : i32
        %and3A_662 = vector.broadcast %and3A_661 : i32 to vector<16xi32>
        %and3A_663 = arith.andi %get3A_656, %and3A_662 : vector<16xi32>
        %bitcast3A_664 = vector.bitcast %and3A_663 : vector<16xi32> to vector<16xf32>
        %add3A_665 = arith.addf %add3A_646, %bitcast3A_660 : vector<16xf32>
        %add3A_666 = arith.addf %add3A_647, %bitcast3A_664 : vector<16xf32>
        %add3A_667 = arith.constant 11 : i32
        %add3A_668 = arith.addi %mul3A_431, %add3A_667 : i32
        %get3A_669 = arith.constant 0 : i32
        %get3A_670 = arith.constant 0 : i32
        %get3A_671 = tpu.memref_slice %arg14[%scan3A_294, %get3A_669, %get3A_670] : memref<2x320x32xi32, #tpu.memory_space<vmem>> -> memref<1x320x32xi32, #tpu.memory_space<vmem>>
        %get3A_672 = tpu.memref_squeeze %get3A_671 : memref<1x320x32xi32, #tpu.memory_space<vmem>> -> memref<320x32xi32, #tpu.memory_space<vmem>>
        %get3A_673 = arith.index_cast %add3A_668 : i32 to index
        %get3A_674 = arith.constant 0 : index
        %get3A_675 = tpu.vector_load %get3A_672[%get3A_673, %get3A_674] {strides = array<i32>} : memref<320x32xi32, #tpu.memory_space<vmem>>, vector<16xi32>,
        %shift_left3A_676 = arith.constant 16 : i32
        %shift_left3A_677 = vector.broadcast %shift_left3A_676 : i32 to vector<16xi32>
        %shift_left3A_678 = arith.shli %get3A_675, %shift_left3A_677 : vector<16xi32>
        %bitcast3A_679 = vector.bitcast %shift_left3A_678 : vector<16xi32> to vector<16xf32>
        %and3A_680 = arith.constant -65536 : i32
        %and3A_681 = vector.broadcast %and3A_680 : i32 to vector<16xi32>
        %and3A_682 = arith.andi %get3A_675, %and3A_681 : vector<16xi32>
        %bitcast3A_683 = vector.bitcast %and3A_682 : vector<16xi32> to vector<16xf32>
        %add3A_684 = arith.addf %add3A_665, %bitcast3A_679 : vector<16xf32>
        %add3A_685 = arith.addf %add3A_666, %bitcast3A_683 : vector<16xf32>
        %add3A_686 = arith.constant 12 : i32
        %add3A_687 = arith.addi %mul3A_431, %add3A_686 : i32
        %get3A_688 = arith.constant 0 : i32
        %get3A_689 = arith.constant 0 : i32
        %get3A_690 = tpu.memref_slice %arg14[%scan3A_294, %get3A_688, %get3A_689] : memref<2x320x32xi32, #tpu.memory_space<vmem>> -> memref<1x320x32xi32, #tpu.memory_space<vmem>>
        %get3A_691 = tpu.memref_squeeze %get3A_690 : memref<1x320x32xi32, #tpu.memory_space<vmem>> -> memref<320x32xi32, #tpu.memory_space<vmem>>
        %get3A_692 = arith.index_cast %add3A_687 : i32 to index
        %get3A_693 = arith.constant 0 : index
        %get3A_694 = tpu.vector_load %get3A_691[%get3A_692, %get3A_693] {strides = array<i32>} : memref<320x32xi32, #tpu.memory_space<vmem>>, vector<16xi32>,
        %shift_left3A_695 = arith.constant 16 : i32
        %shift_left3A_696 = vector.broadcast %shift_left3A_695 : i32 to vector<16xi32>
        %shift_left3A_697 = arith.shli %get3A_694, %shift_left3A_696 : vector<16xi32>
        %bitcast3A_698 = vector.bitcast %shift_left3A_697 : vector<16xi32> to vector<16xf32>
        %and3A_699 = arith.constant -65536 : i32
        %and3A_700 = vector.broadcast %and3A_699 : i32 to vector<16xi32>
        %and3A_701 = arith.andi %get3A_694, %and3A_700 : vector<16xi32>
        %bitcast3A_702 = vector.bitcast %and3A_701 : vector<16xi32> to vector<16xf32>
        %add3A_703 = arith.addf %add3A_684, %bitcast3A_698 : vector<16xf32>
        %add3A_704 = arith.addf %add3A_685, %bitcast3A_702 : vector<16xf32>
        %add3A_705 = arith.constant 13 : i32
        %add3A_706 = arith.addi %mul3A_431, %add3A_705 : i32
        %get3A_707 = arith.constant 0 : i32
        %get3A_708 = arith.constant 0 : i32
        %get3A_709 = tpu.memref_slice %arg14[%scan3A_294, %get3A_707, %get3A_708] : memref<2x320x32xi32, #tpu.memory_space<vmem>> -> memref<1x320x32xi32, #tpu.memory_space<vmem>>
        %get3A_710 = tpu.memref_squeeze %get3A_709 : memref<1x320x32xi32, #tpu.memory_space<vmem>> -> memref<320x32xi32, #tpu.memory_space<vmem>>
        %get3A_711 = arith.index_cast %add3A_706 : i32 to index
        %get3A_712 = arith.constant 0 : index
        %get3A_713 = tpu.vector_load %get3A_710[%get3A_711, %get3A_712] {strides = array<i32>} : memref<320x32xi32, #tpu.memory_space<vmem>>, vector<16xi32>,
        %shift_left3A_714 = arith.constant 16 : i32
        %shift_left3A_715 = vector.broadcast %shift_left3A_714 : i32 to vector<16xi32>
        %shift_left3A_716 = arith.shli %get3A_713, %shift_left3A_715 : vector<16xi32>
        %bitcast3A_717 = vector.bitcast %shift_left3A_716 : vector<16xi32> to vector<16xf32>
        %and3A_718 = arith.constant -65536 : i32
        %and3A_719 = vector.broadcast %and3A_718 : i32 to vector<16xi32>
        %and3A_720 = arith.andi %get3A_713, %and3A_719 : vector<16xi32>
        %bitcast3A_721 = vector.bitcast %and3A_720 : vector<16xi32> to vector<16xf32>
        %add3A_722 = arith.addf %add3A_703, %bitcast3A_717 : vector<16xf32>
        %add3A_723 = arith.addf %add3A_704, %bitcast3A_721 : vector<16xf32>
        %add3A_724 = arith.constant 14 : i32
        %add3A_725 = arith.addi %mul3A_431, %add3A_724 : i32
        %get3A_726 = arith.constant 0 : i32
        %get3A_727 = arith.constant 0 : i32
        %get3A_728 = tpu.memref_slice %arg14[%scan3A_294, %get3A_726, %get3A_727] : memref<2x320x32xi32, #tpu.memory_space<vmem>> -> memref<1x320x32xi32, #tpu.memory_space<vmem>>
        %get3A_729 = tpu.memref_squeeze %get3A_728 : memref<1x320x32xi32, #tpu.memory_space<vmem>> -> memref<320x32xi32, #tpu.memory_space<vmem>>
        %get3A_730 = arith.index_cast %add3A_725 : i32 to index
        %get3A_731 = arith.constant 0 : index
        %get3A_732 = tpu.vector_load %get3A_729[%get3A_730, %get3A_731] {strides = array<i32>} : memref<320x32xi32, #tpu.memory_space<vmem>>, vector<16xi32>,
        %shift_left3A_733 = arith.constant 16 : i32
        %shift_left3A_734 = vector.broadcast %shift_left3A_733 : i32 to vector<16xi32>
        %shift_left3A_735 = arith.shli %get3A_732, %shift_left3A_734 : vector<16xi32>
        %bitcast3A_736 = vector.bitcast %shift_left3A_735 : vector<16xi32> to vector<16xf32>
        %and3A_737 = arith.constant -65536 : i32
        %and3A_738 = vector.broadcast %and3A_737 : i32 to vector<16xi32>
        %and3A_739 = arith.andi %get3A_732, %and3A_738 : vector<16xi32>
        %bitcast3A_740 = vector.bitcast %and3A_739 : vector<16xi32> to vector<16xf32>
        %add3A_741 = arith.addf %add3A_722, %bitcast3A_736 : vector<16xf32>
        %add3A_742 = arith.addf %add3A_723, %bitcast3A_740 : vector<16xf32>
        %add3A_743 = arith.constant 15 : i32
        %add3A_744 = arith.addi %mul3A_431, %add3A_743 : i32
        %get3A_745 = arith.constant 0 : i32
        %get3A_746 = arith.constant 0 : i32
        %get3A_747 = tpu.memref_slice %arg14[%scan3A_294, %get3A_745, %get3A_746] : memref<2x320x32xi32, #tpu.memory_space<vmem>> -> memref<1x320x32xi32, #tpu.memory_space<vmem>>
        %get3A_748 = tpu.memref_squeeze %get3A_747 : memref<1x320x32xi32, #tpu.memory_space<vmem>> -> memref<320x32xi32, #tpu.memory_space<vmem>>
        %get3A_749 = arith.index_cast %add3A_744 : i32 to index
        %get3A_750 = arith.constant 0 : index
        %get3A_751 = tpu.vector_load %get3A_748[%get3A_749, %get3A_750] {strides = array<i32>} : memref<320x32xi32, #tpu.memory_space<vmem>>, vector<16xi32>,
        %shift_left3A_752 = arith.constant 16 : i32
        %shift_left3A_753 = vector.broadcast %shift_left3A_752 : i32 to vector<16xi32>
        %shift_left3A_754 = arith.shli %get3A_751, %shift_left3A_753 : vector<16xi32>
        %bitcast3A_755 = vector.bitcast %shift_left3A_754 : vector<16xi32> to vector<16xf32>
        %and3A_756 = arith.constant -65536 : i32
        %and3A_757 = vector.broadcast %and3A_756 : i32 to vector<16xi32>
        %and3A_758 = arith.andi %get3A_751, %and3A_757 : vector<16xi32>
        %bitcast3A_759 = vector.bitcast %and3A_758 : vector<16xi32> to vector<16xf32>
        %add3A_760 = arith.addf %add3A_741, %bitcast3A_755 : vector<16xf32>
        %add3A_761 = arith.addf %add3A_742, %bitcast3A_759 : vector<16xf32>
        %add3A_762 = arith.constant 16 : i32
        %add3A_763 = arith.addi %mul3A_431, %add3A_762 : i32
        %get3A_764 = arith.constant 0 : i32
        %get3A_765 = arith.constant 0 : i32
        %get3A_766 = tpu.memref_slice %arg14[%scan3A_294, %get3A_764, %get3A_765] : memref<2x320x32xi32, #tpu.memory_space<vmem>> -> memref<1x320x32xi32, #tpu.memory_space<vmem>>
        %get3A_767 = tpu.memref_squeeze %get3A_766 : memref<1x320x32xi32, #tpu.memory_space<vmem>> -> memref<320x32xi32, #tpu.memory_space<vmem>>
        %get3A_768 = arith.index_cast %add3A_763 : i32 to index
        %get3A_769 = arith.constant 0 : index
        %get3A_770 = tpu.vector_load %get3A_767[%get3A_768, %get3A_769] {strides = array<i32>} : memref<320x32xi32, #tpu.memory_space<vmem>>, vector<16xi32>,
        %shift_left3A_771 = arith.constant 16 : i32
        %shift_left3A_772 = vector.broadcast %shift_left3A_771 : i32 to vector<16xi32>
        %shift_left3A_773 = arith.shli %get3A_770, %shift_left3A_772 : vector<16xi32>
        %bitcast3A_774 = vector.bitcast %shift_left3A_773 : vector<16xi32> to vector<16xf32>
        %and3A_775 = arith.constant -65536 : i32
        %and3A_776 = vector.broadcast %and3A_775 : i32 to vector<16xi32>
        %and3A_777 = arith.andi %get3A_770, %and3A_776 : vector<16xi32>
        %bitcast3A_778 = vector.bitcast %and3A_777 : vector<16xi32> to vector<16xf32>
        %add3A_779 = arith.addf %add3A_760, %bitcast3A_774 : vector<16xf32>
        %add3A_780 = arith.addf %add3A_761, %bitcast3A_778 : vector<16xf32>
        %add3A_781 = arith.constant 17 : i32
        %add3A_782 = arith.addi %mul3A_431, %add3A_781 : i32
        %get3A_783 = arith.constant 0 : i32
        %get3A_784 = arith.constant 0 : i32
        %get3A_785 = tpu.memref_slice %arg14[%scan3A_294, %get3A_783, %get3A_784] : memref<2x320x32xi32, #tpu.memory_space<vmem>> -> memref<1x320x32xi32, #tpu.memory_space<vmem>>
        %get3A_786 = tpu.memref_squeeze %get3A_785 : memref<1x320x32xi32, #tpu.memory_space<vmem>> -> memref<320x32xi32, #tpu.memory_space<vmem>>
        %get3A_787 = arith.index_cast %add3A_782 : i32 to index
        %get3A_788 = arith.constant 0 : index
        %get3A_789 = tpu.vector_load %get3A_786[%get3A_787, %get3A_788] {strides = array<i32>} : memref<320x32xi32, #tpu.memory_space<vmem>>, vector<16xi32>,
        %shift_left3A_790 = arith.constant 16 : i32
        %shift_left3A_791 = vector.broadcast %shift_left3A_790 : i32 to vector<16xi32>
        %shift_left3A_792 = arith.shli %get3A_789, %shift_left3A_791 : vector<16xi32>
        %bitcast3A_793 = vector.bitcast %shift_left3A_792 : vector<16xi32> to vector<16xf32>
        %and3A_794 = arith.constant -65536 : i32
        %and3A_795 = vector.broadcast %and3A_794 : i32 to vector<16xi32>
        %and3A_796 = arith.andi %get3A_789, %and3A_795 : vector<16xi32>
        %bitcast3A_797 = vector.bitcast %and3A_796 : vector<16xi32> to vector<16xf32>
        %add3A_798 = arith.addf %add3A_779, %bitcast3A_793 : vector<16xf32>
        %add3A_799 = arith.addf %add3A_780, %bitcast3A_797 : vector<16xf32>
        %add3A_800 = arith.constant 18 : i32
        %add3A_801 = arith.addi %mul3A_431, %add3A_800 : i32
        %get3A_802 = arith.constant 0 : i32
        %get3A_803 = arith.constant 0 : i32
        %get3A_804 = tpu.memref_slice %arg14[%scan3A_294, %get3A_802, %get3A_803] : memref<2x320x32xi32, #tpu.memory_space<vmem>> -> memref<1x320x32xi32, #tpu.memory_space<vmem>>
        %get3A_805 = tpu.memref_squeeze %get3A_804 : memref<1x320x32xi32, #tpu.memory_space<vmem>> -> memref<320x32xi32, #tpu.memory_space<vmem>>
        %get3A_806 = arith.index_cast %add3A_801 : i32 to index
        %get3A_807 = arith.constant 0 : index
        %get3A_808 = tpu.vector_load %get3A_805[%get3A_806, %get3A_807] {strides = array<i32>} : memref<320x32xi32, #tpu.memory_space<vmem>>, vector<16xi32>,
        %shift_left3A_809 = arith.constant 16 : i32
        %shift_left3A_810 = vector.broadcast %shift_left3A_809 : i32 to vector<16xi32>
        %shift_left3A_811 = arith.shli %get3A_808, %shift_left3A_810 : vector<16xi32>
        %bitcast3A_812 = vector.bitcast %shift_left3A_811 : vector<16xi32> to vector<16xf32>
        %and3A_813 = arith.constant -65536 : i32
        %and3A_814 = vector.broadcast %and3A_813 : i32 to vector<16xi32>
        %and3A_815 = arith.andi %get3A_808, %and3A_814 : vector<16xi32>
        %bitcast3A_816 = vector.bitcast %and3A_815 : vector<16xi32> to vector<16xf32>
        %add3A_817 = arith.addf %add3A_798, %bitcast3A_812 : vector<16xf32>
        %add3A_818 = arith.addf %add3A_799, %bitcast3A_816 : vector<16xf32>
        %add3A_819 = arith.constant 19 : i32
        %add3A_820 = arith.addi %mul3A_431, %add3A_819 : i32
        %get3A_821 = arith.constant 0 : i32
        %get3A_822 = arith.constant 0 : i32
        %get3A_823 = tpu.memref_slice %arg14[%scan3A_294, %get3A_821, %get3A_822] : memref<2x320x32xi32, #tpu.memory_space<vmem>> -> memref<1x320x32xi32, #tpu.memory_space<vmem>>
        %get3A_824 = tpu.memref_squeeze %get3A_823 : memref<1x320x32xi32, #tpu.memory_space<vmem>> -> memref<320x32xi32, #tpu.memory_space<vmem>>
        %get3A_825 = arith.index_cast %add3A_820 : i32 to index
        %get3A_826 = arith.constant 0 : index
        %get3A_827 = tpu.vector_load %get3A_824[%get3A_825, %get3A_826] {strides = array<i32>} : memref<320x32xi32, #tpu.memory_space<vmem>>, vector<16xi32>,
        %shift_left3A_828 = arith.constant 16 : i32
        %shift_left3A_829 = vector.broadcast %shift_left3A_828 : i32 to vector<16xi32>
        %shift_left3A_830 = arith.shli %get3A_827, %shift_left3A_829 : vector<16xi32>
        %bitcast3A_831 = vector.bitcast %shift_left3A_830 : vector<16xi32> to vector<16xf32>
        %and3A_832 = arith.constant -65536 : i32
        %and3A_833 = vector.broadcast %and3A_832 : i32 to vector<16xi32>
        %and3A_834 = arith.andi %get3A_827, %and3A_833 : vector<16xi32>
        %bitcast3A_835 = vector.bitcast %and3A_834 : vector<16xi32> to vector<16xf32>
        %add3A_836 = arith.addf %add3A_817, %bitcast3A_831 : vector<16xf32>
        %add3A_837 = arith.addf %add3A_818, %bitcast3A_835 : vector<16xf32>
        %mul3A_838 = arith.mulf %add3A_836, %bitcast3A : vector<16xf32>
        %add3A_839 = arith.addf %broadcast_in_dim3A_3, %mul3A_838 : vector<16xf32>
        %mul3A_840 = arith.mulf %add3A_837, %bitcast3A_442 : vector<16xf32>
        %add3A_841 = arith.addf %add3A_839, %mul3A_840 : vector<16xf32>
        %get3A_842 = arith.constant 0 : i32
        %get3A_843 = arith.constant 0 : i32
        %get3A_844 = tpu.memref_slice %arg12[%scan3A_292, %get3A_842, %get3A_843] : memref<2x16x32xi32, #tpu.memory_space<vmem>> -> memref<1x16x32xi32, #tpu.memory_space<vmem>>
        %get3A_845 = tpu.memref_squeeze %get3A_844 : memref<1x16x32xi32, #tpu.memory_space<vmem>> -> memref<16x32xi32, #tpu.memory_space<vmem>>
        %get3A_846 = arith.index_cast %scan3A_427 : i32 to index
        %get3A_847 = arith.constant 16 : index
        %get3A_848 = tpu.vector_load %get3A_845[%get3A_846, %get3A_847] {strides = array<i32>} : memref<16x32xi32, #tpu.memory_space<vmem>>, vector<16xi32>,
        %shift_left3A_849 = arith.constant 16 : i32
        %shift_left3A_850 = vector.broadcast %shift_left3A_849 : i32 to vector<16xi32>
        %shift_left3A_851 = arith.shli %get3A_848, %shift_left3A_850 : vector<16xi32>
        %bitcast3A_852 = vector.bitcast %shift_left3A_851 : vector<16xi32> to vector<16xf32>
        %and3A_853 = arith.constant -65536 : i32
        %and3A_854 = vector.broadcast %and3A_853 : i32 to vector<16xi32>
        %and3A_855 = arith.andi %get3A_848, %and3A_854 : vector<16xi32>
        %bitcast3A_856 = vector.bitcast %and3A_855 : vector<16xi32> to vector<16xf32>
        %get3A_857 = arith.constant 0 : i32
        %get3A_858 = arith.constant 0 : i32
        %get3A_859 = tpu.memref_slice %arg13[%scan3A_293, %get3A_857, %get3A_858] : memref<2x16x32xi32, #tpu.memory_space<vmem>> -> memref<1x16x32xi32, #tpu.memory_space<vmem>>
        %get3A_860 = tpu.memref_squeeze %get3A_859 : memref<1x16x32xi32, #tpu.memory_space<vmem>> -> memref<16x32xi32, #tpu.memory_space<vmem>>
        %get3A_861 = arith.index_cast %scan3A_427 : i32 to index
        %get3A_862 = arith.constant 16 : index
        %get3A_863 = tpu.vector_load %get3A_860[%get3A_861, %get3A_862] {strides = array<i32>} : memref<16x32xi32, #tpu.memory_space<vmem>>, vector<16xi32>,
        %shift_left3A_864 = arith.constant 16 : i32
        %shift_left3A_865 = vector.broadcast %shift_left3A_864 : i32 to vector<16xi32>
        %shift_left3A_866 = arith.shli %get3A_863, %shift_left3A_865 : vector<16xi32>
        %bitcast3A_867 = vector.bitcast %shift_left3A_866 : vector<16xi32> to vector<16xf32>
        %and3A_868 = arith.constant -65536 : i32
        %and3A_869 = vector.broadcast %and3A_868 : i32 to vector<16xi32>
        %and3A_870 = arith.andi %get3A_863, %and3A_869 : vector<16xi32>
        %bitcast3A_871 = vector.bitcast %and3A_870 : vector<16xi32> to vector<16xf32>
        %mul3A_872 = arith.mulf %bitcast3A_852, %bitcast3A_867 : vector<16xf32>
        %add3A_873 = arith.addf %add3A_461, %mul3A_872 : vector<16xf32>
        %mul3A_874 = arith.mulf %bitcast3A_856, %bitcast3A_871 : vector<16xf32>
        %add3A_875 = arith.addf %add3A_873, %mul3A_874 : vector<16xf32>
        %get3A_876 = arith.constant 0 : i32
        %get3A_877 = arith.constant 0 : i32
        %get3A_878 = tpu.memref_slice %arg14[%scan3A_294, %get3A_876, %get3A_877] : memref<2x320x32xi32, #tpu.memory_space<vmem>> -> memref<1x320x32xi32, #tpu.memory_space<vmem>>
        %get3A_879 = tpu.memref_squeeze %get3A_878 : memref<1x320x32xi32, #tpu.memory_space<vmem>> -> memref<320x32xi32, #tpu.memory_space<vmem>>
        %get3A_880 = arith.index_cast %mul3A_431 : i32 to index
        %get3A_881 = arith.constant 16 : index
        %get3A_882 = tpu.vector_load %get3A_879[%get3A_880, %get3A_881] {strides = array<i32>} : memref<320x32xi32, #tpu.memory_space<vmem>>, vector<16xi32>,
        %shift_left3A_883 = arith.constant 16 : i32
        %shift_left3A_884 = vector.broadcast %shift_left3A_883 : i32 to vector<16xi32>
        %shift_left3A_885 = arith.shli %get3A_882, %shift_left3A_884 : vector<16xi32>
        %bitcast3A_886 = vector.bitcast %shift_left3A_885 : vector<16xi32> to vector<16xf32>
        %and3A_887 = arith.constant -65536 : i32
        %and3A_888 = vector.broadcast %and3A_887 : i32 to vector<16xi32>
        %and3A_889 = arith.andi %get3A_882, %and3A_888 : vector<16xi32>
        %bitcast3A_890 = vector.bitcast %and3A_889 : vector<16xi32> to vector<16xf32>
        %add3A_891 = arith.constant 1 : i32
        %add3A_892 = arith.addi %mul3A_431, %add3A_891 : i32
        %get3A_893 = arith.constant 0 : i32
        %get3A_894 = arith.constant 0 : i32
        %get3A_895 = tpu.memref_slice %arg14[%scan3A_294, %get3A_893, %get3A_894] : memref<2x320x32xi32, #tpu.memory_space<vmem>> -> memref<1x320x32xi32, #tpu.memory_space<vmem>>
        %get3A_896 = tpu.memref_squeeze %get3A_895 : memref<1x320x32xi32, #tpu.memory_space<vmem>> -> memref<320x32xi32, #tpu.memory_space<vmem>>
        %get3A_897 = arith.index_cast %add3A_892 : i32 to index
        %get3A_898 = arith.constant 16 : index
        %get3A_899 = tpu.vector_load %get3A_896[%get3A_897, %get3A_898] {strides = array<i32>} : memref<320x32xi32, #tpu.memory_space<vmem>>, vector<16xi32>,
        %shift_left3A_900 = arith.constant 16 : i32
        %shift_left3A_901 = vector.broadcast %shift_left3A_900 : i32 to vector<16xi32>
        %shift_left3A_902 = arith.shli %get3A_899, %shift_left3A_901 : vector<16xi32>
        %bitcast3A_903 = vector.bitcast %shift_left3A_902 : vector<16xi32> to vector<16xf32>
        %and3A_904 = arith.constant -65536 : i32
        %and3A_905 = vector.broadcast %and3A_904 : i32 to vector<16xi32>
        %and3A_906 = arith.andi %get3A_899, %and3A_905 : vector<16xi32>
        %bitcast3A_907 = vector.bitcast %and3A_906 : vector<16xi32> to vector<16xf32>
        %add3A_908 = arith.addf %bitcast3A_886, %bitcast3A_903 : vector<16xf32>
        %add3A_909 = arith.addf %bitcast3A_890, %bitcast3A_907 : vector<16xf32>
        %add3A_910 = arith.constant 2 : i32
        %add3A_911 = arith.addi %mul3A_431, %add3A_910 : i32
        %get3A_912 = arith.constant 0 : i32
        %get3A_913 = arith.constant 0 : i32
        %get3A_914 = tpu.memref_slice %arg14[%scan3A_294, %get3A_912, %get3A_913] : memref<2x320x32xi32, #tpu.memory_space<vmem>> -> memref<1x320x32xi32, #tpu.memory_space<vmem>>
        %get3A_915 = tpu.memref_squeeze %get3A_914 : memref<1x320x32xi32, #tpu.memory_space<vmem>> -> memref<320x32xi32, #tpu.memory_space<vmem>>
        %get3A_916 = arith.index_cast %add3A_911 : i32 to index
        %get3A_917 = arith.constant 16 : index
        %get3A_918 = tpu.vector_load %get3A_915[%get3A_916, %get3A_917] {strides = array<i32>} : memref<320x32xi32, #tpu.memory_space<vmem>>, vector<16xi32>,
        %shift_left3A_919 = arith.constant 16 : i32
        %shift_left3A_920 = vector.broadcast %shift_left3A_919 : i32 to vector<16xi32>
        %shift_left3A_921 = arith.shli %get3A_918, %shift_left3A_920 : vector<16xi32>
        %bitcast3A_922 = vector.bitcast %shift_left3A_921 : vector<16xi32> to vector<16xf32>
        %and3A_923 = arith.constant -65536 : i32
        %and3A_924 = vector.broadcast %and3A_923 : i32 to vector<16xi32>
        %and3A_925 = arith.andi %get3A_918, %and3A_924 : vector<16xi32>
        %bitcast3A_926 = vector.bitcast %and3A_925 : vector<16xi32> to vector<16xf32>
        %add3A_927 = arith.addf %add3A_908, %bitcast3A_922 : vector<16xf32>
        %add3A_928 = arith.addf %add3A_909, %bitcast3A_926 : vector<16xf32>
        %add3A_929 = arith.constant 3 : i32
        %add3A_930 = arith.addi %mul3A_431, %add3A_929 : i32
        %get3A_931 = arith.constant 0 : i32
        %get3A_932 = arith.constant 0 : i32
        %get3A_933 = tpu.memref_slice %arg14[%scan3A_294, %get3A_931, %get3A_932] : memref<2x320x32xi32, #tpu.memory_space<vmem>> -> memref<1x320x32xi32, #tpu.memory_space<vmem>>
        %get3A_934 = tpu.memref_squeeze %get3A_933 : memref<1x320x32xi32, #tpu.memory_space<vmem>> -> memref<320x32xi32, #tpu.memory_space<vmem>>
        %get3A_935 = arith.index_cast %add3A_930 : i32 to index
        %get3A_936 = arith.constant 16 : index
        %get3A_937 = tpu.vector_load %get3A_934[%get3A_935, %get3A_936] {strides = array<i32>} : memref<320x32xi32, #tpu.memory_space<vmem>>, vector<16xi32>,
        %shift_left3A_938 = arith.constant 16 : i32
        %shift_left3A_939 = vector.broadcast %shift_left3A_938 : i32 to vector<16xi32>
        %shift_left3A_940 = arith.shli %get3A_937, %shift_left3A_939 : vector<16xi32>
        %bitcast3A_941 = vector.bitcast %shift_left3A_940 : vector<16xi32> to vector<16xf32>
        %and3A_942 = arith.constant -65536 : i32
        %and3A_943 = vector.broadcast %and3A_942 : i32 to vector<16xi32>
        %and3A_944 = arith.andi %get3A_937, %and3A_943 : vector<16xi32>
        %bitcast3A_945 = vector.bitcast %and3A_944 : vector<16xi32> to vector<16xf32>
        %add3A_946 = arith.addf %add3A_927, %bitcast3A_941 : vector<16xf32>
        %add3A_947 = arith.addf %add3A_928, %bitcast3A_945 : vector<16xf32>
        %add3A_948 = arith.constant 4 : i32
        %add3A_949 = arith.addi %mul3A_431, %add3A_948 : i32
        %get3A_950 = arith.constant 0 : i32
        %get3A_951 = arith.constant 0 : i32
        %get3A_952 = tpu.memref_slice %arg14[%scan3A_294, %get3A_950, %get3A_951] : memref<2x320x32xi32, #tpu.memory_space<vmem>> -> memref<1x320x32xi32, #tpu.memory_space<vmem>>
        %get3A_953 = tpu.memref_squeeze %get3A_952 : memref<1x320x32xi32, #tpu.memory_space<vmem>> -> memref<320x32xi32, #tpu.memory_space<vmem>>
        %get3A_954 = arith.index_cast %add3A_949 : i32 to index
        %get3A_955 = arith.constant 16 : index
        %get3A_956 = tpu.vector_load %get3A_953[%get3A_954, %get3A_955] {strides = array<i32>} : memref<320x32xi32, #tpu.memory_space<vmem>>, vector<16xi32>,
        %shift_left3A_957 = arith.constant 16 : i32
        %shift_left3A_958 = vector.broadcast %shift_left3A_957 : i32 to vector<16xi32>
        %shift_left3A_959 = arith.shli %get3A_956, %shift_left3A_958 : vector<16xi32>
        %bitcast3A_960 = vector.bitcast %shift_left3A_959 : vector<16xi32> to vector<16xf32>
        %and3A_961 = arith.constant -65536 : i32
        %and3A_962 = vector.broadcast %and3A_961 : i32 to vector<16xi32>
        %and3A_963 = arith.andi %get3A_956, %and3A_962 : vector<16xi32>
        %bitcast3A_964 = vector.bitcast %and3A_963 : vector<16xi32> to vector<16xf32>
        %add3A_965 = arith.addf %add3A_946, %bitcast3A_960 : vector<16xf32>
        %add3A_966 = arith.addf %add3A_947, %bitcast3A_964 : vector<16xf32>
        %add3A_967 = arith.constant 5 : i32
        %add3A_968 = arith.addi %mul3A_431, %add3A_967 : i32
        %get3A_969 = arith.constant 0 : i32
        %get3A_970 = arith.constant 0 : i32
        %get3A_971 = tpu.memref_slice %arg14[%scan3A_294, %get3A_969, %get3A_970] : memref<2x320x32xi32, #tpu.memory_space<vmem>> -> memref<1x320x32xi32, #tpu.memory_space<vmem>>
        %get3A_972 = tpu.memref_squeeze %get3A_971 : memref<1x320x32xi32, #tpu.memory_space<vmem>> -> memref<320x32xi32, #tpu.memory_space<vmem>>
        %get3A_973 = arith.index_cast %add3A_968 : i32 to index
        %get3A_974 = arith.constant 16 : index
        %get3A_975 = tpu.vector_load %get3A_972[%get3A_973, %get3A_974] {strides = array<i32>} : memref<320x32xi32, #tpu.memory_space<vmem>>, vector<16xi32>,
        %shift_left3A_976 = arith.constant 16 : i32
        %shift_left3A_977 = vector.broadcast %shift_left3A_976 : i32 to vector<16xi32>
        %shift_left3A_978 = arith.shli %get3A_975, %shift_left3A_977 : vector<16xi32>
        %bitcast3A_979 = vector.bitcast %shift_left3A_978 : vector<16xi32> to vector<16xf32>
        %and3A_980 = arith.constant -65536 : i32
        %and3A_981 = vector.broadcast %and3A_980 : i32 to vector<16xi32>
        %and3A_982 = arith.andi %get3A_975, %and3A_981 : vector<16xi32>
        %bitcast3A_983 = vector.bitcast %and3A_982 : vector<16xi32> to vector<16xf32>
        %add3A_984 = arith.addf %add3A_965, %bitcast3A_979 : vector<16xf32>
        %add3A_985 = arith.addf %add3A_966, %bitcast3A_983 : vector<16xf32>
        %add3A_986 = arith.constant 6 : i32
        %add3A_987 = arith.addi %mul3A_431, %add3A_986 : i32
        %get3A_988 = arith.constant 0 : i32
        %get3A_989 = arith.constant 0 : i32
        %get3A_990 = tpu.memref_slice %arg14[%scan3A_294, %get3A_988, %get3A_989] : memref<2x320x32xi32, #tpu.memory_space<vmem>> -> memref<1x320x32xi32, #tpu.memory_space<vmem>>
        %get3A_991 = tpu.memref_squeeze %get3A_990 : memref<1x320x32xi32, #tpu.memory_space<vmem>> -> memref<320x32xi32, #tpu.memory_space<vmem>>
        %get3A_992 = arith.index_cast %add3A_987 : i32 to index
        %get3A_993 = arith.constant 16 : index
        %get3A_994 = tpu.vector_load %get3A_991[%get3A_992, %get3A_993] {strides = array<i32>} : memref<320x32xi32, #tpu.memory_space<vmem>>, vector<16xi32>,
        %shift_left3A_995 = arith.constant 16 : i32
        %shift_left3A_996 = vector.broadcast %shift_left3A_995 : i32 to vector<16xi32>
        %shift_left3A_997 = arith.shli %get3A_994, %shift_left3A_996 : vector<16xi32>
        %bitcast3A_998 = vector.bitcast %shift_left3A_997 : vector<16xi32> to vector<16xf32>
        %and3A_999 = arith.constant -65536 : i32
        %and3A_1000 = vector.broadcast %and3A_999 : i32 to vector<16xi32>
        %and3A_1001 = arith.andi %get3A_994, %and3A_1000 : vector<16xi32>
        %bitcast3A_1002 = vector.bitcast %and3A_1001 : vector<16xi32> to vector<16xf32>
        %add3A_1003 = arith.addf %add3A_984, %bitcast3A_998 : vector<16xf32>
        %add3A_1004 = arith.addf %add3A_985, %bitcast3A_1002 : vector<16xf32>
        %add3A_1005 = arith.constant 7 : i32
        %add3A_1006 = arith.addi %mul3A_431, %add3A_1005 : i32
        %get3A_1007 = arith.constant 0 : i32
        %get3A_1008 = arith.constant 0 : i32
        %get3A_1009 = tpu.memref_slice %arg14[%scan3A_294, %get3A_1007, %get3A_1008] : memref<2x320x32xi32, #tpu.memory_space<vmem>> -> memref<1x320x32xi32, #tpu.memory_space<vmem>>
        %get3A_1010 = tpu.memref_squeeze %get3A_1009 : memref<1x320x32xi32, #tpu.memory_space<vmem>> -> memref<320x32xi32, #tpu.memory_space<vmem>>
        %get3A_1011 = arith.index_cast %add3A_1006 : i32 to index
        %get3A_1012 = arith.constant 16 : index
        %get3A_1013 = tpu.vector_load %get3A_1010[%get3A_1011, %get3A_1012] {strides = array<i32>} : memref<320x32xi32, #tpu.memory_space<vmem>>, vector<16xi32>,
        %shift_left3A_1014 = arith.constant 16 : i32
        %shift_left3A_1015 = vector.broadcast %shift_left3A_1014 : i32 to vector<16xi32>
        %shift_left3A_1016 = arith.shli %get3A_1013, %shift_left3A_1015 : vector<16xi32>
        %bitcast3A_1017 = vector.bitcast %shift_left3A_1016 : vector<16xi32> to vector<16xf32>
        %and3A_1018 = arith.constant -65536 : i32
        %and3A_1019 = vector.broadcast %and3A_1018 : i32 to vector<16xi32>
        %and3A_1020 = arith.andi %get3A_1013, %and3A_1019 : vector<16xi32>
        %bitcast3A_1021 = vector.bitcast %and3A_1020 : vector<16xi32> to vector<16xf32>
        %add3A_1022 = arith.addf %add3A_1003, %bitcast3A_1017 : vector<16xf32>
        %add3A_1023 = arith.addf %add3A_1004, %bitcast3A_1021 : vector<16xf32>
        %add3A_1024 = arith.constant 8 : i32
        %add3A_1025 = arith.addi %mul3A_431, %add3A_1024 : i32
        %get3A_1026 = arith.constant 0 : i32
        %get3A_1027 = arith.constant 0 : i32
        %get3A_1028 = tpu.memref_slice %arg14[%scan3A_294, %get3A_1026, %get3A_1027] : memref<2x320x32xi32, #tpu.memory_space<vmem>> -> memref<1x320x32xi32, #tpu.memory_space<vmem>>
        %get3A_1029 = tpu.memref_squeeze %get3A_1028 : memref<1x320x32xi32, #tpu.memory_space<vmem>> -> memref<320x32xi32, #tpu.memory_space<vmem>>
        %get3A_1030 = arith.index_cast %add3A_1025 : i32 to index
        %get3A_1031 = arith.constant 16 : index
        %get3A_1032 = tpu.vector_load %get3A_1029[%get3A_1030, %get3A_1031] {strides = array<i32>} : memref<320x32xi32, #tpu.memory_space<vmem>>, vector<16xi32>,
        %shift_left3A_1033 = arith.constant 16 : i32
        %shift_left3A_1034 = vector.broadcast %shift_left3A_1033 : i32 to vector<16xi32>
        %shift_left3A_1035 = arith.shli %get3A_1032, %shift_left3A_1034 : vector<16xi32>
        %bitcast3A_1036 = vector.bitcast %shift_left3A_1035 : vector<16xi32> to vector<16xf32>
        %and3A_1037 = arith.constant -65536 : i32
        %and3A_1038 = vector.broadcast %and3A_1037 : i32 to vector<16xi32>
        %and3A_1039 = arith.andi %get3A_1032, %and3A_1038 : vector<16xi32>
        %bitcast3A_1040 = vector.bitcast %and3A_1039 : vector<16xi32> to vector<16xf32>
        %add3A_1041 = arith.addf %add3A_1022, %bitcast3A_1036 : vector<16xf32>
        %add3A_1042 = arith.addf %add3A_1023, %bitcast3A_1040 : vector<16xf32>
        %add3A_1043 = arith.constant 9 : i32
        %add3A_1044 = arith.addi %mul3A_431, %add3A_1043 : i32
        %get3A_1045 = arith.constant 0 : i32
        %get3A_1046 = arith.constant 0 : i32
        %get3A_1047 = tpu.memref_slice %arg14[%scan3A_294, %get3A_1045, %get3A_1046] : memref<2x320x32xi32, #tpu.memory_space<vmem>> -> memref<1x320x32xi32, #tpu.memory_space<vmem>>
        %get3A_1048 = tpu.memref_squeeze %get3A_1047 : memref<1x320x32xi32, #tpu.memory_space<vmem>> -> memref<320x32xi32, #tpu.memory_space<vmem>>
        %get3A_1049 = arith.index_cast %add3A_1044 : i32 to index
        %get3A_1050 = arith.constant 16 : index
        %get3A_1051 = tpu.vector_load %get3A_1048[%get3A_1049, %get3A_1050] {strides = array<i32>} : memref<320x32xi32, #tpu.memory_space<vmem>>, vector<16xi32>,
        %shift_left3A_1052 = arith.constant 16 : i32
        %shift_left3A_1053 = vector.broadcast %shift_left3A_1052 : i32 to vector<16xi32>
        %shift_left3A_1054 = arith.shli %get3A_1051, %shift_left3A_1053 : vector<16xi32>
        %bitcast3A_1055 = vector.bitcast %shift_left3A_1054 : vector<16xi32> to vector<16xf32>
        %and3A_1056 = arith.constant -65536 : i32
        %and3A_1057 = vector.broadcast %and3A_1056 : i32 to vector<16xi32>
        %and3A_1058 = arith.andi %get3A_1051, %and3A_1057 : vector<16xi32>
        %bitcast3A_1059 = vector.bitcast %and3A_1058 : vector<16xi32> to vector<16xf32>
        %add3A_1060 = arith.addf %add3A_1041, %bitcast3A_1055 : vector<16xf32>
        %add3A_1061 = arith.addf %add3A_1042, %bitcast3A_1059 : vector<16xf32>
        %add3A_1062 = arith.constant 10 : i32
        %add3A_1063 = arith.addi %mul3A_431, %add3A_1062 : i32
        %get3A_1064 = arith.constant 0 : i32
        %get3A_1065 = arith.constant 0 : i32
        %get3A_1066 = tpu.memref_slice %arg14[%scan3A_294, %get3A_1064, %get3A_1065] : memref<2x320x32xi32, #tpu.memory_space<vmem>> -> memref<1x320x32xi32, #tpu.memory_space<vmem>>
        %get3A_1067 = tpu.memref_squeeze %get3A_1066 : memref<1x320x32xi32, #tpu.memory_space<vmem>> -> memref<320x32xi32, #tpu.memory_space<vmem>>
        %get3A_1068 = arith.index_cast %add3A_1063 : i32 to index
        %get3A_1069 = arith.constant 16 : index
        %get3A_1070 = tpu.vector_load %get3A_1067[%get3A_1068, %get3A_1069] {strides = array<i32>} : memref<320x32xi32, #tpu.memory_space<vmem>>, vector<16xi32>,
        %shift_left3A_1071 = arith.constant 16 : i32
        %shift_left3A_1072 = vector.broadcast %shift_left3A_1071 : i32 to vector<16xi32>
        %shift_left3A_1073 = arith.shli %get3A_1070, %shift_left3A_1072 : vector<16xi32>
        %bitcast3A_1074 = vector.bitcast %shift_left3A_1073 : vector<16xi32> to vector<16xf32>
        %and3A_1075 = arith.constant -65536 : i32
        %and3A_1076 = vector.broadcast %and3A_1075 : i32 to vector<16xi32>
        %and3A_1077 = arith.andi %get3A_1070, %and3A_1076 : vector<16xi32>
        %bitcast3A_1078 = vector.bitcast %and3A_1077 : vector<16xi32> to vector<16xf32>
        %add3A_1079 = arith.addf %add3A_1060, %bitcast3A_1074 : vector<16xf32>
        %add3A_1080 = arith.addf %add3A_1061, %bitcast3A_1078 : vector<16xf32>
        %add3A_1081 = arith.constant 11 : i32
        %add3A_1082 = arith.addi %mul3A_431, %add3A_1081 : i32
        %get3A_1083 = arith.constant 0 : i32
        %get3A_1084 = arith.constant 0 : i32
        %get3A_1085 = tpu.memref_slice %arg14[%scan3A_294, %get3A_1083, %get3A_1084] : memref<2x320x32xi32, #tpu.memory_space<vmem>> -> memref<1x320x32xi32, #tpu.memory_space<vmem>>
        %get3A_1086 = tpu.memref_squeeze %get3A_1085 : memref<1x320x32xi32, #tpu.memory_space<vmem>> -> memref<320x32xi32, #tpu.memory_space<vmem>>
        %get3A_1087 = arith.index_cast %add3A_1082 : i32 to index
        %get3A_1088 = arith.constant 16 : index
        %get3A_1089 = tpu.vector_load %get3A_1086[%get3A_1087, %get3A_1088] {strides = array<i32>} : memref<320x32xi32, #tpu.memory_space<vmem>>, vector<16xi32>,
        %shift_left3A_1090 = arith.constant 16 : i32
        %shift_left3A_1091 = vector.broadcast %shift_left3A_1090 : i32 to vector<16xi32>
        %shift_left3A_1092 = arith.shli %get3A_1089, %shift_left3A_1091 : vector<16xi32>
        %bitcast3A_1093 = vector.bitcast %shift_left3A_1092 : vector<16xi32> to vector<16xf32>
        %and3A_1094 = arith.constant -65536 : i32
        %and3A_1095 = vector.broadcast %and3A_1094 : i32 to vector<16xi32>
        %and3A_1096 = arith.andi %get3A_1089, %and3A_1095 : vector<16xi32>
        %bitcast3A_1097 = vector.bitcast %and3A_1096 : vector<16xi32> to vector<16xf32>
        %add3A_1098 = arith.addf %add3A_1079, %bitcast3A_1093 : vector<16xf32>
        %add3A_1099 = arith.addf %add3A_1080, %bitcast3A_1097 : vector<16xf32>
        %add3A_1100 = arith.constant 12 : i32
        %add3A_1101 = arith.addi %mul3A_431, %add3A_1100 : i32
        %get3A_1102 = arith.constant 0 : i32
        %get3A_1103 = arith.constant 0 : i32
        %get3A_1104 = tpu.memref_slice %arg14[%scan3A_294, %get3A_1102, %get3A_1103] : memref<2x320x32xi32, #tpu.memory_space<vmem>> -> memref<1x320x32xi32, #tpu.memory_space<vmem>>
        %get3A_1105 = tpu.memref_squeeze %get3A_1104 : memref<1x320x32xi32, #tpu.memory_space<vmem>> -> memref<320x32xi32, #tpu.memory_space<vmem>>
        %get3A_1106 = arith.index_cast %add3A_1101 : i32 to index
        %get3A_1107 = arith.constant 16 : index
        %get3A_1108 = tpu.vector_load %get3A_1105[%get3A_1106, %get3A_1107] {strides = array<i32>} : memref<320x32xi32, #tpu.memory_space<vmem>>, vector<16xi32>,
        %shift_left3A_1109 = arith.constant 16 : i32
        %shift_left3A_1110 = vector.broadcast %shift_left3A_1109 : i32 to vector<16xi32>
        %shift_left3A_1111 = arith.shli %get3A_1108, %shift_left3A_1110 : vector<16xi32>
        %bitcast3A_1112 = vector.bitcast %shift_left3A_1111 : vector<16xi32> to vector<16xf32>
        %and3A_1113 = arith.constant -65536 : i32
        %and3A_1114 = vector.broadcast %and3A_1113 : i32 to vector<16xi32>
        %and3A_1115 = arith.andi %get3A_1108, %and3A_1114 : vector<16xi32>
        %bitcast3A_1116 = vector.bitcast %and3A_1115 : vector<16xi32> to vector<16xf32>
        %add3A_1117 = arith.addf %add3A_1098, %bitcast3A_1112 : vector<16xf32>
        %add3A_1118 = arith.addf %add3A_1099, %bitcast3A_1116 : vector<16xf32>
        %add3A_1119 = arith.constant 13 : i32
        %add3A_1120 = arith.addi %mul3A_431, %add3A_1119 : i32
        %get3A_1121 = arith.constant 0 : i32
        %get3A_1122 = arith.constant 0 : i32
        %get3A_1123 = tpu.memref_slice %arg14[%scan3A_294, %get3A_1121, %get3A_1122] : memref<2x320x32xi32, #tpu.memory_space<vmem>> -> memref<1x320x32xi32, #tpu.memory_space<vmem>>
        %get3A_1124 = tpu.memref_squeeze %get3A_1123 : memref<1x320x32xi32, #tpu.memory_space<vmem>> -> memref<320x32xi32, #tpu.memory_space<vmem>>
        %get3A_1125 = arith.index_cast %add3A_1120 : i32 to index
        %get3A_1126 = arith.constant 16 : index
        %get3A_1127 = tpu.vector_load %get3A_1124[%get3A_1125, %get3A_1126] {strides = array<i32>} : memref<320x32xi32, #tpu.memory_space<vmem>>, vector<16xi32>,
        %shift_left3A_1128 = arith.constant 16 : i32
        %shift_left3A_1129 = vector.broadcast %shift_left3A_1128 : i32 to vector<16xi32>
        %shift_left3A_1130 = arith.shli %get3A_1127, %shift_left3A_1129 : vector<16xi32>
        %bitcast3A_1131 = vector.bitcast %shift_left3A_1130 : vector<16xi32> to vector<16xf32>
        %and3A_1132 = arith.constant -65536 : i32
        %and3A_1133 = vector.broadcast %and3A_1132 : i32 to vector<16xi32>
        %and3A_1134 = arith.andi %get3A_1127, %and3A_1133 : vector<16xi32>
        %bitcast3A_1135 = vector.bitcast %and3A_1134 : vector<16xi32> to vector<16xf32>
        %add3A_1136 = arith.addf %add3A_1117, %bitcast3A_1131 : vector<16xf32>
        %add3A_1137 = arith.addf %add3A_1118, %bitcast3A_1135 : vector<16xf32>
        %add3A_1138 = arith.constant 14 : i32
        %add3A_1139 = arith.addi %mul3A_431, %add3A_1138 : i32
        %get3A_1140 = arith.constant 0 : i32
        %get3A_1141 = arith.constant 0 : i32
        %get3A_1142 = tpu.memref_slice %arg14[%scan3A_294, %get3A_1140, %get3A_1141] : memref<2x320x32xi32, #tpu.memory_space<vmem>> -> memref<1x320x32xi32, #tpu.memory_space<vmem>>
        %get3A_1143 = tpu.memref_squeeze %get3A_1142 : memref<1x320x32xi32, #tpu.memory_space<vmem>> -> memref<320x32xi32, #tpu.memory_space<vmem>>
        %get3A_1144 = arith.index_cast %add3A_1139 : i32 to index
        %get3A_1145 = arith.constant 16 : index
        %get3A_1146 = tpu.vector_load %get3A_1143[%get3A_1144, %get3A_1145] {strides = array<i32>} : memref<320x32xi32, #tpu.memory_space<vmem>>, vector<16xi32>,
        %shift_left3A_1147 = arith.constant 16 : i32
        %shift_left3A_1148 = vector.broadcast %shift_left3A_1147 : i32 to vector<16xi32>
        %shift_left3A_1149 = arith.shli %get3A_1146, %shift_left3A_1148 : vector<16xi32>
        %bitcast3A_1150 = vector.bitcast %shift_left3A_1149 : vector<16xi32> to vector<16xf32>
        %and3A_1151 = arith.constant -65536 : i32
        %and3A_1152 = vector.broadcast %and3A_1151 : i32 to vector<16xi32>
        %and3A_1153 = arith.andi %get3A_1146, %and3A_1152 : vector<16xi32>
        %bitcast3A_1154 = vector.bitcast %and3A_1153 : vector<16xi32> to vector<16xf32>
        %add3A_1155 = arith.addf %add3A_1136, %bitcast3A_1150 : vector<16xf32>
        %add3A_1156 = arith.addf %add3A_1137, %bitcast3A_1154 : vector<16xf32>
        %add3A_1157 = arith.constant 15 : i32
        %add3A_1158 = arith.addi %mul3A_431, %add3A_1157 : i32
        %get3A_1159 = arith.constant 0 : i32
        %get3A_1160 = arith.constant 0 : i32
        %get3A_1161 = tpu.memref_slice %arg14[%scan3A_294, %get3A_1159, %get3A_1160] : memref<2x320x32xi32, #tpu.memory_space<vmem>> -> memref<1x320x32xi32, #tpu.memory_space<vmem>>
        %get3A_1162 = tpu.memref_squeeze %get3A_1161 : memref<1x320x32xi32, #tpu.memory_space<vmem>> -> memref<320x32xi32, #tpu.memory_space<vmem>>
        %get3A_1163 = arith.index_cast %add3A_1158 : i32 to index
        %get3A_1164 = arith.constant 16 : index
        %get3A_1165 = tpu.vector_load %get3A_1162[%get3A_1163, %get3A_1164] {strides = array<i32>} : memref<320x32xi32, #tpu.memory_space<vmem>>, vector<16xi32>,
        %shift_left3A_1166 = arith.constant 16 : i32
        %shift_left3A_1167 = vector.broadcast %shift_left3A_1166 : i32 to vector<16xi32>
        %shift_left3A_1168 = arith.shli %get3A_1165, %shift_left3A_1167 : vector<16xi32>
        %bitcast3A_1169 = vector.bitcast %shift_left3A_1168 : vector<16xi32> to vector<16xf32>
        %and3A_1170 = arith.constant -65536 : i32
        %and3A_1171 = vector.broadcast %and3A_1170 : i32 to vector<16xi32>
        %and3A_1172 = arith.andi %get3A_1165, %and3A_1171 : vector<16xi32>
        %bitcast3A_1173 = vector.bitcast %and3A_1172 : vector<16xi32> to vector<16xf32>
        %add3A_1174 = arith.addf %add3A_1155, %bitcast3A_1169 : vector<16xf32>
        %add3A_1175 = arith.addf %add3A_1156, %bitcast3A_1173 : vector<16xf32>
        %add3A_1176 = arith.constant 16 : i32
        %add3A_1177 = arith.addi %mul3A_431, %add3A_1176 : i32
        %get3A_1178 = arith.constant 0 : i32
        %get3A_1179 = arith.constant 0 : i32
        %get3A_1180 = tpu.memref_slice %arg14[%scan3A_294, %get3A_1178, %get3A_1179] : memref<2x320x32xi32, #tpu.memory_space<vmem>> -> memref<1x320x32xi32, #tpu.memory_space<vmem>>
        %get3A_1181 = tpu.memref_squeeze %get3A_1180 : memref<1x320x32xi32, #tpu.memory_space<vmem>> -> memref<320x32xi32, #tpu.memory_space<vmem>>
        %get3A_1182 = arith.index_cast %add3A_1177 : i32 to index
        %get3A_1183 = arith.constant 16 : index
        %get3A_1184 = tpu.vector_load %get3A_1181[%get3A_1182, %get3A_1183] {strides = array<i32>} : memref<320x32xi32, #tpu.memory_space<vmem>>, vector<16xi32>,
        %shift_left3A_1185 = arith.constant 16 : i32
        %shift_left3A_1186 = vector.broadcast %shift_left3A_1185 : i32 to vector<16xi32>
        %shift_left3A_1187 = arith.shli %get3A_1184, %shift_left3A_1186 : vector<16xi32>
        %bitcast3A_1188 = vector.bitcast %shift_left3A_1187 : vector<16xi32> to vector<16xf32>
        %and3A_1189 = arith.constant -65536 : i32
        %and3A_1190 = vector.broadcast %and3A_1189 : i32 to vector<16xi32>
        %and3A_1191 = arith.andi %get3A_1184, %and3A_1190 : vector<16xi32>
        %bitcast3A_1192 = vector.bitcast %and3A_1191 : vector<16xi32> to vector<16xf32>
        %add3A_1193 = arith.addf %add3A_1174, %bitcast3A_1188 : vector<16xf32>
        %add3A_1194 = arith.addf %add3A_1175, %bitcast3A_1192 : vector<16xf32>
        %add3A_1195 = arith.constant 17 : i32
        %add3A_1196 = arith.addi %mul3A_431, %add3A_1195 : i32
        %get3A_1197 = arith.constant 0 : i32
        %get3A_1198 = arith.constant 0 : i32
        %get3A_1199 = tpu.memref_slice %arg14[%scan3A_294, %get3A_1197, %get3A_1198] : memref<2x320x32xi32, #tpu.memory_space<vmem>> -> memref<1x320x32xi32, #tpu.memory_space<vmem>>
        %get3A_1200 = tpu.memref_squeeze %get3A_1199 : memref<1x320x32xi32, #tpu.memory_space<vmem>> -> memref<320x32xi32, #tpu.memory_space<vmem>>
        %get3A_1201 = arith.index_cast %add3A_1196 : i32 to index
        %get3A_1202 = arith.constant 16 : index
        %get3A_1203 = tpu.vector_load %get3A_1200[%get3A_1201, %get3A_1202] {strides = array<i32>} : memref<320x32xi32, #tpu.memory_space<vmem>>, vector<16xi32>,
        %shift_left3A_1204 = arith.constant 16 : i32
        %shift_left3A_1205 = vector.broadcast %shift_left3A_1204 : i32 to vector<16xi32>
        %shift_left3A_1206 = arith.shli %get3A_1203, %shift_left3A_1205 : vector<16xi32>
        %bitcast3A_1207 = vector.bitcast %shift_left3A_1206 : vector<16xi32> to vector<16xf32>
        %and3A_1208 = arith.constant -65536 : i32
        %and3A_1209 = vector.broadcast %and3A_1208 : i32 to vector<16xi32>
        %and3A_1210 = arith.andi %get3A_1203, %and3A_1209 : vector<16xi32>
        %bitcast3A_1211 = vector.bitcast %and3A_1210 : vector<16xi32> to vector<16xf32>
        %add3A_1212 = arith.addf %add3A_1193, %bitcast3A_1207 : vector<16xf32>
        %add3A_1213 = arith.addf %add3A_1194, %bitcast3A_1211 : vector<16xf32>
        %add3A_1214 = arith.constant 18 : i32
        %add3A_1215 = arith.addi %mul3A_431, %add3A_1214 : i32
        %get3A_1216 = arith.constant 0 : i32
        %get3A_1217 = arith.constant 0 : i32
        %get3A_1218 = tpu.memref_slice %arg14[%scan3A_294, %get3A_1216, %get3A_1217] : memref<2x320x32xi32, #tpu.memory_space<vmem>> -> memref<1x320x32xi32, #tpu.memory_space<vmem>>
        %get3A_1219 = tpu.memref_squeeze %get3A_1218 : memref<1x320x32xi32, #tpu.memory_space<vmem>> -> memref<320x32xi32, #tpu.memory_space<vmem>>
        %get3A_1220 = arith.index_cast %add3A_1215 : i32 to index
        %get3A_1221 = arith.constant 16 : index
        %get3A_1222 = tpu.vector_load %get3A_1219[%get3A_1220, %get3A_1221] {strides = array<i32>} : memref<320x32xi32, #tpu.memory_space<vmem>>, vector<16xi32>,
        %shift_left3A_1223 = arith.constant 16 : i32
        %shift_left3A_1224 = vector.broadcast %shift_left3A_1223 : i32 to vector<16xi32>
        %shift_left3A_1225 = arith.shli %get3A_1222, %shift_left3A_1224 : vector<16xi32>
        %bitcast3A_1226 = vector.bitcast %shift_left3A_1225 : vector<16xi32> to vector<16xf32>
        %and3A_1227 = arith.constant -65536 : i32
        %and3A_1228 = vector.broadcast %and3A_1227 : i32 to vector<16xi32>
        %and3A_1229 = arith.andi %get3A_1222, %and3A_1228 : vector<16xi32>
        %bitcast3A_1230 = vector.bitcast %and3A_1229 : vector<16xi32> to vector<16xf32>
        %add3A_1231 = arith.addf %add3A_1212, %bitcast3A_1226 : vector<16xf32>
        %add3A_1232 = arith.addf %add3A_1213, %bitcast3A_1230 : vector<16xf32>
        %add3A_1233 = arith.constant 19 : i32
        %add3A_1234 = arith.addi %mul3A_431, %add3A_1233 : i32
        %get3A_1235 = arith.constant 0 : i32
        %get3A_1236 = arith.constant 0 : i32
        %get3A_1237 = tpu.memref_slice %arg14[%scan3A_294, %get3A_1235, %get3A_1236] : memref<2x320x32xi32, #tpu.memory_space<vmem>> -> memref<1x320x32xi32, #tpu.memory_space<vmem>>
        %get3A_1238 = tpu.memref_squeeze %get3A_1237 : memref<1x320x32xi32, #tpu.memory_space<vmem>> -> memref<320x32xi32, #tpu.memory_space<vmem>>
        %get3A_1239 = arith.index_cast %add3A_1234 : i32 to index
        %get3A_1240 = arith.constant 16 : index
        %get3A_1241 = tpu.vector_load %get3A_1238[%get3A_1239, %get3A_1240] {strides = array<i32>} : memref<320x32xi32, #tpu.memory_space<vmem>>, vector<16xi32>,
        %shift_left3A_1242 = arith.constant 16 : i32
        %shift_left3A_1243 = vector.broadcast %shift_left3A_1242 : i32 to vector<16xi32>
        %shift_left3A_1244 = arith.shli %get3A_1241, %shift_left3A_1243 : vector<16xi32>
        %bitcast3A_1245 = vector.bitcast %shift_left3A_1244 : vector<16xi32> to vector<16xf32>
        %and3A_1246 = arith.constant -65536 : i32
        %and3A_1247 = vector.broadcast %and3A_1246 : i32 to vector<16xi32>
        %and3A_1248 = arith.andi %get3A_1241, %and3A_1247 : vector<16xi32>
        %bitcast3A_1249 = vector.bitcast %and3A_1248 : vector<16xi32> to vector<16xf32>
        %add3A_1250 = arith.addf %add3A_1231, %bitcast3A_1245 : vector<16xf32>
        %add3A_1251 = arith.addf %add3A_1232, %bitcast3A_1249 : vector<16xf32>
        %mul3A_1252 = arith.mulf %add3A_1250, %bitcast3A_852 : vector<16xf32>
        %add3A_1253 = arith.addf %add3A_841, %mul3A_1252 : vector<16xf32>
        %mul3A_1254 = arith.mulf %add3A_1251, %bitcast3A_856 : vector<16xf32>
        %add3A_1255 = arith.addf %add3A_1253, %mul3A_1254 : vector<16xf32>
        %eq3A = vector.broadcast %scan3A_427 : i32 to vector<16xi32>
        %eq3A_1256 = arith.cmpi eq, %iota3A, %eq3A : vector<16xi32>
        %xor3A = arith.constant 1 : i32
        %xor3A_1257 = vector.broadcast %xor3A : i32 to vector<16xi32>
        %xor3A_1258 = arith.xori %iota3A, %xor3A_1257 : vector<16xi32>
        %reshape3A = vector.shape_cast %xor3A_1258 : vector<16xi32> to vector<16x1xi32>
        %gather3A = vector.shape_cast %reshape3A : vector<16x1xi32> to vector<16xi32>
        %gather3A_1259 = tpu.dynamic_gather %add3A_875[%gather3A] in [0] : vector<16xf32>, vector<16xi32> -> vector<16xf32>
        %add3A_1260 = arith.addf %add3A_875, %gather3A_1259 : vector<16xf32>
        %xor3A_1261 = arith.constant 2 : i32
        %xor3A_1262 = vector.broadcast %xor3A_1261 : i32 to vector<16xi32>
        %xor3A_1263 = arith.xori %iota3A, %xor3A_1262 : vector<16xi32>
        %reshape3A_1264 = vector.shape_cast %xor3A_1263 : vector<16xi32> to vector<16x1xi32>
        %gather3A_1265 = vector.shape_cast %reshape3A_1264 : vector<16x1xi32> to vector<16xi32>
        %gather3A_1266 = tpu.dynamic_gather %add3A_1260[%gather3A_1265] in [0] : vector<16xf32>, vector<16xi32> -> vector<16xf32>
        %add3A_1267 = arith.addf %add3A_1260, %gather3A_1266 : vector<16xf32>
        %xor3A_1268 = arith.constant 4 : i32
        %xor3A_1269 = vector.broadcast %xor3A_1268 : i32 to vector<16xi32>
        %xor3A_1270 = arith.xori %iota3A, %xor3A_1269 : vector<16xi32>
        %reshape3A_1271 = vector.shape_cast %xor3A_1270 : vector<16xi32> to vector<16x1xi32>
        %gather3A_1272 = vector.shape_cast %reshape3A_1271 : vector<16x1xi32> to vector<16xi32>
        %gather3A_1273 = tpu.dynamic_gather %add3A_1267[%gather3A_1272] in [0] : vector<16xf32>, vector<16xi32> -> vector<16xf32>
        %add3A_1274 = arith.addf %add3A_1267, %gather3A_1273 : vector<16xf32>
        %xor3A_1275 = arith.constant 8 : i32
        %xor3A_1276 = vector.broadcast %xor3A_1275 : i32 to vector<16xi32>
        %xor3A_1277 = arith.xori %iota3A, %xor3A_1276 : vector<16xi32>
        %reshape3A_1278 = vector.shape_cast %xor3A_1277 : vector<16xi32> to vector<16x1xi32>
        %gather3A_1279 = vector.shape_cast %reshape3A_1278 : vector<16x1xi32> to vector<16xi32>
        %gather3A_1280 = tpu.dynamic_gather %add3A_1274[%gather3A_1279] in [0] : vector<16xf32>, vector<16xi32> -> vector<16xf32>
        %add3A_1281 = arith.addf %add3A_1274, %gather3A_1280 : vector<16xf32>
        %select_n3A = arith.select %eq3A_1256, %add3A_1281, %scan3A_428 : vector<16xi1>, vector<16xf32>
        %eq3A_1282 = vector.broadcast %scan3A_427 : i32 to vector<16xi32>
        %eq3A_1283 = arith.cmpi eq, %iota3A, %eq3A_1282 : vector<16xi32>
        %xor3A_1284 = arith.constant 1 : i32
        %xor3A_1285 = vector.broadcast %xor3A_1284 : i32 to vector<16xi32>
        %xor3A_1286 = arith.xori %iota3A, %xor3A_1285 : vector<16xi32>
        %reshape3A_1287 = vector.shape_cast %xor3A_1286 : vector<16xi32> to vector<16x1xi32>
        %gather3A_1288 = vector.shape_cast %reshape3A_1287 : vector<16x1xi32> to vector<16xi32>
        %gather3A_1289 = tpu.dynamic_gather %add3A_1255[%gather3A_1288] in [0] : vector<16xf32>, vector<16xi32> -> vector<16xf32>
        %add3A_1290 = arith.addf %add3A_1255, %gather3A_1289 : vector<16xf32>
        %xor3A_1291 = arith.constant 2 : i32
        %xor3A_1292 = vector.broadcast %xor3A_1291 : i32 to vector<16xi32>
        %xor3A_1293 = arith.xori %iota3A, %xor3A_1292 : vector<16xi32>
        %reshape3A_1294 = vector.shape_cast %xor3A_1293 : vector<16xi32> to vector<16x1xi32>
        %gather3A_1295 = vector.shape_cast %reshape3A_1294 : vector<16x1xi32> to vector<16xi32>
        %gather3A_1296 = tpu.dynamic_gather %add3A_1290[%gather3A_1295] in [0] : vector<16xf32>, vector<16xi32> -> vector<16xf32>
        %add3A_1297 = arith.addf %add3A_1290, %gather3A_1296 : vector<16xf32>
        %xor3A_1298 = arith.constant 4 : i32
        %xor3A_1299 = vector.broadcast %xor3A_1298 : i32 to vector<16xi32>
        %xor3A_1300 = arith.xori %iota3A, %xor3A_1299 : vector<16xi32>
        %reshape3A_1301 = vector.shape_cast %xor3A_1300 : vector<16xi32> to vector<16x1xi32>
        %gather3A_1302 = vector.shape_cast %reshape3A_1301 : vector<16x1xi32> to vector<16xi32>
        %gather3A_1303 = tpu.dynamic_gather %add3A_1297[%gather3A_1302] in [0] : vector<16xf32>, vector<16xi32> -> vector<16xf32>
        %add3A_1304 = arith.addf %add3A_1297, %gather3A_1303 : vector<16xf32>
        %xor3A_1305 = arith.constant 8 : i32
        %xor3A_1306 = vector.broadcast %xor3A_1305 : i32 to vector<16xi32>
        %xor3A_1307 = arith.xori %iota3A, %xor3A_1306 : vector<16xi32>
        %reshape3A_1308 = vector.shape_cast %xor3A_1307 : vector<16xi32> to vector<16x1xi32>
        %gather3A_1309 = vector.shape_cast %reshape3A_1308 : vector<16x1xi32> to vector<16xi32>
        %gather3A_1310 = tpu.dynamic_gather %add3A_1304[%gather3A_1309] in [0] : vector<16xf32>, vector<16xi32> -> vector<16xf32>
        %add3A_1311 = arith.addf %add3A_1304, %gather3A_1310 : vector<16xf32>
        %select_n3A_1312 = arith.select %eq3A_1283, %add3A_1311, %scan3A_429 : vector<16xi1>, vector<16xf32>
        scf.yield %select_n3A, %select_n3A_1312 : vector<16xf32>, vector<16xf32>
      }
      %scan3A_300 = arith.constant 16 : i32
      %mul3A_301 = arith.constant 16 : i32
      %mul3A_302 = arith.muli %mul3A_96, %mul3A_301 : i32
      %swap3A = arith.index_cast %mul3A_302 : i32 to index
      %swap3A_303 = tpu.vector_load %arg15[%swap3A] {strides = array<i32>} : memref<512xf32, #tpu.memory_space<vmem>>, vector<16xf32>,
      tpu.vector_store %arg15[%swap3A], %scan3A_299#0 {strides = array<i32>} : memref<512xf32, #tpu.memory_space<vmem>>, vector<16xf32>,
      %mul3A_304 = arith.constant 16 : i32
      %mul3A_305 = arith.muli %mul3A_96, %mul3A_304 : i32
      %swap3A_306 = arith.index_cast %mul3A_305 : i32 to index
      %swap3A_307 = tpu.vector_load %arg16[%swap3A_306] {strides = array<i32>} : memref<512xf32, #tpu.memory_space<vmem>>, vector<16xf32>,
      tpu.vector_store %arg16[%swap3A_306], %scan3A_299#1 {strides = array<i32>} : memref<512xf32, #tpu.memory_space<vmem>>, vector<16xf32>,
      %add3A_308 = arith.constant 1 : i32
      %add3A_309 = arith.addi %scan3A_93, %add3A_308 : i32
      %lt3A = arith.constant 16 : i32
      %lt3A_310 = arith.cmpi slt, %add3A_309, %lt3A : i32
      %convert_element_type3A = arith.extui %lt3A_310 : i1 to i32
      %cond3A = arith.constant 0 : i32
      %cond3A_311 = arith.cmpi ne, %convert_element_type3A, %cond3A : i32
      scf.if %cond3A_311 {
        %add3A_427 = arith.constant 2 : i32
        %add3A_428 = arith.addi %mul3A_96, %add3A_427 : i32
        %dma_start3A_429 = arith.constant 0 : i32
        %dma_start3A_430 = arith.constant 0 : i32
        %dma_start3A_431 = arith.constant 0 : i32
        %dma_start3A_432 = tpu.memref_slice %arg12[%dma_start3A_429, %dma_start3A_430, %dma_start3A_431] : memref<2x16x32xi32, #tpu.memory_space<vmem>> -> memref<1x16x32xi32, #tpu.memory_space<vmem>>
        %dma_start3A_433 = tpu.memref_squeeze %dma_start3A_432 : memref<1x16x32xi32, #tpu.memory_space<vmem>> -> memref<16x32xi32, #tpu.memory_space<vmem>>
        %dma_start3A_434 = arith.constant 0 : i32
        %dma_start3A_435 = tpu.memref_slice %arg9[%add3A_428, %dma_start3A_434] : memref<32x16xi32, #tpu.memory_space<vmem>> -> memref<1x16xi32, #tpu.memory_space<vmem>>
        %dma_start3A_436 = tpu.memref_squeeze %dma_start3A_435 : memref<1x16xi32, #tpu.memory_space<vmem>> -> memref<16xi32, #tpu.memory_space<vmem>>
        %dma_start3A_437 = arith.constant 0 : i32
        %dma_start3A_438 = arith.constant 0 : i32
        %dma_start3A_439 = tpu.memref_slice %arg5[%dma_start3A_437, %dma_start3A_438] : memref<1015808x32xi32, #tpu.memory_space<hbm>> -> memref<1015808x32xi32, #tpu.memory_space<hbm>>
        tpu.enqueue_indirect_dma source(%dma_start3A_439 : memref<1015808x32xi32, #tpu.memory_space<hbm>>) target(%dma_start3A_433 : memref<16x32xi32, #tpu.memory_space<vmem>>) offsets(%dma_start3A_436 : memref<16xi32, #tpu.memory_space<vmem>>) semaphore(%arg17 : memref<!tpu.dma_semaphore, #tpu.memory_space<semaphore_mem>>)
        %dma_start3A_440 = arith.constant 0 : i32
        %dma_start3A_441 = arith.constant 0 : i32
        %dma_start3A_442 = arith.constant 0 : i32
        %dma_start3A_443 = tpu.memref_slice %arg13[%dma_start3A_440, %dma_start3A_441, %dma_start3A_442] : memref<2x16x32xi32, #tpu.memory_space<vmem>> -> memref<1x16x32xi32, #tpu.memory_space<vmem>>
        %dma_start3A_444 = tpu.memref_squeeze %dma_start3A_443 : memref<1x16x32xi32, #tpu.memory_space<vmem>> -> memref<16x32xi32, #tpu.memory_space<vmem>>
        %dma_start3A_445 = arith.constant 0 : i32
        %dma_start3A_446 = tpu.memref_slice %arg10[%add3A_428, %dma_start3A_445] : memref<32x16xi32, #tpu.memory_space<vmem>> -> memref<1x16xi32, #tpu.memory_space<vmem>>
        %dma_start3A_447 = tpu.memref_squeeze %dma_start3A_446 : memref<1x16xi32, #tpu.memory_space<vmem>> -> memref<16xi32, #tpu.memory_space<vmem>>
        %dma_start3A_448 = arith.constant 0 : i32
        %dma_start3A_449 = arith.constant 0 : i32
        %dma_start3A_450 = tpu.memref_slice %arg6[%dma_start3A_448, %dma_start3A_449] : memref<1015808x32xi32, #tpu.memory_space<hbm>> -> memref<1015808x32xi32, #tpu.memory_space<hbm>>
        tpu.enqueue_indirect_dma source(%dma_start3A_450 : memref<1015808x32xi32, #tpu.memory_space<hbm>>) target(%dma_start3A_444 : memref<16x32xi32, #tpu.memory_space<vmem>>) offsets(%dma_start3A_447 : memref<16xi32, #tpu.memory_space<vmem>>) semaphore(%arg17 : memref<!tpu.dma_semaphore, #tpu.memory_space<semaphore_mem>>)
        %mul3A_451 = arith.constant 5 : i32
        %mul3A_452 = arith.muli %add3A_428, %mul3A_451 : i32
        %add3A_453 = arith.constant 0 : i32
        %add3A_454 = arith.addi %mul3A_452, %add3A_453 : i32
        %dma_start3A_455 = arith.constant 0 : i32
        %dma_start3A_456 = arith.constant 0 : i32
        %dma_start3A_457 = arith.constant 0 : i32
        %dma_start3A_458 = tpu.memref_slice %arg14[%dma_start3A_455, %dma_start3A_456, %dma_start3A_457] : memref<2x320x32xi32, #tpu.memory_space<vmem>> -> memref<1x64x32xi32, #tpu.memory_space<vmem>>
        %dma_start3A_459 = tpu.memref_squeeze %dma_start3A_458 : memref<1x64x32xi32, #tpu.memory_space<vmem>> -> memref<64x32xi32, #tpu.memory_space<vmem>>
        %dma_start3A_460 = arith.constant 0 : i32
        %dma_start3A_461 = tpu.memref_slice %arg11[%add3A_454, %dma_start3A_460] : memref<160x64xi32, #tpu.memory_space<vmem>> -> memref<1x64xi32, #tpu.memory_space<vmem>>
        %dma_start3A_462 = tpu.memref_squeeze %dma_start3A_461 : memref<1x64xi32, #tpu.memory_space<vmem>> -> memref<64xi32, #tpu.memory_space<vmem>>
        %dma_start3A_463 = arith.constant 0 : i32
        %dma_start3A_464 = arith.constant 0 : i32
        %dma_start3A_465 = tpu.memref_slice %arg6[%dma_start3A_463, %dma_start3A_464] : memref<1015808x32xi32, #tpu.memory_space<hbm>> -> memref<1015808x32xi32, #tpu.memory_space<hbm>>
        tpu.enqueue_indirect_dma source(%dma_start3A_465 : memref<1015808x32xi32, #tpu.memory_space<hbm>>) target(%dma_start3A_459 : memref<64x32xi32, #tpu.memory_space<vmem>>) offsets(%dma_start3A_462 : memref<64xi32, #tpu.memory_space<vmem>>) semaphore(%arg17 : memref<!tpu.dma_semaphore, #tpu.memory_space<semaphore_mem>>)
        %mul3A_466 = arith.constant 5 : i32
        %mul3A_467 = arith.muli %add3A_428, %mul3A_466 : i32
        %add3A_468 = arith.constant 1 : i32
        %add3A_469 = arith.addi %mul3A_467, %add3A_468 : i32
        %dma_start3A_470 = arith.constant 0 : i32
        %dma_start3A_471 = arith.constant 64 : i32
        %dma_start3A_472 = arith.constant 0 : i32
        %dma_start3A_473 = tpu.memref_slice %arg14[%dma_start3A_470, %dma_start3A_471, %dma_start3A_472] : memref<2x320x32xi32, #tpu.memory_space<vmem>> -> memref<1x64x32xi32, #tpu.memory_space<vmem>>
        %dma_start3A_474 = tpu.memref_squeeze %dma_start3A_473 : memref<1x64x32xi32, #tpu.memory_space<vmem>> -> memref<64x32xi32, #tpu.memory_space<vmem>>
        %dma_start3A_475 = arith.constant 0 : i32
        %dma_start3A_476 = tpu.memref_slice %arg11[%add3A_469, %dma_start3A_475] : memref<160x64xi32, #tpu.memory_space<vmem>> -> memref<1x64xi32, #tpu.memory_space<vmem>>
        %dma_start3A_477 = tpu.memref_squeeze %dma_start3A_476 : memref<1x64xi32, #tpu.memory_space<vmem>> -> memref<64xi32, #tpu.memory_space<vmem>>
        %dma_start3A_478 = arith.constant 0 : i32
        %dma_start3A_479 = arith.constant 0 : i32
        %dma_start3A_480 = tpu.memref_slice %arg6[%dma_start3A_478, %dma_start3A_479] : memref<1015808x32xi32, #tpu.memory_space<hbm>> -> memref<1015808x32xi32, #tpu.memory_space<hbm>>
        tpu.enqueue_indirect_dma source(%dma_start3A_480 : memref<1015808x32xi32, #tpu.memory_space<hbm>>) target(%dma_start3A_474 : memref<64x32xi32, #tpu.memory_space<vmem>>) offsets(%dma_start3A_477 : memref<64xi32, #tpu.memory_space<vmem>>) semaphore(%arg17 : memref<!tpu.dma_semaphore, #tpu.memory_space<semaphore_mem>>)
        %mul3A_481 = arith.constant 5 : i32
        %mul3A_482 = arith.muli %add3A_428, %mul3A_481 : i32
        %add3A_483 = arith.constant 2 : i32
        %add3A_484 = arith.addi %mul3A_482, %add3A_483 : i32
        %dma_start3A_485 = arith.constant 0 : i32
        %dma_start3A_486 = arith.constant 128 : i32
        %dma_start3A_487 = arith.constant 0 : i32
        %dma_start3A_488 = tpu.memref_slice %arg14[%dma_start3A_485, %dma_start3A_486, %dma_start3A_487] : memref<2x320x32xi32, #tpu.memory_space<vmem>> -> memref<1x64x32xi32, #tpu.memory_space<vmem>>
        %dma_start3A_489 = tpu.memref_squeeze %dma_start3A_488 : memref<1x64x32xi32, #tpu.memory_space<vmem>> -> memref<64x32xi32, #tpu.memory_space<vmem>>
        %dma_start3A_490 = arith.constant 0 : i32
        %dma_start3A_491 = tpu.memref_slice %arg11[%add3A_484, %dma_start3A_490] : memref<160x64xi32, #tpu.memory_space<vmem>> -> memref<1x64xi32, #tpu.memory_space<vmem>>
        %dma_start3A_492 = tpu.memref_squeeze %dma_start3A_491 : memref<1x64xi32, #tpu.memory_space<vmem>> -> memref<64xi32, #tpu.memory_space<vmem>>
        %dma_start3A_493 = arith.constant 0 : i32
        %dma_start3A_494 = arith.constant 0 : i32
        %dma_start3A_495 = tpu.memref_slice %arg6[%dma_start3A_493, %dma_start3A_494] : memref<1015808x32xi32, #tpu.memory_space<hbm>> -> memref<1015808x32xi32, #tpu.memory_space<hbm>>
        tpu.enqueue_indirect_dma source(%dma_start3A_495 : memref<1015808x32xi32, #tpu.memory_space<hbm>>) target(%dma_start3A_489 : memref<64x32xi32, #tpu.memory_space<vmem>>) offsets(%dma_start3A_492 : memref<64xi32, #tpu.memory_space<vmem>>) semaphore(%arg17 : memref<!tpu.dma_semaphore, #tpu.memory_space<semaphore_mem>>)
        %mul3A_496 = arith.constant 5 : i32
        %mul3A_497 = arith.muli %add3A_428, %mul3A_496 : i32
        %add3A_498 = arith.constant 3 : i32
        %add3A_499 = arith.addi %mul3A_497, %add3A_498 : i32
        %dma_start3A_500 = arith.constant 0 : i32
        %dma_start3A_501 = arith.constant 192 : i32
        %dma_start3A_502 = arith.constant 0 : i32
        %dma_start3A_503 = tpu.memref_slice %arg14[%dma_start3A_500, %dma_start3A_501, %dma_start3A_502] : memref<2x320x32xi32, #tpu.memory_space<vmem>> -> memref<1x64x32xi32, #tpu.memory_space<vmem>>
        %dma_start3A_504 = tpu.memref_squeeze %dma_start3A_503 : memref<1x64x32xi32, #tpu.memory_space<vmem>> -> memref<64x32xi32, #tpu.memory_space<vmem>>
        %dma_start3A_505 = arith.constant 0 : i32
        %dma_start3A_506 = tpu.memref_slice %arg11[%add3A_499, %dma_start3A_505] : memref<160x64xi32, #tpu.memory_space<vmem>> -> memref<1x64xi32, #tpu.memory_space<vmem>>
        %dma_start3A_507 = tpu.memref_squeeze %dma_start3A_506 : memref<1x64xi32, #tpu.memory_space<vmem>> -> memref<64xi32, #tpu.memory_space<vmem>>
        %dma_start3A_508 = arith.constant 0 : i32
        %dma_start3A_509 = arith.constant 0 : i32
        %dma_start3A_510 = tpu.memref_slice %arg6[%dma_start3A_508, %dma_start3A_509] : memref<1015808x32xi32, #tpu.memory_space<hbm>> -> memref<1015808x32xi32, #tpu.memory_space<hbm>>
        tpu.enqueue_indirect_dma source(%dma_start3A_510 : memref<1015808x32xi32, #tpu.memory_space<hbm>>) target(%dma_start3A_504 : memref<64x32xi32, #tpu.memory_space<vmem>>) offsets(%dma_start3A_507 : memref<64xi32, #tpu.memory_space<vmem>>) semaphore(%arg17 : memref<!tpu.dma_semaphore, #tpu.memory_space<semaphore_mem>>)
        %mul3A_511 = arith.constant 5 : i32
        %mul3A_512 = arith.muli %add3A_428, %mul3A_511 : i32
        %add3A_513 = arith.constant 4 : i32
        %add3A_514 = arith.addi %mul3A_512, %add3A_513 : i32
        %dma_start3A_515 = arith.constant 0 : i32
        %dma_start3A_516 = arith.constant 256 : i32
        %dma_start3A_517 = arith.constant 0 : i32
        %dma_start3A_518 = tpu.memref_slice %arg14[%dma_start3A_515, %dma_start3A_516, %dma_start3A_517] : memref<2x320x32xi32, #tpu.memory_space<vmem>> -> memref<1x64x32xi32, #tpu.memory_space<vmem>>
        %dma_start3A_519 = tpu.memref_squeeze %dma_start3A_518 : memref<1x64x32xi32, #tpu.memory_space<vmem>> -> memref<64x32xi32, #tpu.memory_space<vmem>>
        %dma_start3A_520 = arith.constant 0 : i32
        %dma_start3A_521 = tpu.memref_slice %arg11[%add3A_514, %dma_start3A_520] : memref<160x64xi32, #tpu.memory_space<vmem>> -> memref<1x64xi32, #tpu.memory_space<vmem>>
        %dma_start3A_522 = tpu.memref_squeeze %dma_start3A_521 : memref<1x64xi32, #tpu.memory_space<vmem>> -> memref<64xi32, #tpu.memory_space<vmem>>
        %dma_start3A_523 = arith.constant 0 : i32
        %dma_start3A_524 = arith.constant 0 : i32
        %dma_start3A_525 = tpu.memref_slice %arg6[%dma_start3A_523, %dma_start3A_524] : memref<1015808x32xi32, #tpu.memory_space<hbm>> -> memref<1015808x32xi32, #tpu.memory_space<hbm>>
        tpu.enqueue_indirect_dma source(%dma_start3A_525 : memref<1015808x32xi32, #tpu.memory_space<hbm>>) target(%dma_start3A_519 : memref<64x32xi32, #tpu.memory_space<vmem>>) offsets(%dma_start3A_522 : memref<64xi32, #tpu.memory_space<vmem>>) semaphore(%arg17 : memref<!tpu.dma_semaphore, #tpu.memory_space<semaphore_mem>>)
      } else {
      }
      %dma_wait3A_312 = arith.constant 1 : i32
      %dma_wait3A_313 = arith.constant 0 : i32
      %dma_wait3A_314 = arith.constant 0 : i32
      %dma_wait3A_315 = tpu.memref_slice %arg12[%dma_wait3A_312, %dma_wait3A_313, %dma_wait3A_314] : memref<2x16x32xi32, #tpu.memory_space<vmem>> -> memref<1x16x32xi32, #tpu.memory_space<vmem>>
      %dma_wait3A_316 = tpu.memref_squeeze %dma_wait3A_315 : memref<1x16x32xi32, #tpu.memory_space<vmem>> -> memref<16x32xi32, #tpu.memory_space<vmem>>
      %dma_wait3A_317 = arith.constant 0 : i32
      %dma_wait3A_318 = tpu.memref_slice %arg9[%add3A_98, %dma_wait3A_317] : memref<32x16xi32, #tpu.memory_space<vmem>> -> memref<1x16xi32, #tpu.memory_space<vmem>>
      %dma_wait3A_319 = tpu.memref_squeeze %dma_wait3A_318 : memref<1x16xi32, #tpu.memory_space<vmem>> -> memref<16xi32, #tpu.memory_space<vmem>>
      %dma_wait3A_320 = arith.constant 0 : i32
      %dma_wait3A_321 = arith.constant 0 : i32
      %dma_wait3A_322 = tpu.memref_slice %arg5[%dma_wait3A_320, %dma_wait3A_321] : memref<1015808x32xi32, #tpu.memory_space<hbm>> -> memref<1015808x32xi32, #tpu.memory_space<hbm>>
      tpu.wait_indirect_dma semaphore(%arg18 : memref<!tpu.dma_semaphore, #tpu.memory_space<semaphore_mem>>) src(%dma_wait3A_322 : memref<1015808x32xi32, #tpu.memory_space<hbm>>) dst(%dma_wait3A_316 : memref<16x32xi32, #tpu.memory_space<vmem>>)
      %dma_wait3A_323 = arith.constant 1 : i32
      %dma_wait3A_324 = arith.constant 0 : i32
      %dma_wait3A_325 = arith.constant 0 : i32
      %dma_wait3A_326 = tpu.memref_slice %arg13[%dma_wait3A_323, %dma_wait3A_324, %dma_wait3A_325] : memref<2x16x32xi32, #tpu.memory_space<vmem>> -> memref<1x16x32xi32, #tpu.memory_space<vmem>>
      %dma_wait3A_327 = tpu.memref_squeeze %dma_wait3A_326 : memref<1x16x32xi32, #tpu.memory_space<vmem>> -> memref<16x32xi32, #tpu.memory_space<vmem>>
      %dma_wait3A_328 = arith.constant 0 : i32
      %dma_wait3A_329 = tpu.memref_slice %arg10[%add3A_98, %dma_wait3A_328] : memref<32x16xi32, #tpu.memory_space<vmem>> -> memref<1x16xi32, #tpu.memory_space<vmem>>
      %dma_wait3A_330 = tpu.memref_squeeze %dma_wait3A_329 : memref<1x16xi32, #tpu.memory_space<vmem>> -> memref<16xi32, #tpu.memory_space<vmem>>
      %dma_wait3A_331 = arith.constant 0 : i32
      %dma_wait3A_332 = arith.constant 0 : i32
      %dma_wait3A_333 = tpu.memref_slice %arg6[%dma_wait3A_331, %dma_wait3A_332] : memref<1015808x32xi32, #tpu.memory_space<hbm>> -> memref<1015808x32xi32, #tpu.memory_space<hbm>>
      tpu.wait_indirect_dma semaphore(%arg18 : memref<!tpu.dma_semaphore, #tpu.memory_space<semaphore_mem>>) src(%dma_wait3A_333 : memref<1015808x32xi32, #tpu.memory_space<hbm>>) dst(%dma_wait3A_327 : memref<16x32xi32, #tpu.memory_space<vmem>>)
      %mul3A_334 = arith.constant 5 : i32
      %mul3A_335 = arith.muli %add3A_98, %mul3A_334 : i32
      %add3A_336 = arith.constant 0 : i32
      %add3A_337 = arith.addi %mul3A_335, %add3A_336 : i32
      %dma_wait3A_338 = arith.constant 1 : i32
      %dma_wait3A_339 = arith.constant 0 : i32
      %dma_wait3A_340 = arith.constant 0 : i32
      %dma_wait3A_341 = tpu.memref_slice %arg14[%dma_wait3A_338, %dma_wait3A_339, %dma_wait3A_340] : memref<2x320x32xi32, #tpu.memory_space<vmem>> -> memref<1x64x32xi32, #tpu.memory_space<vmem>>
      %dma_wait3A_342 = tpu.memref_squeeze %dma_wait3A_341 : memref<1x64x32xi32, #tpu.memory_space<vmem>> -> memref<64x32xi32, #tpu.memory_space<vmem>>
      %dma_wait3A_343 = arith.constant 0 : i32
      %dma_wait3A_344 = tpu.memref_slice %arg11[%add3A_337, %dma_wait3A_343] : memref<160x64xi32, #tpu.memory_space<vmem>> -> memref<1x64xi32, #tpu.memory_space<vmem>>
      %dma_wait3A_345 = tpu.memref_squeeze %dma_wait3A_344 : memref<1x64xi32, #tpu.memory_space<vmem>> -> memref<64xi32, #tpu.memory_space<vmem>>
      %dma_wait3A_346 = arith.constant 0 : i32
      %dma_wait3A_347 = arith.constant 0 : i32
      %dma_wait3A_348 = tpu.memref_slice %arg6[%dma_wait3A_346, %dma_wait3A_347] : memref<1015808x32xi32, #tpu.memory_space<hbm>> -> memref<1015808x32xi32, #tpu.memory_space<hbm>>
      tpu.wait_indirect_dma semaphore(%arg18 : memref<!tpu.dma_semaphore, #tpu.memory_space<semaphore_mem>>) src(%dma_wait3A_348 : memref<1015808x32xi32, #tpu.memory_space<hbm>>) dst(%dma_wait3A_342 : memref<64x32xi32, #tpu.memory_space<vmem>>)
      %mul3A_349 = arith.constant 5 : i32
      %mul3A_350 = arith.muli %add3A_98, %mul3A_349 : i32
      %add3A_351 = arith.constant 1 : i32
      %add3A_352 = arith.addi %mul3A_350, %add3A_351 : i32
      %dma_wait3A_353 = arith.constant 1 : i32
      %dma_wait3A_354 = arith.constant 64 : i32
      %dma_wait3A_355 = arith.constant 0 : i32
      %dma_wait3A_356 = tpu.memref_slice %arg14[%dma_wait3A_353, %dma_wait3A_354, %dma_wait3A_355] : memref<2x320x32xi32, #tpu.memory_space<vmem>> -> memref<1x64x32xi32, #tpu.memory_space<vmem>>
      %dma_wait3A_357 = tpu.memref_squeeze %dma_wait3A_356 : memref<1x64x32xi32, #tpu.memory_space<vmem>> -> memref<64x32xi32, #tpu.memory_space<vmem>>
      %dma_wait3A_358 = arith.constant 0 : i32
      %dma_wait3A_359 = tpu.memref_slice %arg11[%add3A_352, %dma_wait3A_358] : memref<160x64xi32, #tpu.memory_space<vmem>> -> memref<1x64xi32, #tpu.memory_space<vmem>>
      %dma_wait3A_360 = tpu.memref_squeeze %dma_wait3A_359 : memref<1x64xi32, #tpu.memory_space<vmem>> -> memref<64xi32, #tpu.memory_space<vmem>>
      %dma_wait3A_361 = arith.constant 0 : i32
      %dma_wait3A_362 = arith.constant 0 : i32
      %dma_wait3A_363 = tpu.memref_slice %arg6[%dma_wait3A_361, %dma_wait3A_362] : memref<1015808x32xi32, #tpu.memory_space<hbm>> -> memref<1015808x32xi32, #tpu.memory_space<hbm>>
      tpu.wait_indirect_dma semaphore(%arg18 : memref<!tpu.dma_semaphore, #tpu.memory_space<semaphore_mem>>) src(%dma_wait3A_363 : memref<1015808x32xi32, #tpu.memory_space<hbm>>) dst(%dma_wait3A_357 : memref<64x32xi32, #tpu.memory_space<vmem>>)
      %mul3A_364 = arith.constant 5 : i32
      %mul3A_365 = arith.muli %add3A_98, %mul3A_364 : i32
      %add3A_366 = arith.constant 2 : i32
      %add3A_367 = arith.addi %mul3A_365, %add3A_366 : i32
      %dma_wait3A_368 = arith.constant 1 : i32
      %dma_wait3A_369 = arith.constant 128 : i32
      %dma_wait3A_370 = arith.constant 0 : i32
      %dma_wait3A_371 = tpu.memref_slice %arg14[%dma_wait3A_368, %dma_wait3A_369, %dma_wait3A_370] : memref<2x320x32xi32, #tpu.memory_space<vmem>> -> memref<1x64x32xi32, #tpu.memory_space<vmem>>
      %dma_wait3A_372 = tpu.memref_squeeze %dma_wait3A_371 : memref<1x64x32xi32, #tpu.memory_space<vmem>> -> memref<64x32xi32, #tpu.memory_space<vmem>>
      %dma_wait3A_373 = arith.constant 0 : i32
      %dma_wait3A_374 = tpu.memref_slice %arg11[%add3A_367, %dma_wait3A_373] : memref<160x64xi32, #tpu.memory_space<vmem>> -> memref<1x64xi32, #tpu.memory_space<vmem>>
      %dma_wait3A_375 = tpu.memref_squeeze %dma_wait3A_374 : memref<1x64xi32, #tpu.memory_space<vmem>> -> memref<64xi32, #tpu.memory_space<vmem>>
      %dma_wait3A_376 = arith.constant 0 : i32
      %dma_wait3A_377 = arith.constant 0 : i32
      %dma_wait3A_378 = tpu.memref_slice %arg6[%dma_wait3A_376, %dma_wait3A_377] : memref<1015808x32xi32, #tpu.memory_space<hbm>> -> memref<1015808x32xi32, #tpu.memory_space<hbm>>
      tpu.wait_indirect_dma semaphore(%arg18 : memref<!tpu.dma_semaphore, #tpu.memory_space<semaphore_mem>>) src(%dma_wait3A_378 : memref<1015808x32xi32, #tpu.memory_space<hbm>>) dst(%dma_wait3A_372 : memref<64x32xi32, #tpu.memory_space<vmem>>)
      %mul3A_379 = arith.constant 5 : i32
      %mul3A_380 = arith.muli %add3A_98, %mul3A_379 : i32
      %add3A_381 = arith.constant 3 : i32
      %add3A_382 = arith.addi %mul3A_380, %add3A_381 : i32
      %dma_wait3A_383 = arith.constant 1 : i32
      %dma_wait3A_384 = arith.constant 192 : i32
      %dma_wait3A_385 = arith.constant 0 : i32
      %dma_wait3A_386 = tpu.memref_slice %arg14[%dma_wait3A_383, %dma_wait3A_384, %dma_wait3A_385] : memref<2x320x32xi32, #tpu.memory_space<vmem>> -> memref<1x64x32xi32, #tpu.memory_space<vmem>>
      %dma_wait3A_387 = tpu.memref_squeeze %dma_wait3A_386 : memref<1x64x32xi32, #tpu.memory_space<vmem>> -> memref<64x32xi32, #tpu.memory_space<vmem>>
      %dma_wait3A_388 = arith.constant 0 : i32
      %dma_wait3A_389 = tpu.memref_slice %arg11[%add3A_382, %dma_wait3A_388] : memref<160x64xi32, #tpu.memory_space<vmem>> -> memref<1x64xi32, #tpu.memory_space<vmem>>
      %dma_wait3A_390 = tpu.memref_squeeze %dma_wait3A_389 : memref<1x64xi32, #tpu.memory_space<vmem>> -> memref<64xi32, #tpu.memory_space<vmem>>
      %dma_wait3A_391 = arith.constant 0 : i32
      %dma_wait3A_392 = arith.constant 0 : i32
      %dma_wait3A_393 = tpu.memref_slice %arg6[%dma_wait3A_391, %dma_wait3A_392] : memref<1015808x32xi32, #tpu.memory_space<hbm>> -> memref<1015808x32xi32, #tpu.memory_space<hbm>>
      tpu.wait_indirect_dma semaphore(%arg18 : memref<!tpu.dma_semaphore, #tpu.memory_space<semaphore_mem>>) src(%dma_wait3A_393 : memref<1015808x32xi32, #tpu.memory_space<hbm>>) dst(%dma_wait3A_387 : memref<64x32xi32, #tpu.memory_space<vmem>>)
      %mul3A_394 = arith.constant 5 : i32
      %mul3A_395 = arith.muli %add3A_98, %mul3A_394 : i32
      %add3A_396 = arith.constant 4 : i32
      %add3A_397 = arith.addi %mul3A_395, %add3A_396 : i32
      %dma_wait3A_398 = arith.constant 1 : i32
      %dma_wait3A_399 = arith.constant 256 : i32
      %dma_wait3A_400 = arith.constant 0 : i32
      %dma_wait3A_401 = tpu.memref_slice %arg14[%dma_wait3A_398, %dma_wait3A_399, %dma_wait3A_400] : memref<2x320x32xi32, #tpu.memory_space<vmem>> -> memref<1x64x32xi32, #tpu.memory_space<vmem>>
      %dma_wait3A_402 = tpu.memref_squeeze %dma_wait3A_401 : memref<1x64x32xi32, #tpu.memory_space<vmem>> -> memref<64x32xi32, #tpu.memory_space<vmem>>
      %dma_wait3A_403 = arith.constant 0 : i32
      %dma_wait3A_404 = tpu.memref_slice %arg11[%add3A_397, %dma_wait3A_403] : memref<160x64xi32, #tpu.memory_space<vmem>> -> memref<1x64xi32, #tpu.memory_space<vmem>>
      %dma_wait3A_405 = tpu.memref_squeeze %dma_wait3A_404 : memref<1x64xi32, #tpu.memory_space<vmem>> -> memref<64xi32, #tpu.memory_space<vmem>>
      %dma_wait3A_406 = arith.constant 0 : i32
      %dma_wait3A_407 = arith.constant 0 : i32
      %dma_wait3A_408 = tpu.memref_slice %arg6[%dma_wait3A_406, %dma_wait3A_407] : memref<1015808x32xi32, #tpu.memory_space<hbm>> -> memref<1015808x32xi32, #tpu.memory_space<hbm>>
      tpu.wait_indirect_dma semaphore(%arg18 : memref<!tpu.dma_semaphore, #tpu.memory_space<semaphore_mem>>) src(%dma_wait3A_408 : memref<1015808x32xi32, #tpu.memory_space<hbm>>) dst(%dma_wait3A_402 : memref<64x32xi32, #tpu.memory_space<vmem>>)
      %scan3A_409 = arith.constant 1 : i32
      %scan3A_410 = arith.constant 1 : i32
      %scan3A_411 = arith.constant 1 : i32
      %scan3A_412 = arith.constant 0 : i32
      %scan3A_413 = arith.constant 16 : i32
      %scan3A_414 = arith.addi %scan3A_412, %scan3A_413 : i32
      %scan3A_415 = arith.constant 1 : i32
      %scan3A_416:2 = scf.for %scan3A_427 = %scan3A_412 to %scan3A_414 step %scan3A_415 iter_args(%scan3A_428 = %broadcast_in_dim3A_3, %scan3A_429 = %broadcast_in_dim3A_3) -> (vector<16xf32>, vector<16xf32>)  : i32 {
        %mul3A_430 = arith.constant 20 : i32
        %mul3A_431 = arith.muli %scan3A_427, %mul3A_430 : i32
        %get3A = arith.constant 0 : i32
        %get3A_432 = arith.constant 0 : i32
        %get3A_433 = tpu.memref_slice %arg12[%scan3A_409, %get3A, %get3A_432] : memref<2x16x32xi32, #tpu.memory_space<vmem>> -> memref<1x16x32xi32, #tpu.memory_space<vmem>>
        %get3A_434 = tpu.memref_squeeze %get3A_433 : memref<1x16x32xi32, #tpu.memory_space<vmem>> -> memref<16x32xi32, #tpu.memory_space<vmem>>
        %get3A_435 = arith.index_cast %scan3A_427 : i32 to index
        %get3A_436 = arith.constant 0 : index
        %get3A_437 = tpu.vector_load %get3A_434[%get3A_435, %get3A_436] {strides = array<i32>} : memref<16x32xi32, #tpu.memory_space<vmem>>, vector<16xi32>,
        %shift_left3A = arith.constant 16 : i32
        %shift_left3A_438 = vector.broadcast %shift_left3A : i32 to vector<16xi32>
        %shift_left3A_439 = arith.shli %get3A_437, %shift_left3A_438 : vector<16xi32>
        %bitcast3A = vector.bitcast %shift_left3A_439 : vector<16xi32> to vector<16xf32>
        %and3A = arith.constant -65536 : i32
        %and3A_440 = vector.broadcast %and3A : i32 to vector<16xi32>
        %and3A_441 = arith.andi %get3A_437, %and3A_440 : vector<16xi32>
        %bitcast3A_442 = vector.bitcast %and3A_441 : vector<16xi32> to vector<16xf32>
        %get3A_443 = arith.constant 0 : i32
        %get3A_444 = arith.constant 0 : i32
        %get3A_445 = tpu.memref_slice %arg13[%scan3A_410, %get3A_443, %get3A_444] : memref<2x16x32xi32, #tpu.memory_space<vmem>> -> memref<1x16x32xi32, #tpu.memory_space<vmem>>
        %get3A_446 = tpu.memref_squeeze %get3A_445 : memref<1x16x32xi32, #tpu.memory_space<vmem>> -> memref<16x32xi32, #tpu.memory_space<vmem>>
        %get3A_447 = arith.index_cast %scan3A_427 : i32 to index
        %get3A_448 = arith.constant 0 : index
        %get3A_449 = tpu.vector_load %get3A_446[%get3A_447, %get3A_448] {strides = array<i32>} : memref<16x32xi32, #tpu.memory_space<vmem>>, vector<16xi32>,
        %shift_left3A_450 = arith.constant 16 : i32
        %shift_left3A_451 = vector.broadcast %shift_left3A_450 : i32 to vector<16xi32>
        %shift_left3A_452 = arith.shli %get3A_449, %shift_left3A_451 : vector<16xi32>
        %bitcast3A_453 = vector.bitcast %shift_left3A_452 : vector<16xi32> to vector<16xf32>
        %and3A_454 = arith.constant -65536 : i32
        %and3A_455 = vector.broadcast %and3A_454 : i32 to vector<16xi32>
        %and3A_456 = arith.andi %get3A_449, %and3A_455 : vector<16xi32>
        %bitcast3A_457 = vector.bitcast %and3A_456 : vector<16xi32> to vector<16xf32>
        %mul3A_458 = arith.mulf %bitcast3A, %bitcast3A_453 : vector<16xf32>
        %add3A_459 = arith.addf %broadcast_in_dim3A_3, %mul3A_458 : vector<16xf32>
        %mul3A_460 = arith.mulf %bitcast3A_442, %bitcast3A_457 : vector<16xf32>
        %add3A_461 = arith.addf %add3A_459, %mul3A_460 : vector<16xf32>
        %get3A_462 = arith.constant 0 : i32
        %get3A_463 = arith.constant 0 : i32
        %get3A_464 = tpu.memref_slice %arg14[%scan3A_411, %get3A_462, %get3A_463] : memref<2x320x32xi32, #tpu.memory_space<vmem>> -> memref<1x320x32xi32, #tpu.memory_space<vmem>>
        %get3A_465 = tpu.memref_squeeze %get3A_464 : memref<1x320x32xi32, #tpu.memory_space<vmem>> -> memref<320x32xi32, #tpu.memory_space<vmem>>
        %get3A_466 = arith.index_cast %mul3A_431 : i32 to index
        %get3A_467 = arith.constant 0 : index
        %get3A_468 = tpu.vector_load %get3A_465[%get3A_466, %get3A_467] {strides = array<i32>} : memref<320x32xi32, #tpu.memory_space<vmem>>, vector<16xi32>,
        %shift_left3A_469 = arith.constant 16 : i32
        %shift_left3A_470 = vector.broadcast %shift_left3A_469 : i32 to vector<16xi32>
        %shift_left3A_471 = arith.shli %get3A_468, %shift_left3A_470 : vector<16xi32>
        %bitcast3A_472 = vector.bitcast %shift_left3A_471 : vector<16xi32> to vector<16xf32>
        %and3A_473 = arith.constant -65536 : i32
        %and3A_474 = vector.broadcast %and3A_473 : i32 to vector<16xi32>
        %and3A_475 = arith.andi %get3A_468, %and3A_474 : vector<16xi32>
        %bitcast3A_476 = vector.bitcast %and3A_475 : vector<16xi32> to vector<16xf32>
        %add3A_477 = arith.constant 1 : i32
        %add3A_478 = arith.addi %mul3A_431, %add3A_477 : i32
        %get3A_479 = arith.constant 0 : i32
        %get3A_480 = arith.constant 0 : i32
        %get3A_481 = tpu.memref_slice %arg14[%scan3A_411, %get3A_479, %get3A_480] : memref<2x320x32xi32, #tpu.memory_space<vmem>> -> memref<1x320x32xi32, #tpu.memory_space<vmem>>
        %get3A_482 = tpu.memref_squeeze %get3A_481 : memref<1x320x32xi32, #tpu.memory_space<vmem>> -> memref<320x32xi32, #tpu.memory_space<vmem>>
        %get3A_483 = arith.index_cast %add3A_478 : i32 to index
        %get3A_484 = arith.constant 0 : index
        %get3A_485 = tpu.vector_load %get3A_482[%get3A_483, %get3A_484] {strides = array<i32>} : memref<320x32xi32, #tpu.memory_space<vmem>>, vector<16xi32>,
        %shift_left3A_486 = arith.constant 16 : i32
        %shift_left3A_487 = vector.broadcast %shift_left3A_486 : i32 to vector<16xi32>
        %shift_left3A_488 = arith.shli %get3A_485, %shift_left3A_487 : vector<16xi32>
        %bitcast3A_489 = vector.bitcast %shift_left3A_488 : vector<16xi32> to vector<16xf32>
        %and3A_490 = arith.constant -65536 : i32
        %and3A_491 = vector.broadcast %and3A_490 : i32 to vector<16xi32>
        %and3A_492 = arith.andi %get3A_485, %and3A_491 : vector<16xi32>
        %bitcast3A_493 = vector.bitcast %and3A_492 : vector<16xi32> to vector<16xf32>
        %add3A_494 = arith.addf %bitcast3A_472, %bitcast3A_489 : vector<16xf32>
        %add3A_495 = arith.addf %bitcast3A_476, %bitcast3A_493 : vector<16xf32>
        %add3A_496 = arith.constant 2 : i32
        %add3A_497 = arith.addi %mul3A_431, %add3A_496 : i32
        %get3A_498 = arith.constant 0 : i32
        %get3A_499 = arith.constant 0 : i32
        %get3A_500 = tpu.memref_slice %arg14[%scan3A_411, %get3A_498, %get3A_499] : memref<2x320x32xi32, #tpu.memory_space<vmem>> -> memref<1x320x32xi32, #tpu.memory_space<vmem>>
        %get3A_501 = tpu.memref_squeeze %get3A_500 : memref<1x320x32xi32, #tpu.memory_space<vmem>> -> memref<320x32xi32, #tpu.memory_space<vmem>>
        %get3A_502 = arith.index_cast %add3A_497 : i32 to index
        %get3A_503 = arith.constant 0 : index
        %get3A_504 = tpu.vector_load %get3A_501[%get3A_502, %get3A_503] {strides = array<i32>} : memref<320x32xi32, #tpu.memory_space<vmem>>, vector<16xi32>,
        %shift_left3A_505 = arith.constant 16 : i32
        %shift_left3A_506 = vector.broadcast %shift_left3A_505 : i32 to vector<16xi32>
        %shift_left3A_507 = arith.shli %get3A_504, %shift_left3A_506 : vector<16xi32>
        %bitcast3A_508 = vector.bitcast %shift_left3A_507 : vector<16xi32> to vector<16xf32>
        %and3A_509 = arith.constant -65536 : i32
        %and3A_510 = vector.broadcast %and3A_509 : i32 to vector<16xi32>
        %and3A_511 = arith.andi %get3A_504, %and3A_510 : vector<16xi32>
        %bitcast3A_512 = vector.bitcast %and3A_511 : vector<16xi32> to vector<16xf32>
        %add3A_513 = arith.addf %add3A_494, %bitcast3A_508 : vector<16xf32>
        %add3A_514 = arith.addf %add3A_495, %bitcast3A_512 : vector<16xf32>
        %add3A_515 = arith.constant 3 : i32
        %add3A_516 = arith.addi %mul3A_431, %add3A_515 : i32
        %get3A_517 = arith.constant 0 : i32
        %get3A_518 = arith.constant 0 : i32
        %get3A_519 = tpu.memref_slice %arg14[%scan3A_411, %get3A_517, %get3A_518] : memref<2x320x32xi32, #tpu.memory_space<vmem>> -> memref<1x320x32xi32, #tpu.memory_space<vmem>>
        %get3A_520 = tpu.memref_squeeze %get3A_519 : memref<1x320x32xi32, #tpu.memory_space<vmem>> -> memref<320x32xi32, #tpu.memory_space<vmem>>
        %get3A_521 = arith.index_cast %add3A_516 : i32 to index
        %get3A_522 = arith.constant 0 : index
        %get3A_523 = tpu.vector_load %get3A_520[%get3A_521, %get3A_522] {strides = array<i32>} : memref<320x32xi32, #tpu.memory_space<vmem>>, vector<16xi32>,
        %shift_left3A_524 = arith.constant 16 : i32
        %shift_left3A_525 = vector.broadcast %shift_left3A_524 : i32 to vector<16xi32>
        %shift_left3A_526 = arith.shli %get3A_523, %shift_left3A_525 : vector<16xi32>
        %bitcast3A_527 = vector.bitcast %shift_left3A_526 : vector<16xi32> to vector<16xf32>
        %and3A_528 = arith.constant -65536 : i32
        %and3A_529 = vector.broadcast %and3A_528 : i32 to vector<16xi32>
        %and3A_530 = arith.andi %get3A_523, %and3A_529 : vector<16xi32>
        %bitcast3A_531 = vector.bitcast %and3A_530 : vector<16xi32> to vector<16xf32>
        %add3A_532 = arith.addf %add3A_513, %bitcast3A_527 : vector<16xf32>
        %add3A_533 = arith.addf %add3A_514, %bitcast3A_531 : vector<16xf32>
        %add3A_534 = arith.constant 4 : i32
        %add3A_535 = arith.addi %mul3A_431, %add3A_534 : i32
        %get3A_536 = arith.constant 0 : i32
        %get3A_537 = arith.constant 0 : i32
        %get3A_538 = tpu.memref_slice %arg14[%scan3A_411, %get3A_536, %get3A_537] : memref<2x320x32xi32, #tpu.memory_space<vmem>> -> memref<1x320x32xi32, #tpu.memory_space<vmem>>
        %get3A_539 = tpu.memref_squeeze %get3A_538 : memref<1x320x32xi32, #tpu.memory_space<vmem>> -> memref<320x32xi32, #tpu.memory_space<vmem>>
        %get3A_540 = arith.index_cast %add3A_535 : i32 to index
        %get3A_541 = arith.constant 0 : index
        %get3A_542 = tpu.vector_load %get3A_539[%get3A_540, %get3A_541] {strides = array<i32>} : memref<320x32xi32, #tpu.memory_space<vmem>>, vector<16xi32>,
        %shift_left3A_543 = arith.constant 16 : i32
        %shift_left3A_544 = vector.broadcast %shift_left3A_543 : i32 to vector<16xi32>
        %shift_left3A_545 = arith.shli %get3A_542, %shift_left3A_544 : vector<16xi32>
        %bitcast3A_546 = vector.bitcast %shift_left3A_545 : vector<16xi32> to vector<16xf32>
        %and3A_547 = arith.constant -65536 : i32
        %and3A_548 = vector.broadcast %and3A_547 : i32 to vector<16xi32>
        %and3A_549 = arith.andi %get3A_542, %and3A_548 : vector<16xi32>
        %bitcast3A_550 = vector.bitcast %and3A_549 : vector<16xi32> to vector<16xf32>
        %add3A_551 = arith.addf %add3A_532, %bitcast3A_546 : vector<16xf32>
        %add3A_552 = arith.addf %add3A_533, %bitcast3A_550 : vector<16xf32>
        %add3A_553 = arith.constant 5 : i32
        %add3A_554 = arith.addi %mul3A_431, %add3A_553 : i32
        %get3A_555 = arith.constant 0 : i32
        %get3A_556 = arith.constant 0 : i32
        %get3A_557 = tpu.memref_slice %arg14[%scan3A_411, %get3A_555, %get3A_556] : memref<2x320x32xi32, #tpu.memory_space<vmem>> -> memref<1x320x32xi32, #tpu.memory_space<vmem>>
        %get3A_558 = tpu.memref_squeeze %get3A_557 : memref<1x320x32xi32, #tpu.memory_space<vmem>> -> memref<320x32xi32, #tpu.memory_space<vmem>>
        %get3A_559 = arith.index_cast %add3A_554 : i32 to index
        %get3A_560 = arith.constant 0 : index
        %get3A_561 = tpu.vector_load %get3A_558[%get3A_559, %get3A_560] {strides = array<i32>} : memref<320x32xi32, #tpu.memory_space<vmem>>, vector<16xi32>,
        %shift_left3A_562 = arith.constant 16 : i32
        %shift_left3A_563 = vector.broadcast %shift_left3A_562 : i32 to vector<16xi32>
        %shift_left3A_564 = arith.shli %get3A_561, %shift_left3A_563 : vector<16xi32>
        %bitcast3A_565 = vector.bitcast %shift_left3A_564 : vector<16xi32> to vector<16xf32>
        %and3A_566 = arith.constant -65536 : i32
        %and3A_567 = vector.broadcast %and3A_566 : i32 to vector<16xi32>
        %and3A_568 = arith.andi %get3A_561, %and3A_567 : vector<16xi32>
        %bitcast3A_569 = vector.bitcast %and3A_568 : vector<16xi32> to vector<16xf32>
        %add3A_570 = arith.addf %add3A_551, %bitcast3A_565 : vector<16xf32>
        %add3A_571 = arith.addf %add3A_552, %bitcast3A_569 : vector<16xf32>
        %add3A_572 = arith.constant 6 : i32
        %add3A_573 = arith.addi %mul3A_431, %add3A_572 : i32
        %get3A_574 = arith.constant 0 : i32
        %get3A_575 = arith.constant 0 : i32
        %get3A_576 = tpu.memref_slice %arg14[%scan3A_411, %get3A_574, %get3A_575] : memref<2x320x32xi32, #tpu.memory_space<vmem>> -> memref<1x320x32xi32, #tpu.memory_space<vmem>>
        %get3A_577 = tpu.memref_squeeze %get3A_576 : memref<1x320x32xi32, #tpu.memory_space<vmem>> -> memref<320x32xi32, #tpu.memory_space<vmem>>
        %get3A_578 = arith.index_cast %add3A_573 : i32 to index
        %get3A_579 = arith.constant 0 : index
        %get3A_580 = tpu.vector_load %get3A_577[%get3A_578, %get3A_579] {strides = array<i32>} : memref<320x32xi32, #tpu.memory_space<vmem>>, vector<16xi32>,
        %shift_left3A_581 = arith.constant 16 : i32
        %shift_left3A_582 = vector.broadcast %shift_left3A_581 : i32 to vector<16xi32>
        %shift_left3A_583 = arith.shli %get3A_580, %shift_left3A_582 : vector<16xi32>
        %bitcast3A_584 = vector.bitcast %shift_left3A_583 : vector<16xi32> to vector<16xf32>
        %and3A_585 = arith.constant -65536 : i32
        %and3A_586 = vector.broadcast %and3A_585 : i32 to vector<16xi32>
        %and3A_587 = arith.andi %get3A_580, %and3A_586 : vector<16xi32>
        %bitcast3A_588 = vector.bitcast %and3A_587 : vector<16xi32> to vector<16xf32>
        %add3A_589 = arith.addf %add3A_570, %bitcast3A_584 : vector<16xf32>
        %add3A_590 = arith.addf %add3A_571, %bitcast3A_588 : vector<16xf32>
        %add3A_591 = arith.constant 7 : i32
        %add3A_592 = arith.addi %mul3A_431, %add3A_591 : i32
        %get3A_593 = arith.constant 0 : i32
        %get3A_594 = arith.constant 0 : i32
        %get3A_595 = tpu.memref_slice %arg14[%scan3A_411, %get3A_593, %get3A_594] : memref<2x320x32xi32, #tpu.memory_space<vmem>> -> memref<1x320x32xi32, #tpu.memory_space<vmem>>
        %get3A_596 = tpu.memref_squeeze %get3A_595 : memref<1x320x32xi32, #tpu.memory_space<vmem>> -> memref<320x32xi32, #tpu.memory_space<vmem>>
        %get3A_597 = arith.index_cast %add3A_592 : i32 to index
        %get3A_598 = arith.constant 0 : index
        %get3A_599 = tpu.vector_load %get3A_596[%get3A_597, %get3A_598] {strides = array<i32>} : memref<320x32xi32, #tpu.memory_space<vmem>>, vector<16xi32>,
        %shift_left3A_600 = arith.constant 16 : i32
        %shift_left3A_601 = vector.broadcast %shift_left3A_600 : i32 to vector<16xi32>
        %shift_left3A_602 = arith.shli %get3A_599, %shift_left3A_601 : vector<16xi32>
        %bitcast3A_603 = vector.bitcast %shift_left3A_602 : vector<16xi32> to vector<16xf32>
        %and3A_604 = arith.constant -65536 : i32
        %and3A_605 = vector.broadcast %and3A_604 : i32 to vector<16xi32>
        %and3A_606 = arith.andi %get3A_599, %and3A_605 : vector<16xi32>
        %bitcast3A_607 = vector.bitcast %and3A_606 : vector<16xi32> to vector<16xf32>
        %add3A_608 = arith.addf %add3A_589, %bitcast3A_603 : vector<16xf32>
        %add3A_609 = arith.addf %add3A_590, %bitcast3A_607 : vector<16xf32>
        %add3A_610 = arith.constant 8 : i32
        %add3A_611 = arith.addi %mul3A_431, %add3A_610 : i32
        %get3A_612 = arith.constant 0 : i32
        %get3A_613 = arith.constant 0 : i32
        %get3A_614 = tpu.memref_slice %arg14[%scan3A_411, %get3A_612, %get3A_613] : memref<2x320x32xi32, #tpu.memory_space<vmem>> -> memref<1x320x32xi32, #tpu.memory_space<vmem>>
        %get3A_615 = tpu.memref_squeeze %get3A_614 : memref<1x320x32xi32, #tpu.memory_space<vmem>> -> memref<320x32xi32, #tpu.memory_space<vmem>>
        %get3A_616 = arith.index_cast %add3A_611 : i32 to index
        %get3A_617 = arith.constant 0 : index
        %get3A_618 = tpu.vector_load %get3A_615[%get3A_616, %get3A_617] {strides = array<i32>} : memref<320x32xi32, #tpu.memory_space<vmem>>, vector<16xi32>,
        %shift_left3A_619 = arith.constant 16 : i32
        %shift_left3A_620 = vector.broadcast %shift_left3A_619 : i32 to vector<16xi32>
        %shift_left3A_621 = arith.shli %get3A_618, %shift_left3A_620 : vector<16xi32>
        %bitcast3A_622 = vector.bitcast %shift_left3A_621 : vector<16xi32> to vector<16xf32>
        %and3A_623 = arith.constant -65536 : i32
        %and3A_624 = vector.broadcast %and3A_623 : i32 to vector<16xi32>
        %and3A_625 = arith.andi %get3A_618, %and3A_624 : vector<16xi32>
        %bitcast3A_626 = vector.bitcast %and3A_625 : vector<16xi32> to vector<16xf32>
        %add3A_627 = arith.addf %add3A_608, %bitcast3A_622 : vector<16xf32>
        %add3A_628 = arith.addf %add3A_609, %bitcast3A_626 : vector<16xf32>
        %add3A_629 = arith.constant 9 : i32
        %add3A_630 = arith.addi %mul3A_431, %add3A_629 : i32
        %get3A_631 = arith.constant 0 : i32
        %get3A_632 = arith.constant 0 : i32
        %get3A_633 = tpu.memref_slice %arg14[%scan3A_411, %get3A_631, %get3A_632] : memref<2x320x32xi32, #tpu.memory_space<vmem>> -> memref<1x320x32xi32, #tpu.memory_space<vmem>>
        %get3A_634 = tpu.memref_squeeze %get3A_633 : memref<1x320x32xi32, #tpu.memory_space<vmem>> -> memref<320x32xi32, #tpu.memory_space<vmem>>
        %get3A_635 = arith.index_cast %add3A_630 : i32 to index
        %get3A_636 = arith.constant 0 : index
        %get3A_637 = tpu.vector_load %get3A_634[%get3A_635, %get3A_636] {strides = array<i32>} : memref<320x32xi32, #tpu.memory_space<vmem>>, vector<16xi32>,
        %shift_left3A_638 = arith.constant 16 : i32
        %shift_left3A_639 = vector.broadcast %shift_left3A_638 : i32 to vector<16xi32>
        %shift_left3A_640 = arith.shli %get3A_637, %shift_left3A_639 : vector<16xi32>
        %bitcast3A_641 = vector.bitcast %shift_left3A_640 : vector<16xi32> to vector<16xf32>
        %and3A_642 = arith.constant -65536 : i32
        %and3A_643 = vector.broadcast %and3A_642 : i32 to vector<16xi32>
        %and3A_644 = arith.andi %get3A_637, %and3A_643 : vector<16xi32>
        %bitcast3A_645 = vector.bitcast %and3A_644 : vector<16xi32> to vector<16xf32>
        %add3A_646 = arith.addf %add3A_627, %bitcast3A_641 : vector<16xf32>
        %add3A_647 = arith.addf %add3A_628, %bitcast3A_645 : vector<16xf32>
        %add3A_648 = arith.constant 10 : i32
        %add3A_649 = arith.addi %mul3A_431, %add3A_648 : i32
        %get3A_650 = arith.constant 0 : i32
        %get3A_651 = arith.constant 0 : i32
        %get3A_652 = tpu.memref_slice %arg14[%scan3A_411, %get3A_650, %get3A_651] : memref<2x320x32xi32, #tpu.memory_space<vmem>> -> memref<1x320x32xi32, #tpu.memory_space<vmem>>
        %get3A_653 = tpu.memref_squeeze %get3A_652 : memref<1x320x32xi32, #tpu.memory_space<vmem>> -> memref<320x32xi32, #tpu.memory_space<vmem>>
        %get3A_654 = arith.index_cast %add3A_649 : i32 to index
        %get3A_655 = arith.constant 0 : index
        %get3A_656 = tpu.vector_load %get3A_653[%get3A_654, %get3A_655] {strides = array<i32>} : memref<320x32xi32, #tpu.memory_space<vmem>>, vector<16xi32>,
        %shift_left3A_657 = arith.constant 16 : i32
        %shift_left3A_658 = vector.broadcast %shift_left3A_657 : i32 to vector<16xi32>
        %shift_left3A_659 = arith.shli %get3A_656, %shift_left3A_658 : vector<16xi32>
        %bitcast3A_660 = vector.bitcast %shift_left3A_659 : vector<16xi32> to vector<16xf32>
        %and3A_661 = arith.constant -65536 : i32
        %and3A_662 = vector.broadcast %and3A_661 : i32 to vector<16xi32>
        %and3A_663 = arith.andi %get3A_656, %and3A_662 : vector<16xi32>
        %bitcast3A_664 = vector.bitcast %and3A_663 : vector<16xi32> to vector<16xf32>
        %add3A_665 = arith.addf %add3A_646, %bitcast3A_660 : vector<16xf32>
        %add3A_666 = arith.addf %add3A_647, %bitcast3A_664 : vector<16xf32>
        %add3A_667 = arith.constant 11 : i32
        %add3A_668 = arith.addi %mul3A_431, %add3A_667 : i32
        %get3A_669 = arith.constant 0 : i32
        %get3A_670 = arith.constant 0 : i32
        %get3A_671 = tpu.memref_slice %arg14[%scan3A_411, %get3A_669, %get3A_670] : memref<2x320x32xi32, #tpu.memory_space<vmem>> -> memref<1x320x32xi32, #tpu.memory_space<vmem>>
        %get3A_672 = tpu.memref_squeeze %get3A_671 : memref<1x320x32xi32, #tpu.memory_space<vmem>> -> memref<320x32xi32, #tpu.memory_space<vmem>>
        %get3A_673 = arith.index_cast %add3A_668 : i32 to index
        %get3A_674 = arith.constant 0 : index
        %get3A_675 = tpu.vector_load %get3A_672[%get3A_673, %get3A_674] {strides = array<i32>} : memref<320x32xi32, #tpu.memory_space<vmem>>, vector<16xi32>,
        %shift_left3A_676 = arith.constant 16 : i32
        %shift_left3A_677 = vector.broadcast %shift_left3A_676 : i32 to vector<16xi32>
        %shift_left3A_678 = arith.shli %get3A_675, %shift_left3A_677 : vector<16xi32>
        %bitcast3A_679 = vector.bitcast %shift_left3A_678 : vector<16xi32> to vector<16xf32>
        %and3A_680 = arith.constant -65536 : i32
        %and3A_681 = vector.broadcast %and3A_680 : i32 to vector<16xi32>
        %and3A_682 = arith.andi %get3A_675, %and3A_681 : vector<16xi32>
        %bitcast3A_683 = vector.bitcast %and3A_682 : vector<16xi32> to vector<16xf32>
        %add3A_684 = arith.addf %add3A_665, %bitcast3A_679 : vector<16xf32>
        %add3A_685 = arith.addf %add3A_666, %bitcast3A_683 : vector<16xf32>
        %add3A_686 = arith.constant 12 : i32
        %add3A_687 = arith.addi %mul3A_431, %add3A_686 : i32
        %get3A_688 = arith.constant 0 : i32
        %get3A_689 = arith.constant 0 : i32
        %get3A_690 = tpu.memref_slice %arg14[%scan3A_411, %get3A_688, %get3A_689] : memref<2x320x32xi32, #tpu.memory_space<vmem>> -> memref<1x320x32xi32, #tpu.memory_space<vmem>>
        %get3A_691 = tpu.memref_squeeze %get3A_690 : memref<1x320x32xi32, #tpu.memory_space<vmem>> -> memref<320x32xi32, #tpu.memory_space<vmem>>
        %get3A_692 = arith.index_cast %add3A_687 : i32 to index
        %get3A_693 = arith.constant 0 : index
        %get3A_694 = tpu.vector_load %get3A_691[%get3A_692, %get3A_693] {strides = array<i32>} : memref<320x32xi32, #tpu.memory_space<vmem>>, vector<16xi32>,
        %shift_left3A_695 = arith.constant 16 : i32
        %shift_left3A_696 = vector.broadcast %shift_left3A_695 : i32 to vector<16xi32>
        %shift_left3A_697 = arith.shli %get3A_694, %shift_left3A_696 : vector<16xi32>
        %bitcast3A_698 = vector.bitcast %shift_left3A_697 : vector<16xi32> to vector<16xf32>
        %and3A_699 = arith.constant -65536 : i32
        %and3A_700 = vector.broadcast %and3A_699 : i32 to vector<16xi32>
        %and3A_701 = arith.andi %get3A_694, %and3A_700 : vector<16xi32>
        %bitcast3A_702 = vector.bitcast %and3A_701 : vector<16xi32> to vector<16xf32>
        %add3A_703 = arith.addf %add3A_684, %bitcast3A_698 : vector<16xf32>
        %add3A_704 = arith.addf %add3A_685, %bitcast3A_702 : vector<16xf32>
        %add3A_705 = arith.constant 13 : i32
        %add3A_706 = arith.addi %mul3A_431, %add3A_705 : i32
        %get3A_707 = arith.constant 0 : i32
        %get3A_708 = arith.constant 0 : i32
        %get3A_709 = tpu.memref_slice %arg14[%scan3A_411, %get3A_707, %get3A_708] : memref<2x320x32xi32, #tpu.memory_space<vmem>> -> memref<1x320x32xi32, #tpu.memory_space<vmem>>
        %get3A_710 = tpu.memref_squeeze %get3A_709 : memref<1x320x32xi32, #tpu.memory_space<vmem>> -> memref<320x32xi32, #tpu.memory_space<vmem>>
        %get3A_711 = arith.index_cast %add3A_706 : i32 to index
        %get3A_712 = arith.constant 0 : index
        %get3A_713 = tpu.vector_load %get3A_710[%get3A_711, %get3A_712] {strides = array<i32>} : memref<320x32xi32, #tpu.memory_space<vmem>>, vector<16xi32>,
        %shift_left3A_714 = arith.constant 16 : i32
        %shift_left3A_715 = vector.broadcast %shift_left3A_714 : i32 to vector<16xi32>
        %shift_left3A_716 = arith.shli %get3A_713, %shift_left3A_715 : vector<16xi32>
        %bitcast3A_717 = vector.bitcast %shift_left3A_716 : vector<16xi32> to vector<16xf32>
        %and3A_718 = arith.constant -65536 : i32
        %and3A_719 = vector.broadcast %and3A_718 : i32 to vector<16xi32>
        %and3A_720 = arith.andi %get3A_713, %and3A_719 : vector<16xi32>
        %bitcast3A_721 = vector.bitcast %and3A_720 : vector<16xi32> to vector<16xf32>
        %add3A_722 = arith.addf %add3A_703, %bitcast3A_717 : vector<16xf32>
        %add3A_723 = arith.addf %add3A_704, %bitcast3A_721 : vector<16xf32>
        %add3A_724 = arith.constant 14 : i32
        %add3A_725 = arith.addi %mul3A_431, %add3A_724 : i32
        %get3A_726 = arith.constant 0 : i32
        %get3A_727 = arith.constant 0 : i32
        %get3A_728 = tpu.memref_slice %arg14[%scan3A_411, %get3A_726, %get3A_727] : memref<2x320x32xi32, #tpu.memory_space<vmem>> -> memref<1x320x32xi32, #tpu.memory_space<vmem>>
        %get3A_729 = tpu.memref_squeeze %get3A_728 : memref<1x320x32xi32, #tpu.memory_space<vmem>> -> memref<320x32xi32, #tpu.memory_space<vmem>>
        %get3A_730 = arith.index_cast %add3A_725 : i32 to index
        %get3A_731 = arith.constant 0 : index
        %get3A_732 = tpu.vector_load %get3A_729[%get3A_730, %get3A_731] {strides = array<i32>} : memref<320x32xi32, #tpu.memory_space<vmem>>, vector<16xi32>,
        %shift_left3A_733 = arith.constant 16 : i32
        %shift_left3A_734 = vector.broadcast %shift_left3A_733 : i32 to vector<16xi32>
        %shift_left3A_735 = arith.shli %get3A_732, %shift_left3A_734 : vector<16xi32>
        %bitcast3A_736 = vector.bitcast %shift_left3A_735 : vector<16xi32> to vector<16xf32>
        %and3A_737 = arith.constant -65536 : i32
        %and3A_738 = vector.broadcast %and3A_737 : i32 to vector<16xi32>
        %and3A_739 = arith.andi %get3A_732, %and3A_738 : vector<16xi32>
        %bitcast3A_740 = vector.bitcast %and3A_739 : vector<16xi32> to vector<16xf32>
        %add3A_741 = arith.addf %add3A_722, %bitcast3A_736 : vector<16xf32>
        %add3A_742 = arith.addf %add3A_723, %bitcast3A_740 : vector<16xf32>
        %add3A_743 = arith.constant 15 : i32
        %add3A_744 = arith.addi %mul3A_431, %add3A_743 : i32
        %get3A_745 = arith.constant 0 : i32
        %get3A_746 = arith.constant 0 : i32
        %get3A_747 = tpu.memref_slice %arg14[%scan3A_411, %get3A_745, %get3A_746] : memref<2x320x32xi32, #tpu.memory_space<vmem>> -> memref<1x320x32xi32, #tpu.memory_space<vmem>>
        %get3A_748 = tpu.memref_squeeze %get3A_747 : memref<1x320x32xi32, #tpu.memory_space<vmem>> -> memref<320x32xi32, #tpu.memory_space<vmem>>
        %get3A_749 = arith.index_cast %add3A_744 : i32 to index
        %get3A_750 = arith.constant 0 : index
        %get3A_751 = tpu.vector_load %get3A_748[%get3A_749, %get3A_750] {strides = array<i32>} : memref<320x32xi32, #tpu.memory_space<vmem>>, vector<16xi32>,
        %shift_left3A_752 = arith.constant 16 : i32
        %shift_left3A_753 = vector.broadcast %shift_left3A_752 : i32 to vector<16xi32>
        %shift_left3A_754 = arith.shli %get3A_751, %shift_left3A_753 : vector<16xi32>
        %bitcast3A_755 = vector.bitcast %shift_left3A_754 : vector<16xi32> to vector<16xf32>
        %and3A_756 = arith.constant -65536 : i32
        %and3A_757 = vector.broadcast %and3A_756 : i32 to vector<16xi32>
        %and3A_758 = arith.andi %get3A_751, %and3A_757 : vector<16xi32>
        %bitcast3A_759 = vector.bitcast %and3A_758 : vector<16xi32> to vector<16xf32>
        %add3A_760 = arith.addf %add3A_741, %bitcast3A_755 : vector<16xf32>
        %add3A_761 = arith.addf %add3A_742, %bitcast3A_759 : vector<16xf32>
        %add3A_762 = arith.constant 16 : i32
        %add3A_763 = arith.addi %mul3A_431, %add3A_762 : i32
        %get3A_764 = arith.constant 0 : i32
        %get3A_765 = arith.constant 0 : i32
        %get3A_766 = tpu.memref_slice %arg14[%scan3A_411, %get3A_764, %get3A_765] : memref<2x320x32xi32, #tpu.memory_space<vmem>> -> memref<1x320x32xi32, #tpu.memory_space<vmem>>
        %get3A_767 = tpu.memref_squeeze %get3A_766 : memref<1x320x32xi32, #tpu.memory_space<vmem>> -> memref<320x32xi32, #tpu.memory_space<vmem>>
        %get3A_768 = arith.index_cast %add3A_763 : i32 to index
        %get3A_769 = arith.constant 0 : index
        %get3A_770 = tpu.vector_load %get3A_767[%get3A_768, %get3A_769] {strides = array<i32>} : memref<320x32xi32, #tpu.memory_space<vmem>>, vector<16xi32>,
        %shift_left3A_771 = arith.constant 16 : i32
        %shift_left3A_772 = vector.broadcast %shift_left3A_771 : i32 to vector<16xi32>
        %shift_left3A_773 = arith.shli %get3A_770, %shift_left3A_772 : vector<16xi32>
        %bitcast3A_774 = vector.bitcast %shift_left3A_773 : vector<16xi32> to vector<16xf32>
        %and3A_775 = arith.constant -65536 : i32
        %and3A_776 = vector.broadcast %and3A_775 : i32 to vector<16xi32>
        %and3A_777 = arith.andi %get3A_770, %and3A_776 : vector<16xi32>
        %bitcast3A_778 = vector.bitcast %and3A_777 : vector<16xi32> to vector<16xf32>
        %add3A_779 = arith.addf %add3A_760, %bitcast3A_774 : vector<16xf32>
        %add3A_780 = arith.addf %add3A_761, %bitcast3A_778 : vector<16xf32>
        %add3A_781 = arith.constant 17 : i32
        %add3A_782 = arith.addi %mul3A_431, %add3A_781 : i32
        %get3A_783 = arith.constant 0 : i32
        %get3A_784 = arith.constant 0 : i32
        %get3A_785 = tpu.memref_slice %arg14[%scan3A_411, %get3A_783, %get3A_784] : memref<2x320x32xi32, #tpu.memory_space<vmem>> -> memref<1x320x32xi32, #tpu.memory_space<vmem>>
        %get3A_786 = tpu.memref_squeeze %get3A_785 : memref<1x320x32xi32, #tpu.memory_space<vmem>> -> memref<320x32xi32, #tpu.memory_space<vmem>>
        %get3A_787 = arith.index_cast %add3A_782 : i32 to index
        %get3A_788 = arith.constant 0 : index
        %get3A_789 = tpu.vector_load %get3A_786[%get3A_787, %get3A_788] {strides = array<i32>} : memref<320x32xi32, #tpu.memory_space<vmem>>, vector<16xi32>,
        %shift_left3A_790 = arith.constant 16 : i32
        %shift_left3A_791 = vector.broadcast %shift_left3A_790 : i32 to vector<16xi32>
        %shift_left3A_792 = arith.shli %get3A_789, %shift_left3A_791 : vector<16xi32>
        %bitcast3A_793 = vector.bitcast %shift_left3A_792 : vector<16xi32> to vector<16xf32>
        %and3A_794 = arith.constant -65536 : i32
        %and3A_795 = vector.broadcast %and3A_794 : i32 to vector<16xi32>
        %and3A_796 = arith.andi %get3A_789, %and3A_795 : vector<16xi32>
        %bitcast3A_797 = vector.bitcast %and3A_796 : vector<16xi32> to vector<16xf32>
        %add3A_798 = arith.addf %add3A_779, %bitcast3A_793 : vector<16xf32>
        %add3A_799 = arith.addf %add3A_780, %bitcast3A_797 : vector<16xf32>
        %add3A_800 = arith.constant 18 : i32
        %add3A_801 = arith.addi %mul3A_431, %add3A_800 : i32
        %get3A_802 = arith.constant 0 : i32
        %get3A_803 = arith.constant 0 : i32
        %get3A_804 = tpu.memref_slice %arg14[%scan3A_411, %get3A_802, %get3A_803] : memref<2x320x32xi32, #tpu.memory_space<vmem>> -> memref<1x320x32xi32, #tpu.memory_space<vmem>>
        %get3A_805 = tpu.memref_squeeze %get3A_804 : memref<1x320x32xi32, #tpu.memory_space<vmem>> -> memref<320x32xi32, #tpu.memory_space<vmem>>
        %get3A_806 = arith.index_cast %add3A_801 : i32 to index
        %get3A_807 = arith.constant 0 : index
        %get3A_808 = tpu.vector_load %get3A_805[%get3A_806, %get3A_807] {strides = array<i32>} : memref<320x32xi32, #tpu.memory_space<vmem>>, vector<16xi32>,
        %shift_left3A_809 = arith.constant 16 : i32
        %shift_left3A_810 = vector.broadcast %shift_left3A_809 : i32 to vector<16xi32>
        %shift_left3A_811 = arith.shli %get3A_808, %shift_left3A_810 : vector<16xi32>
        %bitcast3A_812 = vector.bitcast %shift_left3A_811 : vector<16xi32> to vector<16xf32>
        %and3A_813 = arith.constant -65536 : i32
        %and3A_814 = vector.broadcast %and3A_813 : i32 to vector<16xi32>
        %and3A_815 = arith.andi %get3A_808, %and3A_814 : vector<16xi32>
        %bitcast3A_816 = vector.bitcast %and3A_815 : vector<16xi32> to vector<16xf32>
        %add3A_817 = arith.addf %add3A_798, %bitcast3A_812 : vector<16xf32>
        %add3A_818 = arith.addf %add3A_799, %bitcast3A_816 : vector<16xf32>
        %add3A_819 = arith.constant 19 : i32
        %add3A_820 = arith.addi %mul3A_431, %add3A_819 : i32
        %get3A_821 = arith.constant 0 : i32
        %get3A_822 = arith.constant 0 : i32
        %get3A_823 = tpu.memref_slice %arg14[%scan3A_411, %get3A_821, %get3A_822] : memref<2x320x32xi32, #tpu.memory_space<vmem>> -> memref<1x320x32xi32, #tpu.memory_space<vmem>>
        %get3A_824 = tpu.memref_squeeze %get3A_823 : memref<1x320x32xi32, #tpu.memory_space<vmem>> -> memref<320x32xi32, #tpu.memory_space<vmem>>
        %get3A_825 = arith.index_cast %add3A_820 : i32 to index
        %get3A_826 = arith.constant 0 : index
        %get3A_827 = tpu.vector_load %get3A_824[%get3A_825, %get3A_826] {strides = array<i32>} : memref<320x32xi32, #tpu.memory_space<vmem>>, vector<16xi32>,
        %shift_left3A_828 = arith.constant 16 : i32
        %shift_left3A_829 = vector.broadcast %shift_left3A_828 : i32 to vector<16xi32>
        %shift_left3A_830 = arith.shli %get3A_827, %shift_left3A_829 : vector<16xi32>
        %bitcast3A_831 = vector.bitcast %shift_left3A_830 : vector<16xi32> to vector<16xf32>
        %and3A_832 = arith.constant -65536 : i32
        %and3A_833 = vector.broadcast %and3A_832 : i32 to vector<16xi32>
        %and3A_834 = arith.andi %get3A_827, %and3A_833 : vector<16xi32>
        %bitcast3A_835 = vector.bitcast %and3A_834 : vector<16xi32> to vector<16xf32>
        %add3A_836 = arith.addf %add3A_817, %bitcast3A_831 : vector<16xf32>
        %add3A_837 = arith.addf %add3A_818, %bitcast3A_835 : vector<16xf32>
        %mul3A_838 = arith.mulf %add3A_836, %bitcast3A : vector<16xf32>
        %add3A_839 = arith.addf %broadcast_in_dim3A_3, %mul3A_838 : vector<16xf32>
        %mul3A_840 = arith.mulf %add3A_837, %bitcast3A_442 : vector<16xf32>
        %add3A_841 = arith.addf %add3A_839, %mul3A_840 : vector<16xf32>
        %get3A_842 = arith.constant 0 : i32
        %get3A_843 = arith.constant 0 : i32
        %get3A_844 = tpu.memref_slice %arg12[%scan3A_409, %get3A_842, %get3A_843] : memref<2x16x32xi32, #tpu.memory_space<vmem>> -> memref<1x16x32xi32, #tpu.memory_space<vmem>>
        %get3A_845 = tpu.memref_squeeze %get3A_844 : memref<1x16x32xi32, #tpu.memory_space<vmem>> -> memref<16x32xi32, #tpu.memory_space<vmem>>
        %get3A_846 = arith.index_cast %scan3A_427 : i32 to index
        %get3A_847 = arith.constant 16 : index
        %get3A_848 = tpu.vector_load %get3A_845[%get3A_846, %get3A_847] {strides = array<i32>} : memref<16x32xi32, #tpu.memory_space<vmem>>, vector<16xi32>,
        %shift_left3A_849 = arith.constant 16 : i32
        %shift_left3A_850 = vector.broadcast %shift_left3A_849 : i32 to vector<16xi32>
        %shift_left3A_851 = arith.shli %get3A_848, %shift_left3A_850 : vector<16xi32>
        %bitcast3A_852 = vector.bitcast %shift_left3A_851 : vector<16xi32> to vector<16xf32>
        %and3A_853 = arith.constant -65536 : i32
        %and3A_854 = vector.broadcast %and3A_853 : i32 to vector<16xi32>
        %and3A_855 = arith.andi %get3A_848, %and3A_854 : vector<16xi32>
        %bitcast3A_856 = vector.bitcast %and3A_855 : vector<16xi32> to vector<16xf32>
        %get3A_857 = arith.constant 0 : i32
        %get3A_858 = arith.constant 0 : i32
        %get3A_859 = tpu.memref_slice %arg13[%scan3A_410, %get3A_857, %get3A_858] : memref<2x16x32xi32, #tpu.memory_space<vmem>> -> memref<1x16x32xi32, #tpu.memory_space<vmem>>
        %get3A_860 = tpu.memref_squeeze %get3A_859 : memref<1x16x32xi32, #tpu.memory_space<vmem>> -> memref<16x32xi32, #tpu.memory_space<vmem>>
        %get3A_861 = arith.index_cast %scan3A_427 : i32 to index
        %get3A_862 = arith.constant 16 : index
        %get3A_863 = tpu.vector_load %get3A_860[%get3A_861, %get3A_862] {strides = array<i32>} : memref<16x32xi32, #tpu.memory_space<vmem>>, vector<16xi32>,
        %shift_left3A_864 = arith.constant 16 : i32
        %shift_left3A_865 = vector.broadcast %shift_left3A_864 : i32 to vector<16xi32>
        %shift_left3A_866 = arith.shli %get3A_863, %shift_left3A_865 : vector<16xi32>
        %bitcast3A_867 = vector.bitcast %shift_left3A_866 : vector<16xi32> to vector<16xf32>
        %and3A_868 = arith.constant -65536 : i32
        %and3A_869 = vector.broadcast %and3A_868 : i32 to vector<16xi32>
        %and3A_870 = arith.andi %get3A_863, %and3A_869 : vector<16xi32>
        %bitcast3A_871 = vector.bitcast %and3A_870 : vector<16xi32> to vector<16xf32>
        %mul3A_872 = arith.mulf %bitcast3A_852, %bitcast3A_867 : vector<16xf32>
        %add3A_873 = arith.addf %add3A_461, %mul3A_872 : vector<16xf32>
        %mul3A_874 = arith.mulf %bitcast3A_856, %bitcast3A_871 : vector<16xf32>
        %add3A_875 = arith.addf %add3A_873, %mul3A_874 : vector<16xf32>
        %get3A_876 = arith.constant 0 : i32
        %get3A_877 = arith.constant 0 : i32
        %get3A_878 = tpu.memref_slice %arg14[%scan3A_411, %get3A_876, %get3A_877] : memref<2x320x32xi32, #tpu.memory_space<vmem>> -> memref<1x320x32xi32, #tpu.memory_space<vmem>>
        %get3A_879 = tpu.memref_squeeze %get3A_878 : memref<1x320x32xi32, #tpu.memory_space<vmem>> -> memref<320x32xi32, #tpu.memory_space<vmem>>
        %get3A_880 = arith.index_cast %mul3A_431 : i32 to index
        %get3A_881 = arith.constant 16 : index
        %get3A_882 = tpu.vector_load %get3A_879[%get3A_880, %get3A_881] {strides = array<i32>} : memref<320x32xi32, #tpu.memory_space<vmem>>, vector<16xi32>,
        %shift_left3A_883 = arith.constant 16 : i32
        %shift_left3A_884 = vector.broadcast %shift_left3A_883 : i32 to vector<16xi32>
        %shift_left3A_885 = arith.shli %get3A_882, %shift_left3A_884 : vector<16xi32>
        %bitcast3A_886 = vector.bitcast %shift_left3A_885 : vector<16xi32> to vector<16xf32>
        %and3A_887 = arith.constant -65536 : i32
        %and3A_888 = vector.broadcast %and3A_887 : i32 to vector<16xi32>
        %and3A_889 = arith.andi %get3A_882, %and3A_888 : vector<16xi32>
        %bitcast3A_890 = vector.bitcast %and3A_889 : vector<16xi32> to vector<16xf32>
        %add3A_891 = arith.constant 1 : i32
        %add3A_892 = arith.addi %mul3A_431, %add3A_891 : i32
        %get3A_893 = arith.constant 0 : i32
        %get3A_894 = arith.constant 0 : i32
        %get3A_895 = tpu.memref_slice %arg14[%scan3A_411, %get3A_893, %get3A_894] : memref<2x320x32xi32, #tpu.memory_space<vmem>> -> memref<1x320x32xi32, #tpu.memory_space<vmem>>
        %get3A_896 = tpu.memref_squeeze %get3A_895 : memref<1x320x32xi32, #tpu.memory_space<vmem>> -> memref<320x32xi32, #tpu.memory_space<vmem>>
        %get3A_897 = arith.index_cast %add3A_892 : i32 to index
        %get3A_898 = arith.constant 16 : index
        %get3A_899 = tpu.vector_load %get3A_896[%get3A_897, %get3A_898] {strides = array<i32>} : memref<320x32xi32, #tpu.memory_space<vmem>>, vector<16xi32>,
        %shift_left3A_900 = arith.constant 16 : i32
        %shift_left3A_901 = vector.broadcast %shift_left3A_900 : i32 to vector<16xi32>
        %shift_left3A_902 = arith.shli %get3A_899, %shift_left3A_901 : vector<16xi32>
        %bitcast3A_903 = vector.bitcast %shift_left3A_902 : vector<16xi32> to vector<16xf32>
        %and3A_904 = arith.constant -65536 : i32
        %and3A_905 = vector.broadcast %and3A_904 : i32 to vector<16xi32>
        %and3A_906 = arith.andi %get3A_899, %and3A_905 : vector<16xi32>
        %bitcast3A_907 = vector.bitcast %and3A_906 : vector<16xi32> to vector<16xf32>
        %add3A_908 = arith.addf %bitcast3A_886, %bitcast3A_903 : vector<16xf32>
        %add3A_909 = arith.addf %bitcast3A_890, %bitcast3A_907 : vector<16xf32>
        %add3A_910 = arith.constant 2 : i32
        %add3A_911 = arith.addi %mul3A_431, %add3A_910 : i32
        %get3A_912 = arith.constant 0 : i32
        %get3A_913 = arith.constant 0 : i32
        %get3A_914 = tpu.memref_slice %arg14[%scan3A_411, %get3A_912, %get3A_913] : memref<2x320x32xi32, #tpu.memory_space<vmem>> -> memref<1x320x32xi32, #tpu.memory_space<vmem>>
        %get3A_915 = tpu.memref_squeeze %get3A_914 : memref<1x320x32xi32, #tpu.memory_space<vmem>> -> memref<320x32xi32, #tpu.memory_space<vmem>>
        %get3A_916 = arith.index_cast %add3A_911 : i32 to index
        %get3A_917 = arith.constant 16 : index
        %get3A_918 = tpu.vector_load %get3A_915[%get3A_916, %get3A_917] {strides = array<i32>} : memref<320x32xi32, #tpu.memory_space<vmem>>, vector<16xi32>,
        %shift_left3A_919 = arith.constant 16 : i32
        %shift_left3A_920 = vector.broadcast %shift_left3A_919 : i32 to vector<16xi32>
        %shift_left3A_921 = arith.shli %get3A_918, %shift_left3A_920 : vector<16xi32>
        %bitcast3A_922 = vector.bitcast %shift_left3A_921 : vector<16xi32> to vector<16xf32>
        %and3A_923 = arith.constant -65536 : i32
        %and3A_924 = vector.broadcast %and3A_923 : i32 to vector<16xi32>
        %and3A_925 = arith.andi %get3A_918, %and3A_924 : vector<16xi32>
        %bitcast3A_926 = vector.bitcast %and3A_925 : vector<16xi32> to vector<16xf32>
        %add3A_927 = arith.addf %add3A_908, %bitcast3A_922 : vector<16xf32>
        %add3A_928 = arith.addf %add3A_909, %bitcast3A_926 : vector<16xf32>
        %add3A_929 = arith.constant 3 : i32
        %add3A_930 = arith.addi %mul3A_431, %add3A_929 : i32
        %get3A_931 = arith.constant 0 : i32
        %get3A_932 = arith.constant 0 : i32
        %get3A_933 = tpu.memref_slice %arg14[%scan3A_411, %get3A_931, %get3A_932] : memref<2x320x32xi32, #tpu.memory_space<vmem>> -> memref<1x320x32xi32, #tpu.memory_space<vmem>>
        %get3A_934 = tpu.memref_squeeze %get3A_933 : memref<1x320x32xi32, #tpu.memory_space<vmem>> -> memref<320x32xi32, #tpu.memory_space<vmem>>
        %get3A_935 = arith.index_cast %add3A_930 : i32 to index
        %get3A_936 = arith.constant 16 : index
        %get3A_937 = tpu.vector_load %get3A_934[%get3A_935, %get3A_936] {strides = array<i32>} : memref<320x32xi32, #tpu.memory_space<vmem>>, vector<16xi32>,
        %shift_left3A_938 = arith.constant 16 : i32
        %shift_left3A_939 = vector.broadcast %shift_left3A_938 : i32 to vector<16xi32>
        %shift_left3A_940 = arith.shli %get3A_937, %shift_left3A_939 : vector<16xi32>
        %bitcast3A_941 = vector.bitcast %shift_left3A_940 : vector<16xi32> to vector<16xf32>
        %and3A_942 = arith.constant -65536 : i32
        %and3A_943 = vector.broadcast %and3A_942 : i32 to vector<16xi32>
        %and3A_944 = arith.andi %get3A_937, %and3A_943 : vector<16xi32>
        %bitcast3A_945 = vector.bitcast %and3A_944 : vector<16xi32> to vector<16xf32>
        %add3A_946 = arith.addf %add3A_927, %bitcast3A_941 : vector<16xf32>
        %add3A_947 = arith.addf %add3A_928, %bitcast3A_945 : vector<16xf32>
        %add3A_948 = arith.constant 4 : i32
        %add3A_949 = arith.addi %mul3A_431, %add3A_948 : i32
        %get3A_950 = arith.constant 0 : i32
        %get3A_951 = arith.constant 0 : i32
        %get3A_952 = tpu.memref_slice %arg14[%scan3A_411, %get3A_950, %get3A_951] : memref<2x320x32xi32, #tpu.memory_space<vmem>> -> memref<1x320x32xi32, #tpu.memory_space<vmem>>
        %get3A_953 = tpu.memref_squeeze %get3A_952 : memref<1x320x32xi32, #tpu.memory_space<vmem>> -> memref<320x32xi32, #tpu.memory_space<vmem>>
        %get3A_954 = arith.index_cast %add3A_949 : i32 to index
        %get3A_955 = arith.constant 16 : index
        %get3A_956 = tpu.vector_load %get3A_953[%get3A_954, %get3A_955] {strides = array<i32>} : memref<320x32xi32, #tpu.memory_space<vmem>>, vector<16xi32>,
        %shift_left3A_957 = arith.constant 16 : i32
        %shift_left3A_958 = vector.broadcast %shift_left3A_957 : i32 to vector<16xi32>
        %shift_left3A_959 = arith.shli %get3A_956, %shift_left3A_958 : vector<16xi32>
        %bitcast3A_960 = vector.bitcast %shift_left3A_959 : vector<16xi32> to vector<16xf32>
        %and3A_961 = arith.constant -65536 : i32
        %and3A_962 = vector.broadcast %and3A_961 : i32 to vector<16xi32>
        %and3A_963 = arith.andi %get3A_956, %and3A_962 : vector<16xi32>
        %bitcast3A_964 = vector.bitcast %and3A_963 : vector<16xi32> to vector<16xf32>
        %add3A_965 = arith.addf %add3A_946, %bitcast3A_960 : vector<16xf32>
        %add3A_966 = arith.addf %add3A_947, %bitcast3A_964 : vector<16xf32>
        %add3A_967 = arith.constant 5 : i32
        %add3A_968 = arith.addi %mul3A_431, %add3A_967 : i32
        %get3A_969 = arith.constant 0 : i32
        %get3A_970 = arith.constant 0 : i32
        %get3A_971 = tpu.memref_slice %arg14[%scan3A_411, %get3A_969, %get3A_970] : memref<2x320x32xi32, #tpu.memory_space<vmem>> -> memref<1x320x32xi32, #tpu.memory_space<vmem>>
        %get3A_972 = tpu.memref_squeeze %get3A_971 : memref<1x320x32xi32, #tpu.memory_space<vmem>> -> memref<320x32xi32, #tpu.memory_space<vmem>>
        %get3A_973 = arith.index_cast %add3A_968 : i32 to index
        %get3A_974 = arith.constant 16 : index
        %get3A_975 = tpu.vector_load %get3A_972[%get3A_973, %get3A_974] {strides = array<i32>} : memref<320x32xi32, #tpu.memory_space<vmem>>, vector<16xi32>,
        %shift_left3A_976 = arith.constant 16 : i32
        %shift_left3A_977 = vector.broadcast %shift_left3A_976 : i32 to vector<16xi32>
        %shift_left3A_978 = arith.shli %get3A_975, %shift_left3A_977 : vector<16xi32>
        %bitcast3A_979 = vector.bitcast %shift_left3A_978 : vector<16xi32> to vector<16xf32>
        %and3A_980 = arith.constant -65536 : i32
        %and3A_981 = vector.broadcast %and3A_980 : i32 to vector<16xi32>
        %and3A_982 = arith.andi %get3A_975, %and3A_981 : vector<16xi32>
        %bitcast3A_983 = vector.bitcast %and3A_982 : vector<16xi32> to vector<16xf32>
        %add3A_984 = arith.addf %add3A_965, %bitcast3A_979 : vector<16xf32>
        %add3A_985 = arith.addf %add3A_966, %bitcast3A_983 : vector<16xf32>
        %add3A_986 = arith.constant 6 : i32
        %add3A_987 = arith.addi %mul3A_431, %add3A_986 : i32
        %get3A_988 = arith.constant 0 : i32
        %get3A_989 = arith.constant 0 : i32
        %get3A_990 = tpu.memref_slice %arg14[%scan3A_411, %get3A_988, %get3A_989] : memref<2x320x32xi32, #tpu.memory_space<vmem>> -> memref<1x320x32xi32, #tpu.memory_space<vmem>>
        %get3A_991 = tpu.memref_squeeze %get3A_990 : memref<1x320x32xi32, #tpu.memory_space<vmem>> -> memref<320x32xi32, #tpu.memory_space<vmem>>
        %get3A_992 = arith.index_cast %add3A_987 : i32 to index
        %get3A_993 = arith.constant 16 : index
        %get3A_994 = tpu.vector_load %get3A_991[%get3A_992, %get3A_993] {strides = array<i32>} : memref<320x32xi32, #tpu.memory_space<vmem>>, vector<16xi32>,
        %shift_left3A_995 = arith.constant 16 : i32
        %shift_left3A_996 = vector.broadcast %shift_left3A_995 : i32 to vector<16xi32>
        %shift_left3A_997 = arith.shli %get3A_994, %shift_left3A_996 : vector<16xi32>
        %bitcast3A_998 = vector.bitcast %shift_left3A_997 : vector<16xi32> to vector<16xf32>
        %and3A_999 = arith.constant -65536 : i32
        %and3A_1000 = vector.broadcast %and3A_999 : i32 to vector<16xi32>
        %and3A_1001 = arith.andi %get3A_994, %and3A_1000 : vector<16xi32>
        %bitcast3A_1002 = vector.bitcast %and3A_1001 : vector<16xi32> to vector<16xf32>
        %add3A_1003 = arith.addf %add3A_984, %bitcast3A_998 : vector<16xf32>
        %add3A_1004 = arith.addf %add3A_985, %bitcast3A_1002 : vector<16xf32>
        %add3A_1005 = arith.constant 7 : i32
        %add3A_1006 = arith.addi %mul3A_431, %add3A_1005 : i32
        %get3A_1007 = arith.constant 0 : i32
        %get3A_1008 = arith.constant 0 : i32
        %get3A_1009 = tpu.memref_slice %arg14[%scan3A_411, %get3A_1007, %get3A_1008] : memref<2x320x32xi32, #tpu.memory_space<vmem>> -> memref<1x320x32xi32, #tpu.memory_space<vmem>>
        %get3A_1010 = tpu.memref_squeeze %get3A_1009 : memref<1x320x32xi32, #tpu.memory_space<vmem>> -> memref<320x32xi32, #tpu.memory_space<vmem>>
        %get3A_1011 = arith.index_cast %add3A_1006 : i32 to index
        %get3A_1012 = arith.constant 16 : index
        %get3A_1013 = tpu.vector_load %get3A_1010[%get3A_1011, %get3A_1012] {strides = array<i32>} : memref<320x32xi32, #tpu.memory_space<vmem>>, vector<16xi32>,
        %shift_left3A_1014 = arith.constant 16 : i32
        %shift_left3A_1015 = vector.broadcast %shift_left3A_1014 : i32 to vector<16xi32>
        %shift_left3A_1016 = arith.shli %get3A_1013, %shift_left3A_1015 : vector<16xi32>
        %bitcast3A_1017 = vector.bitcast %shift_left3A_1016 : vector<16xi32> to vector<16xf32>
        %and3A_1018 = arith.constant -65536 : i32
        %and3A_1019 = vector.broadcast %and3A_1018 : i32 to vector<16xi32>
        %and3A_1020 = arith.andi %get3A_1013, %and3A_1019 : vector<16xi32>
        %bitcast3A_1021 = vector.bitcast %and3A_1020 : vector<16xi32> to vector<16xf32>
        %add3A_1022 = arith.addf %add3A_1003, %bitcast3A_1017 : vector<16xf32>
        %add3A_1023 = arith.addf %add3A_1004, %bitcast3A_1021 : vector<16xf32>
        %add3A_1024 = arith.constant 8 : i32
        %add3A_1025 = arith.addi %mul3A_431, %add3A_1024 : i32
        %get3A_1026 = arith.constant 0 : i32
        %get3A_1027 = arith.constant 0 : i32
        %get3A_1028 = tpu.memref_slice %arg14[%scan3A_411, %get3A_1026, %get3A_1027] : memref<2x320x32xi32, #tpu.memory_space<vmem>> -> memref<1x320x32xi32, #tpu.memory_space<vmem>>
        %get3A_1029 = tpu.memref_squeeze %get3A_1028 : memref<1x320x32xi32, #tpu.memory_space<vmem>> -> memref<320x32xi32, #tpu.memory_space<vmem>>
        %get3A_1030 = arith.index_cast %add3A_1025 : i32 to index
        %get3A_1031 = arith.constant 16 : index
        %get3A_1032 = tpu.vector_load %get3A_1029[%get3A_1030, %get3A_1031] {strides = array<i32>} : memref<320x32xi32, #tpu.memory_space<vmem>>, vector<16xi32>,
        %shift_left3A_1033 = arith.constant 16 : i32
        %shift_left3A_1034 = vector.broadcast %shift_left3A_1033 : i32 to vector<16xi32>
        %shift_left3A_1035 = arith.shli %get3A_1032, %shift_left3A_1034 : vector<16xi32>
        %bitcast3A_1036 = vector.bitcast %shift_left3A_1035 : vector<16xi32> to vector<16xf32>
        %and3A_1037 = arith.constant -65536 : i32
        %and3A_1038 = vector.broadcast %and3A_1037 : i32 to vector<16xi32>
        %and3A_1039 = arith.andi %get3A_1032, %and3A_1038 : vector<16xi32>
        %bitcast3A_1040 = vector.bitcast %and3A_1039 : vector<16xi32> to vector<16xf32>
        %add3A_1041 = arith.addf %add3A_1022, %bitcast3A_1036 : vector<16xf32>
        %add3A_1042 = arith.addf %add3A_1023, %bitcast3A_1040 : vector<16xf32>
        %add3A_1043 = arith.constant 9 : i32
        %add3A_1044 = arith.addi %mul3A_431, %add3A_1043 : i32
        %get3A_1045 = arith.constant 0 : i32
        %get3A_1046 = arith.constant 0 : i32
        %get3A_1047 = tpu.memref_slice %arg14[%scan3A_411, %get3A_1045, %get3A_1046] : memref<2x320x32xi32, #tpu.memory_space<vmem>> -> memref<1x320x32xi32, #tpu.memory_space<vmem>>
        %get3A_1048 = tpu.memref_squeeze %get3A_1047 : memref<1x320x32xi32, #tpu.memory_space<vmem>> -> memref<320x32xi32, #tpu.memory_space<vmem>>
        %get3A_1049 = arith.index_cast %add3A_1044 : i32 to index
        %get3A_1050 = arith.constant 16 : index
        %get3A_1051 = tpu.vector_load %get3A_1048[%get3A_1049, %get3A_1050] {strides = array<i32>} : memref<320x32xi32, #tpu.memory_space<vmem>>, vector<16xi32>,
        %shift_left3A_1052 = arith.constant 16 : i32
        %shift_left3A_1053 = vector.broadcast %shift_left3A_1052 : i32 to vector<16xi32>
        %shift_left3A_1054 = arith.shli %get3A_1051, %shift_left3A_1053 : vector<16xi32>
        %bitcast3A_1055 = vector.bitcast %shift_left3A_1054 : vector<16xi32> to vector<16xf32>
        %and3A_1056 = arith.constant -65536 : i32
        %and3A_1057 = vector.broadcast %and3A_1056 : i32 to vector<16xi32>
        %and3A_1058 = arith.andi %get3A_1051, %and3A_1057 : vector<16xi32>
        %bitcast3A_1059 = vector.bitcast %and3A_1058 : vector<16xi32> to vector<16xf32>
        %add3A_1060 = arith.addf %add3A_1041, %bitcast3A_1055 : vector<16xf32>
        %add3A_1061 = arith.addf %add3A_1042, %bitcast3A_1059 : vector<16xf32>
        %add3A_1062 = arith.constant 10 : i32
        %add3A_1063 = arith.addi %mul3A_431, %add3A_1062 : i32
        %get3A_1064 = arith.constant 0 : i32
        %get3A_1065 = arith.constant 0 : i32
        %get3A_1066 = tpu.memref_slice %arg14[%scan3A_411, %get3A_1064, %get3A_1065] : memref<2x320x32xi32, #tpu.memory_space<vmem>> -> memref<1x320x32xi32, #tpu.memory_space<vmem>>
        %get3A_1067 = tpu.memref_squeeze %get3A_1066 : memref<1x320x32xi32, #tpu.memory_space<vmem>> -> memref<320x32xi32, #tpu.memory_space<vmem>>
        %get3A_1068 = arith.index_cast %add3A_1063 : i32 to index
        %get3A_1069 = arith.constant 16 : index
        %get3A_1070 = tpu.vector_load %get3A_1067[%get3A_1068, %get3A_1069] {strides = array<i32>} : memref<320x32xi32, #tpu.memory_space<vmem>>, vector<16xi32>,
        %shift_left3A_1071 = arith.constant 16 : i32
        %shift_left3A_1072 = vector.broadcast %shift_left3A_1071 : i32 to vector<16xi32>
        %shift_left3A_1073 = arith.shli %get3A_1070, %shift_left3A_1072 : vector<16xi32>
        %bitcast3A_1074 = vector.bitcast %shift_left3A_1073 : vector<16xi32> to vector<16xf32>
        %and3A_1075 = arith.constant -65536 : i32
        %and3A_1076 = vector.broadcast %and3A_1075 : i32 to vector<16xi32>
        %and3A_1077 = arith.andi %get3A_1070, %and3A_1076 : vector<16xi32>
        %bitcast3A_1078 = vector.bitcast %and3A_1077 : vector<16xi32> to vector<16xf32>
        %add3A_1079 = arith.addf %add3A_1060, %bitcast3A_1074 : vector<16xf32>
        %add3A_1080 = arith.addf %add3A_1061, %bitcast3A_1078 : vector<16xf32>
        %add3A_1081 = arith.constant 11 : i32
        %add3A_1082 = arith.addi %mul3A_431, %add3A_1081 : i32
        %get3A_1083 = arith.constant 0 : i32
        %get3A_1084 = arith.constant 0 : i32
        %get3A_1085 = tpu.memref_slice %arg14[%scan3A_411, %get3A_1083, %get3A_1084] : memref<2x320x32xi32, #tpu.memory_space<vmem>> -> memref<1x320x32xi32, #tpu.memory_space<vmem>>
        %get3A_1086 = tpu.memref_squeeze %get3A_1085 : memref<1x320x32xi32, #tpu.memory_space<vmem>> -> memref<320x32xi32, #tpu.memory_space<vmem>>
        %get3A_1087 = arith.index_cast %add3A_1082 : i32 to index
        %get3A_1088 = arith.constant 16 : index
        %get3A_1089 = tpu.vector_load %get3A_1086[%get3A_1087, %get3A_1088] {strides = array<i32>} : memref<320x32xi32, #tpu.memory_space<vmem>>, vector<16xi32>,
        %shift_left3A_1090 = arith.constant 16 : i32
        %shift_left3A_1091 = vector.broadcast %shift_left3A_1090 : i32 to vector<16xi32>
        %shift_left3A_1092 = arith.shli %get3A_1089, %shift_left3A_1091 : vector<16xi32>
        %bitcast3A_1093 = vector.bitcast %shift_left3A_1092 : vector<16xi32> to vector<16xf32>
        %and3A_1094 = arith.constant -65536 : i32
        %and3A_1095 = vector.broadcast %and3A_1094 : i32 to vector<16xi32>
        %and3A_1096 = arith.andi %get3A_1089, %and3A_1095 : vector<16xi32>
        %bitcast3A_1097 = vector.bitcast %and3A_1096 : vector<16xi32> to vector<16xf32>
        %add3A_1098 = arith.addf %add3A_1079, %bitcast3A_1093 : vector<16xf32>
        %add3A_1099 = arith.addf %add3A_1080, %bitcast3A_1097 : vector<16xf32>
        %add3A_1100 = arith.constant 12 : i32
        %add3A_1101 = arith.addi %mul3A_431, %add3A_1100 : i32
        %get3A_1102 = arith.constant 0 : i32
        %get3A_1103 = arith.constant 0 : i32
        %get3A_1104 = tpu.memref_slice %arg14[%scan3A_411, %get3A_1102, %get3A_1103] : memref<2x320x32xi32, #tpu.memory_space<vmem>> -> memref<1x320x32xi32, #tpu.memory_space<vmem>>
        %get3A_1105 = tpu.memref_squeeze %get3A_1104 : memref<1x320x32xi32, #tpu.memory_space<vmem>> -> memref<320x32xi32, #tpu.memory_space<vmem>>
        %get3A_1106 = arith.index_cast %add3A_1101 : i32 to index
        %get3A_1107 = arith.constant 16 : index
        %get3A_1108 = tpu.vector_load %get3A_1105[%get3A_1106, %get3A_1107] {strides = array<i32>} : memref<320x32xi32, #tpu.memory_space<vmem>>, vector<16xi32>,
        %shift_left3A_1109 = arith.constant 16 : i32
        %shift_left3A_1110 = vector.broadcast %shift_left3A_1109 : i32 to vector<16xi32>
        %shift_left3A_1111 = arith.shli %get3A_1108, %shift_left3A_1110 : vector<16xi32>
        %bitcast3A_1112 = vector.bitcast %shift_left3A_1111 : vector<16xi32> to vector<16xf32>
        %and3A_1113 = arith.constant -65536 : i32
        %and3A_1114 = vector.broadcast %and3A_1113 : i32 to vector<16xi32>
        %and3A_1115 = arith.andi %get3A_1108, %and3A_1114 : vector<16xi32>
        %bitcast3A_1116 = vector.bitcast %and3A_1115 : vector<16xi32> to vector<16xf32>
        %add3A_1117 = arith.addf %add3A_1098, %bitcast3A_1112 : vector<16xf32>
        %add3A_1118 = arith.addf %add3A_1099, %bitcast3A_1116 : vector<16xf32>
        %add3A_1119 = arith.constant 13 : i32
        %add3A_1120 = arith.addi %mul3A_431, %add3A_1119 : i32
        %get3A_1121 = arith.constant 0 : i32
        %get3A_1122 = arith.constant 0 : i32
        %get3A_1123 = tpu.memref_slice %arg14[%scan3A_411, %get3A_1121, %get3A_1122] : memref<2x320x32xi32, #tpu.memory_space<vmem>> -> memref<1x320x32xi32, #tpu.memory_space<vmem>>
        %get3A_1124 = tpu.memref_squeeze %get3A_1123 : memref<1x320x32xi32, #tpu.memory_space<vmem>> -> memref<320x32xi32, #tpu.memory_space<vmem>>
        %get3A_1125 = arith.index_cast %add3A_1120 : i32 to index
        %get3A_1126 = arith.constant 16 : index
        %get3A_1127 = tpu.vector_load %get3A_1124[%get3A_1125, %get3A_1126] {strides = array<i32>} : memref<320x32xi32, #tpu.memory_space<vmem>>, vector<16xi32>,
        %shift_left3A_1128 = arith.constant 16 : i32
        %shift_left3A_1129 = vector.broadcast %shift_left3A_1128 : i32 to vector<16xi32>
        %shift_left3A_1130 = arith.shli %get3A_1127, %shift_left3A_1129 : vector<16xi32>
        %bitcast3A_1131 = vector.bitcast %shift_left3A_1130 : vector<16xi32> to vector<16xf32>
        %and3A_1132 = arith.constant -65536 : i32
        %and3A_1133 = vector.broadcast %and3A_1132 : i32 to vector<16xi32>
        %and3A_1134 = arith.andi %get3A_1127, %and3A_1133 : vector<16xi32>
        %bitcast3A_1135 = vector.bitcast %and3A_1134 : vector<16xi32> to vector<16xf32>
        %add3A_1136 = arith.addf %add3A_1117, %bitcast3A_1131 : vector<16xf32>
        %add3A_1137 = arith.addf %add3A_1118, %bitcast3A_1135 : vector<16xf32>
        %add3A_1138 = arith.constant 14 : i32
        %add3A_1139 = arith.addi %mul3A_431, %add3A_1138 : i32
        %get3A_1140 = arith.constant 0 : i32
        %get3A_1141 = arith.constant 0 : i32
        %get3A_1142 = tpu.memref_slice %arg14[%scan3A_411, %get3A_1140, %get3A_1141] : memref<2x320x32xi32, #tpu.memory_space<vmem>> -> memref<1x320x32xi32, #tpu.memory_space<vmem>>
        %get3A_1143 = tpu.memref_squeeze %get3A_1142 : memref<1x320x32xi32, #tpu.memory_space<vmem>> -> memref<320x32xi32, #tpu.memory_space<vmem>>
        %get3A_1144 = arith.index_cast %add3A_1139 : i32 to index
        %get3A_1145 = arith.constant 16 : index
        %get3A_1146 = tpu.vector_load %get3A_1143[%get3A_1144, %get3A_1145] {strides = array<i32>} : memref<320x32xi32, #tpu.memory_space<vmem>>, vector<16xi32>,
        %shift_left3A_1147 = arith.constant 16 : i32
        %shift_left3A_1148 = vector.broadcast %shift_left3A_1147 : i32 to vector<16xi32>
        %shift_left3A_1149 = arith.shli %get3A_1146, %shift_left3A_1148 : vector<16xi32>
        %bitcast3A_1150 = vector.bitcast %shift_left3A_1149 : vector<16xi32> to vector<16xf32>
        %and3A_1151 = arith.constant -65536 : i32
        %and3A_1152 = vector.broadcast %and3A_1151 : i32 to vector<16xi32>
        %and3A_1153 = arith.andi %get3A_1146, %and3A_1152 : vector<16xi32>
        %bitcast3A_1154 = vector.bitcast %and3A_1153 : vector<16xi32> to vector<16xf32>
        %add3A_1155 = arith.addf %add3A_1136, %bitcast3A_1150 : vector<16xf32>
        %add3A_1156 = arith.addf %add3A_1137, %bitcast3A_1154 : vector<16xf32>
        %add3A_1157 = arith.constant 15 : i32
        %add3A_1158 = arith.addi %mul3A_431, %add3A_1157 : i32
        %get3A_1159 = arith.constant 0 : i32
        %get3A_1160 = arith.constant 0 : i32
        %get3A_1161 = tpu.memref_slice %arg14[%scan3A_411, %get3A_1159, %get3A_1160] : memref<2x320x32xi32, #tpu.memory_space<vmem>> -> memref<1x320x32xi32, #tpu.memory_space<vmem>>
        %get3A_1162 = tpu.memref_squeeze %get3A_1161 : memref<1x320x32xi32, #tpu.memory_space<vmem>> -> memref<320x32xi32, #tpu.memory_space<vmem>>
        %get3A_1163 = arith.index_cast %add3A_1158 : i32 to index
        %get3A_1164 = arith.constant 16 : index
        %get3A_1165 = tpu.vector_load %get3A_1162[%get3A_1163, %get3A_1164] {strides = array<i32>} : memref<320x32xi32, #tpu.memory_space<vmem>>, vector<16xi32>,
        %shift_left3A_1166 = arith.constant 16 : i32
        %shift_left3A_1167 = vector.broadcast %shift_left3A_1166 : i32 to vector<16xi32>
        %shift_left3A_1168 = arith.shli %get3A_1165, %shift_left3A_1167 : vector<16xi32>
        %bitcast3A_1169 = vector.bitcast %shift_left3A_1168 : vector<16xi32> to vector<16xf32>
        %and3A_1170 = arith.constant -65536 : i32
        %and3A_1171 = vector.broadcast %and3A_1170 : i32 to vector<16xi32>
        %and3A_1172 = arith.andi %get3A_1165, %and3A_1171 : vector<16xi32>
        %bitcast3A_1173 = vector.bitcast %and3A_1172 : vector<16xi32> to vector<16xf32>
        %add3A_1174 = arith.addf %add3A_1155, %bitcast3A_1169 : vector<16xf32>
        %add3A_1175 = arith.addf %add3A_1156, %bitcast3A_1173 : vector<16xf32>
        %add3A_1176 = arith.constant 16 : i32
        %add3A_1177 = arith.addi %mul3A_431, %add3A_1176 : i32
        %get3A_1178 = arith.constant 0 : i32
        %get3A_1179 = arith.constant 0 : i32
        %get3A_1180 = tpu.memref_slice %arg14[%scan3A_411, %get3A_1178, %get3A_1179] : memref<2x320x32xi32, #tpu.memory_space<vmem>> -> memref<1x320x32xi32, #tpu.memory_space<vmem>>
        %get3A_1181 = tpu.memref_squeeze %get3A_1180 : memref<1x320x32xi32, #tpu.memory_space<vmem>> -> memref<320x32xi32, #tpu.memory_space<vmem>>
        %get3A_1182 = arith.index_cast %add3A_1177 : i32 to index
        %get3A_1183 = arith.constant 16 : index
        %get3A_1184 = tpu.vector_load %get3A_1181[%get3A_1182, %get3A_1183] {strides = array<i32>} : memref<320x32xi32, #tpu.memory_space<vmem>>, vector<16xi32>,
        %shift_left3A_1185 = arith.constant 16 : i32
        %shift_left3A_1186 = vector.broadcast %shift_left3A_1185 : i32 to vector<16xi32>
        %shift_left3A_1187 = arith.shli %get3A_1184, %shift_left3A_1186 : vector<16xi32>
        %bitcast3A_1188 = vector.bitcast %shift_left3A_1187 : vector<16xi32> to vector<16xf32>
        %and3A_1189 = arith.constant -65536 : i32
        %and3A_1190 = vector.broadcast %and3A_1189 : i32 to vector<16xi32>
        %and3A_1191 = arith.andi %get3A_1184, %and3A_1190 : vector<16xi32>
        %bitcast3A_1192 = vector.bitcast %and3A_1191 : vector<16xi32> to vector<16xf32>
        %add3A_1193 = arith.addf %add3A_1174, %bitcast3A_1188 : vector<16xf32>
        %add3A_1194 = arith.addf %add3A_1175, %bitcast3A_1192 : vector<16xf32>
        %add3A_1195 = arith.constant 17 : i32
        %add3A_1196 = arith.addi %mul3A_431, %add3A_1195 : i32
        %get3A_1197 = arith.constant 0 : i32
        %get3A_1198 = arith.constant 0 : i32
        %get3A_1199 = tpu.memref_slice %arg14[%scan3A_411, %get3A_1197, %get3A_1198] : memref<2x320x32xi32, #tpu.memory_space<vmem>> -> memref<1x320x32xi32, #tpu.memory_space<vmem>>
        %get3A_1200 = tpu.memref_squeeze %get3A_1199 : memref<1x320x32xi32, #tpu.memory_space<vmem>> -> memref<320x32xi32, #tpu.memory_space<vmem>>
        %get3A_1201 = arith.index_cast %add3A_1196 : i32 to index
        %get3A_1202 = arith.constant 16 : index
        %get3A_1203 = tpu.vector_load %get3A_1200[%get3A_1201, %get3A_1202] {strides = array<i32>} : memref<320x32xi32, #tpu.memory_space<vmem>>, vector<16xi32>,
        %shift_left3A_1204 = arith.constant 16 : i32
        %shift_left3A_1205 = vector.broadcast %shift_left3A_1204 : i32 to vector<16xi32>
        %shift_left3A_1206 = arith.shli %get3A_1203, %shift_left3A_1205 : vector<16xi32>
        %bitcast3A_1207 = vector.bitcast %shift_left3A_1206 : vector<16xi32> to vector<16xf32>
        %and3A_1208 = arith.constant -65536 : i32
        %and3A_1209 = vector.broadcast %and3A_1208 : i32 to vector<16xi32>
        %and3A_1210 = arith.andi %get3A_1203, %and3A_1209 : vector<16xi32>
        %bitcast3A_1211 = vector.bitcast %and3A_1210 : vector<16xi32> to vector<16xf32>
        %add3A_1212 = arith.addf %add3A_1193, %bitcast3A_1207 : vector<16xf32>
        %add3A_1213 = arith.addf %add3A_1194, %bitcast3A_1211 : vector<16xf32>
        %add3A_1214 = arith.constant 18 : i32
        %add3A_1215 = arith.addi %mul3A_431, %add3A_1214 : i32
        %get3A_1216 = arith.constant 0 : i32
        %get3A_1217 = arith.constant 0 : i32
        %get3A_1218 = tpu.memref_slice %arg14[%scan3A_411, %get3A_1216, %get3A_1217] : memref<2x320x32xi32, #tpu.memory_space<vmem>> -> memref<1x320x32xi32, #tpu.memory_space<vmem>>
        %get3A_1219 = tpu.memref_squeeze %get3A_1218 : memref<1x320x32xi32, #tpu.memory_space<vmem>> -> memref<320x32xi32, #tpu.memory_space<vmem>>
        %get3A_1220 = arith.index_cast %add3A_1215 : i32 to index
        %get3A_1221 = arith.constant 16 : index
        %get3A_1222 = tpu.vector_load %get3A_1219[%get3A_1220, %get3A_1221] {strides = array<i32>} : memref<320x32xi32, #tpu.memory_space<vmem>>, vector<16xi32>,
        %shift_left3A_1223 = arith.constant 16 : i32
        %shift_left3A_1224 = vector.broadcast %shift_left3A_1223 : i32 to vector<16xi32>
        %shift_left3A_1225 = arith.shli %get3A_1222, %shift_left3A_1224 : vector<16xi32>
        %bitcast3A_1226 = vector.bitcast %shift_left3A_1225 : vector<16xi32> to vector<16xf32>
        %and3A_1227 = arith.constant -65536 : i32
        %and3A_1228 = vector.broadcast %and3A_1227 : i32 to vector<16xi32>
        %and3A_1229 = arith.andi %get3A_1222, %and3A_1228 : vector<16xi32>
        %bitcast3A_1230 = vector.bitcast %and3A_1229 : vector<16xi32> to vector<16xf32>
        %add3A_1231 = arith.addf %add3A_1212, %bitcast3A_1226 : vector<16xf32>
        %add3A_1232 = arith.addf %add3A_1213, %bitcast3A_1230 : vector<16xf32>
        %add3A_1233 = arith.constant 19 : i32
        %add3A_1234 = arith.addi %mul3A_431, %add3A_1233 : i32
        %get3A_1235 = arith.constant 0 : i32
        %get3A_1236 = arith.constant 0 : i32
        %get3A_1237 = tpu.memref_slice %arg14[%scan3A_411, %get3A_1235, %get3A_1236] : memref<2x320x32xi32, #tpu.memory_space<vmem>> -> memref<1x320x32xi32, #tpu.memory_space<vmem>>
        %get3A_1238 = tpu.memref_squeeze %get3A_1237 : memref<1x320x32xi32, #tpu.memory_space<vmem>> -> memref<320x32xi32, #tpu.memory_space<vmem>>
        %get3A_1239 = arith.index_cast %add3A_1234 : i32 to index
        %get3A_1240 = arith.constant 16 : index
        %get3A_1241 = tpu.vector_load %get3A_1238[%get3A_1239, %get3A_1240] {strides = array<i32>} : memref<320x32xi32, #tpu.memory_space<vmem>>, vector<16xi32>,
        %shift_left3A_1242 = arith.constant 16 : i32
        %shift_left3A_1243 = vector.broadcast %shift_left3A_1242 : i32 to vector<16xi32>
        %shift_left3A_1244 = arith.shli %get3A_1241, %shift_left3A_1243 : vector<16xi32>
        %bitcast3A_1245 = vector.bitcast %shift_left3A_1244 : vector<16xi32> to vector<16xf32>
        %and3A_1246 = arith.constant -65536 : i32
        %and3A_1247 = vector.broadcast %and3A_1246 : i32 to vector<16xi32>
        %and3A_1248 = arith.andi %get3A_1241, %and3A_1247 : vector<16xi32>
        %bitcast3A_1249 = vector.bitcast %and3A_1248 : vector<16xi32> to vector<16xf32>
        %add3A_1250 = arith.addf %add3A_1231, %bitcast3A_1245 : vector<16xf32>
        %add3A_1251 = arith.addf %add3A_1232, %bitcast3A_1249 : vector<16xf32>
        %mul3A_1252 = arith.mulf %add3A_1250, %bitcast3A_852 : vector<16xf32>
        %add3A_1253 = arith.addf %add3A_841, %mul3A_1252 : vector<16xf32>
        %mul3A_1254 = arith.mulf %add3A_1251, %bitcast3A_856 : vector<16xf32>
        %add3A_1255 = arith.addf %add3A_1253, %mul3A_1254 : vector<16xf32>
        %eq3A = vector.broadcast %scan3A_427 : i32 to vector<16xi32>
        %eq3A_1256 = arith.cmpi eq, %iota3A, %eq3A : vector<16xi32>
        %xor3A = arith.constant 1 : i32
        %xor3A_1257 = vector.broadcast %xor3A : i32 to vector<16xi32>
        %xor3A_1258 = arith.xori %iota3A, %xor3A_1257 : vector<16xi32>
        %reshape3A = vector.shape_cast %xor3A_1258 : vector<16xi32> to vector<16x1xi32>
        %gather3A = vector.shape_cast %reshape3A : vector<16x1xi32> to vector<16xi32>
        %gather3A_1259 = tpu.dynamic_gather %add3A_875[%gather3A] in [0] : vector<16xf32>, vector<16xi32> -> vector<16xf32>
        %add3A_1260 = arith.addf %add3A_875, %gather3A_1259 : vector<16xf32>
        %xor3A_1261 = arith.constant 2 : i32
        %xor3A_1262 = vector.broadcast %xor3A_1261 : i32 to vector<16xi32>
        %xor3A_1263 = arith.xori %iota3A, %xor3A_1262 : vector<16xi32>
        %reshape3A_1264 = vector.shape_cast %xor3A_1263 : vector<16xi32> to vector<16x1xi32>
        %gather3A_1265 = vector.shape_cast %reshape3A_1264 : vector<16x1xi32> to vector<16xi32>
        %gather3A_1266 = tpu.dynamic_gather %add3A_1260[%gather3A_1265] in [0] : vector<16xf32>, vector<16xi32> -> vector<16xf32>
        %add3A_1267 = arith.addf %add3A_1260, %gather3A_1266 : vector<16xf32>
        %xor3A_1268 = arith.constant 4 : i32
        %xor3A_1269 = vector.broadcast %xor3A_1268 : i32 to vector<16xi32>
        %xor3A_1270 = arith.xori %iota3A, %xor3A_1269 : vector<16xi32>
        %reshape3A_1271 = vector.shape_cast %xor3A_1270 : vector<16xi32> to vector<16x1xi32>
        %gather3A_1272 = vector.shape_cast %reshape3A_1271 : vector<16x1xi32> to vector<16xi32>
        %gather3A_1273 = tpu.dynamic_gather %add3A_1267[%gather3A_1272] in [0] : vector<16xf32>, vector<16xi32> -> vector<16xf32>
        %add3A_1274 = arith.addf %add3A_1267, %gather3A_1273 : vector<16xf32>
        %xor3A_1275 = arith.constant 8 : i32
        %xor3A_1276 = vector.broadcast %xor3A_1275 : i32 to vector<16xi32>
        %xor3A_1277 = arith.xori %iota3A, %xor3A_1276 : vector<16xi32>
        %reshape3A_1278 = vector.shape_cast %xor3A_1277 : vector<16xi32> to vector<16x1xi32>
        %gather3A_1279 = vector.shape_cast %reshape3A_1278 : vector<16x1xi32> to vector<16xi32>
        %gather3A_1280 = tpu.dynamic_gather %add3A_1274[%gather3A_1279] in [0] : vector<16xf32>, vector<16xi32> -> vector<16xf32>
        %add3A_1281 = arith.addf %add3A_1274, %gather3A_1280 : vector<16xf32>
        %select_n3A = arith.select %eq3A_1256, %add3A_1281, %scan3A_428 : vector<16xi1>, vector<16xf32>
        %eq3A_1282 = vector.broadcast %scan3A_427 : i32 to vector<16xi32>
        %eq3A_1283 = arith.cmpi eq, %iota3A, %eq3A_1282 : vector<16xi32>
        %xor3A_1284 = arith.constant 1 : i32
        %xor3A_1285 = vector.broadcast %xor3A_1284 : i32 to vector<16xi32>
        %xor3A_1286 = arith.xori %iota3A, %xor3A_1285 : vector<16xi32>
        %reshape3A_1287 = vector.shape_cast %xor3A_1286 : vector<16xi32> to vector<16x1xi32>
        %gather3A_1288 = vector.shape_cast %reshape3A_1287 : vector<16x1xi32> to vector<16xi32>
        %gather3A_1289 = tpu.dynamic_gather %add3A_1255[%gather3A_1288] in [0] : vector<16xf32>, vector<16xi32> -> vector<16xf32>
        %add3A_1290 = arith.addf %add3A_1255, %gather3A_1289 : vector<16xf32>
        %xor3A_1291 = arith.constant 2 : i32
        %xor3A_1292 = vector.broadcast %xor3A_1291 : i32 to vector<16xi32>
        %xor3A_1293 = arith.xori %iota3A, %xor3A_1292 : vector<16xi32>
        %reshape3A_1294 = vector.shape_cast %xor3A_1293 : vector<16xi32> to vector<16x1xi32>
        %gather3A_1295 = vector.shape_cast %reshape3A_1294 : vector<16x1xi32> to vector<16xi32>
        %gather3A_1296 = tpu.dynamic_gather %add3A_1290[%gather3A_1295] in [0] : vector<16xf32>, vector<16xi32> -> vector<16xf32>
        %add3A_1297 = arith.addf %add3A_1290, %gather3A_1296 : vector<16xf32>
        %xor3A_1298 = arith.constant 4 : i32
        %xor3A_1299 = vector.broadcast %xor3A_1298 : i32 to vector<16xi32>
        %xor3A_1300 = arith.xori %iota3A, %xor3A_1299 : vector<16xi32>
        %reshape3A_1301 = vector.shape_cast %xor3A_1300 : vector<16xi32> to vector<16x1xi32>
        %gather3A_1302 = vector.shape_cast %reshape3A_1301 : vector<16x1xi32> to vector<16xi32>
        %gather3A_1303 = tpu.dynamic_gather %add3A_1297[%gather3A_1302] in [0] : vector<16xf32>, vector<16xi32> -> vector<16xf32>
        %add3A_1304 = arith.addf %add3A_1297, %gather3A_1303 : vector<16xf32>
        %xor3A_1305 = arith.constant 8 : i32
        %xor3A_1306 = vector.broadcast %xor3A_1305 : i32 to vector<16xi32>
        %xor3A_1307 = arith.xori %iota3A, %xor3A_1306 : vector<16xi32>
        %reshape3A_1308 = vector.shape_cast %xor3A_1307 : vector<16xi32> to vector<16x1xi32>
        %gather3A_1309 = vector.shape_cast %reshape3A_1308 : vector<16x1xi32> to vector<16xi32>
        %gather3A_1310 = tpu.dynamic_gather %add3A_1304[%gather3A_1309] in [0] : vector<16xf32>, vector<16xi32> -> vector<16xf32>
        %add3A_1311 = arith.addf %add3A_1304, %gather3A_1310 : vector<16xf32>
        %select_n3A_1312 = arith.select %eq3A_1283, %add3A_1311, %scan3A_429 : vector<16xi1>, vector<16xf32>
        scf.yield %select_n3A, %select_n3A_1312 : vector<16xf32>, vector<16xf32>
      }
      %scan3A_417 = arith.constant 16 : i32
      %mul3A_418 = arith.constant 16 : i32
      %mul3A_419 = arith.muli %add3A_98, %mul3A_418 : i32
      %swap3A_420 = arith.index_cast %mul3A_419 : i32 to index
      %swap3A_421 = tpu.vector_load %arg15[%swap3A_420] {strides = array<i32>} : memref<512xf32, #tpu.memory_space<vmem>>, vector<16xf32>,
      tpu.vector_store %arg15[%swap3A_420], %scan3A_416#0 {strides = array<i32>} : memref<512xf32, #tpu.memory_space<vmem>>, vector<16xf32>,
      %mul3A_422 = arith.constant 16 : i32
      %mul3A_423 = arith.muli %add3A_98, %mul3A_422 : i32
      %swap3A_424 = arith.index_cast %mul3A_423 : i32 to index
      %swap3A_425 = tpu.vector_load %arg16[%swap3A_424] {strides = array<i32>} : memref<512xf32, #tpu.memory_space<vmem>>, vector<16xf32>,
      tpu.vector_store %arg16[%swap3A_424], %scan3A_416#1 {strides = array<i32>} : memref<512xf32, #tpu.memory_space<vmem>>, vector<16xf32>,
      %scan3A_426 = arith.constant 0 : i32
      scf.yield %scan3A_426 : i32
    }
    %scan3A_92 = arith.constant 16 : i32
    "tpu.region"() ({
      %run_scoped3A = tpu.sem_alloc : memref<!tpu.dma_semaphore, #tpu.memory_space<semaphore_mem>>
      %dma_start3A_93 = tpu.memref_slice %arg7[%mul3A_2] : memref<16384xf32, #tpu.memory_space<hbm>> -> memref<512xf32, #tpu.memory_space<hbm>>
      %dma_start3A_94 = tpu.memref_slice %arg7[%mul3A_2] : memref<16384xf32, #tpu.memory_space<hbm>> -> memref<512xf32, #tpu.memory_space<hbm>>
      tpu.enqueue_dma source(%arg15 : memref<512xf32, #tpu.memory_space<vmem>>) target(%dma_start3A_94 : memref<512xf32, #tpu.memory_space<hbm>>) target_semaphore(%run_scoped3A : memref<!tpu.dma_semaphore, #tpu.memory_space<semaphore_mem>>)
      %dma_wait3A = tpu.memref_slice %arg7[%mul3A_2] : memref<16384xf32, #tpu.memory_space<hbm>> -> memref<512xf32, #tpu.memory_space<hbm>>
      %dma_wait3A_95 = tpu.memref_slice %arg7[%mul3A_2] : memref<16384xf32, #tpu.memory_space<hbm>> -> memref<512xf32, #tpu.memory_space<hbm>>
      tpu.wait_dma2 semaphore(%run_scoped3A : memref<!tpu.dma_semaphore, #tpu.memory_space<semaphore_mem>>) src(%arg15 : memref<512xf32, #tpu.memory_space<vmem>>) dst(%dma_wait3A_95 : memref<512xf32, #tpu.memory_space<hbm>>)
      tpu.yield
    }) : () -> ()
    "tpu.region"() ({
      %run_scoped3A = tpu.sem_alloc : memref<!tpu.dma_semaphore, #tpu.memory_space<semaphore_mem>>
      %dma_start3A_93 = tpu.memref_slice %arg8[%mul3A_2] : memref<16384xf32, #tpu.memory_space<hbm>> -> memref<512xf32, #tpu.memory_space<hbm>>
      %dma_start3A_94 = tpu.memref_slice %arg8[%mul3A_2] : memref<16384xf32, #tpu.memory_space<hbm>> -> memref<512xf32, #tpu.memory_space<hbm>>
      tpu.enqueue_dma source(%arg16 : memref<512xf32, #tpu.memory_space<vmem>>) target(%dma_start3A_94 : memref<512xf32, #tpu.memory_space<hbm>>) target_semaphore(%run_scoped3A : memref<!tpu.dma_semaphore, #tpu.memory_space<semaphore_mem>>)
      %dma_wait3A = tpu.memref_slice %arg8[%mul3A_2] : memref<16384xf32, #tpu.memory_space<hbm>> -> memref<512xf32, #tpu.memory_space<hbm>>
      %dma_wait3A_95 = tpu.memref_slice %arg8[%mul3A_2] : memref<16384xf32, #tpu.memory_space<hbm>> -> memref<512xf32, #tpu.memory_space<hbm>>
      tpu.wait_dma2 semaphore(%run_scoped3A : memref<!tpu.dma_semaphore, #tpu.memory_space<semaphore_mem>>) src(%arg16 : memref<512xf32, #tpu.memory_space<vmem>>) dst(%dma_wait3A_95 : memref<512xf32, #tpu.memory_space<hbm>>)
      tpu.yield
    }) : () -> ()
    return
  }
}

module attributes {stable_mosaic.version = 14 : i64} {
  func.func @body(%arg0: i32, %arg1: memref<64x16384xf32, #tpu.memory_space<vmem>>, %arg2: memref<64x16384xf32, #tpu.memory_space<vmem>>, %arg3: memref<4096x128xi32, #tpu.memory_space<vmem>>, %arg4: memref<4096x128xi32, #tpu.memory_space<vmem>>) attributes {dimension_semantics = [#tpu.dimension_semantics<arbitrary>], iteration_bounds = array<i64: 62>, scalar_prefetch = 0 : i64, scratch_operands = 0 : i64, tpu.core_type = #tpu.core_type<tc>, window_params = [{transform_indices = @transform_0, window_bounds = array<i64: 64, 16384>}, {transform_indices = @transform_1, window_bounds = array<i64: 64, 16384>}, {transform_indices = @transform_2, window_bounds = array<i64: 4096, 128>}, {transform_indices = @transform_3, window_bounds = array<i64: 4096, 128>}]} {
    %get3A = arith.constant 0 : index
    %get3A_0 = arith.constant 0 : index
    %get3A_1 = vector.load %arg1[%get3A, %get3A_0] : memref<64x16384xf32, #tpu.memory_space<vmem>>, vector<64x16384xf32>
    %convert_element_type3A = arith.truncf %get3A_1 : vector<64x16384xf32> to vector<64x16384xbf16>
    %bitcast_convert_type3A = tpu.bitcast %convert_element_type3A : vector<64x16384xbf16> -> vector<64x16384xi16>
    %convert_element_type3A_2 = arith.extui %bitcast_convert_type3A : vector<64x16384xi16> to vector<64x16384xi32>
    %slice3A = vector.extract_strided_slice %convert_element_type3A_2 {offsets = [0, 0], sizes = [32, 16384], strides = [1, 1]} : vector<64x16384xi32> to vector<32x16384xi32>
    %slice3A_3 = vector.extract_strided_slice %convert_element_type3A_2 {offsets = [32, 0], sizes = [32, 16384], strides = [1, 1]} : vector<64x16384xi32> to vector<32x16384xi32>
    %shift_left3A = arith.constant 16 : i32
    %shift_left3A_4 = vector.broadcast %shift_left3A : i32 to vector<32x16384xi32>
    %shift_left3A_5 = arith.shli %slice3A_3, %shift_left3A_4 : vector<32x16384xi32>
    %or3A = arith.ori %slice3A, %shift_left3A_5 : vector<32x16384xi32>
    %slice3A_6 = vector.extract_strided_slice %or3A {offsets = [0, 0], sizes = [32, 4096], strides = [1, 1]} : vector<32x16384xi32> to vector<32x4096xi32>
    %slice3A_7 = vector.extract_strided_slice %or3A {offsets = [0, 4096], sizes = [32, 4096], strides = [1, 1]} : vector<32x16384xi32> to vector<32x4096xi32>
    %slice3A_8 = vector.extract_strided_slice %or3A {offsets = [0, 8192], sizes = [32, 4096], strides = [1, 1]} : vector<32x16384xi32> to vector<32x4096xi32>
    %slice3A_9 = vector.extract_strided_slice %or3A {offsets = [0, 12288], sizes = [32, 4096], strides = [1, 1]} : vector<32x16384xi32> to vector<32x4096xi32>
    %concatenate3A = tpu.concatenate %slice3A_6, %slice3A_7, %slice3A_8, %slice3A_9 in 0 : vector<32x4096xi32>, vector<32x4096xi32>, vector<32x4096xi32>, vector<32x4096xi32> -> vector<128x4096xi32>
    %transpose3A = tpu.transpose %concatenate3A, [1, 0] : vector<128x4096xi32> -> vector<4096x128xi32>
    %swap3A = arith.constant 0 : index
    %swap3A_10 = arith.constant 0 : index
    %swap3A_11 = vector.load %arg3[%swap3A, %swap3A_10] : memref<4096x128xi32, #tpu.memory_space<vmem>>, vector<4096x128xi32>
    tpu.vector_store %arg3[%swap3A, %swap3A_10], %transpose3A {strides = array<i32>} : memref<4096x128xi32, #tpu.memory_space<vmem>>, vector<4096x128xi32>,
    %get3A_12 = arith.constant 0 : index
    %get3A_13 = arith.constant 0 : index
    %get3A_14 = vector.load %arg2[%get3A_12, %get3A_13] : memref<64x16384xf32, #tpu.memory_space<vmem>>, vector<64x16384xf32>
    %convert_element_type3A_15 = arith.truncf %get3A_14 : vector<64x16384xf32> to vector<64x16384xbf16>
    %bitcast_convert_type3A_16 = tpu.bitcast %convert_element_type3A_15 : vector<64x16384xbf16> -> vector<64x16384xi16>
    %convert_element_type3A_17 = arith.extui %bitcast_convert_type3A_16 : vector<64x16384xi16> to vector<64x16384xi32>
    %slice3A_18 = vector.extract_strided_slice %convert_element_type3A_17 {offsets = [0, 0], sizes = [32, 16384], strides = [1, 1]} : vector<64x16384xi32> to vector<32x16384xi32>
    %slice3A_19 = vector.extract_strided_slice %convert_element_type3A_17 {offsets = [32, 0], sizes = [32, 16384], strides = [1, 1]} : vector<64x16384xi32> to vector<32x16384xi32>
    %shift_left3A_20 = arith.constant 16 : i32
    %shift_left3A_21 = vector.broadcast %shift_left3A_20 : i32 to vector<32x16384xi32>
    %shift_left3A_22 = arith.shli %slice3A_19, %shift_left3A_21 : vector<32x16384xi32>
    %or3A_23 = arith.ori %slice3A_18, %shift_left3A_22 : vector<32x16384xi32>
    %slice3A_24 = vector.extract_strided_slice %or3A_23 {offsets = [0, 0], sizes = [32, 4096], strides = [1, 1]} : vector<32x16384xi32> to vector<32x4096xi32>
    %slice3A_25 = vector.extract_strided_slice %or3A_23 {offsets = [0, 4096], sizes = [32, 4096], strides = [1, 1]} : vector<32x16384xi32> to vector<32x4096xi32>
    %slice3A_26 = vector.extract_strided_slice %or3A_23 {offsets = [0, 8192], sizes = [32, 4096], strides = [1, 1]} : vector<32x16384xi32> to vector<32x4096xi32>
    %slice3A_27 = vector.extract_strided_slice %or3A_23 {offsets = [0, 12288], sizes = [32, 4096], strides = [1, 1]} : vector<32x16384xi32> to vector<32x4096xi32>
    %concatenate3A_28 = tpu.concatenate %slice3A_24, %slice3A_25, %slice3A_26, %slice3A_27 in 0 : vector<32x4096xi32>, vector<32x4096xi32>, vector<32x4096xi32>, vector<32x4096xi32> -> vector<128x4096xi32>
    %transpose3A_29 = tpu.transpose %concatenate3A_28, [1, 0] : vector<128x4096xi32> -> vector<4096x128xi32>
    %swap3A_30 = arith.constant 0 : index
    %swap3A_31 = arith.constant 0 : index
    %swap3A_32 = vector.load %arg4[%swap3A_30, %swap3A_31] : memref<4096x128xi32, #tpu.memory_space<vmem>>, vector<4096x128xi32>
    tpu.vector_store %arg4[%swap3A_30, %swap3A_31], %transpose3A_29 {strides = array<i32>} : memref<4096x128xi32, #tpu.memory_space<vmem>>, vector<4096x128xi32>,
    return
  }
  func.func @transform_0(%arg0: i32) -> (i32, i32) {
    %c0_i32 = arith.constant 0 : i32
    %c0_i32_0 = arith.constant 0 : i32
    return %c0_i32, %arg0 : i32, i32
  }
  func.func @transform_1(%arg0: i32) -> (i32, i32) {
    %c0_i32 = arith.constant 0 : i32
    %c0_i32_0 = arith.constant 0 : i32
    return %c0_i32, %arg0 : i32, i32
  }
  func.func @transform_2(%arg0: i32) -> (i32, i32) {
    %c0_i32 = arith.constant 0 : i32
    %c0_i32_0 = arith.constant 0 : i32
    return %arg0, %c0_i32 : i32, i32
  }
  func.func @transform_3(%arg0: i32) -> (i32, i32) {
    %c0_i32 = arith.constant 0 : i32
    %c0_i32_0 = arith.constant 0 : i32
    return %arg0, %c0_i32 : i32, i32
  }
}

module attributes {stable_mosaic.version = 14 : i64} {
  func.func @body(%arg0: memref<128x128xf32, #tpu.memory_space<vmem>>, %arg1: memref<128x128xf32, #tpu.memory_space<vmem>>, %arg2: memref<1x1xf32, #tpu.memory_space<vmem>>) attributes {dimension_semantics = [], scalar_prefetch = 0 : i64, scratch_operands = 0 : i64, tpu.core_type = #tpu.core_type<tc>} {
    %get3A = arith.constant 0 : index
    %get3A_0 = arith.constant 0 : index
    %get3A_1 = vector.load %arg0[%get3A, %get3A_0] : memref<128x128xf32, #tpu.memory_space<vmem>>, vector<128x128xf32>
    %get3A_2 = arith.constant 0 : index
    %get3A_3 = arith.constant 0 : index
    %get3A_4 = vector.load %arg1[%get3A_2, %get3A_3] : memref<128x128xf32, #tpu.memory_space<vmem>>, vector<128x128xf32>
    %min3A = arith.constant 0.000000e+00 : f32
    %min3A_5 = vector.broadcast %min3A : f32 to vector<128x128xf32>
    %min3A_6 = arith.minimumf %get3A_1, %min3A_5 : vector<128x128xf32>
    %abs3A = math.absf %get3A_1 : vector<128x128xf32>
    %neg3A = arith.constant 0.000000e+00 : f32
    %neg3A_7 = vector.broadcast %neg3A : f32 to vector<128x128xf32>
    %neg3A_8 = arith.subf %neg3A_7, %abs3A : vector<128x128xf32>
    %exp3A = math.exp %neg3A_8 : vector<128x128xf32>
    %log1p3A = math.log1p %exp3A : vector<128x128xf32>
    %sub3A = arith.subf %min3A_6, %log1p3A : vector<128x128xf32>
    %neg3A_9 = arith.constant 0.000000e+00 : f32
    %neg3A_10 = vector.broadcast %neg3A_9 : f32 to vector<128x128xf32>
    %neg3A_11 = arith.subf %neg3A_10, %get3A_4 : vector<128x128xf32>
    %min3A_12 = arith.constant 0.000000e+00 : f32
    %min3A_13 = vector.broadcast %min3A_12 : f32 to vector<128x128xf32>
    %min3A_14 = arith.minimumf %neg3A_11, %min3A_13 : vector<128x128xf32>
    %abs3A_15 = math.absf %get3A_4 : vector<128x128xf32>
    %neg3A_16 = arith.constant 0.000000e+00 : f32
    %neg3A_17 = vector.broadcast %neg3A_16 : f32 to vector<128x128xf32>
    %neg3A_18 = arith.subf %neg3A_17, %abs3A_15 : vector<128x128xf32>
    %exp3A_19 = math.exp %neg3A_18 : vector<128x128xf32>
    %log1p3A_20 = math.log1p %exp3A_19 : vector<128x128xf32>
    %sub3A_21 = arith.subf %min3A_14, %log1p3A_20 : vector<128x128xf32>
    %reduce_sum3A = vector.shape_cast %sub3A : vector<128x128xf32> to vector<1x128x128xf32>
    %reduce_sum3A_22 = arith.constant dense<0.000000e+00> : vector<1xf32>
    %reduce_sum3A_23 = vector.multi_reduction <add>, %reduce_sum3A, %reduce_sum3A_22 [1, 2] : vector<1x128x128xf32> to vector<1xf32>
    %reduce_sum3A_24 = vector.shape_cast %reduce_sum3A_23 : vector<1xf32> to vector<1x1x1xf32>
    %reduce_sum3A_25 = vector.extract %reduce_sum3A_24[0, 0, 0] : f32 from vector<1x1x1xf32>
    %reduce_sum3A_26 = vector.shape_cast %sub3A_21 : vector<128x128xf32> to vector<1x128x128xf32>
    %reduce_sum3A_27 = arith.constant dense<0.000000e+00> : vector<1xf32>
    %reduce_sum3A_28 = vector.multi_reduction <add>, %reduce_sum3A_26, %reduce_sum3A_27 [1, 2] : vector<1x128x128xf32> to vector<1xf32>
    %reduce_sum3A_29 = vector.shape_cast %reduce_sum3A_28 : vector<1xf32> to vector<1x1x1xf32>
    %reduce_sum3A_30 = vector.extract %reduce_sum3A_29[0, 0, 0] : f32 from vector<1x1x1xf32>
    %add3A = arith.addf %reduce_sum3A_25, %reduce_sum3A_30 : f32
    %mul3A = arith.constant -6.10351563E-5 : f32
    %mul3A_31 = arith.mulf %add3A, %mul3A : f32
    %reshape3A = vector.broadcast %mul3A_31 : f32 to vector<1x1xf32>
    %swap3A = arith.constant 0 : index
    %swap3A_32 = arith.constant 0 : index
    %swap3A_33 = vector.load %arg2[%swap3A, %swap3A_32] : memref<1x1xf32, #tpu.memory_space<vmem>>, vector<1x1xf32>
    tpu.vector_store %arg2[%swap3A, %swap3A_32], %reshape3A {strides = array<i32>} : memref<1x1xf32, #tpu.memory_space<vmem>>, vector<1x1xf32>,
    return
  }
}

</mosaic_0001>

<sc_bundles>
// kernel: kernel.5.cloned.1.call-start
scs
__scs_entry_jumppad:
0x0: {  	(pc) =	sbr.rel $0x88, $3  }
0x1: {  	(tag) =	ssettag $0x0;
	lr =	simm.s32 $0x1  }
0x2: {  	[smem:$0x3F9C] =	sst lr;
	_ =	strace $0xD0000000  }
0x3: {  	_ = 	snop  }
0x4: {  	_ = 	snop  }
0x5: {  	_ = 	snop  }
0x6: {  	_ = 	snop  }
0x7: {  	_ = 	snop  }
__scs_overlays_trampoline_lowered:
0x8: {  	[smem:$0x3FAB] =	sst s0  }
0x9: {  	[smem:$0x3FAC] =	sst s1  }
0xa: {  	[smem:$0x3FAD] =	sst s2  }
0xb: {  	[smem:$0x3FAE] =	sst s3  }
0xc: {  	[smem:$0x3FAF] =	sst s4  }
0xd: {  	[smem:$0x3FB0] =	sst s5  }
0xe: {  	[smem:$0x3FB1] =	sst s6  }
0xf: {  	[smem:$0x3FB2] =	sst s7  }
0x10: {  	[smem:$0x3FB3] =	sst s8  }
0x11: {  	[smem:$0x3FB4] =	sst s9;
	s0 =	simm.s32 @!p0 $0x0  }
0x12: {  	s1 =	sld [smem:$0x3F9A];
	s0 =	simm.s32 @p0 $0x1  }
0x13: {  	[smem:$0x3FB5] =	sst s0;
	s0 =	simm.s32 @!p1 $0x0  }
0x14: {  	s2 =	sld [smem:$0x3F99];
	s0 =	simm.s32 @p1 $0x1  }
0x15: {  	[smem:$0x3FB6] =	sst s0;
	s0 =	simm.s32 @!p2 $0x0  }
0x16: {  	s3 =	sld [smem:$0x3FDB];
	s0 =	simm.s32 @p2 $0x1  }
0x17: {  	s4 =	simm.s32 $0x1BF5;
	[smem:$0x3FB8] =	sst s0  }
0x18: {  	s0 =	sld [smem:$0x3F9B];
	_ =	swait.ge [sflag:s4], $0x0  }
0x19: {  	s7 =	sld [smem:$0x3F9C]  }
0x1a: {  	s8 =	sadd.s32 $0xFFFFE003, lr  }
0x1b: {  	s9 =	sadd.s32 $0xFFFFFEF7, lr;
	s5 =	simm.s32 $0xFFFFFFFF;
	p2 =	slt.u32 s8, $0xFFFFF086  }
0x1c: {  	p1 =	slt.u32 s9, $0xF7A;
	s5 =	simm.s32 @!p2 $0x0  }
0x1d: {  	s5 =	simm.s32 @p1 $0x1;
	p0 =	seq.s32 s7, s2  }
0x1e: {  	s7 =	smul.u32 @!p0 $0xF7A, s2;
	p2 =	seq.s32 @!p0 s5, $0x0  }
0x1f: {  	s9 =	smul.u32 $0xF7A, s1;
	s8 =	simm.s32 @!p0 $0x1BF5;
	p2 =	por !p2, p0  }
0x20: {  	[sflag:s8] =	ssyncset.s32 @!p0 $0xFFFFF086;
	s6 =	sadd.s32 @!p0 s3, s7;
	s7 =	simm.s32 @!p0 $0x108  }
0x21: {  	s3 =	sadd.s32 s3, s9;
	s6 =	sadd.s32 @!p0 $0x88, s6;
	s7 =	simm.s32 @p2 $0x1082  }
0x22: {  	[simem:s7], [sflag:s8] =	dma.local @!p0 [hbm:s6], $0xF7A  }
0x23: {  	s9 =	sor.u32 $0xD0000000, s2;
	s6 =	simm.s32 $0x108;
	_ =	swait.ge @!p0 [sflag:s8], $0x0  }
0x24: {  	s3 =	sadd.s32 $0x88, s3;
	s6 =	simm.s32 @!p1 $0x1082;
	[sflag:s4] =	ssyncset.s32 $0xFFFFF086  }
0x25: {  	[simem:s6], [sflag:s4] =	dma.local [hbm:s3], $0xF7A  }
0x26: {  	[smem:$0x3F9C] =	sst s1;
	(tag) =	ssettag s2;
	_ =	strace s9  }
0x27: {  	s1 =	sld [smem:$0x3FAC]  }
0x28: {  	s2 =	sld [smem:$0x3FAD]  }
0x29: {  	s4 =	sld [smem:$0x3FAF]  }
0x2a: {  	p0 =	seq.s32 s5, $0x0;
	s5 =	sld [smem:$0x3FB0]  }
0x2b: {  	s6 =	sld [smem:$0x3FB1]  }
0x2c: {  	s7 =	sld [smem:$0x3FB2]  }
0x2d: {  	s3 =	simm.s32 $0x108;
	s8 =	sld [smem:$0x3FB3]  }
0x2e: {  	s3 =	simm.s32 @!p0 $0x1082;
	s9 =	sld [smem:$0x3FB4]  }
0x2f: {  	lr =	sadd.s32 s0, s3;
	s0 =	sld [smem:$0x3FAB]  }
0x30: {  	s3 =	sld [smem:$0x3FAE]  }
0x31: {  	[smem:$0x3FB7] =	sst s10  }
0x32: {  	s10 =	sld [smem:$0x3FB5];
	_ =	sdelay $0x3  }
0x33: {  	p0 =	seq.s32 s10, $0x1;
	s10 =	sld [smem:$0x3FB7];
	_ =	sdelay $0x3  }
0x34: {  	[smem:$0x3FB7] =	sst s10  }
0x35: {  	s10 =	sld [smem:$0x3FB6];
	_ =	sdelay $0x3  }
0x36: {  	p1 =	seq.s32 s10, $0x1;
	s10 =	sld [smem:$0x3FB7];
	_ =	sdelay $0x3  }
0x37: {  	[smem:$0x3FB7] =	sst s10  }
0x38: {  	s10 =	sld [smem:$0x3FB8]  }
0x39: {  	_ = 	snop;
	(pc) =	sbr.ind lr, $3  }
0x3a: {  	_ = 	snop  }
0x3b: {  	_ = 	snop  }
0x3c: {  	p2 =	seq.s32 s10, $0x1;
	s10 =	sld [smem:$0x3FB7]  }
0x3d: {  	_ =	shalt  }
0x3e: {  	_ =	shalt  }
0x3f: {  	_ =	shalt  }
0x40: {  	_ =	shalt  }
0x41: {  	_ =	shalt  }
0x42: {  	_ =	shalt  }
0x43: {  	_ =	shalt  }
0x44: {  	_ =	shalt  }
0x45: {  	_ =	shalt  }
0x46: {  	_ =	shalt  }
0x47: {  	_ =	shalt  }
0x48: {  	_ =	shalt  }
0x49: {  	_ =	shalt  }
0x4a: {  	_ =	shalt  }
0x4b: {  	_ =	shalt  }
0x4c: {  	_ =	shalt  }
0x4d: {  	_ =	shalt  }
0x4e: {  	_ =	shalt  }
0x4f: {  	_ =	shalt  }
0x50: {  	_ =	shalt  }
0x51: {  	_ =	shalt  }
0x52: {  	_ =	shalt  }
0x53: {  	_ =	shalt  }
0x54: {  	_ =	shalt  }
0x55: {  	_ =	shalt  }
0x56: {  	_ =	shalt  }
0x57: {  	_ =	shalt  }
0x58: {  	_ =	shalt  }
0x59: {  	_ =	shalt  }
0x5a: {  	_ =	shalt  }
0x5b: {  	_ =	shalt  }
0x5c: {  	_ =	shalt  }
0x5d: {  	_ =	shalt  }
0x5e: {  	_ =	shalt  }
0x5f: {  	_ =	shalt  }
0x60: {  	_ =	shalt  }
0x61: {  	_ =	shalt  }
0x62: {  	_ =	shalt  }
0x63: {  	_ =	shalt  }
0x64: {  	_ =	shalt  }
0x65: {  	_ =	shalt  }
0x66: {  	_ =	shalt  }
0x67: {  	_ =	shalt  }
0x68: {  	_ =	shalt  }
0x69: {  	_ =	shalt  }
0x6a: {  	_ =	shalt  }
0x6b: {  	_ =	shalt  }
0x6c: {  	_ =	shalt  }
0x6d: {  	_ =	shalt  }
0x6e: {  	_ =	shalt  }
0x6f: {  	_ =	shalt  }
0x70: {  	_ =	shalt  }
0x71: {  	_ =	shalt  }
0x72: {  	_ =	shalt  }
0x73: {  	_ =	shalt  }
0x74: {  	_ =	shalt  }
0x75: {  	_ =	shalt  }
0x76: {  	_ =	shalt  }
0x77: {  	_ =	shalt  }
0x78: {  	_ =	shalt  }
0x79: {  	_ =	shalt  }
0x7a: {  	_ =	shalt  }
0x7b: {  	_ =	shalt  }
0x7c: {  	_ =	shalt  }
0x7d: {  	_ =	shalt  }
0x7e: {  	_ =	shalt  }
0x7f: {  	_ =	shalt  }
0x80: {  	_ =	shalt  }
0x81: {  	_ =	shalt  }
0x82: {  	_ =	shalt  }
0x83: {  	_ =	shalt  }
0x84: {  	_ =	shalt  }
0x85: {  	_ =	shalt  }
0x86: {  	_ =	shalt  }
0x87: {  	_ =	shalt  }
.Lfunc_end0:
.L_simem_size_0:
called_computation_lowered:
.L_overlay_start_0:
0x88: {  	s2 =	sld [smem:$0x3FD9]  }
0x89: {  	s3 =	sld [smem:$0x3FFE];
	_ =	sdelay $0x1  }
0x8a: {  	s1 =	srdreg.scid  }
0x8b: {  	s0 =	sand.u32 $0x1, s1  }
0x8c: {  	s16 =	sshll.u32 s0, $0xA;
	s2 =	sadd.s32 s3, s2  }
0x8d: {  	s2 =	sadd.s32 s2, s16  }
0x8e: {  	[smem:$0x3FC3] =	sst s2  }
0x8f: {  	_ = 	snop  }
0x90: {  	(tm) =	ssettm $0x1  }
0x91: {  	s17 =	sld [smem:$0x3FFB];
	_ =	sdelay $0x3  }
0x92: {  	_ =	strace s17  }
0x93: {  	s2 =	sld [smem:$0x3FFC];
	_ =	sdelay $0x3  }
0x94: {  	_ =	strace s2  }
0x95: {  	s2 =	sld [smem:$0x3FFD];
	_ =	sdelay $0x3  }
0x96: {  	_ =	strace s2  }
0x97: {  	_ =	strace $0x8FFFFFFF  }
0x98: {  	s18 =	sld [smem:$0x3FDB];
	_ =	sdelay $0x1  }
0x99: {  	s19 =	simm.s32 $_scs_section_size  }
0x9a: {  	s4 =	simm.s32 $_size__tile_overlayer_lowered;
	s5 =	simm.s32 $_tile_overlayer_lowered  }
0x9b: {  	s22 =	simm.s32 $0x1BFF;
	s21 =	sshll.u32 s5, $0x1;
	s2 =	sadd.s32 s19, s18  }
0x9c: {  	s6 =	simm.s32 $0x0;
	s20 =	sshll.u32 s4, $0x1;
	s4 =	sadd.s32 s21, s2  }
0x9d: {  	[timem:s6], [sflag:s22] =	dma.local [hbm:s4], s20  }
0x9e: {  	_ =	swait.ge [sflag:s22], s20  }
0x9f: {  	s3 =	ssub.s32 $0x0, s20;
	[sflag:s22] =	ssyncset.done $0x0  }
0xa0: {  	[sflag:s22] =	ssyncadd.s32 s3;
	_ =	sdelay $0x1  }
0xa1: {  	s23 =	simm.s32 $0x1B8B  }
0xa2: {  	_ =	swait.ge [sflag:s23], $0x1  }
0xa3: {  	[sflag:s23] =	ssyncset.done $0x0  }
0xa4: {  	s25 =	simm.s32 $0x1B8E;
	s24 =	sld [smem:$0x3FFE];
	[sflag:s23] =	ssyncadd.s32 $0xFFFFFFFF  }
0xa5: {  	s26 =	simm.s32 $execute0_lowered;
	[smem:$0x3FD2] =	sst s25  }
0xa6: {  	s4 =	sshll.u32 s26, $0x1;
	_ =	strace $0x80000046;
	[dreg:$0x1] =	wrdreg $0xFFFFFFFF  }
0xa7: {  	s28 =	simm.s32 $_size_execute0_lowered;
	s2 =	sadd.s32 s2, s4;
	[dreg:$0x0] =	wrdreg $0x0  }
0xa8: {  	s4 =	sshll.u32 s28, $0x1;
	[dreg:$0x2] =	wrdreg s2  }
0xa9: {  	[dreg:$0x3] =	wrdreg s4  }
0xaa: {  	[dreg:$0x4] =	wrdreg $0xC0  }
0xab: {  	_ =	task [dreg:s6], $0x5FFFF  }
0xac: {  	[dreg:$0x1] =	wrdreg $0xFFFFFFFF  }
0xad: {  	[dreg:$0x0] =	wrdreg $0x60  }
0xae: {  	[dreg:$0x2] =	wrdreg s24  }
0xaf: {  	[dreg:$0x3] =	wrdreg $0x9  }
0xb0: {  	_ =	task.clear_ibuf [dreg:s6], $0x4FFFF;
	_ =	strace $0x90000046  }
0xb1: {  	s29 =	simm.s32 $0x9;
	_ =	strace $0x80000048  }
0xb2: {  	_ =	swait.ge [sflag:s29], $0x1  }
0xb3: {  	[sflag:s29] =	ssyncadd.s32 $0xFFFFFFFF  }
0xb4: {  	_ =	strace $0x90000048  }
0xb5: {  	_ =	sfence  }
0xb6: {  	s30 =	sld [smem:$0x0];
	_ =	sdelay $0x2  }
0xb7: {  	s31 =	sshll.u32 s1, $0xD;
	s1 =	sshrl.u32 s1, $0x2  }
0xb8: {  	s3 =	sand.u32 $0x4000, s31;
	s1 =	sadd.s32 s1, s30  }
0xb9: {  	s0 =	sor.u32 s3, s0;
	s1 =	sshll.u32 s1, $0x11  }
0xba: {  	s0 =	sor.u32 s1, s0  }
0xbb: {  	s0 =	sadd.s32 $0x8F2B, s0  }
0xbc: {  	[sflag:s0] =	ssyncadd.remote.s32 $0x1  }
0xbd: {  	_ =	sfence.sel $0xFFFF  }
0xbe: {  	[dreg:$0x0] =	wrdreg $0xFFFFFFFF;
	(pc) =	sbr.abs _section_cstart, $3  }
0xbf: {  	[dreg:$0x1] =	wrdreg $0xFFFFFFFF  }
0xc0: {  	_ =	task.clear_ibuf [dreg:s6], $0x2FFFF;
	_ =	strace $0x9FFFFFFF  }
0xc1: {  	(tm) =	ssettm $0x7FFFFFFF  }
tec
execute0_lowered:
.L_overlay_start_1:
0x0: {  	(tag) =	ssettag $0x1  }
0x1: {  	v0 =	vimm.s32 $0xEFCDAB89;
	v1 =	vimm.s32 $0x67452301  }
0x2: {  	s0 =	srdreg.scid;
	v2 =	vimm.s32 $0xDCFE98BA;
	v3 =	vimm.s32 $0x54761032;
	v4 =	vimm.s32 $0xBA98FEDC  }
0x3: {  	s2 =	stileid.u32;
	s1 =	rddreg [dreg:$0x0];
	s11 =	simm.s32 $0x3;
	v5 =	vimm.s32 $0x32107654;
	v6 =	vimm.s32 $0xFEDCBA98;
	v7 =	vimm.s32 $0x76543210  }
0x4: {  	s14 =	simm.s32 $0x10;
	s17 =	simm.s32 $0x40;
	s28 =	simm.s32 $0x2E00;
	v0 =	vunpack.c.l.s4.s8 v0;
	v2 =	vunpack.c.l.s4.s8 v2;
	v3 =	vunpack.c.l.s4.s8 v3  }
0x5: {  	s29 =	simm.s32 $0x3200;
	s30 =	simm.s32 $0x5C00;
	s31 =	simm.s32 $0x6400;
	v1 =	vunpack.c.l.s4.s8 v1;
	v4 =	vunpack.c.l.s4.s8 v4;
	v5 =	vunpack.c.l.s4.s8 v5  }
0x6: {  	s15 =	simm.s32 $0x7C00;
	s16 =	simm.s32 $0x1;
	s18 =	simm.s32 $0x2;
	v6 =	vunpack.c.l.s4.s8 v6;
	v2 =	vunpack.c.0.s8.s32 v2;
	v3 =	vunpack.c.0.s8.s32 v3  }
0x7: {  	s0 =	sand.u32 $0x1, s0;
	s3 =	sshll.u32 s2, $0x1;
	s2 =	simm.s32 $0x0;
	v7 =	vunpack.c.l.s4.s8 v7;
	v4 =	vunpack.c.0.s8.s32 v4;
	v5 =	vunpack.c.0.s8.s32 v5  }
0x8: {  	s21 =	simm.s32 $0x0;
	s3 =	sor.u32 s0, s3;
	[smem:$0x7FF] =	sst s2;
	v0 =	vunpack.c.0.s8.s32 v0;
	v1 =	vunpack.c.0.s8.s32 v1;
	v2 =	vcombine.low v3, v2  }
0x9: {  	s0 =	ssub.s32 $0x2, s0;
	s4 =	smul.u32 $0x500, s3;
	_ =	strace $0x80000047;
	v60 =	vunpack.c.0.s8.s32 v6;
	v61 =	vcombine.low v5, v4  }
0xa: {  	s26 =	sshll.u32 s3, $0x6;
	s3 =	sadd.s32 $0x3EBE00, s1;
	s5 =	sshrl.u32 s0, $0x1;
	v62 =	vunpack.c.0.s8.s32 v7;
	v0 =	vcombine.low v1, v0;
	v16 =	vand.u32 $0xF, v2  }
0xb: {  	s9 =	sadd.s32 s26, s1;
	s0 =	ssub.s32 s0, s5;
	s7 =	sadd.s32 s4, s1;
	v63 =	vand.u32 $0xF, v60;
	v17 =	vand.u32 $0xF, v61;
	[tilespmem:$0x1FFC0] =	vst v16  }
0xc: {  	s4 =	sadd.s32 $0xBE00, s1;
	s5 =	sadd.s32 $0xE00, s9;
	s6 =	sadd.s32 $0x1600, s9;
	v20 =	vcombine.low v63, v62;
	v15 =	vand.u32 $0xF, v0;
	[tilespmem:$0x1FFD0] =	vst v17  }
0xd: {  	s8 =	sadd.s32 $0x7CBE00, s9;
	s9 =	sadd.s32 $0x7CC600, s9;
	s10 =	smax.u32 s0, $0x1;
	[tilespmem:$0x1FFE0] =	vst v15  }
0xe: {  	s1 =	simm.s32 $0x6C00;
	s0 =	simm.s32 $0x7400;
	s7 =	sadd.s32 $0x1E00, s7;
	[tilespmem:$0x1FFF0] =	vst v20  }
.LBB2_1:
0xf: {  	[tilespmem:s2], [sflag:$0x3] =	stream.linear.gather [hbm4b:s5+s2], $0x200, $0x38;
	[tilespmem:$0x8800] =	vst v63  }
0x10: {  	_ =	swait.ge [sflag:s11], $0x200  }
0x11: {  	[sflag:s11] =	ssyncset.done $0x0  }
0x12: {  	s12 =	simm.s32 $0x200;
	[sflag:s11] =	ssyncadd.s32 $0xFFFFFE00  }
0x13: {  	[tilespmem:s12], [sflag:$0x3] =	stream.linear.gather [hbm4b:s6+s2], $0x200, $0x38;
	[tilespmem:$0x8800] =	vst v63  }
0x14: {  	_ =	swait.ge [sflag:s11], $0x200  }
0x15: {  	[sflag:s11] =	ssyncset.done $0x0  }
0x16: {  	s13 =	simm.s32 $0x400;
	[sflag:s11] =	ssyncadd.s32 $0xFFFFFE00  }
0x17: {  	[tilespmem:s13], [sflag:$0x3] =	stream.linear.gather [hbm4b:s7+s2], $0x2800, $0x38;
	[tilespmem:$0x8800] =	vst v63  }
0x18: {  	_ =	swait.ge [sflag:s11], $0x2800  }
0x19: {  	[sflag:s11] =	ssyncset.done $0x0  }
0x1a: {  	s19 =	simm.s32 $0x2C00;
	[sflag:s11] =	ssyncadd.s32 $0xFFFFD800  }
0x1b: {  	[tilespmem:s19], [sflag:$0x1] =	stream.indirect.gather [hbm4b:s4+s14], $0x20, s2, s14, $0xb8;
	[tilespmem:$0x8800] =	vst v63  }
0x1c: {  	s25 =	simm.s32 $0x3000  }
0x1d: {  	[tilespmem:s25], [sflag:$0x1] =	stream.indirect.gather [hbm4b:s3+s14], $0x20, s12, s14, $0xb8;
	[tilespmem:$0x8800] =	vst v63  }
0x1e: {  	s26 =	simm.s32 $0x3400  }
0x1f: {  	[tilespmem:s26], [sflag:$0x1] =	stream.indirect.gather [hbm4b:s3+s17], $0x20, s13, s17, $0xb8;
	[tilespmem:$0x8800] =	vst v63  }
0x20: {  	s19 =	simm.s32 $0x3C00;
	s13 =	simm.s32 $0x440  }
0x21: {  	[tilespmem:s19], [sflag:$0x1] =	stream.indirect.gather [hbm4b:s3+s17], $0x20, s13, s17, $0xb8;
	[tilespmem:$0x8800] =	vst v63  }
0x22: {  	s20 =	simm.s32 $0x480;
	s22 =	simm.s32 $0x4400  }
0x23: {  	[tilespmem:s22], [sflag:$0x1] =	stream.indirect.gather [hbm4b:s3+s17], $0x20, s20, s17, $0xb8;
	[tilespmem:$0x8800] =	vst v63  }
0x24: {  	s23 =	simm.s32 $0x4C0;
	s24 =	simm.s32 $0x4C00  }
0x25: {  	[tilespmem:s24], [sflag:$0x1] =	stream.indirect.gather [hbm4b:s3+s17], $0x20, s23, s17, $0xb8;
	[tilespmem:$0x8800] =	vst v63  }
0x26: {  	s25 =	simm.s32 $0x500;
	s26 =	simm.s32 $0x5400;
	s23 =	simm.s32 $0x0  }
0x27: {  	[tilespmem:s26], [sflag:$0x1] =	stream.indirect.gather [hbm4b:s3+s17], $0x20, s25, s17, $0xb8;
	[tilespmem:$0x8800] =	vst v63  }
.LBB2_2:
0x28: {  	s12 =	sshllo.u32 s23, $0x1  }
0x29: {  	s22 =	sshll.u32 s12, $0x4;
	s12 =	smul.u32 $0x500, s12  }
0x2a: {  	[tilespmem:s28], [sflag:$0x2] =	stream.indirect.gather [hbm4b:s4+s14], $0x20, s22, s14, $0xb8;
	[tilespmem:$0x8800] =	vst v63  }
0x2b: {  	s13 =	sadd.s32 $0x200, s22;
	s12 =	sshra.s32 s12, $0x2  }
0x2c: {  	[tilespmem:s29], [sflag:$0x2] =	stream.indirect.gather [hbm4b:s3+s14], $0x20, s13, s14, $0xb8;
	[tilespmem:$0x8800] =	vst v63  }
0x2d: {  	s26 =	sadd.s32 $0x400, s12  }
0x2e: {  	[tilespmem:s30], [sflag:$0x2] =	stream.indirect.gather [hbm4b:s3+s17], $0x20, s26, s17, $0xb8;
	[tilespmem:$0x8800] =	vst v63  }
0x2f: {  	s19 =	sadd.s32 $0x440, s12  }
0x30: {  	[tilespmem:s31], [sflag:$0x2] =	stream.indirect.gather [hbm4b:s3+s17], $0x20, s19, s17, $0xb8;
	[tilespmem:$0x8800] =	vst v63  }
0x31: {  	s20 =	sadd.s32 $0x480, s12  }
0x32: {  	[tilespmem:s1], [sflag:$0x2] =	stream.indirect.gather [hbm4b:s3+s17], $0x20, s20, s17, $0xb8;
	[tilespmem:$0x8800] =	vst v63  }
0x33: {  	s24 =	sadd.s32 $0x4C0, s12  }
0x34: {  	[tilespmem:s0], [sflag:$0x2] =	stream.indirect.gather [hbm4b:s3+s17], $0x20, s24, s17, $0xb8;
	[tilespmem:$0x8800] =	vst v63  }
0x35: {  	s12 =	sadd.s32 $0x500, s12  }
0x36: {  	[tilespmem:s15], [sflag:$0x2] =	stream.indirect.gather [hbm4b:s3+s17], $0x20, s12, s17, $0xb8;
	[tilespmem:$0x8800] =	vst v63  }
0x37: {  	_ =	swait.ge [sflag:s16], $0x200  }
0x38: {  	[sflag:s16] =	ssyncset.done $0x0  }
0x39: {  	[sflag:s16] =	ssyncadd.s32 $0xFFFFFE00  }
0x3a: {  	_ =	swait.ge [sflag:s16], $0x200  }
0x3b: {  	[sflag:s16] =	ssyncset.done $0x0  }
0x3c: {  	[sflag:s16] =	ssyncadd.s32 $0xFFFFFE00  }
0x3d: {  	_ =	swait.ge [sflag:s16], $0x800  }
0x3e: {  	[sflag:s16] =	ssyncset.done $0x0  }
0x3f: {  	[sflag:s16] =	ssyncadd.s32 $0xFFFFF800  }
0x40: {  	_ =	swait.ge [sflag:s16], $0x800  }
0x41: {  	[sflag:s16] =	ssyncset.done $0x0  }
0x42: {  	[sflag:s16] =	ssyncadd.s32 $0xFFFFF800  }
0x43: {  	_ =	swait.ge [sflag:s16], $0x800  }
0x44: {  	[sflag:s16] =	ssyncset.done $0x0  }
0x45: {  	[sflag:s16] =	ssyncadd.s32 $0xFFFFF800  }
0x46: {  	_ =	swait.ge [sflag:s16], $0x800  }
0x47: {  	[sflag:s16] =	ssyncset.done $0x0  }
0x48: {  	[sflag:s16] =	ssyncadd.s32 $0xFFFFF800  }
0x49: {  	_ =	swait.ge [sflag:s16], $0x800  }
0x4a: {  	[sflag:s16] =	ssyncset.done $0x0  }
0x4b: {  	s26 =	simm.s32 $0x3540;
	[sflag:s16] =	ssyncadd.s32 $0xFFFFF800  }
0x4c: {  	v2 =	vld [tilespmem:s26+$0xB0]  }
0x4d: {  	v4 =	vld [tilespmem:s26+$0xC0]  }
0x4e: {  	v12 =	vld [tilespmem:s26+$0x90]  }
0x4f: {  	v14 =	vld [tilespmem:s26+$0xA0]  }
0x50: {  	v16 =	vld [tilespmem:s26+$0x70]  }
0x51: {  	v18 =	vld [tilespmem:s26+$0x80]  }
0x52: {  	v19 =	vld [tilespmem:s26+$0x50]  }
0x53: {  	v22 =	vld [tilespmem:s26+$0x60]  }
0x54: {  	v23 =	vld [tilespmem:s26+$0x30]  }
0x55: {  	v24 =	vld [tilespmem:s26+$0x40]  }
0x56: {  	v25 =	vld [tilespmem:s26+$0x10]  }
0x57: {  	v26 =	vld [tilespmem:s26+$0x20]  }
0x58: {  	v27 =	vld [tilespmem:s26+$0xFFFFFFF0]  }
0x59: {  	v28 =	vld [tilespmem:s26+$0x0]  }
0x5a: {  	v29 =	vld [tilespmem:s26+$0xFFFFFFD0]  }
0x5b: {  	v30 =	vld [tilespmem:s26+$0xFFFFFFE0]  }
0x5c: {  	v31 =	vld [tilespmem:s26+$0xFFFFFFB0]  }
0x5d: {  	v32 =	vld [tilespmem:s26+$0xFFFFFFC0]  }
0x5e: {  	v33 =	vld [tilespmem:s26+$0xFFFFFF90]  }
0x5f: {  	v34 =	vld [tilespmem:s26+$0xFFFFFFA0];
	v15 =	vand.u32 $0xFFFF0000, v4;
	v17 =	vand.u32 $0xFFFF0000, v12  }
0x60: {  	v36 =	vld [tilespmem:s26+$0xFFFFFEC0];
	v13 =	vand.u32 $0xFFFF0000, v2;
	v20 =	vand.u32 $0xFFFF0000, v14;
	v21 =	vand.u32 $0xFFFF0000, v16  }
0x61: {  	v39 =	vld [tilespmem:s26+$0xFFFFFEE0];
	v37 =	vand.u32 $0xFFFF0000, v22;
	v38 =	vand.u32 $0xFFFF0000, v18;
	v40 =	vand.u32 $0xFFFF0000, v19  }
0x62: {  	v43 =	vld [tilespmem:s26+$0xFFFFFED0];
	v41 =	vand.u32 $0xFFFF0000, v24;
	v42 =	vand.u32 $0xFFFF0000, v23;
	v44 =	vand.u32 $0xFFFF0000, v26  }
0x63: {  	v47 =	vld [tilespmem:s26+$0xFFFFFF00];
	v45 =	vand.u32 $0xFFFF0000, v27;
	v46 =	vand.u32 $0xFFFF0000, v25;
	v48 =	vand.u32 $0xFFFF0000, v28  }
0x64: {  	v51 =	vld [tilespmem:s26+$0xFFFFFEF0];
	v49 =	vand.u32 $0xFFFF0000, v29;
	v50 =	vand.u32 $0xFFFF0000, v32;
	v53 =	vand.u32 $0xFFFF0000, v30  }
0x65: {  	v52 =	vld [tilespmem:s26+$0xFFFFFF20];
	v54 =	vand.u32 $0xFFFF0000, v31;
	v55 =	vand.u32 $0xFFFF0000, v34;
	v57 =	vand.u32 $0xFFFF0000, v33  }
0x66: {  	v60 =	vld [tilespmem:s26+$0xFFFFFF10];
	v58 =	vshll.u32 v36, $0x10;
	v59 =	vshll.u32 v39, $0x10;
	v36 =	vand.u32 $0xFFFF0000, v36  }
0x67: {  	v56 =	vld [tilespmem:s26+$0xFFFFFF80];
	v39 =	vand.u32 $0xFFFF0000, v39;
	v61 =	vshll.u32 v43, $0x10;
	v58 =	vadd.f32 v59, v58  }
0x68: {  	v62 =	vshll.u32 v47, $0x10;
	v47 =	vand.u32 $0xFFFF0000, v47;
	v59 =	vld [tilespmem:s26+$0xFFFFFF50];
	v36 =	vadd.f32 v39, v36  }
0x69: {  	v43 =	vand.u32 $0xFFFF0000, v43;
	v39 =	vld [tilespmem:s26+$0xFFFFFF40];
	v58 =	vadd.f32 v62, v58;
	v62 =	vshll.u32 v51, $0x10  }
0x6a: {  	v35 =	vld [tilespmem:s26+$0xFFFFFF70];
	v36 =	vadd.f32 v47, v36;
	v51 =	vand.u32 $0xFFFF0000, v51;
	v61 =	vadd.f32 v62, v61  }
0x6b: {  	v63 =	vld [tilespmem:s26+$0xFFFFFF30];
	v62 =	vshll.u32 v52, $0x10;
	v43 =	vadd.f32 v51, v43;
	v51 =	vshll.u32 v60, $0x10  }
0x6c: {  	v47 =	vld [tilespmem:s26+$0xFFFFFF60];
	v52 =	vand.u32 $0xFFFF0000, v52;
	v60 =	vand.u32 $0xFFFF0000, v60;
	v58 =	vadd.f32 v62, v58  }
0x6d: {  	v62 =	vand.u32 $0xFFFF0000, v56;
	v36 =	vadd.f32 v52, v36;
	v51 =	vadd.f32 v51, v61  }
0x6e: {  	v61 =	vand.u32 $0xFFFF0000, v59;
	v52 =	vshll.u32 v39, $0x10;
	v43 =	vadd.f32 v60, v43  }
0x6f: {  	v60 =	vand.u32 $0xFFFF0000, v35;
	v39 =	vand.u32 $0xFFFF0000, v39;
	v52 =	vadd.f32 v52, v58  }
0x70: {  	v58 =	vshll.u32 v63, $0x10;
	v63 =	vand.u32 $0xFFFF0000, v63;
	v36 =	vadd.f32 v39, v36  }
0x71: {  	v51 =	vadd.f32 v58, v51;
	v58 =	vand.u32 $0xFFFF0000, v47;
	v47 =	vshll.u32 v47, $0x10  }
0x72: {  	v43 =	vadd.f32 v63, v43;
	v39 =	vadd.f32 v47, v52;
	v47 =	vshll.u32 v59, $0x10  }
0x73: {  	v59 =	vshll.u32 v56, $0x10;
	v36 =	vadd.f32 v58, v36;
	v47 =	vadd.f32 v47, v51  }
0x74: {  	v35 =	vshll.u32 v35, $0x10;
	v43 =	vadd.f32 v61, v43;
	v39 =	vadd.f32 v59, v39  }
0x75: {  	v34 =	vshll.u32 v34, $0x10;
	v36 =	vadd.f32 v62, v36;
	v35 =	vadd.f32 v35, v47  }
0x76: {  	v33 =	vshll.u32 v33, $0x10;
	v43 =	vadd.f32 v60, v43;
	v34 =	vadd.f32 v34, v39  }
0x77: {  	v32 =	vshll.u32 v32, $0x10;
	v47 =	vadd.f32 v55, v36;
	v33 =	vadd.f32 v33, v35  }
0x78: {  	v31 =	vshll.u32 v31, $0x10;
	v51 =	vadd.f32 v57, v43;
	v32 =	vadd.f32 v32, v34  }
0x79: {  	v30 =	vshll.u32 v30, $0x10;
	v52 =	vadd.f32 v50, v47;
	v31 =	vadd.f32 v31, v33  }
0x7a: {  	v29 =	vshll.u32 v29, $0x10;
	v55 =	vadd.f32 v54, v51;
	v30 =	vadd.f32 v30, v32  }
0x7b: {  	v28 =	vshll.u32 v28, $0x10;
	v29 =	vadd.f32 v29, v31;
	v31 =	vadd.f32 v53, v52  }
0x7c: {  	v27 =	vshll.u32 v27, $0x10;
	v28 =	vadd.f32 v28, v30;
	v30 =	vadd.f32 v49, v55  }
0x7d: {  	v26 =	vshll.u32 v26, $0x10;
	v27 =	vadd.f32 v27, v29;
	v29 =	vadd.f32 v48, v31  }
0x7e: {  	s25 =	simm.s32 $0x2C10;
	v25 =	vshll.u32 v25, $0x10;
	v26 =	vadd.f32 v26, v28;
	v28 =	vadd.f32 v45, v30  }
0x7f: {  	v5 =	vld [tilespmem:s25+$0xFFFFFFF0];
	v24 =	vshll.u32 v24, $0x10;
	v25 =	vadd.f32 v25, v27;
	v27 =	vadd.f32 v44, v29  }
0x80: {  	v6 =	vld [tilespmem:s26+$0x110];
	v23 =	vshll.u32 v23, $0x10;
	v24 =	vadd.f32 v24, v26;
	v26 =	vadd.f32 v46, v28  }
0x81: {  	v0 =	vld [tilespmem:s26+$0x100];
	v22 =	vshll.u32 v22, $0x10;
	v23 =	vadd.f32 v23, v25;
	v25 =	vadd.f32 v41, v27  }
0x82: {  	v8 =	vld [tilespmem:s26+$0xD0];
	v19 =	vshll.u32 v19, $0x10;
	v22 =	vadd.f32 v22, v24;
	v26 =	vadd.f32 v42, v26  }
0x83: {  	s20 =	simm.s32 $0x3030;
	v1 =	vld [tilespmem:s26+$0xE0];
	v18 =	vshll.u32 v18, $0x10;
	v19 =	vadd.f32 v19, v23;
	v23 =	vadd.f32 v37, v25  }
0x84: {  	v16 =	vshll.u32 v16, $0x10;
	v18 =	vadd.f32 v18, v22;
	v22 =	vld [tilespmem:s20+$0x0];
	v25 =	vadd.f32 v40, v26  }
0x85: {  	v14 =	vshll.u32 v14, $0x10;
	v16 =	vadd.f32 v16, v19;
	v19 =	vadd.f32 v38, v23;
	v23 =	vld [tilespmem:s26+$0x120]  }
0x86: {  	v12 =	vshll.u32 v12, $0x10;
	v14 =	vadd.f32 v14, v18;
	v18 =	vld [tilespmem:s26+$0xF0];
	v21 =	vadd.f32 v21, v25  }
0x87: {  	v4 =	vshll.u32 v4, $0x10;
	v12 =	vadd.f32 v12, v16;
	v16 =	vadd.f32 v20, v19;
	v19 =	vld [tilespmem:s25+$0x0]  }
0x88: {  	v2 =	vshll.u32 v2, $0x10;
	v4 =	vadd.f32 v4, v14;
	v14 =	vadd.f32 v17, v21;
	v17 =	vld [tilespmem:s26+$0x130];
	s26 =	simm.s32 $0x37C0  }
0x89: {  	v2 =	vadd.f32 v2, v12;
	v12 =	vadd.f32 v15, v16;
	v16 =	vld [tilespmem:s26+$0xD0]  }
0x8a: {  	v21 =	vld [tilespmem:s26+$0x70]  }
0x8b: {  	v7 =	vshll.u32 v5, $0x10;
	v10 =	vand.u32 $0xFFFF0000, v0;
	v9 =	vand.u32 $0xFFFF0000, v6;
	v28 =	vld [tilespmem:s26+$0x40]  }
0x8c: {  	v11 =	vand.u32 $0xFFFF0000, v1;
	v3 =	vand.u32 $0xFFFF0000, v8;
	v1 =	vshll.u32 v1, $0x10;
	s25 =	simm.s32 $0x0;
	v32 =	vld [tilespmem:s26+$0x10]  }
0x8d: {  	v0 =	vshll.u32 v0, $0x10;
	v20 =	vmov s25;
	v36 =	vld [tilespmem:s26+$0x20];
	v63 =	vshll.u32 v22, $0x10  }
0x8e: {  	v38 =	vld [tilespmem:s26+$0xFFFFFFF0];
	v1 =	vadd.f32 v1, v4;
	v4 =	vshll.u32 v8, $0x10;
	v13 =	vadd.f32 v13, v14  }
0x8f: {  	v39 =	vld [tilespmem:s26+$0x0];
	v2 =	vadd.f32 v4, v2;
	v4 =	vadd.f32 v11, v12;
	v11 =	vshll.u32 v23, $0x10  }
0x90: {  	v40 =	vld [tilespmem:s26+$0xFFFFFFD0];
	v0 =	vadd.f32 v0, v1;
	v1 =	vshll.u32 v18, $0x10;
	v3 =	vadd.f32 v3, v13  }
0x91: {  	v42 =	vld [tilespmem:s26+$0xFFFFFF20];
	v1 =	vadd.f32 v1, v2;
	v2 =	vadd.f32 v10, v4;
	v4 =	vand.u32 $0xFFFF0000, v18  }
0x92: {  	s19 =	simm.s32 $0x3010;
	v10 =	vand.u32 $0xFFFF0000, v23;
	v18 =	vshll.u32 v19, $0x10;
	v0 =	vadd.f32 v11, v0  }
0x93: {  	v27 =	vld [tilespmem:s19+$0xFFFFFFF0];
	v3 =	vadd.f32 v4, v3;
	v4 =	vshll.u32 v6, $0x10;
	v6 =	vand.u32 $0xFFFF0000, v17  }
0x94: {  	v43 =	vld [tilespmem:s26+$0xFFFFFEC0];
	v25 =	vand.u32 $0xFFFF0000, v16;
	v30 =	vand.u32 $0xFFFF0000, v21;
	v45 =	vand.u32 $0xFFFF0000, v28  }
0x95: {  	v44 =	vld [tilespmem:s26+$0xFFFFFEE0];
	v48 =	vand.u32 $0xFFFF0000, v36;
	v50 =	vand.u32 $0xFFFF0000, v38;
	v51 =	vand.u32 $0xFFFF0000, v32  }
0x96: {  	v52 =	vand.u32 $0xFFFF0000, v39;
	v54 =	vand.u32 $0xFFFF0000, v40;
	v55 =	vand.u32 $0xFFFF0000, v42  }
0x97: {  	v46 =	vld [tilespmem:s26+$0xFFFFFED0];
	v2 =	vadd.f32 v10, v2;
	v1 =	vadd.f32 v4, v1;
	v0 =	vmul.f32 v7, v0  }
0x98: {  	v4 =	vand.u32 $0xFFFF0000, v5;
	v5 =	vshll.u32 v17, $0x10;
	v3 =	vadd.f32 v9, v3  }
0x99: {  	v24 =	vld [tilespmem:s19+$0x0];
	v2 =	vmul.f32 v4, v2;
	v1 =	vadd.f32 v5, v1;
	v0 =	vadd.f32 $0.0e+00, v0  }
0x9a: {  	v57 =	vshll.u32 v43, $0x10;
	v58 =	vshll.u32 v44, $0x10;
	v5 =	vshll.u32 v27, $0x10  }
0x9b: {  	v49 =	vld [tilespmem:s26+$0xFFFFFF00];
	v3 =	vadd.f32 v6, v3;
	v1 =	vmul.f32 v18, v1;
	v0 =	vadd.f32 v0, v2  }
0x9c: {  	v60 =	vand.u32 $0xFFFF0000, v46;
	v17 =	vand.u32 $0xFFFF0000, v19;
	v5 =	vmul.f32 v5, v7  }
0x9d: {  	v46 =	vshll.u32 v46, $0x10;
	v0 =	vadd.f32 v1, v0;
	v1 =	vmul.f32 v17, v3  }
0x9e: {  	v56 =	vld [tilespmem:$0x1FFD0];
	v43 =	vand.u32 $0xFFFF0000, v43;
	v3 =	vadd.f32 $0.0e+00, v5;
	v5 =	vshll.u32 v24, $0x10  }
0x9f: {  	v44 =	vand.u32 $0xFFFF0000, v44;
	v0 =	vadd.f32 v0, v1;
	v1 =	vmul.f32 v5, v18;
	v18 =	vld [tilespmem:$0x1FFE0]  }
0xa0: {  	v26 =	vld [tilespmem:s20+$0xFFFFFFF0];
	v61 =	vshll.u32 v49, $0x10;
	v49 =	vand.u32 $0xFFFF0000, v49;
	v7 =	vand.u32 $0xFFFF0000, v27  }
0xa1: {  	v14 =	vld [tilespmem:s26+$0x110];
	v42 =	vshll.u32 v42, $0x10;
	v40 =	vshll.u32 v40, $0x10;
	v4 =	vmul.f32 v7, v4  }
0xa2: {  	v53 =	vld [tilespmem:s26+$0xFFFFFEF0];
	v39 =	vshll.u32 v39, $0x10;
	v38 =	vshll.u32 v38, $0x10;
	v36 =	vshll.u32 v36, $0x10  }
0xa3: {  	s24 =	simm.s32 $0x2C30;
	v59 =	vld [tilespmem:s26+$0xFFFFFF10];
	v32 =	vshll.u32 v32, $0x10;
	v28 =	vshll.u32 v28, $0x10;
	v3 =	vadd.f32 v3, v4  }
0xa4: {  	v8 =	vld [tilespmem:s24+$0xFFFFFFF0];
	v21 =	vshll.u32 v21, $0x10;
	v57 =	vadd.f32 v58, v57;
	v5 =	vperm.xlane v0, v18  }
0xa5: {  	v23 =	vld [tilespmem:s26+$0x80];
	v43 =	vadd.f32 v44, v43;
	v1 =	vadd.f32 v1, v3;
	v3 =	vand.u32 $0xFFFF0000, v22  }
0xa6: {  	v31 =	vand.u32 $0xFFFF0000, v14;
	v44 =	vadd.f32 v61, v57;
	[tilespmem:$0x1FEC0] =	vst v3;
	v3 =	vadd.f32 v0, v5;
	v0 =	vld [tilespmem:$0x1FFC0]  }
0xa7: {  	v41 =	vld [tilespmem:s26+$0xFFFFFF40];
	v57 =	vshll.u32 v53, $0x10;
	v53 =	vand.u32 $0xFFFF0000, v53;
	v43 =	vadd.f32 v49, v43  }
0xa8: {  	v61 =	vld [tilespmem:s26+$0xFFFFFF60];
	v49 =	vand.u32 $0xFFFF0000, v59;
	v59 =	vshll.u32 v59, $0x10;
	v4 =	vand.u32 $0xFFFF0000, v24  }
0xa9: {  	v6 =	vld [tilespmem:s26+$0x60];
	v27 =	vshll.u32 v8, $0x10;
	v46 =	vadd.f32 v57, v46;
	v4 =	vmul.f32 v4, v17  }
0xaa: {  	v62 =	vld [tilespmem:s26+$0xFFFFFF30];
	v34 =	vand.u32 $0xFFFF0000, v23;
	v53 =	vadd.f32 v53, v60;
	v42 =	vadd.f32 v42, v44  }
0xab: {  	v7 =	vld [tilespmem:s26+$0x30];
	v43 =	vadd.f32 v55, v43;
	v19 =	vadd.f32 v1, v4;
	v4 =	vperm.xlane v3, v0  }
0xac: {  	v57 =	vld [tilespmem:s26+$0xFFFFFFC0];
	v23 =	vshll.u32 v23, $0x10;
	v46 =	vadd.f32 v59, v46;
	v49 =	vadd.f32 v49, v53  }
0xad: {  	v59 =	vshll.u32 v61, $0x10;
	v61 =	vand.u32 $0xFFFF0000, v61;
	v29 =	vadd.f32 v3, v4  }
0xae: {  	v44 =	vld [tilespmem:s26+$0xFFFFFF50];
	v37 =	vand.u32 $0xFFFF0000, v6;
	v6 =	vshll.u32 v6, $0x10;
	v24 =	vshll.u32 v26, $0x10  }
0xaf: {  	v60 =	vld [tilespmem:s26+$0xFFFFFF80];
	v33 =	vperm.xlane v29, v56;
	v56 =	vand.u32 $0xFFFF0000, v41;
	v41 =	vshll.u32 v41, $0x10  }
0xb0: {  	v53 =	vld [tilespmem:s26+$0xFFFFFF70];
	v47 =	vand.u32 $0xFFFF0000, v7;
	v7 =	vshll.u32 v7, $0x10;
	v41 =	vadd.f32 v41, v42  }
0xb1: {  	v42 =	vshll.u32 v62, $0x10;
	v43 =	vadd.f32 v56, v43;
	v56 =	vand.u32 $0xFFFF0000, v57  }
0xb2: {  	v62 =	vand.u32 $0xFFFF0000, v62;
	v57 =	vshll.u32 v57, $0x10;
	v42 =	vadd.f32 v42, v46;
	v46 =	vld [tilespmem:s26+$0xFFFFFFA0]  }
0xb3: {  	v49 =	vadd.f32 v62, v49;
	v62 =	vshll.u32 v44, $0x10;
	v41 =	vadd.f32 v59, v41;
	v59 =	vld [tilespmem:s26+$0xFFFFFF90]  }
0xb4: {  	v44 =	vand.u32 $0xFFFF0000, v44;
	v43 =	vadd.f32 v61, v43;
	v42 =	vadd.f32 v62, v42  }
0xb5: {  	v55 =	vld [tilespmem:s26+$0xFFFFFFB0];
	v62 =	vshll.u32 v60, $0x10;
	v44 =	vadd.f32 v44, v49;
	v49 =	vshll.u32 v53, $0x10  }
0xb6: {  	v58 =	vld [tilespmem:s26+$0xFFFFFFE0];
	v60 =	vand.u32 $0xFFFF0000, v60;
	v53 =	vand.u32 $0xFFFF0000, v53;
	v41 =	vadd.f32 v62, v41  }
0xb7: {  	v42 =	vadd.f32 v49, v42;
	v49 =	vand.u32 $0xFFFF0000, v46;
	v46 =	vshll.u32 v46, $0x10  }
0xb8: {  	v43 =	vadd.f32 v60, v43;
	v41 =	vadd.f32 v46, v41;
	v46 =	vshll.u32 v59, $0x10  }
0xb9: {  	v2 =	vld [tilespmem:s26+$0x50];
	v44 =	vadd.f32 v53, v44;
	v60 =	vand.u32 $0xFFFF0000, v59;
	v42 =	vadd.f32 v46, v42  }
0xba: {  	v43 =	vadd.f32 v49, v43;
	v41 =	vadd.f32 v57, v41;
	v57 =	vshll.u32 v55, $0x10  }
0xbb: {  	v59 =	vshll.u32 v58, $0x10;
	v44 =	vadd.f32 v60, v44;
	v42 =	vadd.f32 v57, v42  }
0xbc: {  	v10 =	vld [tilespmem:s26+$0x90];
	v62 =	vand.u32 $0xFFFF0000, v55;
	v43 =	vadd.f32 v56, v43;
	v41 =	vadd.f32 v59, v41  }
0xbd: {  	v13 =	vld [tilespmem:s26+$0xE0];
	v61 =	vand.u32 $0xFFFF0000, v58;
	v44 =	vadd.f32 v62, v44;
	v40 =	vadd.f32 v40, v42  }
0xbe: {  	v9 =	vld [tilespmem:s26+$0xA0];
	v35 =	vand.u32 $0xFFFF0000, v2;
	v49 =	vadd.f32 v61, v43;
	v39 =	vadd.f32 v39, v41  }
0xbf: {  	v15 =	vld [tilespmem:s26+$0x100];
	v2 =	vshll.u32 v2, $0x10;
	v53 =	vadd.f32 v54, v44;
	v38 =	vadd.f32 v38, v40  }
0xc0: {  	v12 =	vld [tilespmem:s26+$0xC0];
	v22 =	vand.u32 $0xFFFF0000, v26;
	v42 =	vadd.f32 v52, v49;
	v36 =	vadd.f32 v36, v39  }
0xc1: {  	v11 =	vld [tilespmem:s26+$0xB0];
	v26 =	vand.u32 $0xFFFF0000, v10;
	v54 =	vadd.f32 v50, v53;
	v32 =	vadd.f32 v32, v38  }
0xc2: {  	v17 =	vld [tilespmem:$0x1FFF0];
	v1 =	vand.u32 $0xFFFF0000, v13;
	v55 =	vadd.f32 v48, v42;
	v28 =	vadd.f32 v28, v36  }
0xc3: {  	s25 =	simm.s32 $0x3A40;
	v5 =	vand.u32 $0xFFFF0000, v9;
	v60 =	vld [tilespmem:s26+$0xF0];
	v56 =	vadd.f32 v51, v54;
	v32 =	vadd.f32 v7, v32  }
0xc4: {  	v0 =	vand.u32 $0xFFFF0000, v15;
	v46 =	vld [tilespmem:s25+$0xFFFFFFE0];
	v38 =	vadd.f32 v45, v55;
	v6 =	vadd.f32 v6, v28  }
0xc5: {  	v4 =	vand.u32 $0xFFFF0000, v12;
	v57 =	vld [tilespmem:s25+$0x110];
	v28 =	vadd.f32 v47, v56;
	v2 =	vadd.f32 v2, v32  }
0xc6: {  	s20 =	simm.s32 $0x3050;
	v62 =	vshll.u32 v12, $0x10;
	v12 =	vld [tilespmem:s25+$0xE0];
	v58 =	vadd.f32 v37, v38;
	v6 =	vadd.f32 v23, v6  }
0xc7: {  	v43 =	vld [tilespmem:s20+$0xFFFFFFF0];
	v23 =	vshll.u32 v9, $0x10;
	v28 =	vadd.f32 v35, v28;
	v2 =	vadd.f32 v21, v2  }
0xc8: {  	v59 =	vld [tilespmem:s26+$0x120];
	v21 =	vadd.f32 v34, v58;
	v6 =	vadd.f32 v23, v6;
	v23 =	vshll.u32 v10, $0x10  }
0xc9: {  	v3 =	vand.u32 $0xFFFF0000, v11;
	v61 =	vld [tilespmem:s25+$0x100];
	v28 =	vadd.f32 v30, v28;
	v2 =	vadd.f32 v23, v2  }
0xca: {  	v44 =	vld [tilespmem:s25+$0xFFFFFFD0];
	v5 =	vadd.f32 v5, v21;
	v21 =	vshll.u32 v11, $0x10;
	v6 =	vadd.f32 v62, v6  }
0xcb: {  	v41 =	vld [tilespmem:s24+$0x0];
	v23 =	vshll.u32 v13, $0x10;
	v26 =	vadd.f32 v26, v28;
	v2 =	vadd.f32 v21, v2  }
0xcc: {  	v40 =	vld [tilespmem:s20+$0x0];
	v4 =	vadd.f32 v4, v5;
	v5 =	vadd.f32 v23, v6;
	v6 =	vshll.u32 v16, $0x10  }
0xcd: {  	v15 =	vshll.u32 v15, $0x10;
	v50 =	vld [tilespmem:s25+$0xFFFFFFC0];
	v3 =	vadd.f32 v3, v26;
	v2 =	vadd.f32 v6, v2  }
0xce: {  	v39 =	vld [tilespmem:s26+$0x130];
	v1 =	vadd.f32 v1, v4;
	v4 =	vadd.f32 v15, v5;
	v5 =	vshll.u32 v60, $0x10  }
0xcf: {  	s24 =	simm.s32 $0x2C50;
	v53 =	vld [tilespmem:s25+$0xFFFFFF90];
	v6 =	vshll.u32 v59, $0x10;
	v3 =	vadd.f32 v25, v3;
	v2 =	vadd.f32 v5, v2  }
0xd0: {  	v42 =	vld [tilespmem:s24+$0xFFFFFFF0];
	v0 =	vadd.f32 v0, v1;
	v1 =	vadd.f32 v6, v4;
	v4 =	vand.u32 $0xFFFF0000, v60  }
0xd1: {  	v48 =	vld [tilespmem:s25+$0xFFFFFFB0];
	v5 =	vand.u32 $0xFFFF0000, v59;
	v3 =	vadd.f32 v4, v3;
	v4 =	vshll.u32 v14, $0x10  }
0xd2: {  	v51 =	vld [tilespmem:s25+$0x50];
	v0 =	vadd.f32 v5, v0;
	v1 =	vmul.f32 v27, v1;
	v2 =	vadd.f32 v4, v2  }
0xd3: {  	v54 =	vld [tilespmem:s25+$0xFFFFFFA0];
	v5 =	vshll.u32 v39, $0x10;
	v4 =	vand.u32 $0xFFFF0000, v8;
	v3 =	vadd.f32 v31, v3  }
0xd4: {  	v45 =	vld [tilespmem:s25+$0x70];
	v0 =	vmul.f32 v4, v0;
	v1 =	vadd.f32 $0.0e+00, v1;
	v2 =	vadd.f32 v5, v2  }
0xd5: {  	v55 =	vld [tilespmem:s25+$0x30];
	v6 =	vshll.u32 v41, $0x10;
	v8 =	vand.u32 $0xFFFF0000, v39;
	v5 =	vmul.f32 v24, v27  }
0xd6: {  	v36 =	vld [tilespmem:s25+$0x20];
	v0 =	vadd.f32 v1, v0;
	v1 =	vadd.f32 v8, v3;
	v2 =	vmul.f32 v6, v2  }
0xd7: {  	v7 =	vlaneseq.u32;
	v47 =	vld [tilespmem:s25+$0x80];
	v3 =	vadd.f32 $0.0e+00, v5;
	v5 =	vand.u32 $0xFFFF0000, v41  }
0xd8: {  	vm0 =	veq.s32 v20, v7;
	v20 =	vld [tilespmem:s25+$0xFFFFFED0];
	v0 =	vadd.f32 v2, v0;
	v1 =	vmul.f32 v5, v1  }
0xd9: {  	v29 =	vadd.f32 v29, v33;
	v32 =	vld [tilespmem:s25+$0x40]  }
0xda: {  	v0 =	vadd.f32 v0, v1;
	v1 =	vld [tilespmem:$0x1FEC0]  }
0xdb: {  	v33 =	vperm.xlane v29, v17;
	v9 =	vld [tilespmem:$0x1FFC0];
	v4 =	vmul.f32 v22, v4  }
0xdc: {  	v34 =	vld [tilespmem:s25+$0x10];
	v8 =	vperm.xlane v19, v18  }
0xdd: {  	v10 =	vld [tilespmem:s25+$0xD0];
	v6 =	vmul.f32 v63, v6;
	v2 =	vadd.f32 v29, v33;
	v3 =	vadd.f32 v3, v4  }
0xde: {  	vm0 =	vmmov vm0;
	v11 =	vld [tilespmem:s25+$0xB0];
	v14 =	vimm.f32 $0.0e+00;
	v4 =	vadd.f32 v8, v19  }
0xdf: {  	v13 =	vld [tilespmem:s25+$0xC0];
	v3 =	vadd.f32 v6, v3;
	v31 =	vsel vm0, v2, v14;
	v1 =	vmul.f32 v1, v5  }
0xe0: {  	v28 =	vld [tilespmem:s25+$0x60];
	v2 =	vperm.xlane v4, v9;
	v6 =	vshll.u32 v40, $0x10;
	v5 =	vperm.xlane v0, v18  }
0xe1: {  	v23 =	vmovc v57;
	v16 =	vld [tilespmem:s25+$0x90];
	v26 =	vmov v12;
	[tilespmem:$0x1FED0] =	vst v6;
	v38 =	vadd.f32 v3, v1;
	v1 =	vand.u32 $0xFFFF0000, v43  }
0xe2: {  	v57 =	vld [tilespmem:s25+$0xFFFFFF70];
	v8 =	vmovc v10;
	v33 =	vadd.f32 v2, v4;
	v4 =	vand.u32 $0xFFFF0000, v26;
	[tilespmem:$0x1FEE0] =	vst v1;
	v1 =	vadd.f32 v0, v5  }
0xe3: {  	v12 =	vld [tilespmem:s25+$0xA0];
	[tilespmem:$0x1FF50] =	vst v4;
	v4 =	vand.u32 $0xFFFF0000, v8  }
0xe4: {  	v15 =	vld [tilespmem:s25+$0xFFFFFF40];
	[tilespmem:$0x1FF60] =	vst v4;
	v0 =	vshll.u32 v43, $0x10;
	v2 =	vperm.xlane v38, v18;
	v3 =	vperm.xlane v1, v9  }
0xe5: {  	v39 =	vld [tilespmem:s25+$0xFFFFFFF0];
	[tilespmem:$0x1FEF0] =	vst v0  }
0xe6: {  	v10 =	vld [tilespmem:$0x1FFD0];
	[tilespmem:$0x1FF00] =	vst v2;
	v1 =	vadd.f32 v1, v3;
	v3 =	vand.u32 $0xFFFF0000, v13  }
0xe7: {  	v35 =	vand.u32 $0xFFFF0000, v40;
	v56 =	vand.u32 $0xFFFF0000, v36;
	v41 =	vld [tilespmem:s25+$0x0];
	[tilespmem:$0x1FF70] =	vst v3;
	v3 =	vand.u32 $0xFFFF0000, v16  }
0xe8: {  	s26 =	simm.s32 $0x1;
	v52 =	vand.u32 $0xFFFF0000, v32;
	v49 =	vand.u32 $0xFFFF0000, v28;
	v22 =	vld [tilespmem:s25+$0xFFFFFEC0];
	[tilespmem:$0x1FF80] =	vst v3;
	v3 =	vand.u32 $0xFFFF0000, v11  }
0xe9: {  	v24 =	vmovc v61;
	v61 =	vld [tilespmem:s25+$0xFFFFFF80];
	v63 =	vand.u32 $0xFFFF0000, v44;
	v0 =	vmov s26;
	[tilespmem:$0x1FF90] =	vst v3;
	v3 =	vand.u32 $0xFFFF0000, v12  }
0xea: {  	v30 =	vmovc v51;
	v58 =	vand.u32 $0xFFFF0000, v39;
	v19 =	vld [tilespmem:s25+$0xFFFFFF20];
	vm1 =	veq.s32 v0, v7;
	[tilespmem:$0x1FFA0] =	vst v3;
	v3 =	vand.u32 $0xFFFF0000, v45  }
0xeb: {  	v21 =	vmovc v42;
	v6 =	vld [tilespmem:s25+$0xFFFFFEE0];
	v0 =	vshll.u32 v42, $0x10;
	v2 =	vperm.xlane v33, v10;
	[tilespmem:$0x1FFB0] =	vst v3;
	v3 =	vperm.xlane v1, v10  }
0xec: {  	v25 =	vmovc v13;
	v37 =	vmovc v16;
	v60 =	vand.u32 $0xFFFF0000, v41;
	v4 =	vand.u32 $0xFFFF0000, v50;
	v5 =	vld [tilespmem:s25+$0xFFFFFF30];
	[tilespmem:$0x1FF20] =	vst v0;
	v0 =	vand.u32 $0xFFFF0000, v24  }
0xed: {  	v40 =	vmovc v45;
	v43 =	vmovc v55;
	v18 =	vld [tilespmem:s25+$0xFFFFFF10];
	[tilespmem:$0x1FF10] =	vst v2;
	v2 =	vand.u32 $0xFFFF0000, v23;
	v45 =	vand.u32 $0xFFFF0000, v47;
	v59 =	vadd.f32 v1, v3  }
0xee: {  	s13 =	simm.s32 $0x3;
	v42 =	vmovc v28;
	v28 =	vmovc v47;
	[tilespmem:$0x1FF30] =	vst v0;
	v0 =	vld [tilespmem:s25+$0xFFFFFF50];
	v47 =	vand.u32 $0xFFFF0000, v51;
	v51 =	vand.u32 $0xFFFF0000, v55;
	v55 =	vand.u32 $0xFFFF0000, v34  }
0xef: {  	s12 =	simm.s32 $0x3A40;
	s19 =	simm.s32 $0x2;
	v27 =	vmovc v12;
	v29 =	vmovc v11;
	s26 =	sshll.u32 s23, $0x1;
	[tilespmem:$0x1FF40] =	vst v2;
	v2 =	vld [tilespmem:s25+$0xFFFFFF60];
	v1 =	vand.u32 $0xFFFF0000, v46;
	v3 =	vand.u32 $0xFFFF0000, v48;
	v62 =	vperm.xlane v59, v17  }
.LBB2_3:
0xf0: {  	_ = 	snop  }
0xf1: {  	v59 =	vadd.f32 v59, v62  }
0xf2: {  	vm2 =	vmmov vm0;
	vm0 =	vmmov vm1  }
0xf3: {  	[tilespmem:$0x1FE90] =	vst v35;
	v35 =	vsel vm0, v59, v31;
	v7 =	vand.u32 $0xFFFF0000, v54  }
0xf4: {  	[tilespmem:$0x1FE60] =	vst v24;
	v62 =	vld [tilespmem:s25+$0xFFFFFF00];
	v9 =	vand.u32 $0xFFFF0000, v53;
	v10 =	vand.u32 $0xFFFF0000, v61;
	v11 =	vand.u32 $0xFFFF0000, v0  }
0xf5: {  	[tilespmem:$0x1FEA0] =	vst v38;
	v24 =	vld [tilespmem:s25+$0xFFFFFEF0];
	v38 =	vmovc v26;
	v26 =	vmovc v29;
	v12 =	vand.u32 $0xFFFF0000, v57;
	v29 =	vand.u32 $0xFFFF0000, v2;
	v13 =	vand.u32 $0xFFFF0000, v5  }
0xf6: {  	[tilespmem:$0x1FE70] =	vst v23;
	v23 =	vmovc v14;
	v59 =	vand.u32 $0xFFFF0000, v19;
	v14 =	vand.u32 $0xFFFF0000, v15;
	v16 =	vand.u32 $0xFFFF0000, v18  }
0xf7: {  	[tilespmem:$0x1FE80] =	vst v21;
	v17 =	vshll.u32 v22, $0x10;
	v31 =	vshll.u32 v6, $0x10;
	v21 =	vand.u32 $0xFFFF0000, v20  }
0xf8: {  	v20 =	vshll.u32 v20, $0x10;
	v22 =	vand.u32 $0xFFFF0000, v22;
	v17 =	vadd.f32 v31, v17  }
0xf9: {  	[tilespmem:$0x1FEB0] =	vst v33;
	v6 =	vand.u32 $0xFFFF0000, v6;
	v19 =	vshll.u32 v19, $0x10;
	v33 =	vshll.u32 v62, $0x10  }
0xfa: {  	v6 =	vadd.f32 v6, v22;
	v22 =	vshll.u32 v24, $0x10;
	v17 =	vadd.f32 v33, v17  }
0xfb: {  	v31 =	vand.u32 $0xFFFF0000, v24;
	v24 =	vand.u32 $0xFFFF0000, v62;
	v20 =	vadd.f32 v22, v20  }
0xfc: {  	v18 =	vshll.u32 v18, $0x10;
	v6 =	vadd.f32 v24, v6;
	v17 =	vadd.f32 v19, v17  }
0xfd: {  	v15 =	vshll.u32 v15, $0x10;
	v18 =	vadd.f32 v18, v20;
	v19 =	vadd.f32 v31, v21  }
0xfe: {  	v5 =	vshll.u32 v5, $0x10;
	v6 =	vadd.f32 v59, v6;
	v15 =	vadd.f32 v15, v17  }
0xff: {  	v2 =	vshll.u32 v2, $0x10;
	v5 =	vadd.f32 v5, v18;
	v16 =	vadd.f32 v16, v19  }
0x100: {  	v0 =	vshll.u32 v0, $0x10;
	v6 =	vadd.f32 v14, v6;
	v2 =	vadd.f32 v2, v15  }
0x101: {  	v14 =	vshll.u32 v61, $0x10;
	v0 =	vadd.f32 v0, v5;
	v13 =	vadd.f32 v13, v16  }
0x102: {  	v5 =	vadd.f32 v29, v6;
	v6 =	vshll.u32 v57, $0x10;
	v2 =	vadd.f32 v14, v2  }
0x103: {  	v0 =	vadd.f32 v6, v0;
	v14 =	vshll.u32 v54, $0x10;
	v11 =	vadd.f32 v11, v13  }
0x104: {  	v6 =	vshll.u32 v53, $0x10;
	v5 =	vadd.f32 v10, v5;
	v2 =	vadd.f32 v14, v2  }
0x105: {  	v10 =	vshll.u32 v50, $0x10;
	v0 =	vadd.f32 v6, v0;
	v11 =	vadd.f32 v12, v11  }
0x106: {  	v6 =	vshll.u32 v48, $0x10;
	v5 =	vadd.f32 v7, v5;
	v2 =	vadd.f32 v10, v2  }
0x107: {  	v7 =	vshll.u32 v46, $0x10;
	v0 =	vadd.f32 v6, v0;
	v9 =	vadd.f32 v9, v11  }
0x108: {  	v4 =	vadd.f32 v4, v5;
	v5 =	vshll.u32 v44, $0x10;
	v2 =	vadd.f32 v7, v2  }
0x109: {  	v6 =	vshll.u32 v41, $0x10;
	v0 =	vadd.f32 v5, v0;
	v3 =	vadd.f32 v3, v9  }
0x10a: {  	v4 =	vadd.f32 v1, v4;
	v1 =	vshll.u32 v39, $0x10;
	v2 =	vadd.f32 v6, v2  }
0x10b: {  	v5 =	vshll.u32 v36, $0x10;
	v3 =	vadd.f32 v63, v3;
	v6 =	vadd.f32 v1, v0  }
0x10c: {  	v2 =	vadd.f32 v5, v2;
	v5 =	vshll.u32 v34, $0x10  }
0x10d: {  	v7 =	vshll.u32 v32, $0x10;
	v3 =	vadd.f32 v58, v3;
	v5 =	vadd.f32 v5, v6  }
0x10e: {  	v2 =	vadd.f32 v7, v2;
	v7 =	vshll.u32 v43, $0x10  }
0x10f: {  	v9 =	vshll.u32 v42, $0x10;
	v3 =	vadd.f32 v55, v3;
	v5 =	vadd.f32 v7, v5  }
0x110: {  	v17 =	vld [tilespmem:$0x1FFB0];
	v4 =	vadd.f32 v60, v4;
	v2 =	vadd.f32 v9, v2;
	v9 =	vshll.u32 v30, $0x10  }
0x111: {  	v12 =	vshll.u32 v28, $0x10;
	v3 =	vadd.f32 v51, v3;
	v5 =	vadd.f32 v9, v5  }
0x112: {  	v4 =	vadd.f32 v56, v4;
	v2 =	vadd.f32 v12, v2;
	v12 =	vshll.u32 v40, $0x10  }
0x113: {  	v13 =	vshll.u32 v27, $0x10;
	v3 =	vadd.f32 v47, v3;
	v5 =	vadd.f32 v12, v5  }
0x114: {  	v4 =	vadd.f32 v52, v4;
	v2 =	vadd.f32 v13, v2;
	v13 =	vshll.u32 v37, $0x10  }
0x115: {  	v16 =	vshll.u32 v25, $0x10;
	v3 =	vadd.f32 v17, v3;
	v17 =	vld [tilespmem:$0x1FFA0];
	v5 =	vadd.f32 v13, v5  }
0x116: {  	v4 =	vadd.f32 v49, v4;
	v2 =	vadd.f32 v16, v2;
	v16 =	vshll.u32 v26, $0x10  }
0x117: {  	v5 =	vadd.f32 v16, v5;
	v16 =	vld [tilespmem:$0x1FF70]  }
0x118: {  	v4 =	vadd.f32 v45, v4;
	_ =	sdelay $0x1  }
0x119: {  	v4 =	vadd.f32 v17, v4;
	_ =	sdelay $0x1  }
0x11a: {  	v4 =	vadd.f32 v16, v4;
	v16 =	vshll.u32 v8, $0x10;
	v8 =	vld [tilespmem:$0x1FE60]  }
0x11b: {  	v20 =	vld [tilespmem:$0x1FF60]  }
0x11c: {  	s20 =	sadd.s32 $0x20, s20;
	v18 =	vld [tilespmem:$0x1FF80]  }
0x11d: {  	v1 =	vld [tilespmem:s20+$0x0]  }
0x11e: {  	v7 =	vld [tilespmem:s25+$0x130];
	v17 =	vshll.u32 v38, $0x10  }
0x11f: {  	v2 =	vadd.f32 v17, v2;
	v17 =	vshll.u32 v8, $0x10;
	v8 =	vld [tilespmem:$0x1FF90]  }
0x120: {  	s25 =	sadd.s32 $0x280, s25;
	v12 =	vld [tilespmem:s12+$0xF0]  }
0x121: {  	v11 =	vld [tilespmem:s25+$0x110]  }
0x122: {  	v14 =	vld [tilespmem:s25+$0x100];
	v3 =	vadd.f32 v18, v3  }
0x123: {  	v15 =	vld [tilespmem:s25+$0xD0]  }
0x124: {  	v5 =	vadd.f32 v16, v5;
	v3 =	vadd.f32 v8, v3;
	v8 =	vld [tilespmem:$0x1FF50]  }
0x125: {  	v9 =	vld [tilespmem:s12+$0x120];
	v21 =	vshll.u32 v12, $0x10  }
0x126: {  	v5 =	vadd.f32 v21, v5;
	v21 =	vld [tilespmem:$0x1FF30]  }
0x127: {  	v6 =	vld [tilespmem:s24+$0x0]  }
0x128: {  	s24 =	sadd.s32 $0x20, s24;
	v24 =	vmovc v14;
	v14 =	vmov v23;
	v23 =	vmov v11;
	v11 =	vld [tilespmem:$0x1FF40];
	v3 =	vadd.f32 v20, v3  }
0x129: {  	v10 =	vld [tilespmem:s24+$0xFFFFFFF0];
	v12 =	vand.u32 $0xFFFF0000, v12;
	v4 =	vadd.f32 v8, v4  }
0x12a: {  	v2 =	vadd.f32 v17, v2;
	v3 =	vadd.f32 v12, v3;
	v12 =	vld [tilespmem:$0x1FE70]  }
0x12b: {  	v0 =	vld [tilespmem:s20+$0xFFFFFFF0];
	v8 =	vmov v15;
	v15 =	vshll.u32 v9, $0x10;
	v4 =	vadd.f32 v21, v4  }
0x12c: {  	v9 =	vand.u32 $0xFFFF0000, v9;
	v2 =	vadd.f32 v15, v2;
	v15 =	vld [tilespmem:$0x1FF20]  }
0x12d: {  	v3 =	vadd.f32 v11, v3;
	v4 =	vadd.f32 v9, v4;
	v9 =	vld [tilespmem:$0x1FE80]  }
0x12e: {  	v11 =	vshll.u32 v7, $0x10;
	v7 =	vand.u32 $0xFFFF0000, v7;
	v21 =	vmov v10;
	v10 =	vld [tilespmem:$0x1FEF0]  }
0x12f: {  	v3 =	vadd.f32 v7, v3;
	v7 =	vld [tilespmem:$0x1FEE0];
	v12 =	vshll.u32 v12, $0x10  }
0x130: {  	v29 =	vld [tilespmem:s25+$0xB0];
	v5 =	vadd.f32 v12, v5  }
0x131: {  	v25 =	vld [tilespmem:s25+$0xC0];
	v2 =	vmul.f32 v15, v2  }
0x132: {  	v19 =	vld [tilespmem:s25+$0x70];
	v5 =	vadd.f32 v11, v5;
	v9 =	vand.u32 $0xFFFF0000, v9  }
0x133: {  	v22 =	vld [tilespmem:s25+$0x50];
	v10 =	vmul.f32 v10, v15;
	v2 =	vadd.f32 $0.0e+00, v2;
	v4 =	vmul.f32 v9, v4  }
0x134: {  	v28 =	vld [tilespmem:s25+$0x60];
	v11 =	vshll.u32 v6, $0x10;
	v7 =	vmul.f32 v7, v9  }
0x135: {  	v51 =	vld [tilespmem:s25+$0x30];
	v2 =	vadd.f32 v2, v4;
	v4 =	vmul.f32 v11, v5;
	v5 =	vadd.f32 $0.0e+00, v10  }
0x136: {  	v32 =	vld [tilespmem:s25+$0x40]  }
0x137: {  	v2 =	vadd.f32 v4, v2;
	v4 =	vadd.f32 v5, v7;
	v5 =	vld [tilespmem:$0x1FE90]  }
0x138: {  	v34 =	vld [tilespmem:s25+$0x10]  }
0x139: {  	v36 =	vld [tilespmem:s25+$0x20]  }
0x13a: {  	v39 =	vld [tilespmem:s25+$0xFFFFFFF0]  }
0x13b: {  	v6 =	vand.u32 $0xFFFF0000, v6;
	v7 =	vld [tilespmem:$0x1FEA0]  }
0x13c: {  	v3 =	vmul.f32 v6, v3;
	v5 =	vmul.f32 v5, v6;
	v6 =	vld [tilespmem:$0x1FF00]  }
0x13d: {  	v41 =	vld [tilespmem:s25+$0x0]  }
0x13e: {  	v9 =	vld [tilespmem:$0x1FED0]  }
0x13f: {  	v44 =	vld [tilespmem:s25+$0xFFFFFFD0]  }
0x140: {  	v2 =	vadd.f32 v2, v3;
	v3 =	vld [tilespmem:$0x1FF10]  }
0x141: {  	v6 =	vadd.f32 v6, v7;
	v7 =	vld [tilespmem:$0x1FEB0]  }
0x142: {  	v16 =	vld [tilespmem:$0x1FFC0]  }
0x143: {  	v9 =	vmul.f32 v9, v11;
	v11 =	vld [tilespmem:$0x1FFF0]  }
0x144: {  	v10 =	vld [tilespmem:$0x1FFE0]  }
0x145: {  	v46 =	vld [tilespmem:s25+$0xFFFFFFE0]  }
0x146: {  	v48 =	vld [tilespmem:s25+$0xFFFFFFB0];
	v4 =	vadd.f32 v9, v4;
	v3 =	vadd.f32 v3, v7  }
0x147: {  	v31 =	vmov v35;
	v35 =	vand.u32 $0xFFFF0000, v1;
	v1 =	vshll.u32 v1, $0x10;
	v17 =	vld [tilespmem:$0x1FFD0]  }
0x148: {  	v13 =	vld [tilespmem:s25+$0xE0];
	v38 =	vadd.f32 v4, v5;
	v7 =	vperm.xlane v6, v16;
	v9 =	vperm.xlane v3, v11  }
0x149: {  	v50 =	vld [tilespmem:s25+$0xFFFFFFC0];
	v12 =	vand.u32 $0xFFFF0000, v0;
	v0 =	vshll.u32 v0, $0x10;
	[tilespmem:$0x1FED0] =	vst v1;
	v1 =	vperm.xlane v2, v10  }
0x14a: {  	v53 =	vld [tilespmem:s25+$0xFFFFFF90];
	[tilespmem:$0x1FEF0] =	vst v0;
	v33 =	vadd.f32 v7, v6;
	v0 =	vadd.f32 v9, v3;
	v3 =	vperm.xlane v38, v10  }
0x14b: {  	v54 =	vld [tilespmem:s25+$0xFFFFFFA0]  }
0x14c: {  	v37 =	vld [tilespmem:s25+$0x90];
	v1 =	vadd.f32 v2, v1;
	[tilespmem:$0x1FF00] =	vst v3;
	v3 =	vperm.xlane v33, v17  }
0x14d: {  	v26 =	vmov v13;
	v13 =	vlaneseq.u32;
	v20 =	vld [tilespmem:s25+$0x80];
	v2 =	vmov s19  }
0x14e: {  	v18 =	vld [tilespmem:s25+$0xA0];
	vm1 =	veq.s32 v2, v13;
	v2 =	vand.u32 $0xFFFF0000, v23;
	[tilespmem:$0x1FF10] =	vst v3;
	v3 =	vperm.xlane v1, v16  }
0x14f: {  	v57 =	vld [tilespmem:s25+$0xFFFFFF70];
	v4 =	vand.u32 $0xFFFF0000, v26;
	[tilespmem:$0x1FF40] =	vst v2  }
0x150: {  	v61 =	vld [tilespmem:s25+$0xFFFFFF80];
	[tilespmem:$0x1FF50] =	vst v4;
	v1 =	vadd.f32 v1, v3;
	v3 =	vand.u32 $0xFFFF0000, v25  }
0x151: {  	v30 =	vmov v22;
	v47 =	vand.u32 $0xFFFF0000, v22;
	v22 =	vld [tilespmem:s25+$0xFFFFFEC0];
	[tilespmem:$0x1FF70] =	vst v3;
	v3 =	vand.u32 $0xFFFF0000, v37  }
0x152: {  	v42 =	vmovc v28;
	v49 =	vand.u32 $0xFFFF0000, v28;
	v28 =	vmovc v20;
	v45 =	vand.u32 $0xFFFF0000, v20;
	v20 =	vld [tilespmem:s25+$0xFFFFFED0];
	[tilespmem:$0x1FF80] =	vst v3;
	v3 =	vand.u32 $0xFFFF0000, v29  }
0x153: {  	v15 =	vld [tilespmem:s25+$0xFFFFFF40];
	[tilespmem:$0x1FF90] =	vst v3;
	v3 =	vand.u32 $0xFFFF0000, v18  }
0x154: {  	p0 =	sne.s32 s13, $0xF;
	v52 =	vand.u32 $0xFFFF0000, v32;
	v43 =	vmovc v51;
	v51 =	vand.u32 $0xFFFF0000, v51;
	v5 =	vld [tilespmem:s25+$0xFFFFFF30];
	[tilespmem:$0x1FFA0] =	vst v3;
	v3 =	vand.u32 $0xFFFF0000, v19  }
.Ltmp0:
0x155: {  	v2 =	vld [tilespmem:s25+$0xFFFFFF60];
	v14 =	vsel vm2, v0, v14;
	v0 =	vshll.u32 v21, $0x10;
	[tilespmem:$0x1FFB0] =	vst v3;
	v3 =	vperm.xlane v1, v17;
	(pc) =	sbr.rel @p0 .LBB2_3-.Ltmp0, $4  }
0x156: {  	v56 =	vand.u32 $0xFFFF0000, v36;
	v58 =	vand.u32 $0xFFFF0000, v39;
	v6 =	vld [tilespmem:s25+$0xFFFFFEE0];
	[tilespmem:$0x1FF20] =	vst v0;
	v0 =	vand.u32 $0xFFFF0000, v24  }
0x157: {  	v55 =	vand.u32 $0xFFFF0000, v34;
	v4 =	vand.u32 $0xFFFF0000, v8;
	[tilespmem:$0x1FF30] =	vst v0;
	v0 =	vld [tilespmem:s25+$0xFFFFFF50];
	v59 =	vadd.f32 v1, v3  }
0x158: {  	v60 =	vand.u32 $0xFFFF0000, v41;
	v63 =	vand.u32 $0xFFFF0000, v44;
	v27 =	vmovc v18;
	[tilespmem:$0x1FF60] =	vst v4;
	v4 =	vand.u32 $0xFFFF0000, v50;
	v18 =	vld [tilespmem:s25+$0xFFFFFF10]  }
0x159: {  	s12 =	smov.u32 s25;
	v40 =	vmovc v19;
	[tilespmem:$0x1FEE0] =	vst v12;
	s19 =	smov.u32 s13;
	s13 =	sadd.s32 $0x1, s13;
	v19 =	vld [tilespmem:s25+$0xFFFFFF20];
	v1 =	vand.u32 $0xFFFF0000, v46;
	v3 =	vand.u32 $0xFFFF0000, v48;
	v62 =	vperm.xlane v59, v11  }
0x15a: {  	v7 =	vld [tilespmem:s25+$0xFFFFFF00]  }
0x15b: {  	v9 =	vld [tilespmem:s25+$0xFFFFFEF0];
	_ =	sdelay $0x1  }
0x15c: {  	v10 =	vshll.u32 v22, $0x10;
	v11 =	vshll.u32 v6, $0x10  }
0x15d: {  	v6 =	vand.u32 $0xFFFF0000, v6;
	v10 =	vadd.f32 v11, v10;
	v11 =	vand.u32 $0xFFFF0000, v22  }
0x15e: {  	v6 =	vadd.f32 v6, v11;
	v11 =	vshll.u32 v20, $0x10;
	v12 =	vshll.u32 v7, $0x10  }
0x15f: {  	v7 =	vand.u32 $0xFFFF0000, v7;
	v10 =	vadd.f32 v12, v10;
	v12 =	vshll.u32 v9, $0x10  }
0x160: {  	v6 =	vadd.f32 v7, v6;
	v7 =	vshll.u32 v19, $0x10;
	v9 =	vand.u32 $0xFFFF0000, v9  }
0x161: {  	v11 =	vadd.f32 v12, v11;
	v7 =	vadd.f32 v7, v10;
	v10 =	vand.u32 $0xFFFF0000, v20  }
0x162: {  	v12 =	vshll.u32 v18, $0x10;
	v9 =	vadd.f32 v9, v10;
	v10 =	vand.u32 $0xFFFF0000, v19  }
0x163: {  	v11 =	vadd.f32 v12, v11;
	v6 =	vadd.f32 v10, v6;
	v10 =	vshll.u32 v15, $0x10  }
0x164: {  	v12 =	vshll.u32 v5, $0x10;
	v7 =	vadd.f32 v10, v7;
	v10 =	vand.u32 $0xFFFF0000, v18  }
0x165: {  	v9 =	vadd.f32 v10, v9;
	v10 =	vadd.f32 v12, v11;
	v11 =	vand.u32 $0xFFFF0000, v15  }
0x166: {  	v6 =	vadd.f32 v11, v6;
	v11 =	vshll.u32 v2, $0x10  }
0x167: {  	v5 =	vand.u32 $0xFFFF0000, v5;
	v2 =	vand.u32 $0xFFFF0000, v2;
	v7 =	vadd.f32 v11, v7  }
0x168: {  	v5 =	vadd.f32 v5, v9;
	v9 =	vshll.u32 v0, $0x10;
	v0 =	vand.u32 $0xFFFF0000, v0  }
0x169: {  	v9 =	vadd.f32 v9, v10;
	v10 =	vshll.u32 v61, $0x10;
	v2 =	vadd.f32 v2, v6  }
0x16a: {  	v6 =	vadd.f32 v10, v7;
	v0 =	vadd.f32 v0, v5;
	v5 =	vand.u32 $0xFFFF0000, v61  }
0x16b: {  	v7 =	vshll.u32 v57, $0x10;
	v2 =	vadd.f32 v5, v2;
	v5 =	vshll.u32 v54, $0x10  }
0x16c: {  	v7 =	vadd.f32 v7, v9;
	v5 =	vadd.f32 v5, v6;
	v6 =	vand.u32 $0xFFFF0000, v57  }
0x16d: {  	v10 =	vshll.u32 v50, $0x10;
	v9 =	vshll.u32 v53, $0x10;
	v0 =	vadd.f32 v6, v0  }
0x16e: {  	v6 =	vadd.f32 v9, v7;
	v7 =	vand.u32 $0xFFFF0000, v54;
	v9 =	vand.u32 $0xFFFF0000, v53  }
0x16f: {  	v2 =	vadd.f32 v7, v2;
	v5 =	vadd.f32 v10, v5;
	v7 =	vshll.u32 v48, $0x10  }
0x170: {  	v10 =	vshll.u32 v46, $0x10;
	v0 =	vadd.f32 v9, v0;
	v6 =	vadd.f32 v7, v6  }
0x171: {  	v2 =	vadd.f32 v4, v2;
	v4 =	vadd.f32 v10, v5;
	v5 =	vshll.u32 v44, $0x10  }
0x172: {  	v7 =	vshll.u32 v41, $0x10;
	v0 =	vadd.f32 v3, v0;
	v3 =	vadd.f32 v5, v6  }
0x173: {  	v1 =	vadd.f32 v1, v2;
	v2 =	vadd.f32 v7, v4;
	v4 =	vshll.u32 v39, $0x10  }
0x174: {  	v5 =	vshll.u32 v36, $0x10;
	v0 =	vadd.f32 v63, v0;
	v3 =	vadd.f32 v4, v3  }
0x175: {  	v4 =	vshll.u32 v34, $0x10;
	v2 =	vadd.f32 v5, v2  }
0x176: {  	v5 =	vshll.u32 v32, $0x10;
	v0 =	vadd.f32 v58, v0;
	v3 =	vadd.f32 v4, v3  }
0x177: {  	v4 =	vshll.u32 v43, $0x10;
	v2 =	vadd.f32 v5, v2  }
0x178: {  	v5 =	vshll.u32 v42, $0x10;
	v0 =	vadd.f32 v55, v0;
	v3 =	vadd.f32 v4, v3  }
0x179: {  	v7 =	vld [tilespmem:$0x1FFB0];
	v1 =	vadd.f32 v60, v1;
	v4 =	vshll.u32 v30, $0x10;
	v2 =	vadd.f32 v5, v2  }
0x17a: {  	v5 =	vshll.u32 v28, $0x10;
	v0 =	vadd.f32 v51, v0;
	v3 =	vadd.f32 v4, v3  }
0x17b: {  	v1 =	vadd.f32 v56, v1;
	v4 =	vshll.u32 v40, $0x10;
	v2 =	vadd.f32 v5, v2  }
0x17c: {  	v5 =	vshll.u32 v27, $0x10;
	v0 =	vadd.f32 v47, v0;
	v3 =	vadd.f32 v4, v3  }
0x17d: {  	v1 =	vadd.f32 v52, v1;
	v4 =	vshll.u32 v37, $0x10;
	v2 =	vadd.f32 v5, v2  }
0x17e: {  	v6 =	vshll.u32 v25, $0x10;
	v0 =	vadd.f32 v7, v0;
	v3 =	vadd.f32 v4, v3;
	v7 =	vld [tilespmem:$0x1FFA0]  }
0x17f: {  	v1 =	vadd.f32 v49, v1;
	v2 =	vadd.f32 v6, v2;
	v6 =	vshll.u32 v29, $0x10  }
0x180: {  	v3 =	vadd.f32 v6, v3;
	v6 =	vld [tilespmem:$0x1FF70]  }
0x181: {  	v1 =	vadd.f32 v45, v1;
	_ =	sdelay $0x1  }
0x182: {  	v9 =	vld [tilespmem:$0x1FF80];
	v1 =	vadd.f32 v7, v1;
	_ =	sdelay $0x1  }
0x183: {  	v1 =	vadd.f32 v6, v1;
	v6 =	vshll.u32 v8, $0x10;
	v8 =	vld [tilespmem:$0x1FF90];
	_ =	sdelay $0x2  }
0x184: {  	v0 =	vadd.f32 v9, v0;
	_ =	sdelay $0x1  }
0x185: {  	v0 =	vadd.f32 v8, v0;
	v8 =	vld [tilespmem:$0x1FF60];
	_ =	sdelay $0x2  }
0x186: {  	v3 =	vadd.f32 v6, v3;
	v6 =	vld [tilespmem:$0x1FF50]  }
0x187: {  	v4 =	vld [tilespmem:s12+$0xF0]  }
0x188: {  	v0 =	vadd.f32 v8, v0;
	v8 =	vld [tilespmem:$0x1FF30]  }
0x189: {  	v5 =	vld [tilespmem:s12+$0x120];
	v7 =	vshll.u32 v26, $0x10  }
0x18a: {  	v2 =	vadd.f32 v7, v2  }
0x18b: {  	v7 =	vshll.u32 v24, $0x10;
	v1 =	vadd.f32 v6, v1  }
0x18c: {  	v2 =	vadd.f32 v7, v2;
	v7 =	vshll.u32 v4, $0x10  }
0x18d: {  	v3 =	vadd.f32 v7, v3;
	v7 =	vld [tilespmem:$0x1FF20];
	v1 =	vadd.f32 v8, v1  }
0x18e: {  	v9 =	vshll.u32 v5, $0x10;
	v5 =	vand.u32 $0xFFFF0000, v5  }
0x18f: {  	v1 =	vadd.f32 v5, v1;
	v5 =	vld [tilespmem:$0x1FEF0]  }
0x190: {  	v2 =	vadd.f32 v9, v2  }
0x191: {  	v4 =	vand.u32 $0xFFFF0000, v4  }
0x192: {  	v6 =	vld [tilespmem:s25+$0x130];
	v2 =	vmul.f32 v7, v2;
	v0 =	vadd.f32 v4, v0;
	v4 =	vshll.u32 v23, $0x10  }
0x193: {  	v3 =	vadd.f32 v4, v3;
	v4 =	vand.u32 $0xFFFF0000, v21;
	v8 =	vld [tilespmem:$0x1FEE0]  }
0x194: {  	v2 =	vadd.f32 $0.0e+00, v2;
	v1 =	vmul.f32 v4, v1;
	v5 =	vmul.f32 v5, v7;
	v7 =	vld [tilespmem:$0x1FF40]  }
0x195: {  	v9 =	vld [tilespmem:s24+$0x0]  }
0x196: {  	v1 =	vadd.f32 v2, v1;
	v2 =	vld [tilespmem:$0x1FED0];
	_ =	sdelay $0x1  }
0x197: {  	v4 =	vmul.f32 v8, v4  }
0x198: {  	v5 =	vadd.f32 $0.0e+00, v5;
	v0 =	vadd.f32 v7, v0;
	v7 =	vshll.u32 v6, $0x10  }
0x199: {  	v3 =	vadd.f32 v7, v3;
	v7 =	vshll.u32 v9, $0x10  }
0x19a: {  	v4 =	vadd.f32 v5, v4;
	v2 =	vmul.f32 v2, v7  }
0x19b: {  	v6 =	vand.u32 $0xFFFF0000, v6;
	v3 =	vmul.f32 v7, v3  }
0x19c: {  	v5 =	vand.u32 $0xFFFF0000, v9;
	v0 =	vadd.f32 v6, v0;
	v2 =	vadd.f32 v2, v4;
	v4 =	vld [tilespmem:$0x1FFE0]  }
0x19d: {  	v6 =	vmul.f32 v35, v5;
	v1 =	vadd.f32 v3, v1;
	v3 =	vld [tilespmem:$0x1FF00]  }
0x19e: {  	v0 =	vmul.f32 v5, v0  }
0x19f: {  	v2 =	vadd.f32 v2, v6  }
0x1a0: {  	v0 =	vadd.f32 v1, v0  }
0x1a1: {  	v1 =	vperm.xlane v2, v4  }
0x1a2: {  	v5 =	vld [tilespmem:$0x1FF10];
	v4 =	vperm.xlane v0, v4;
	v3 =	vadd.f32 v3, v38  }
0x1a3: {  	v1 =	vadd.f32 v1, v2  }
0x1a4: {  	v10 =	vld [tilespmem:$0x1FFF0];
	v0 =	vadd.f32 v0, v4;
	v2 =	vperm.xlane v3, v16  }
0x1a5: {  	v4 =	vperm.xlane v1, v16  }
0x1a6: {  	v2 =	vadd.f32 v2, v3;
	v3 =	vperm.xlane v0, v16  }
0x1a7: {  	v5 =	vadd.f32 v5, v33;
	v1 =	vadd.f32 v4, v1  }
0x1a8: {  	v4 =	vperm.xlane v2, v17;
	v0 =	vadd.f32 v0, v3  }
0x1a9: {  	v3 =	vperm.xlane v5, v10;
	v6 =	vperm.xlane v1, v17  }
0x1aa: {  	vm0 =	vmmov vm0;
	v9 =	vperm.xlane v0, v17;
	v2 =	vadd.f32 v4, v2  }
0x1ab: {  	vm1 =	vmmov vm1;
	v3 =	vadd.f32 v3, v5;
	v1 =	vadd.f32 v6, v1  }
0x1ac: {  	v4 =	vmov s19;
	v0 =	vadd.f32 v0, v9;
	v5 =	vperm.xlane v2, v10  }
0x1ad: {  	v7 =	vadd.f32 v59, v62;
	vm2 =	veq.s32 v4, v13;
	v4 =	vperm.xlane v1, v10  }
0x1ae: {  	v3 =	vsel vm0, v3, v14;
	v6 =	vperm.xlane v0, v10;
	v2 =	vadd.f32 v5, v2  }
0x1af: {  	vm0 =	vmmov vm1;
	vm2 =	vmmov vm2;
	v1 =	vadd.f32 v4, v1  }
0x1b0: {  	v0 =	vadd.f32 v0, v6;
	v2 =	vsel vm0, v2, v3;
	vm0 =	vmmov vm2  }
0x1b1: {  	s20 =	sshll.u32 s23, $0x5;
	p0 =	seq.s32 s23, $0xF;
	v3 =	vsel vm1, v7, v31;
	v1 =	vsel vm0, v1, v2  }
0x1b2: {  	s13 =	sadd.s32 @!p0 $0x2, s26;
	v0 =	vsel vm2, v0, v3;
	[tilespmem:s20+$0x8400] =	vst v1  }
0x1b3: {  	s12 =	sshll.u32 @!p0 s13, $0x4;
	s19 =	simm.s32 @!p0 $0x10;
	[tilespmem:s20+$0x8600] =	vst v0;
	s20 =	simm.s32 @!p0 $0x2C00  }
0x1b4: {  	[tilespmem:s20], [sflag:$0x1] =	stream.indirect.gather @!p0 [hbm4b:s4+s19], $0x20, s12, s19, $0xb8;
	[tilespmem:$0x8800] =	vst v63  }
0x1b5: {  	s13 =	smul.u32 @!p0 $0x500, s13;
	s12 =	sadd.s32 @!p0 $0x200, s12;
	s20 =	simm.s32 @!p0 $0x3000  }
0x1b6: {  	[tilespmem:s20], [sflag:$0x1] =	stream.indirect.gather @!p0 [hbm4b:s3+s19], $0x20, s12, s19, $0xb8;
	[tilespmem:$0x8800] =	vst v63  }
0x1b7: {  	s12 =	sshra.s32 @!p0 s13, $0x2  }
0x1b8: {  	s19 =	simm.s32 @!p0 $0x40;
	s20 =	simm.s32 @!p0 $0x3400;
	s13 =	sadd.s32 @!p0 $0x400, s12  }
0x1b9: {  	[tilespmem:s20], [sflag:$0x1] =	stream.indirect.gather @!p0 [hbm4b:s3+s19], $0x20, s13, s19, $0xb8;
	[tilespmem:$0x8800] =	vst v63  }
0x1ba: {  	s13 =	sadd.s32 @!p0 $0x440, s12;
	s20 =	simm.s32 @!p0 $0x3C00  }
0x1bb: {  	[tilespmem:s20], [sflag:$0x1] =	stream.indirect.gather @!p0 [hbm4b:s3+s19], $0x20, s13, s19, $0xb8;
	[tilespmem:$0x8800] =	vst v63  }
0x1bc: {  	s13 =	sadd.s32 @!p0 $0x480, s12;
	s20 =	simm.s32 @!p0 $0x4400  }
0x1bd: {  	[tilespmem:s20], [sflag:$0x1] =	stream.indirect.gather @!p0 [hbm4b:s3+s19], $0x20, s13, s19, $0xb8;
	[tilespmem:$0x8800] =	vst v63  }
0x1be: {  	s13 =	sadd.s32 @!p0 $0x4C0, s12;
	s20 =	simm.s32 @!p0 $0x4C00  }
0x1bf: {  	[tilespmem:s20], [sflag:$0x1] =	stream.indirect.gather @!p0 [hbm4b:s3+s19], $0x20, s13, s19, $0xb8;
	[tilespmem:$0x8800] =	vst v63  }
0x1c0: {  	s12 =	sadd.s32 @!p0 $0x500, s12;
	s13 =	simm.s32 @!p0 $0x5400  }
0x1c1: {  	[tilespmem:s13], [sflag:$0x1] =	stream.indirect.gather @!p0 [hbm4b:s3+s19], $0x20, s12, s19, $0xb8;
	[tilespmem:$0x8800] =	vst v63  }
0x1c2: {  	_ =	swait.ge [sflag:s18], $0x200  }
0x1c3: {  	[sflag:s18] =	ssyncset.done $0x0  }
0x1c4: {  	[sflag:s18] =	ssyncadd.s32 $0xFFFFFE00  }
0x1c5: {  	_ =	swait.ge [sflag:s18], $0x200  }
0x1c6: {  	[sflag:s18] =	ssyncset.done $0x0  }
0x1c7: {  	[sflag:s18] =	ssyncadd.s32 $0xFFFFFE00  }
0x1c8: {  	_ =	swait.ge [sflag:s18], $0x800  }
0x1c9: {  	[sflag:s18] =	ssyncset.done $0x0  }
0x1ca: {  	[sflag:s18] =	ssyncadd.s32 $0xFFFFF800  }
0x1cb: {  	_ =	swait.ge [sflag:s18], $0x800  }
0x1cc: {  	[sflag:s18] =	ssyncset.done $0x0  }
0x1cd: {  	[sflag:s18] =	ssyncadd.s32 $0xFFFFF800  }
0x1ce: {  	_ =	swait.ge [sflag:s18], $0x800  }
0x1cf: {  	[sflag:s18] =	ssyncset.done $0x0  }
0x1d0: {  	[sflag:s18] =	ssyncadd.s32 $0xFFFFF800  }
0x1d1: {  	_ =	swait.ge [sflag:s18], $0x800  }
0x1d2: {  	[sflag:s18] =	ssyncset.done $0x0  }
0x1d3: {  	[sflag:s18] =	ssyncadd.s32 $0xFFFFF800  }
0x1d4: {  	_ =	swait.ge [sflag:s18], $0x800  }
0x1d5: {  	[sflag:s18] =	ssyncset.done $0x0  }
0x1d6: {  	s24 =	simm.s32 $0x2E10;
	[sflag:s18] =	ssyncadd.s32 $0xFFFFF800  }
0x1d7: {  	s25 =	simm.s32 $0x5E70;
	v5 =	vld [tilespmem:s24+$0xFFFFFFF0]  }
0x1d8: {  	v6 =	vld [tilespmem:s25+$0xFFFFFFE0]  }
0x1d9: {  	v0 =	vld [tilespmem:s25+$0xFFFFFFD0]  }
0x1da: {  	v9 =	vld [tilespmem:s25+$0xFFFFFFA0]  }
0x1db: {  	v1 =	vld [tilespmem:s25+$0xFFFFFFB0]  }
0x1dc: {  	v2 =	vld [tilespmem:s25+$0xFFFFFF80]  }
0x1dd: {  	v4 =	vld [tilespmem:s25+$0xFFFFFF90]  }
0x1de: {  	v12 =	vld [tilespmem:s25+$0xFFFFFF60]  }
0x1df: {  	v22 =	vld [tilespmem:s25+$0xFFFFFF30]  }
0x1e0: {  	v23 =	vld [tilespmem:s25+$0xFFFFFF00]  }
0x1e1: {  	v24 =	vld [tilespmem:s25+$0xFFFFFF10]  }
0x1e2: {  	v25 =	vld [tilespmem:s25+$0xFFFFFEE0]  }
0x1e3: {  	v26 =	vld [tilespmem:s25+$0xFFFFFEF0]  }
0x1e4: {  	v27 =	vld [tilespmem:s25+$0xFFFFFEC0]  }
0x1e5: {  	v28 =	vld [tilespmem:s25+$0xFFFFFED0]  }
0x1e6: {  	v29 =	vld [tilespmem:s25+$0xFFFFFEA0]  }
0x1e7: {  	v30 =	vld [tilespmem:s25+$0xFFFFFEB0]  }
0x1e8: {  	v31 =	vld [tilespmem:s25+$0xFFFFFE80]  }
0x1e9: {  	v32 =	vld [tilespmem:s25+$0xFFFFFE90]  }
0x1ea: {  	v33 =	vld [tilespmem:s25+$0xFFFFFE60]  }
0x1eb: {  	v34 =	vld [tilespmem:s25+$0xFFFFFE70];
	v7 =	vshll.u32 v5, $0x10;
	v10 =	vand.u32 $0xFFFF0000, v0  }
0x1ec: {  	v36 =	vld [tilespmem:s25+$0xFFFFFD90];
	v8 =	vand.u32 $0xFFFF0000, v6;
	v11 =	vand.u32 $0xFFFF0000, v1;
	v3 =	vand.u32 $0xFFFF0000, v9  }
0x1ed: {  	v39 =	vld [tilespmem:s25+$0xFFFFFDB0];
	v15 =	vand.u32 $0xFFFF0000, v4;
	v17 =	vand.u32 $0xFFFF0000, v12;
	v13 =	vand.u32 $0xFFFF0000, v2  }
0x1ee: {  	v43 =	vld [tilespmem:s25+$0xFFFFFDA0];
	v37 =	vand.u32 $0xFFFF0000, v22;
	v41 =	vand.u32 $0xFFFF0000, v24;
	v42 =	vand.u32 $0xFFFF0000, v23  }
0x1ef: {  	v47 =	vld [tilespmem:s25+$0xFFFFFDD0];
	v44 =	vand.u32 $0xFFFF0000, v26;
	v45 =	vand.u32 $0xFFFF0000, v27;
	v46 =	vand.u32 $0xFFFF0000, v25  }
0x1f0: {  	v51 =	vld [tilespmem:s25+$0xFFFFFDC0];
	v48 =	vand.u32 $0xFFFF0000, v28;
	v49 =	vand.u32 $0xFFFF0000, v29;
	v50 =	vand.u32 $0xFFFF0000, v32  }
0x1f1: {  	v52 =	vld [tilespmem:s25+$0xFFFFFDF0];
	v53 =	vand.u32 $0xFFFF0000, v30;
	v54 =	vand.u32 $0xFFFF0000, v31;
	v55 =	vand.u32 $0xFFFF0000, v34  }
0x1f2: {  	v56 =	vld [tilespmem:s25+$0xFFFFFE50];
	v57 =	vand.u32 $0xFFFF0000, v33;
	v58 =	vshll.u32 v36, $0x10;
	v59 =	vshll.u32 v39, $0x10  }
0x1f3: {  	v60 =	vld [tilespmem:s25+$0xFFFFFDE0];
	v36 =	vand.u32 $0xFFFF0000, v36;
	v39 =	vand.u32 $0xFFFF0000, v39;
	v58 =	vadd.f32 v59, v58  }
0x1f4: {  	v61 =	vshll.u32 v43, $0x10;
	v62 =	vshll.u32 v47, $0x10;
	v59 =	vld [tilespmem:s25+$0xFFFFFE20];
	v36 =	vadd.f32 v39, v36  }
0x1f5: {  	v47 =	vand.u32 $0xFFFF0000, v47;
	v43 =	vand.u32 $0xFFFF0000, v43;
	v39 =	vld [tilespmem:s25+$0xFFFFFE10];
	v58 =	vadd.f32 v62, v58  }
0x1f6: {  	v35 =	vld [tilespmem:s25+$0xFFFFFE40];
	v62 =	vshll.u32 v51, $0x10;
	v36 =	vadd.f32 v47, v36;
	v51 =	vand.u32 $0xFFFF0000, v51  }
0x1f7: {  	v63 =	vld [tilespmem:s25+$0xFFFFFE00];
	v61 =	vadd.f32 v62, v61;
	v62 =	vshll.u32 v52, $0x10;
	v43 =	vadd.f32 v51, v43  }
0x1f8: {  	v47 =	vld [tilespmem:s25+$0xFFFFFE30];
	v51 =	vshll.u32 v60, $0x10;
	v52 =	vand.u32 $0xFFFF0000, v52;
	v60 =	vand.u32 $0xFFFF0000, v60  }
0x1f9: {  	v58 =	vadd.f32 v62, v58;
	v62 =	vand.u32 $0xFFFF0000, v56;
	v36 =	vadd.f32 v52, v36  }
0x1fa: {  	v51 =	vadd.f32 v51, v61;
	v61 =	vand.u32 $0xFFFF0000, v59;
	v52 =	vshll.u32 v39, $0x10  }
0x1fb: {  	v43 =	vadd.f32 v60, v43;
	v60 =	vand.u32 $0xFFFF0000, v35;
	v39 =	vand.u32 $0xFFFF0000, v39  }
0x1fc: {  	v52 =	vadd.f32 v52, v58;
	v58 =	vshll.u32 v63, $0x10;
	v36 =	vadd.f32 v39, v36  }
0x1fd: {  	v51 =	vadd.f32 v58, v51;
	v58 =	vand.u32 $0xFFFF0000, v47;
	v47 =	vshll.u32 v47, $0x10  }
0x1fe: {  	v63 =	vand.u32 $0xFFFF0000, v63;
	v39 =	vadd.f32 v47, v52;
	v47 =	vshll.u32 v59, $0x10  }
0x1ff: {  	v59 =	vshll.u32 v56, $0x10;
	v36 =	vadd.f32 v58, v36;
	v47 =	vadd.f32 v47, v51  }
0x200: {  	v35 =	vshll.u32 v35, $0x10;
	v43 =	vadd.f32 v63, v43;
	v39 =	vadd.f32 v59, v39  }
0x201: {  	v34 =	vshll.u32 v34, $0x10;
	v36 =	vadd.f32 v62, v36;
	v35 =	vadd.f32 v35, v47  }
0x202: {  	v33 =	vshll.u32 v33, $0x10;
	v43 =	vadd.f32 v61, v43;
	v34 =	vadd.f32 v34, v39  }
0x203: {  	v32 =	vshll.u32 v32, $0x10;
	v56 =	vadd.f32 v55, v36;
	v33 =	vadd.f32 v33, v35  }
0x204: {  	v31 =	vshll.u32 v31, $0x10;
	v52 =	vadd.f32 v60, v43;
	v32 =	vadd.f32 v32, v34  }
0x205: {  	v30 =	vshll.u32 v30, $0x10;
	v59 =	vadd.f32 v50, v56;
	v31 =	vadd.f32 v31, v33  }
0x206: {  	v29 =	vshll.u32 v29, $0x10;
	v58 =	vadd.f32 v57, v52;
	v30 =	vadd.f32 v30, v32  }
0x207: {  	v14 =	vld [tilespmem:s25+$0xFFFFFF70];
	v28 =	vshll.u32 v28, $0x10;
	v29 =	vadd.f32 v29, v31;
	v31 =	vadd.f32 v53, v59  }
0x208: {  	v16 =	vld [tilespmem:s25+$0xFFFFFF40];
	v27 =	vshll.u32 v27, $0x10;
	v60 =	vadd.f32 v54, v58;
	v28 =	vadd.f32 v28, v30  }
0x209: {  	v18 =	vld [tilespmem:s25+$0xFFFFFF50];
	v26 =	vshll.u32 v26, $0x10;
	v27 =	vadd.f32 v27, v29;
	v29 =	vadd.f32 v48, v31  }
0x20a: {  	v19 =	vld [tilespmem:s25+$0xFFFFFF20];
	v25 =	vshll.u32 v25, $0x10;
	v30 =	vadd.f32 v49, v60;
	v26 =	vadd.f32 v26, v28  }
0x20b: {  	v24 =	vshll.u32 v24, $0x10;
	v25 =	vadd.f32 v25, v27;
	v27 =	vadd.f32 v44, v29  }
0x20c: {  	s26 =	simm.s32 $0x3210;
	v23 =	vshll.u32 v23, $0x10;
	v28 =	vadd.f32 v45, v30;
	v24 =	vadd.f32 v24, v26  }
0x20d: {  	v22 =	vshll.u32 v22, $0x10;
	v23 =	vadd.f32 v23, v25;
	v25 =	vadd.f32 v41, v27;
	v27 =	vld [tilespmem:s26+$0xFFFFFFF0]  }
0x20e: {  	v20 =	vand.u32 $0xFFFF0000, v14;
	v21 =	vand.u32 $0xFFFF0000, v16;
	v22 =	vadd.f32 v22, v24;
	v24 =	vld [tilespmem:s26+$0x0];
	s26 =	simm.s32 $0x60F0  }
0x20f: {  	v38 =	vand.u32 $0xFFFF0000, v18;
	v40 =	vand.u32 $0xFFFF0000, v19;
	v26 =	vadd.f32 v46, v28;
	v28 =	vld [tilespmem:s26+$0xFFFFFF10]  }
0x210: {  	v19 =	vshll.u32 v19, $0x10;
	v18 =	vshll.u32 v18, $0x10;
	v16 =	vshll.u32 v16, $0x10;
	v32 =	vld [tilespmem:s26+$0xFFFFFEE0]  }
0x211: {  	v14 =	vshll.u32 v14, $0x10;
	v26 =	vadd.f32 v42, v26;
	v19 =	vadd.f32 v19, v23;
	v36 =	vld [tilespmem:s26+$0xFFFFFEF0]  }
0x212: {  	v12 =	vshll.u32 v12, $0x10;
	v23 =	vadd.f32 v37, v25;
	v39 =	vld [tilespmem:s26+$0xFFFFFED0];
	v18 =	vadd.f32 v18, v22  }
0x213: {  	v4 =	vshll.u32 v4, $0x10;
	v42 =	vld [tilespmem:s26+$0xFFFFFDF0];
	v25 =	vadd.f32 v40, v26;
	v16 =	vadd.f32 v16, v19  }
0x214: {  	v2 =	vshll.u32 v2, $0x10;
	v41 =	vld [tilespmem:s26+$0xFFFFFE10];
	v19 =	vadd.f32 v38, v23;
	v14 =	vadd.f32 v14, v18  }
0x215: {  	v1 =	vshll.u32 v1, $0x10;
	v21 =	vadd.f32 v21, v25;
	v12 =	vadd.f32 v12, v16  }
0x216: {  	v0 =	vshll.u32 v0, $0x10;
	v23 =	vld [tilespmem:s25+$0xFFFFFFF0];
	v16 =	vadd.f32 v20, v19;
	v4 =	vadd.f32 v4, v14  }
0x217: {  	v18 =	vld [tilespmem:s25+$0xFFFFFFC0];
	v14 =	vadd.f32 v17, v21;
	v45 =	vand.u32 $0xFFFF0000, v28;
	v48 =	vand.u32 $0xFFFF0000, v36  }
0x218: {  	v51 =	vand.u32 $0xFFFF0000, v32;
	v52 =	vand.u32 $0xFFFF0000, v39;
	v55 =	vand.u32 $0xFFFF0000, v42  }
0x219: {  	v56 =	vand.u32 $0xFFFF0000, v41;
	v2 =	vadd.f32 v2, v12;
	v12 =	vadd.f32 v15, v16  }
0x21a: {  	v17 =	vld [tilespmem:s25+$0x0];
	v1 =	vadd.f32 v1, v4;
	v4 =	vshll.u32 v9, $0x10;
	v13 =	vadd.f32 v13, v14  }
0x21b: {  	v2 =	vadd.f32 v4, v2;
	v4 =	vadd.f32 v11, v12;
	v11 =	vshll.u32 v23, $0x10  }
0x21c: {  	v0 =	vadd.f32 v0, v1;
	v1 =	vshll.u32 v18, $0x10;
	v3 =	vadd.f32 v3, v13  }
0x21d: {  	v1 =	vadd.f32 v1, v2;
	v2 =	vadd.f32 v10, v4;
	v4 =	vand.u32 $0xFFFF0000, v18  }
0x21e: {  	v19 =	vld [tilespmem:s24+$0x0];
	v10 =	vand.u32 $0xFFFF0000, v23;
	v0 =	vadd.f32 v11, v0;
	v3 =	vadd.f32 v4, v3  }
0x21f: {  	v4 =	vshll.u32 v6, $0x10;
	v6 =	vand.u32 $0xFFFF0000, v17;
	v2 =	vadd.f32 v10, v2  }
0x220: {  	v43 =	vld [tilespmem:s26+$0xFFFFFD90];
	v1 =	vadd.f32 v4, v1;
	v4 =	vand.u32 $0xFFFF0000, v5;
	v0 =	vmul.f32 v7, v0  }
0x221: {  	v44 =	vld [tilespmem:s26+$0xFFFFFDB0];
	v5 =	vshll.u32 v17, $0x10;
	v3 =	vadd.f32 v8, v3;
	v2 =	vmul.f32 v4, v2  }
0x222: {  	v46 =	vld [tilespmem:s26+$0xFFFFFDA0];
	v1 =	vadd.f32 v5, v1;
	v5 =	vshll.u32 v27, $0x10;
	v0 =	vadd.f32 $0.0e+00, v0  }
0x223: {  	s20 =	simm.s32 $0x3230;
	v18 =	vshll.u32 v19, $0x10;
	v3 =	vadd.f32 v6, v3;
	v5 =	vmul.f32 v5, v7  }
0x224: {  	v22 =	vld [tilespmem:s20+$0x0];
	v7 =	vand.u32 $0xFFFF0000, v27;
	v1 =	vmul.f32 v18, v1;
	v0 =	vadd.f32 v0, v2  }
0x225: {  	v57 =	vshll.u32 v43, $0x10;
	v14 =	vld [tilespmem:$0x1FFE0];
	v17 =	vand.u32 $0xFFFF0000, v19;
	v4 =	vmul.f32 v7, v4  }
0x226: {  	v0 =	vadd.f32 v1, v0;
	v1 =	vmul.f32 v17, v3;
	v3 =	vadd.f32 $0.0e+00, v5  }
0x227: {  	v61 =	vld [tilespmem:$0x1FFD0];
	v34 =	vshll.u32 v44, $0x10;
	v60 =	vand.u32 $0xFFFF0000, v46;
	v5 =	vshll.u32 v24, $0x10  }
0x228: {  	v26 =	vld [tilespmem:s20+$0xFFFFFFF0];
	v0 =	vadd.f32 v0, v1;
	v1 =	vmul.f32 v5, v18;
	v3 =	vadd.f32 v3, v4  }
0x229: {  	v40 =	vld [tilespmem:s26+$0xFFFFFEA0];
	v46 =	vshll.u32 v46, $0x10;
	v43 =	vand.u32 $0xFFFF0000, v43;
	v44 =	vand.u32 $0xFFFF0000, v44  }
0x22a: {  	v49 =	vld [tilespmem:s26+$0xFFFFFDD0];
	v5 =	vperm.xlane v0, v14;
	v1 =	vadd.f32 v1, v3;
	v3 =	vand.u32 $0xFFFF0000, v22  }
0x22b: {  	v38 =	vld [tilespmem:s26+$0xFFFFFEC0];
	v42 =	vshll.u32 v42, $0x10;
	v41 =	vshll.u32 v41, $0x10;
	[tilespmem:$0x1FD40] =	vst v3;
	v3 =	vshll.u32 v22, $0x10  }
0x22c: {  	v39 =	vshll.u32 v39, $0x10;
	v36 =	vshll.u32 v36, $0x10;
	[tilespmem:$0x1FD30] =	vst v3;
	v3 =	vadd.f32 v0, v5;
	v0 =	vld [tilespmem:$0x1FFC0]  }
0x22d: {  	v53 =	vld [tilespmem:s26+$0xFFFFFDC0];
	s25 =	simm.s32 $0x0;
	v32 =	vshll.u32 v32, $0x10;
	v28 =	vshll.u32 v28, $0x10;
	v25 =	vshll.u32 v26, $0x10  }
0x22e: {  	v59 =	vld [tilespmem:s26+$0xFFFFFDE0];
	v63 =	vmov s25;
	v54 =	vand.u32 $0xFFFF0000, v40;
	v4 =	vand.u32 $0xFFFF0000, v24  }
0x22f: {  	s24 =	simm.s32 $0x2E30;
	v20 =	vld [tilespmem:s26+$0xFFFFFF40];
	v57 =	vadd.f32 v34, v57;
	v34 =	vshll.u32 v49, $0x10;
	v4 =	vmul.f32 v4, v17  }
0x230: {  	v21 =	vld [tilespmem:s24+$0xFFFFFFF0];
	v43 =	vadd.f32 v44, v43;
	v49 =	vand.u32 $0xFFFF0000, v49;
	v40 =	vshll.u32 v40, $0x10  }
0x231: {  	v16 =	vld [tilespmem:s26+$0xFFFFFFA0];
	v50 =	vand.u32 $0xFFFF0000, v38;
	v19 =	vadd.f32 v1, v4;
	v4 =	vperm.xlane v3, v0  }
0x232: {  	v9 =	vld [tilespmem:s26+$0xFFFFFFE0];
	v38 =	vshll.u32 v38, $0x10;
	v44 =	vadd.f32 v34, v57;
	v34 =	vshll.u32 v53, $0x10  }
0x233: {  	v57 =	vld [tilespmem:s26+$0xFFFFFE90];
	v53 =	vand.u32 $0xFFFF0000, v53;
	v43 =	vadd.f32 v49, v43;
	v29 =	vadd.f32 v3, v4  }
0x234: {  	v46 =	vadd.f32 v34, v46;
	v34 =	vand.u32 $0xFFFF0000, v59;
	v59 =	vshll.u32 v59, $0x10;
	v23 =	vld [tilespmem:s26+$0xFFFFFF50]  }
0x235: {  	v53 =	vadd.f32 v53, v60;
	v42 =	vadd.f32 v42, v44;
	v6 =	vld [tilespmem:s26+$0xFFFFFF30];
	v62 =	vperm.xlane v29, v61  }
0x236: {  	v30 =	vand.u32 $0xFFFF0000, v20;
	v43 =	vadd.f32 v55, v43;
	v46 =	vadd.f32 v59, v46;
	v61 =	vld [tilespmem:s26+$0xFFFFFE30]  }
0x237: {  	v20 =	vshll.u32 v20, $0x10;
	v49 =	vadd.f32 v34, v53;
	v29 =	vadd.f32 v29, v62;
	v62 =	vld [tilespmem:s26+$0xFFFFFE00]  }
0x238: {  	v44 =	vld [tilespmem:s26+$0xFFFFFE20];
	v31 =	vand.u32 $0xFFFF0000, v9;
	v41 =	vadd.f32 v41, v42;
	v43 =	vadd.f32 v56, v43  }
0x239: {  	v60 =	vld [tilespmem:s26+$0xFFFFFE50];
	v56 =	vand.u32 $0xFFFF0000, v57;
	v57 =	vshll.u32 v57, $0x10;
	v27 =	vshll.u32 v21, $0x10  }
0x23a: {  	v55 =	vld [tilespmem:s26+$0xFFFFFE80];
	v33 =	vand.u32 $0xFFFF0000, v23;
	v23 =	vshll.u32 v23, $0x10;
	v37 =	vand.u32 $0xFFFF0000, v6  }
0x23b: {  	v6 =	vshll.u32 v6, $0x10;
	v24 =	vand.u32 $0xFFFF0000, v16;
	v34 =	vshll.u32 v61, $0x10  }
0x23c: {  	v53 =	vld [tilespmem:s26+$0xFFFFFE40];
	v61 =	vand.u32 $0xFFFF0000, v61;
	v41 =	vadd.f32 v34, v41;
	v42 =	vshll.u32 v62, $0x10  }
0x23d: {  	v34 =	vshll.u32 v44, $0x10;
	v62 =	vand.u32 $0xFFFF0000, v62;
	v42 =	vadd.f32 v42, v46;
	v46 =	vld [tilespmem:s26+$0xFFFFFE70]  }
0x23e: {  	v59 =	vld [tilespmem:s26+$0xFFFFFE60];
	v43 =	vadd.f32 v61, v43;
	v44 =	vand.u32 $0xFFFF0000, v44;
	v49 =	vadd.f32 v62, v49  }
0x23f: {  	v62 =	vand.u32 $0xFFFF0000, v55;
	v42 =	vadd.f32 v34, v42;
	v34 =	vshll.u32 v60, $0x10  }
0x240: {  	v44 =	vadd.f32 v44, v49;
	v60 =	vand.u32 $0xFFFF0000, v60;
	v41 =	vadd.f32 v34, v41  }
0x241: {  	v58 =	vld [tilespmem:s26+$0xFFFFFEB0];
	v34 =	vshll.u32 v53, $0x10;
	v43 =	vadd.f32 v60, v43;
	v53 =	vand.u32 $0xFFFF0000, v53  }
0x242: {  	v42 =	vadd.f32 v34, v42;
	v49 =	vand.u32 $0xFFFF0000, v46;
	v46 =	vshll.u32 v46, $0x10  }
0x243: {  	v7 =	vld [tilespmem:s26+$0xFFFFFF00];
	v34 =	vshll.u32 v59, $0x10;
	v44 =	vadd.f32 v53, v44;
	v41 =	vadd.f32 v46, v41  }
0x244: {  	v60 =	vand.u32 $0xFFFF0000, v59;
	v42 =	vadd.f32 v34, v42;
	v43 =	vadd.f32 v49, v43  }
0x245: {  	v2 =	vld [tilespmem:s26+$0xFFFFFF20];
	v59 =	vshll.u32 v55, $0x10;
	v44 =	vadd.f32 v60, v44;
	v41 =	vadd.f32 v57, v41  }
0x246: {  	v15 =	vld [tilespmem:s26+$0xFFFFFFD0];
	v34 =	vshll.u32 v58, $0x10;
	v42 =	vadd.f32 v59, v42;
	v43 =	vadd.f32 v56, v43  }
0x247: {  	v12 =	vld [tilespmem:s26+$0xFFFFFF90];
	v61 =	vand.u32 $0xFFFF0000, v58;
	v44 =	vadd.f32 v62, v44;
	v41 =	vadd.f32 v34, v41  }
0x248: {  	v10 =	vld [tilespmem:s26+$0xFFFFFF60];
	v47 =	vand.u32 $0xFFFF0000, v7;
	v40 =	vadd.f32 v40, v42;
	v46 =	vadd.f32 v61, v43  }
0x249: {  	v13 =	vld [tilespmem:s26+$0xFFFFFFB0];
	v7 =	vshll.u32 v7, $0x10;
	v49 =	vadd.f32 v54, v44;
	v39 =	vadd.f32 v39, v41  }
0x24a: {  	v8 =	vld [tilespmem:s26+$0xFFFFFF70];
	v35 =	vand.u32 $0xFFFF0000, v2;
	v38 =	vadd.f32 v38, v40;
	v42 =	vadd.f32 v52, v46  }
0x24b: {  	v11 =	vld [tilespmem:s26+$0xFFFFFF80];
	v2 =	vshll.u32 v2, $0x10;
	v52 =	vadd.f32 v50, v49;
	v36 =	vadd.f32 v36, v39  }
0x24c: {  	v17 =	vld [tilespmem:$0x1FFF0];
	v22 =	vand.u32 $0xFFFF0000, v26;
	v32 =	vadd.f32 v32, v38;
	v53 =	vadd.f32 v48, v42  }
0x24d: {  	v26 =	vand.u32 $0xFFFF0000, v10;
	v60 =	vld [tilespmem:s26+$0xFFFFFFC0];
	v55 =	vadd.f32 v51, v52;
	v28 =	vadd.f32 v28, v36  }
0x24e: {  	s25 =	simm.s32 $0x6370;
	v1 =	vand.u32 $0xFFFF0000, v13;
	v56 =	vld [tilespmem:s26+$0x0];
	v32 =	vadd.f32 v7, v32;
	v38 =	vadd.f32 v45, v53  }
0x24f: {  	v5 =	vand.u32 $0xFFFF0000, v8;
	v57 =	vld [tilespmem:s25+$0xFFFFFFE0];
	v6 =	vadd.f32 v6, v28;
	v28 =	vadd.f32 v47, v55  }
0x250: {  	v4 =	vand.u32 $0xFFFF0000, v12;
	v59 =	vld [tilespmem:s26+$0xFFFFFFF0];
	v2 =	vadd.f32 v2, v32;
	v58 =	vadd.f32 v37, v38  }
0x251: {  	s20 =	simm.s32 $0x3250;
	v62 =	vshll.u32 v12, $0x10;
	v12 =	vld [tilespmem:s25+$0xFFFFFFB0];
	v6 =	vadd.f32 v23, v6;
	v28 =	vadd.f32 v35, v28  }
0x252: {  	v44 =	vld [tilespmem:s20+$0xFFFFFFF0];
	v23 =	vshll.u32 v8, $0x10;
	v2 =	vadd.f32 v20, v2;
	v20 =	vadd.f32 v33, v58  }
0x253: {  	v0 =	vand.u32 $0xFFFF0000, v15;
	v15 =	vshll.u32 v15, $0x10;
	v54 =	vld [tilespmem:s24+$0x0];
	v6 =	vadd.f32 v23, v6  }
0x254: {  	v61 =	vld [tilespmem:s25+$0xFFFFFFD0];
	v23 =	vshll.u32 v10, $0x10;
	v28 =	vadd.f32 v30, v28;
	v5 =	vadd.f32 v5, v20  }
0x255: {  	v34 =	vld [tilespmem:s25+$0xFFFFFFA0];
	v20 =	vshll.u32 v11, $0x10;
	v2 =	vadd.f32 v23, v2;
	v6 =	vadd.f32 v62, v6  }
0x256: {  	v43 =	vld [tilespmem:s25+$0xFFFFFEA0];
	v23 =	vshll.u32 v13, $0x10;
	v26 =	vadd.f32 v26, v28;
	v4 =	vadd.f32 v4, v5  }
0x257: {  	v3 =	vand.u32 $0xFFFF0000, v11;
	v40 =	vld [tilespmem:s20+$0x0];
	v2 =	vadd.f32 v20, v2;
	v5 =	vadd.f32 v23, v6  }
0x258: {  	v41 =	vld [tilespmem:s25+$0xFFFFFED0];
	v6 =	vshll.u32 v16, $0x10;
	v3 =	vadd.f32 v3, v26;
	v1 =	vadd.f32 v1, v4  }
0x259: {  	s24 =	simm.s32 $0x2E50;
	v50 =	vld [tilespmem:s25+$0xFFFFFE90];
	v2 =	vadd.f32 v6, v2;
	v6 =	vshll.u32 v59, $0x10;
	v4 =	vadd.f32 v15, v5  }
0x25a: {  	v42 =	vld [tilespmem:s24+$0xFFFFFFF0];
	v5 =	vshll.u32 v60, $0x10;
	v3 =	vadd.f32 v24, v3;
	v0 =	vadd.f32 v0, v1  }
0x25b: {  	v51 =	vld [tilespmem:s25+$0xFFFFFF00];
	v2 =	vadd.f32 v5, v2;
	v1 =	vadd.f32 v6, v4;
	v4 =	vand.u32 $0xFFFF0000, v60  }
0x25c: {  	v39 =	vld [tilespmem:s25+$0xFFFFFEC0];
	v5 =	vand.u32 $0xFFFF0000, v59;
	v3 =	vadd.f32 v4, v3;
	v4 =	vshll.u32 v9, $0x10  }
0x25d: {  	v48 =	vld [tilespmem:s25+$0xFFFFFE80];
	v0 =	vadd.f32 v5, v0;
	v1 =	vmul.f32 v27, v1;
	v2 =	vadd.f32 v4, v2  }
0x25e: {  	v10 =	vld [tilespmem:s25+$0xFFFFFF80];
	v5 =	vshll.u32 v56, $0x10;
	v4 =	vand.u32 $0xFFFF0000, v21;
	v3 =	vadd.f32 v31, v3  }
0x25f: {  	v36 =	vld [tilespmem:s25+$0xFFFFFEF0];
	v0 =	vmul.f32 v4, v0;
	v1 =	vadd.f32 $0.0e+00, v1;
	v2 =	vadd.f32 v5, v2  }
0x260: {  	v45 =	vld [tilespmem:s25+$0xFFFFFEB0];
	v6 =	vshll.u32 v54, $0x10;
	v9 =	vand.u32 $0xFFFF0000, v56;
	v5 =	vmul.f32 v25, v27  }
0x261: {  	v53 =	vld [tilespmem:s25+$0xFFFFFE60];
	v0 =	vadd.f32 v1, v0;
	v1 =	vadd.f32 v9, v3;
	v2 =	vmul.f32 v6, v2  }
0x262: {  	v8 =	vld [tilespmem:$0x1FFC0];
	v3 =	vadd.f32 $0.0e+00, v5;
	v5 =	vand.u32 $0xFFFF0000, v54  }
0x263: {  	v35 =	vmov v10;
	v10 =	vld [tilespmem:$0x1FD30];
	v0 =	vadd.f32 v2, v0;
	v1 =	vmul.f32 v5, v1  }
0x264: {  	v18 =	vperm.xlane v29, v17;
	v13 =	vld [tilespmem:s25+$0xFFFFFF60]  }
0x265: {  	v4 =	vmul.f32 v22, v4;
	v9 =	vperm.xlane v19, v14;
	v0 =	vadd.f32 v0, v1;
	v1 =	vld [tilespmem:$0x1FD40]  }
0x266: {  	v7 =	vlaneseq.u32;
	v47 =	vld [tilespmem:s25+$0xFFFFFF20];
	v2 =	vadd.f32 v29, v18  }
0x267: {  	vm0 =	veq.s32 v63, v7;
	v32 =	vld [tilespmem:s25+$0xFFFFFF10];
	v3 =	vadd.f32 v3, v4;
	v4 =	vadd.f32 v9, v19  }
0x268: {  	vm0 =	vmmov vm0;
	v33 =	vld [tilespmem:s25+$0xFFFFFEE0];
	v6 =	vmul.f32 v10, v6;
	v9 =	vimm.f32 $0.0e+00  }
0x269: {  	v11 =	vld [tilespmem:s25+$0xFFFFFF90];
	v31 =	vsel vm0, v2, v9;
	v2 =	vperm.xlane v4, v8  }
0x26a: {  	v30 =	vld [tilespmem:s25+$0xFFFFFF30];
	v24 =	vmovc v12;
	[tilespmem:$0x1FE10] =	vst v13;
	v3 =	vadd.f32 v6, v3;
	v6 =	vshll.u32 v40, $0x10;
	v1 =	vmul.f32 v1, v5  }
0x26b: {  	v20 =	vld [tilespmem:s25+$0xFFFFFF40];
	[tilespmem:$0x1FD50] =	vst v6;
	v27 =	vadd.f32 v2, v4;
	v4 =	vand.u32 $0xFFFF0000, v24;
	v5 =	vperm.xlane v0, v14  }
0x26c: {  	v16 =	vld [tilespmem:s25+$0xFFFFFF70];
	[tilespmem:$0x1FDE0] =	vst v4;
	v3 =	vadd.f32 v3, v1;
	v1 =	vand.u32 $0xFFFF0000, v44  }
0x26d: {  	v12 =	vld [tilespmem:s25+$0xFFFFFF50];
	v4 =	vand.u32 $0xFFFF0000, v34;
	[tilespmem:$0x1FD60] =	vst v1;
	v1 =	vadd.f32 v0, v5  }
0x26e: {  	v21 =	vld [tilespmem:s25+$0xFFFFFDA0];
	[tilespmem:$0x1FDF0] =	vst v4  }
0x26f: {  	v22 =	vld [tilespmem:s25+$0xFFFFFD90];
	v0 =	vshll.u32 v44, $0x10;
	[tilespmem:$0x1FD80] =	vst v3;
	v2 =	vperm.xlane v3, v14;
	v3 =	vperm.xlane v1, v8  }
0x270: {  	v25 =	vmov v57;
	v57 =	vld [tilespmem:s25+$0xFFFFFE40];
	[tilespmem:$0x1FD70] =	vst v0  }
0x271: {  	v10 =	vld [tilespmem:$0x1FFD0];
	[tilespmem:$0x1FD90] =	vst v2;
	v1 =	vadd.f32 v1, v3;
	v3 =	vand.u32 $0xFFFF0000, v11  }
0x272: {  	v63 =	vand.u32 $0xFFFF0000, v43;
	v58 =	vand.u32 $0xFFFF0000, v39;
	v54 =	vld [tilespmem:s25+$0xFFFFFE70];
	[tilespmem:$0x1FE00] =	vst v3;
	v3 =	vand.u32 $0xFFFF0000, v13  }
0x273: {  	v52 =	vand.u32 $0xFFFF0000, v32;
	v55 =	vand.u32 $0xFFFF0000, v33;
	v29 =	vmovc v61;
	v61 =	vld [tilespmem:s25+$0xFFFFFE50];
	[tilespmem:$0x1FE20] =	vst v3;
	v3 =	vand.u32 $0xFFFF0000, v35  }
0x274: {  	s26 =	simm.s32 $0x1;
	v26 =	vand.u32 $0xFFFF0000, v40;
	v49 =	vand.u32 $0xFFFF0000, v30;
	v18 =	vld [tilespmem:s25+$0xFFFFFDE0];
	[tilespmem:$0x1FE30] =	vst v3;
	v3 =	vand.u32 $0xFFFF0000, v16  }
0x275: {  	v60 =	vand.u32 $0xFFFF0000, v41;
	v19 =	vld [tilespmem:s25+$0xFFFFFDF0];
	v0 =	vmov s26;
	[tilespmem:$0x1FE40] =	vst v3;
	v3 =	vand.u32 $0xFFFF0000, v20  }
0x276: {  	v23 =	vmovc v42;
	v6 =	vld [tilespmem:s25+$0xFFFFFDB0];
	vm1 =	veq.s32 v0, v7;
	v0 =	vshll.u32 v42, $0x10;
	[tilespmem:$0x1FE50] =	vst v3;
	v3 =	vperm.xlane v1, v10  }
0x277: {  	v37 =	vmovc v11;
	v38 =	vmovc v30;
	v56 =	vand.u32 $0xFFFF0000, v36;
	v5 =	vld [tilespmem:s25+$0xFFFFFE00];
	v2 =	vperm.xlane v27, v10;
	[tilespmem:$0x1FDB0] =	vst v0;
	v0 =	vand.u32 $0xFFFF0000, v29  }
0x278: {  	v28 =	vmovc v16;
	v30 =	vmovc v12;
	v46 =	vand.u32 $0xFFFF0000, v12;
	v4 =	vand.u32 $0xFFFF0000, v50;
	v14 =	vld [tilespmem:s25+$0xFFFFFE10];
	[tilespmem:$0x1FDC0] =	vst v0;
	v59 =	vadd.f32 v1, v3  }
0x279: {  	s23 =	sadd.s32 $0x1, s23;
	v44 =	vmovc v51;
	v51 =	vand.u32 $0xFFFF0000, v51;
	v42 =	vmovc v47;
	v47 =	vand.u32 $0xFFFF0000, v47;
	v0 =	vld [tilespmem:s25+$0xFFFFFE20];
	[tilespmem:$0x1FDA0] =	vst v2;
	v2 =	vand.u32 $0xFFFF0000, v25  }
0x27a: {  	s19 =	simm.s32 $0x2;
	s12 =	simm.s32 $0x3;
	v40 =	vmovc v20;
	s26 =	simm.s32 $0x6370;
	[tilespmem:$0x1FDD0] =	vst v2;
	v2 =	vld [tilespmem:s25+$0xFFFFFE30];
	v20 =	vmovc v17;
	v1 =	vand.u32 $0xFFFF0000, v45;
	v3 =	vand.u32 $0xFFFF0000, v48;
	v62 =	vperm.xlane v59, v17  }
.LBB2_5:
0x27b: {  	_ = 	snop  }
0x27c: {  	v59 =	vadd.f32 v59, v62  }
0x27d: {  	vm2 =	vmmov vm0;
	vm0 =	vmmov vm1;
	v62 =	vld [tilespmem:s25+$0xFFFFFDD0]  }
0x27e: {  	[tilespmem:$0x1FCE0] =	vst v29;
	v31 =	vsel vm0, v59, v31;
	v7 =	vand.u32 $0xFFFF0000, v54;
	v8 =	vand.u32 $0xFFFF0000, v53  }
0x27f: {  	[tilespmem:$0x1FCF0] =	vst v25;
	v10 =	vand.u32 $0xFFFF0000, v61;
	v11 =	vand.u32 $0xFFFF0000, v0;
	v29 =	vand.u32 $0xFFFF0000, v2  }
0x280: {  	[tilespmem:$0x1FD10] =	vst v26;
	v25 =	vld [tilespmem:s25+$0xFFFFFDC0];
	v26 =	vmovc v34;
	v13 =	vand.u32 $0xFFFF0000, v5;
	v17 =	vshll.u32 v22, $0x10;
	v34 =	vmovc v31;
	v31 =	vshll.u32 v6, $0x10  }
0x281: {  	[tilespmem:$0x1FD20] =	vst v27;
	v27 =	vmovc v35;
	v59 =	vand.u32 $0xFFFF0000, v19;
	v15 =	vand.u32 $0xFFFF0000, v14;
	v17 =	vadd.f32 v31, v17  }
0x282: {  	[tilespmem:$0x1FD00] =	vst v23;
	v35 =	vmovc v9;
	v9 =	vmovc v20;
	v16 =	vand.u32 $0xFFFF0000, v18;
	v20 =	vand.u32 $0xFFFF0000, v21;
	v23 =	vshll.u32 v62, $0x10  }
0x283: {  	v22 =	vand.u32 $0xFFFF0000, v22;
	v6 =	vand.u32 $0xFFFF0000, v6;
	v17 =	vadd.f32 v23, v17  }
0x284: {  	v21 =	vshll.u32 v21, $0x10;
	v19 =	vshll.u32 v19, $0x10;
	v6 =	vadd.f32 v6, v22  }
0x285: {  	v22 =	vshll.u32 v25, $0x10;
	v23 =	vand.u32 $0xFFFF0000, v62;
	v17 =	vadd.f32 v19, v17  }
0x286: {  	v14 =	vshll.u32 v14, $0x10;
	v21 =	vadd.f32 v22, v21;
	v6 =	vadd.f32 v23, v6  }
0x287: {  	v18 =	vshll.u32 v18, $0x10;
	v2 =	vshll.u32 v2, $0x10;
	v14 =	vadd.f32 v14, v17  }
0x288: {  	v31 =	vand.u32 $0xFFFF0000, v25;
	v18 =	vadd.f32 v18, v21;
	v6 =	vadd.f32 v59, v6  }
0x289: {  	v5 =	vshll.u32 v5, $0x10;
	v19 =	vadd.f32 v31, v20;
	v2 =	vadd.f32 v2, v14  }
0x28a: {  	v5 =	vadd.f32 v5, v18;
	v6 =	vadd.f32 v15, v6;
	v14 =	vshll.u32 v61, $0x10  }
0x28b: {  	v0 =	vshll.u32 v0, $0x10;
	v16 =	vadd.f32 v16, v19;
	v2 =	vadd.f32 v14, v2  }
0x28c: {  	v0 =	vadd.f32 v0, v5;
	v5 =	vadd.f32 v29, v6;
	v14 =	vshll.u32 v54, $0x10  }
0x28d: {  	v13 =	vadd.f32 v13, v16;
	v6 =	vshll.u32 v57, $0x10;
	v2 =	vadd.f32 v14, v2  }
0x28e: {  	v0 =	vadd.f32 v6, v0;
	v5 =	vadd.f32 v10, v5;
	v10 =	vshll.u32 v50, $0x10  }
0x28f: {  	v11 =	vadd.f32 v11, v13;
	v6 =	vshll.u32 v53, $0x10;
	v2 =	vadd.f32 v10, v2  }
0x290: {  	v0 =	vadd.f32 v6, v0;
	v5 =	vadd.f32 v7, v5;
	v7 =	vshll.u32 v45, $0x10  }
0x291: {  	v12 =	vand.u32 $0xFFFF0000, v57;
	v6 =	vshll.u32 v48, $0x10;
	v2 =	vadd.f32 v7, v2  }
0x292: {  	v11 =	vadd.f32 v12, v11;
	v0 =	vadd.f32 v6, v0;
	v6 =	vshll.u32 v41, $0x10  }
0x293: {  	v4 =	vadd.f32 v4, v5;
	v5 =	vshll.u32 v43, $0x10;
	v2 =	vadd.f32 v6, v2  }
0x294: {  	v8 =	vadd.f32 v8, v11;
	v0 =	vadd.f32 v5, v0;
	v5 =	vshll.u32 v36, $0x10  }
0x295: {  	v2 =	vadd.f32 v5, v2  }
0x296: {  	v3 =	vadd.f32 v3, v8;
	v7 =	vshll.u32 v32, $0x10  }
0x297: {  	v8 =	vshll.u32 v38, $0x10;
	v2 =	vadd.f32 v7, v2  }
0x298: {  	v4 =	vadd.f32 v1, v4;
	v1 =	vshll.u32 v39, $0x10;
	v3 =	vadd.f32 v63, v3  }
0x299: {  	v6 =	vadd.f32 v1, v0;
	v2 =	vadd.f32 v8, v2  }
0x29a: {  	v12 =	vshll.u32 v30, $0x10;
	v5 =	vshll.u32 v33, $0x10;
	v3 =	vadd.f32 v58, v3  }
0x29b: {  	v5 =	vadd.f32 v5, v6;
	v2 =	vadd.f32 v12, v2  }
0x29c: {  	v13 =	vshll.u32 v28, $0x10;
	v7 =	vshll.u32 v44, $0x10;
	v3 =	vadd.f32 v55, v3  }
0x29d: {  	v5 =	vadd.f32 v7, v5;
	v2 =	vadd.f32 v13, v2;
	v13 =	vld [tilespmem:$0x1FE10]  }
0x29e: {  	v17 =	vld [tilespmem:$0x1FE50];
	v4 =	vadd.f32 v60, v4;
	v8 =	vshll.u32 v42, $0x10  }
0x29f: {  	v3 =	vadd.f32 v51, v3;
	v5 =	vadd.f32 v8, v5  }
0x2a0: {  	v22 =	vld [tilespmem:$0x1FDF0];
	v4 =	vadd.f32 v56, v4;
	v12 =	vshll.u32 v40, $0x10  }
0x2a1: {  	v7 =	vld [tilespmem:s25+$0x0];
	s25 =	sadd.s32 $0x280, s25;
	v3 =	vadd.f32 v47, v3;
	v5 =	vadd.f32 v12, v5  }
0x2a2: {  	v4 =	vadd.f32 v52, v4;
	v14 =	vld [tilespmem:s25+$0xFFFFFFD0];
	v13 =	vshll.u32 v13, $0x10  }
0x2a3: {  	v16 =	vshll.u32 v37, $0x10;
	v3 =	vadd.f32 v17, v3;
	v17 =	vld [tilespmem:$0x1FE40];
	v5 =	vadd.f32 v13, v5  }
0x2a4: {  	v18 =	vld [tilespmem:$0x1FE20];
	v4 =	vadd.f32 v49, v4;
	v2 =	vadd.f32 v16, v2;
	v16 =	vshll.u32 v27, $0x10  }
0x2a5: {  	v5 =	vadd.f32 v16, v5;
	v16 =	vld [tilespmem:$0x1FE00]  }
0x2a6: {  	v12 =	vld [tilespmem:s26+$0xFFFFFFC0];
	v4 =	vadd.f32 v46, v4  }
0x2a7: {  	v29 =	vmov v14;
	v14 =	vld [tilespmem:$0x1FDE0]  }
0x2a8: {  	v19 =	vld [tilespmem:$0x1FE30];
	v4 =	vadd.f32 v17, v4  }
0x2a9: {  	v6 =	vld [tilespmem:s24+$0x0]  }
0x2aa: {  	v11 =	vld [tilespmem:s25+$0xFFFFFFE0];
	v4 =	vadd.f32 v16, v4;
	v16 =	vshll.u32 v26, $0x10  }
0x2ab: {  	v15 =	vld [tilespmem:s25+$0xFFFFFFA0];
	v3 =	vadd.f32 v18, v3;
	v17 =	vshll.u32 v24, $0x10;
	v5 =	vadd.f32 v16, v5  }
0x2ac: {  	v2 =	vadd.f32 v17, v2;
	v17 =	vld [tilespmem:$0x1FCE0];
	v4 =	vadd.f32 v14, v4;
	v14 =	vshll.u32 v12, $0x10  }
0x2ad: {  	v3 =	vadd.f32 v19, v3;
	v5 =	vadd.f32 v14, v5;
	v14 =	vld [tilespmem:$0x1FDC0]  }
0x2ae: {  	v8 =	vld [tilespmem:s26+$0xFFFFFFF0]  }
0x2af: {  	s24 =	sadd.s32 $0x20, s24;
	v25 =	vmov v11;
	v11 =	vld [tilespmem:$0x1FDD0];
	v3 =	vadd.f32 v22, v3  }
0x2b0: {  	v10 =	vld [tilespmem:s24+$0xFFFFFFF0];
	v12 =	vand.u32 $0xFFFF0000, v12  }
0x2b1: {  	s20 =	sadd.s32 $0x20, s20;
	v3 =	vadd.f32 v12, v3;
	v12 =	vld [tilespmem:$0x1FCF0]  }
0x2b2: {  	v1 =	vld [tilespmem:s20+$0x0];
	v17 =	vshll.u32 v17, $0x10;
	v4 =	vadd.f32 v14, v4  }
0x2b3: {  	v31 =	vmovc v34;
	v34 =	vmovc v15;
	v15 =	vshll.u32 v8, $0x10;
	v8 =	vand.u32 $0xFFFF0000, v8;
	v2 =	vadd.f32 v17, v2;
	v14 =	vld [tilespmem:$0x1FDB0]  }
0x2b4: {  	v3 =	vadd.f32 v11, v3;
	v4 =	vadd.f32 v8, v4;
	v8 =	vld [tilespmem:$0x1FD00]  }
0x2b5: {  	v23 =	vmov v10;
	v10 =	vld [tilespmem:$0x1FD70];
	v11 =	vshll.u32 v7, $0x10;
	v7 =	vand.u32 $0xFFFF0000, v7  }
0x2b6: {  	v2 =	vadd.f32 v15, v2;
	v3 =	vadd.f32 v7, v3;
	v7 =	vld [tilespmem:$0x1FD60];
	v12 =	vshll.u32 v12, $0x10  }
0x2b7: {  	v0 =	vld [tilespmem:s20+$0xFFFFFFF0];
	v5 =	vadd.f32 v12, v5  }
0x2b8: {  	v20 =	vmov v9;
	v9 =	vmov v35;
	v35 =	vld [tilespmem:s25+$0xFFFFFF80];
	v2 =	vmul.f32 v14, v2  }
0x2b9: {  	v37 =	vld [tilespmem:s25+$0xFFFFFF90];
	v5 =	vadd.f32 v11, v5;
	v8 =	vand.u32 $0xFFFF0000, v8  }
0x2ba: {  	v21 =	vld [tilespmem:s25+$0xFFFFFF40];
	v10 =	vmul.f32 v10, v14;
	v2 =	vadd.f32 $0.0e+00, v2;
	v4 =	vmul.f32 v8, v4  }
0x2bb: {  	v30 =	vld [tilespmem:s25+$0xFFFFFF30];
	v11 =	vshll.u32 v6, $0x10;
	v7 =	vmul.f32 v7, v8  }
0x2bc: {  	v32 =	vld [tilespmem:s25+$0xFFFFFF10];
	v2 =	vadd.f32 v2, v4;
	v4 =	vmul.f32 v11, v5;
	v5 =	vadd.f32 $0.0e+00, v10  }
0x2bd: {  	v33 =	vld [tilespmem:s25+$0xFFFFFEE0]  }
0x2be: {  	v2 =	vadd.f32 v4, v2;
	v4 =	vadd.f32 v5, v7;
	v5 =	vld [tilespmem:$0x1FD10]  }
0x2bf: {  	v36 =	vld [tilespmem:s25+$0xFFFFFEF0]  }
0x2c0: {  	v39 =	vld [tilespmem:s25+$0xFFFFFEC0]  }
0x2c1: {  	v41 =	vld [tilespmem:s25+$0xFFFFFED0]  }
0x2c2: {  	v6 =	vand.u32 $0xFFFF0000, v6;
	v7 =	vld [tilespmem:$0x1FD90]  }
0x2c3: {  	v3 =	vmul.f32 v6, v3;
	v5 =	vmul.f32 v5, v6;
	v6 =	vld [tilespmem:$0x1FD80]  }
0x2c4: {  	v43 =	vld [tilespmem:s25+$0xFFFFFEA0]  }
0x2c5: {  	v45 =	vld [tilespmem:s25+$0xFFFFFEB0]  }
0x2c6: {  	v8 =	vld [tilespmem:$0x1FD50]  }
0x2c7: {  	v2 =	vadd.f32 v2, v3;
	v3 =	vld [tilespmem:$0x1FDA0]  }
0x2c8: {  	v6 =	vadd.f32 v7, v6;
	v7 =	vld [tilespmem:$0x1FD20]  }
0x2c9: {  	v48 =	vld [tilespmem:s25+$0xFFFFFE80]  }
0x2ca: {  	v16 =	vld [tilespmem:$0x1FFC0]  }
0x2cb: {  	v15 =	vld [tilespmem:$0x1FFE0];
	v8 =	vmul.f32 v8, v11  }
0x2cc: {  	v18 =	vld [tilespmem:s25+$0xFFFFFF60]  }
0x2cd: {  	v13 =	vld [tilespmem:s25+$0xFFFFFFB0];
	v4 =	vadd.f32 v8, v4;
	v3 =	vadd.f32 v3, v7  }
0x2ce: {  	v17 =	vld [tilespmem:$0x1FFD0];
	v26 =	vand.u32 $0xFFFF0000, v1;
	v1 =	vshll.u32 v1, $0x10  }
0x2cf: {  	v50 =	vld [tilespmem:s25+$0xFFFFFE90];
	v4 =	vadd.f32 v4, v5;
	v7 =	vperm.xlane v6, v16;
	v8 =	vperm.xlane v3, v20  }
0x2d0: {  	v53 =	vld [tilespmem:s25+$0xFFFFFE60];
	[tilespmem:$0x1FD50] =	vst v1;
	v10 =	vand.u32 $0xFFFF0000, v0;
	v0 =	vshll.u32 v0, $0x10;
	v1 =	vperm.xlane v2, v15  }
0x2d1: {  	v54 =	vld [tilespmem:s25+$0xFFFFFE70];
	[tilespmem:$0x1FD70] =	vst v0;
	v27 =	vadd.f32 v7, v6;
	v0 =	vadd.f32 v8, v3;
	v3 =	vperm.xlane v4, v15  }
0x2d2: {  	v22 =	vld [tilespmem:s25+$0xFFFFFF50];
	[tilespmem:$0x1FE10] =	vst v18;
	v24 =	vmovc v13;
	v13 =	vlaneseq.u32;
	v1 =	vadd.f32 v2, v1;
	v2 =	vmov s19  }
0x2d3: {  	v57 =	vld [tilespmem:s25+$0xFFFFFE40];
	vm1 =	veq.s32 v2, v13;
	v2 =	vand.u32 $0xFFFF0000, v25;
	[tilespmem:$0x1FD90] =	vst v3;
	v3 =	vperm.xlane v27, v17  }
0x2d4: {  	v61 =	vld [tilespmem:s25+$0xFFFFFE50];
	[tilespmem:$0x1FDD0] =	vst v2  }
0x2d5: {  	v19 =	vld [tilespmem:s25+$0xFFFFFF70];
	[tilespmem:$0x1FDA0] =	vst v3;
	v3 =	vperm.xlane v1, v16  }
0x2d6: {  	v47 =	vld [tilespmem:s25+$0xFFFFFF20];
	v49 =	vand.u32 $0xFFFF0000, v30;
	[tilespmem:$0x1FD80] =	vst v4;
	v9 =	vsel vm2, v0, v9;
	v0 =	vshll.u32 v23, $0x10  }
0x2d7: {  	v38 =	vmovc v30;
	v30 =	vmovc v22;
	v46 =	vand.u32 $0xFFFF0000, v22;
	v22 =	vld [tilespmem:s25+$0xFFFFFD90];
	[tilespmem:$0x1FDB0] =	vst v0;
	v1 =	vadd.f32 v1, v3;
	v3 =	vand.u32 $0xFFFF0000, v37  }
0x2d8: {  	v12 =	vld [tilespmem:s25+$0xFFFFFF00];
	[tilespmem:$0x1FE00] =	vst v3;
	v3 =	vand.u32 $0xFFFF0000, v18  }
0x2d9: {  	v14 =	vld [tilespmem:s25+$0xFFFFFE10];
	[tilespmem:$0x1FE20] =	vst v3;
	v3 =	vand.u32 $0xFFFF0000, v35  }
0x2da: {  	v5 =	vld [tilespmem:s25+$0xFFFFFE00];
	[tilespmem:$0x1FE30] =	vst v3;
	v3 =	vand.u32 $0xFFFF0000, v19  }
0x2db: {  	p0 =	sne.s32 s12, $0xF;
	v52 =	vand.u32 $0xFFFF0000, v32;
	v56 =	vand.u32 $0xFFFF0000, v36;
	v2 =	vld [tilespmem:s25+$0xFFFFFE30];
	[tilespmem:$0x1FE40] =	vst v3;
	v3 =	vand.u32 $0xFFFF0000, v21  }
.Ltmp1:
0x2dc: {  	v58 =	vand.u32 $0xFFFF0000, v39;
	v6 =	vld [tilespmem:s25+$0xFFFFFDB0];
	v0 =	vand.u32 $0xFFFF0000, v29;
	[tilespmem:$0x1FE50] =	vst v3;
	v3 =	vperm.xlane v1, v17;
	(pc) =	sbr.rel @p0 .LBB2_5-.Ltmp1, $4  }
0x2dd: {  	v55 =	vand.u32 $0xFFFF0000, v33;
	v60 =	vand.u32 $0xFFFF0000, v41;
	v4 =	vand.u32 $0xFFFF0000, v24;
	[tilespmem:$0x1FDC0] =	vst v0;
	v0 =	vld [tilespmem:s25+$0xFFFFFE20]  }
0x2de: {  	v63 =	vand.u32 $0xFFFF0000, v43;
	[tilespmem:$0x1FDE0] =	vst v4;
	v4 =	vand.u32 $0xFFFF0000, v34;
	v18 =	vld [tilespmem:s25+$0xFFFFFDE0];
	v59 =	vadd.f32 v1, v3  }
0x2df: {  	v42 =	vmovc v47;
	v47 =	vand.u32 $0xFFFF0000, v47;
	v28 =	vmovc v19;
	v51 =	vand.u32 $0xFFFF0000, v12;
	[tilespmem:$0x1FDF0] =	vst v4;
	v4 =	vand.u32 $0xFFFF0000, v50;
	v19 =	vld [tilespmem:s25+$0xFFFFFDF0]  }
0x2e0: {  	s26 =	smov.u32 s25;
	v40 =	vmovc v21;
	v44 =	vmovc v12;
	[tilespmem:$0x1FD60] =	vst v10;
	s19 =	smov.u32 s12;
	s12 =	sadd.s32 $0x1, s12;
	v21 =	vld [tilespmem:s25+$0xFFFFFDA0];
	v1 =	vand.u32 $0xFFFF0000, v45;
	v3 =	vand.u32 $0xFFFF0000, v48;
	v62 =	vperm.xlane v59, v20  }
0x2e1: {  	v7 =	vld [tilespmem:s25+$0xFFFFFDD0]  }
0x2e2: {  	v8 =	vld [tilespmem:s25+$0xFFFFFDC0];
	_ =	sdelay $0x1  }
0x2e3: {  	v10 =	vshll.u32 v22, $0x10;
	v11 =	vshll.u32 v6, $0x10;
	v39 =	vshll.u32 v39, $0x10  }
0x2e4: {  	v10 =	vadd.f32 v11, v10;
	v11 =	vand.u32 $0xFFFF0000, v22;
	v22 =	vand.u32 $0xFFFF0000, v6  }
0x2e5: {  	v6 =	vadd.f32 v22, v11;
	v11 =	vshll.u32 v21, $0x10;
	v12 =	vshll.u32 v7, $0x10  }
0x2e6: {  	v7 =	vand.u32 $0xFFFF0000, v7;
	v22 =	vshll.u32 v8, $0x10;
	v10 =	vadd.f32 v12, v10  }
0x2e7: {  	v8 =	vand.u32 $0xFFFF0000, v8;
	v11 =	vadd.f32 v22, v11;
	v6 =	vadd.f32 v7, v6  }
0x2e8: {  	v22 =	vshll.u32 v19, $0x10;
	v12 =	vand.u32 $0xFFFF0000, v21;
	v21 =	vand.u32 $0xFFFF0000, v19  }
0x2e9: {  	v19 =	vand.u32 $0xFFFF0000, v18;
	v8 =	vadd.f32 v8, v12;
	v12 =	vshll.u32 v14, $0x10  }
0x2ea: {  	v7 =	vadd.f32 v22, v10;
	v22 =	vshll.u32 v18, $0x10;
	v6 =	vadd.f32 v21, v6  }
0x2eb: {  	v21 =	vshll.u32 v5, $0x10;
	v18 =	vshll.u32 v2, $0x10;
	v11 =	vadd.f32 v22, v11  }
0x2ec: {  	v10 =	vshll.u32 v35, $0x10;
	v8 =	vadd.f32 v19, v8;
	v7 =	vadd.f32 v12, v7  }
0x2ed: {  	v12 =	vand.u32 $0xFFFF0000, v14;
	v14 =	vand.u32 $0xFFFF0000, v5;
	v22 =	vadd.f32 v21, v11  }
0x2ee: {  	v19 =	vshll.u32 v0, $0x10;
	v6 =	vadd.f32 v12, v6;
	v5 =	vadd.f32 v14, v8  }
0x2ef: {  	v21 =	vand.u32 $0xFFFF0000, v2;
	v14 =	vand.u32 $0xFFFF0000, v0;
	v11 =	vand.u32 $0xFFFF0000, v54  }
0x2f0: {  	v7 =	vadd.f32 v18, v7;
	v18 =	vand.u32 $0xFFFF0000, v61;
	v8 =	vadd.f32 v19, v22  }
0x2f1: {  	v22 =	vshll.u32 v61, $0x10;
	v2 =	vadd.f32 v21, v6;
	v0 =	vadd.f32 v14, v5  }
0x2f2: {  	v19 =	vshll.u32 v57, $0x10;
	v21 =	vshll.u32 v54, $0x10;
	v14 =	vshll.u32 v50, $0x10  }
0x2f3: {  	v50 =	vshll.u32 v38, $0x10;
	v54 =	vshll.u32 v40, $0x10;
	v12 =	vadd.f32 v22, v7  }
0x2f4: {  	v22 =	vand.u32 $0xFFFF0000, v57;
	v7 =	vadd.f32 v19, v8;
	v2 =	vadd.f32 v18, v2  }
0x2f5: {  	v57 =	vshll.u32 v53, $0x10;
	v0 =	vadd.f32 v22, v0;
	v5 =	vadd.f32 v21, v12  }
0x2f6: {  	v18 =	vshll.u32 v48, $0x10;
	v19 =	vshll.u32 v45, $0x10;
	v2 =	vadd.f32 v11, v2  }
0x2f7: {  	v12 =	vand.u32 $0xFFFF0000, v53;
	v61 =	vadd.f32 v57, v7;
	v5 =	vadd.f32 v14, v5  }
0x2f8: {  	v22 =	vshll.u32 v41, $0x10;
	v0 =	vadd.f32 v12, v0;
	v2 =	vadd.f32 v4, v2  }
0x2f9: {  	v41 =	vshll.u32 v36, $0x10;
	v6 =	vadd.f32 v18, v61;
	v4 =	vadd.f32 v19, v5  }
0x2fa: {  	v21 =	vshll.u32 v43, $0x10;
	v0 =	vadd.f32 v3, v0;
	v1 =	vadd.f32 v1, v2  }
0x2fb: {  	v53 =	vshll.u32 v30, $0x10;
	v30 =	vld [tilespmem:s25+$0x0];
	v3 =	vadd.f32 v21, v6;
	v2 =	vadd.f32 v22, v4  }
0x2fc: {  	v43 =	vshll.u32 v33, $0x10;
	v33 =	vld [tilespmem:s24+$0x0];
	v0 =	vadd.f32 v63, v0;
	v1 =	vadd.f32 v60, v1  }
0x2fd: {  	v45 =	vshll.u32 v32, $0x10;
	v57 =	vld [tilespmem:$0x1FE10];
	v3 =	vadd.f32 v39, v3;
	v2 =	vadd.f32 v41, v2  }
0x2fe: {  	v48 =	vshll.u32 v44, $0x10;
	v11 =	vld [tilespmem:$0x1FE00];
	v0 =	vadd.f32 v58, v0;
	v1 =	vadd.f32 v56, v1  }
0x2ff: {  	v12 =	vld [tilespmem:s26+$0xFFFFFFC0];
	v14 =	vshll.u32 v24, $0x10;
	v3 =	vadd.f32 v43, v3;
	v2 =	vadd.f32 v45, v2  }
0x300: {  	v21 =	vshll.u32 v34, $0x10;
	v58 =	vld [tilespmem:$0x1FE40];
	v0 =	vadd.f32 v55, v0;
	v1 =	vadd.f32 v52, v1  }
0x301: {  	v34 =	vshll.u32 v25, $0x10;
	v56 =	vld [tilespmem:$0x1FE50];
	v3 =	vadd.f32 v48, v3;
	v2 =	vadd.f32 v50, v2  }
0x302: {  	v24 =	vld [tilespmem:$0x1FDF0];
	v0 =	vadd.f32 v51, v0;
	v52 =	vshll.u32 v42, $0x10;
	v1 =	vadd.f32 v49, v1  }
0x303: {  	v61 =	vld [tilespmem:$0x1FE20];
	v40 =	vshll.u32 v30, $0x10;
	v3 =	vadd.f32 v52, v3;
	v2 =	vadd.f32 v53, v2  }
0x304: {  	v18 =	vld [tilespmem:$0x1FE30];
	v55 =	vshll.u32 v28, $0x10;
	v0 =	vadd.f32 v47, v0;
	v1 =	vadd.f32 v46, v1  }
0x305: {  	v19 =	vld [tilespmem:$0x1FDE0];
	v4 =	vshll.u32 v57, $0x10;
	v3 =	vadd.f32 v54, v3;
	v2 =	vadd.f32 v55, v2  }
0x306: {  	v63 =	vld [tilespmem:s26+$0xFFFFFFF0];
	v60 =	vshll.u32 v37, $0x10;
	v0 =	vadd.f32 v56, v0;
	v1 =	vadd.f32 v58, v1  }
0x307: {  	v22 =	vshll.u32 v29, $0x10;
	v29 =	vld [tilespmem:$0x1FDC0];
	v3 =	vadd.f32 v4, v3;
	v2 =	vadd.f32 v60, v2  }
0x308: {  	v35 =	vld [tilespmem:$0x1FDB0];
	v44 =	vand.u32 $0xFFFF0000, v33;
	v0 =	vadd.f32 v61, v0;
	v1 =	vadd.f32 v11, v1  }
0x309: {  	v36 =	vld [tilespmem:$0x1FD70];
	v32 =	vshll.u32 v12, $0x10;
	v3 =	vadd.f32 v10, v3;
	v2 =	vadd.f32 v14, v2  }
0x30a: {  	v38 =	vld [tilespmem:$0x1FDD0];
	v5 =	vand.u32 $0xFFFF0000, v12;
	v0 =	vadd.f32 v18, v0;
	v1 =	vadd.f32 v19, v1  }
0x30b: {  	v37 =	vand.u32 $0xFFFF0000, v23;
	v39 =	vld [tilespmem:$0x1FD60];
	v3 =	vadd.f32 v21, v3;
	v2 =	vadd.f32 v22, v2  }
0x30c: {  	v28 =	vshll.u32 v63, $0x10;
	v0 =	vadd.f32 v24, v0;
	v1 =	vadd.f32 v29, v1  }
0x30d: {  	v43 =	vld [tilespmem:$0x1FD50];
	v4 =	vand.u32 $0xFFFF0000, v63;
	v3 =	vadd.f32 v32, v3;
	v2 =	vadd.f32 v28, v2  }
0x30e: {  	v0 =	vadd.f32 v5, v0;
	v1 =	vadd.f32 v4, v1;
	v4 =	vmul.f32 v36, v35  }
0x30f: {  	v41 =	vshll.u32 v33, $0x10;
	v3 =	vadd.f32 v34, v3;
	v2 =	vmul.f32 v35, v2  }
0x310: {  	v6 =	vmul.f32 v39, v37;
	v0 =	vadd.f32 v38, v0;
	v4 =	vadd.f32 $0.0e+00, v4  }
0x311: {  	v1 =	vmul.f32 v37, v1;
	v3 =	vadd.f32 v40, v3;
	v2 =	vadd.f32 $0.0e+00, v2  }
0x312: {  	v42 =	vand.u32 $0xFFFF0000, v30;
	v7 =	vmul.f32 v43, v41;
	v4 =	vadd.f32 v4, v6  }
0x313: {  	v48 =	vld [tilespmem:$0x1FD90];
	v0 =	vadd.f32 v42, v0;
	v1 =	vadd.f32 v2, v1;
	v2 =	vmul.f32 v41, v3  }
0x314: {  	v47 =	vld [tilespmem:$0x1FD80];
	v5 =	vmul.f32 v26, v44;
	v4 =	vadd.f32 v7, v4  }
0x315: {  	v0 =	vmul.f32 v44, v0;
	v1 =	vadd.f32 v2, v1  }
0x316: {  	v45 =	vadd.f32 v4, v5  }
0x317: {  	v0 =	vadd.f32 v1, v0  }
0x318: {  	v46 =	vperm.xlane v45, v15  }
0x319: {  	v3 =	vadd.f32 v48, v47;
	v49 =	vperm.xlane v0, v15  }
0x31a: {  	v1 =	vadd.f32 v46, v45  }
0x31b: {  	v53 =	vld [tilespmem:$0x1FDA0];
	v50 =	vperm.xlane v3, v16;
	v0 =	vadd.f32 v0, v49  }
0x31c: {  	v51 =	vperm.xlane v1, v16  }
0x31d: {  	v2 =	vadd.f32 v50, v3;
	v52 =	vperm.xlane v0, v16  }
0x31e: {  	v1 =	vadd.f32 v51, v1  }
0x31f: {  	v54 =	vperm.xlane v2, v17;
	v0 =	vadd.f32 v0, v52  }
0x320: {  	vm0 =	vmmov vm0;
	v5 =	vadd.f32 v53, v27;
	v56 =	vperm.xlane v1, v17  }
0x321: {  	vm14 =	vmmov vm1;
	v2 =	vadd.f32 v54, v2;
	v58 =	vperm.xlane v0, v17  }
0x322: {  	vm1 =	vmmov vm14;
	v55 =	vperm.xlane v5, v20;
	v1 =	vadd.f32 v56, v1  }
0x323: {  	v57 =	vadd.f32 v59, v62;
	v60 =	vperm.xlane v2, v20;
	v0 =	vadd.f32 v0, v58  }
0x324: {  	v59 =	vmov s19;
	v3 =	vadd.f32 v55, v5;
	v61 =	vperm.xlane v1, v20  }
0x325: {  	p0 =	sne.s32 s23, $0x10;
	vm2 =	veq.s32 v59, v13;
	v2 =	vadd.f32 v60, v2;
	v62 =	vperm.xlane v0, v20  }
.Ltmp2:
0x326: {  	vm2 =	vmmov vm2;
	v3 =	vsel vm0, v3, v9;
	v1 =	vadd.f32 v61, v1;
	(pc) =	sbr.rel @p0 .LBB2_2-.Ltmp2, $4  }
0x327: {  	vm15 =	vmmov vm2;
	v2 =	vsel vm1, v2, v3;
	v0 =	vadd.f32 v0, v62  }
0x328: {  	v63 =	vsel vm14, v57, v31;
	v1 =	vsel vm15, v1, v2  }
0x329: {  	v0 =	vsel vm2, v0, v63;
	[tilespmem:s22+$0x8400] =	vst v1  }
0x32a: {  	[tilespmem:s22+$0x8600] =	vst v0  }
0x32b: {  	s12 =	simm.s32 $0x8400  }
0x32c: {  	[hbm4b:s8+s2] =	stream.linear.scatter [tilespmem:s12], [sflag:$0x3], $0x200, $0x38;
	[tilespmem:$0x8800] =	vst v63  }
0x32d: {  	s21 =	sadd.s32 $0x1, s21;
	_ =	swait.ge [sflag:s11], $0x200  }
0x32e: {  	p0 =	sne.s32 s21, s10;
	[sflag:s11] =	ssyncset.done $0x0  }
.Ltmp3:
0x32f: {  	s26 =	simm.s32 $0x8600;
	[sflag:s11] =	ssyncadd.s32 $0xFFFFFE00;
	(pc) =	sbr.rel @p0 .LBB2_1-.Ltmp3, $4  }
0x330: {  	[hbm4b:s9+s2] =	stream.linear.scatter [tilespmem:s26], [sflag:$0x3], $0x200, $0x38;
	[tilespmem:$0x8800] =	vst v63  }
0x331: {  	_ =	swait.ge [sflag:s11], $0x200  }
0x332: {  	[sflag:s11] =	ssyncset.done $0x0  }
0x333: {  	[sflag:s11] =	ssyncadd.s32 $0xFFFFFE00  }
0x334: {  	_ =	sfence.sel $0x180000  }
0x335: {  	[bflag:$0x0] =	sbarrier.arrive $0xFFFF  }
0x336: {  	_ =	strace $0x90000047  }
0x337: {  	s0 =	stileid.u32;
	[bflag:$0x2] =	sbarrier.arrive $0xFFFF  }
0x338: {  	p0 =	sne.s32 s0, $0x0;
	s0 =	rddreg [dreg:$0x1]  }
0x339: {  	s0 =	sadd.s32 @!p0 $0x100000, s0  }
0x33a: {  	[sflag:s0] =	ssyncadd.tile.s32 @!p0 $0x1;
	_ =	shalt  }
.Lfunc_end2:
_tile_overlayer_lowered:
.L_overlay_start_2:
0x33b: {  	(tag) =	ssettag $0x2  }
0x33c: {  	s0 =	rddreg [dreg:$0x0];
	s2 =	stileid.u32  }
0x33d: {  	s1 =	rddreg [dreg:$0x1];
	p0 =	sne.s32 s2, $0x0  }
0x33e: {  	s3 =	rddreg [dreg:$0x2];
	[bflag:$0x3] =	sbarrier.arrive $0xFFFF;
	s2 =	simm.s32 @!p0 $0x1C03  }
0x33f: {  	[timem:s3], [sflag:s2] =	dma.local @!p0 [hbm:s0], s1  }
0x340: {  	s0 =	simm.s32 @!p0 $0x3  }
0x341: {  	_ =	swait.ge @!p0 [sflag:s0], s1  }
0x342: {  	s1 =	ssub.s32 @!p0 $0x0, s1;
	[sflag:s0] =	ssyncset.done @!p0 $0x0  }
0x343: {  	[sflag:s0] =	ssyncadd.s32 @!p0 s1  }
0x344: {  	[bflag:$0x3] =	sbarrier.arrive $0xFFFF  }
0x345: {  	_ =	shalt  }

</sc_bundles>
